<compile_context>
chip_gen: v7x
topology: tpu7x:2x2x1
jax: 0.10.2.dev20260603
libtpu: 0.0.44.dev20260713+nightly
codegen_flags: <defaults>
</compile_context>

<pallas_src>
import dataclasses
import functools

import jax
import jax.numpy as jnp
from jax import lax
from jax.experimental import pallas as pl
from jax.experimental.pallas import tpu as pltpu
from jax.experimental.pallas import tpu_sc as plsc

N = 10000
E = 160000
D = 256
H = 128

NC = 2
NS = 16
E_PAD = 163840
B = 128

_mesh = plsc.VectorSubcoreMesh(
    core_axis_name="c", subcore_axis_name="s", num_cores=NC, num_subcores=NS
)

_sc_params = pltpu.CompilerParams()
if "needs_layout_passes" in pltpu.CompilerParams.__dataclass_fields__:
    _sc_params = dataclasses.replace(_sc_params, needs_layout_passes=False)


EPT1 = E_PAD // (NC * NS)


@functools.partial(
    pl.kernel,
    out_type=jax.ShapeDtypeStruct((NC * NS * N,), jnp.float32),
    mesh=_mesh,
    scratch_types=[
        pltpu.VMEM((N,), jnp.float32),
        pltpu.VMEM((EPT1,), jnp.int32),
        pltpu.VMEM((EPT1,), jnp.float32),
    ],
    compiler_params=_sc_params,
)
def _deg_kernel(dst_hbm, ew_hbm, out_hbm, part_v, dst_v, ew_v):
    wid = lax.axis_index("s") * NC + lax.axis_index("c")
    base = wid * EPT1

    @pl.loop(0, N, step=16)
    def _zero(i):
        part_v[pl.ds(i, 16)] = jnp.zeros((16,), jnp.float32)

    pltpu.sync_copy(dst_hbm.at[pl.ds(base, EPT1)], dst_v)
    pltpu.sync_copy(ew_hbm.at[pl.ds(base, EPT1)], ew_v)

    @pl.loop(0, EPT1, step=16)
    def _acc(k):
        plsc.addupdate_scatter(part_v, [dst_v[pl.ds(k, 16)]], ew_v[pl.ds(k, 16)])

    pltpu.sync_copy(part_v, out_hbm.at[pl.ds(wid * N, N)])


R2 = 1000


def _mm_body(node_ref, w_ref, degp_ref, h2a_ref, h2b_ref, dinv_ref):
    deg = jnp.sum(degp_ref[...], axis=1) + 1.0
    dinv = jnp.where(deg > 0, lax.rsqrt(deg), 0.0)
    h = jnp.dot(node_ref[...], w_ref[...], preferred_element_type=jnp.float32)
    h2 = h * dinv[:, None]
    h2a_ref[...] = h2[:, :H]
    h2b_ref[...] = h2[:, H:]
    dinv_ref[...] = dinv[:, None]


def _matmul_scale(node, w, deg_parts):
    return pl.pallas_call(
        _mm_body,
        grid=(N // R2,),
        in_specs=[
            pl.BlockSpec((R2, D), lambda i: (i, 0)),
            pl.BlockSpec((D, D), lambda i: (0, 0)),
            pl.BlockSpec((R2, NC * NS), lambda i: (i, 0)),
        ],
        out_specs=[
            pl.BlockSpec((R2, H), lambda i: (i, 0)),
            pl.BlockSpec((R2, H), lambda i: (i, 0)),
            pl.BlockSpec((R2, 1), lambda i: (i, 0)),
        ],
        out_shape=[
            jax.ShapeDtypeStruct((N, H), jnp.float32),
            jax.ShapeDtypeStruct((N, H), jnp.float32),
            jax.ShapeDtypeStruct((N, 1), jnp.float32),
        ],
    )(node, w, deg_parts)


EPT3 = E_PAD // NS
NSTG = 2
NCH = EPT3 // (B * NSTG)
NBUF = 2
ESTG = NCH * B
RPT = 624
TAIL0 = NS * RPT
TAIL = N - TAIL0


@functools.partial(
    pl.kernel,
    out_type=(
        jax.ShapeDtypeStruct((N, H), jnp.float32),
        jax.ShapeDtypeStruct((N, H), jnp.float32),
    ),
    mesh=_mesh,
    scratch_types=[
        pltpu.VMEM_SHARED((N, H), jnp.float32),
        pltpu.VMEM((ESTG,), jnp.int32),
        pltpu.VMEM((NCH, B), jnp.int32),
        pltpu.VMEM((ESTG,), jnp.float32),
        [pltpu.VMEM((B, H), jnp.float32) for _ in range(NBUF)],
        pltpu.SemaphoreType.DMA((2 * NBUF,)),
        pltpu.SemaphoreType.DMA((NBUF,)),
        pltpu.SemaphoreType.DMA,
    ],
    compiler_params=_sc_params,
)
def _agg_kernel(h2a_hbm, h2b_hbm, src_hbm, dst_hbm, ew_hbm,
                outa_hbm, outb_hbm, acc_sh, src_v, dst_v, ew_v, rows,
                gsem, ssem, isem):
    c = lax.axis_index("c")
    s = lax.axis_index("s")

    def work(table_hbm, out_hbm):
        r0 = s * RPT
        pltpu.async_copy(
            table_hbm.at[pl.ds(r0, RPT)], acc_sh.at[pl.ds(r0, RPT)],
            isem).wait()

        @pl.when(s == NS - 1)
        def _init_tail():
            pltpu.sync_copy(table_hbm.at[pl.ds(TAIL0, TAIL)],
                            acc_sh.at[pl.ds(TAIL0, TAIL)])

        plsc.subcore_barrier()

        BS = B // 2

        def gather_start(j, x):
            for k in range(2):
                pltpu.async_copy(
                    table_hbm.at[src_v.at[pl.ds(j * B + k * BS, BS)]],
                    rows[x].at[pl.ds(k * BS, BS)], gsem.at[2 * x + k])

        def gather_wait(j, x):
            for k in range(2):
                pltpu.make_async_copy(
                    table_hbm.at[src_v.at[pl.ds(j * B + k * BS, BS)]],
                    rows[x].at[pl.ds(k * BS, BS)], gsem.at[2 * x + k]).wait()

        def scatter_start(j, x):
            pltpu.async_copy(rows[x], acc_sh.at[dst_v.at[j]], ssem.at[x],
                             add=True)

        def scatter_wait(x):
            pltpu.make_async_copy(
                rows[x], acc_sh.at[dst_v.at[0]], ssem.at[x]).wait()

        for half in range(NSTG):
            e0 = pl.multiple_of(s * NSTG * ESTG + half * ESTG, 128)
            c0 = pl.multiple_of(s * NSTG * NCH + half * NCH, 8)
            pltpu.sync_copy(src_hbm.at[pl.ds(e0, ESTG)], src_v)
            pltpu.sync_copy(dst_hbm.at[pl.ds(c0, NCH)], dst_v)
            pltpu.sync_copy(ew_hbm.at[pl.ds(e0, ESTG)], ew_v)

            gather_start(0, 0)

            @pl.loop(0, NCH, step=NBUF)
            def _chunks(j0):
                for x in range(NBUF):
                    j = j0 + x
                    y = (x + 1) % NBUF

                    @pl.when(j >= NBUF - 1)
                    def _():
                        scatter_wait(y)

                    @pl.when(j + 1 < NCH)
                    def _():
                        gather_start(j + 1, y)

                    gather_wait(j, x)

                    rows_x = rows[x]

                    @plsc.parallel_loop(0, B, step=1, unroll=4)
                    def _scale(b):
                        w = plsc.load_gather(
                            ew_v, [jnp.zeros((16,), jnp.int32) + j * B + b])
                        for k in range(H // 16):
                            sl = pl.ds(k * 16, 16)
                            rows_x[b, sl] = rows_x[b, sl] * w

                    scatter_start(j, x)

            for x in range(NBUF - 1):
                scatter_wait((NCH - 1 - x) % NBUF)

        plsc.subcore_barrier()
        pltpu.sync_copy(acc_sh.at[pl.ds(r0, RPT)], out_hbm.at[pl.ds(r0, RPT)])

        @pl.when(s == NS - 1)
        def _drain_tail():
            pltpu.sync_copy(acc_sh.at[pl.ds(TAIL0, TAIL)],
                            out_hbm.at[pl.ds(TAIL0, TAIL)])

    @pl.when(c == 0)
    def _():
        work(h2a_hbm, outa_hbm)

    @pl.when(c == 1)
    def _():
        work(h2b_hbm, outb_hbm)


R4 = 1000


def _ln_body(node_ref, agga_ref, aggb_ref, dinv_ref, b_ref, g_ref, bt_ref,
             out_ref):
    agg = jnp.concatenate([agga_ref[...], aggb_ref[...]], axis=1)
    y = node_ref[...] + dinv_ref[...] * agg + b_ref[...]
    mean = jnp.mean(y, axis=1, keepdims=True)
    yc = y - mean
    var = jnp.mean(yc * yc, axis=1, keepdims=True)
    out = yc * lax.rsqrt(var + 1e-5) * g_ref[...] + bt_ref[...]
    out_ref[...] = jnp.maximum(out, 0.0)


def _ln_epilogue(node, agga, aggb, dinv, b, gamma, beta):
    vec = lambda: pl.BlockSpec((1, D), lambda i: (0, 0))
    return pl.pallas_call(
        _ln_body,
        grid=(N // R4,),
        in_specs=[
            pl.BlockSpec((R4, D), lambda i: (i, 0)),
            pl.BlockSpec((R4, H), lambda i: (i, 0)),
            pl.BlockSpec((R4, H), lambda i: (i, 0)),
            pl.BlockSpec((R4, 1), lambda i: (i, 0)),
            vec(), vec(), vec(),
        ],
        out_specs=pl.BlockSpec((R4, D), lambda i: (i, 0)),
        out_shape=jax.ShapeDtypeStruct((N, D), jnp.float32),
    )(node, agga, aggb, dinv, b.reshape(1, D), gamma.reshape(1, D),
      beta.reshape(1, D))


def kernel(node, edge_index, edge_attr, batch_ptr, W, b, ln_gamma, ln_beta):
    del batch_ptr
    pad = E_PAD - E
    src = jnp.concatenate([edge_index[0], jnp.zeros((pad,), jnp.int32)])
    dst = jnp.concatenate([edge_index[1], jnp.zeros((pad,), jnp.int32)])
    ew = jnp.concatenate([edge_attr, jnp.zeros((pad,), jnp.float32)])

    deg_parts = _deg_kernel(dst, ew).reshape(NC * NS, N).T
    h2a, h2b, dinv = _matmul_scale(node, W, deg_parts)
    agga, aggb = _agg_kernel(h2a, h2b, src, dst.reshape(E_PAD // B, B), ew)
    return _ln_epilogue(node, agga, aggb, dinv, b, ln_gamma, ln_beta)

# --- scband reference (transcript-rebuilt; emitter-appended) ---
"""Pipeline reference for scband-gcnconv-layer-25031069401544 (READ-ONLY COPY).

The authoritative reference and input builder live on the scoring server;
editing this copy changes nothing except your own understanding.
"""

import jax, jax.numpy as jnp
import numpy as np

N = 10000
E = 160000
D = 256
NUM_GRAPHS = 16


def setup_inputs(seed: int = 0) -> dict:
    key = jax.random.key(seed)
    k1, k2, k3, k4, k5, k6 = jax.random.split(key, 6)
    node = jax.random.normal(k1, (N, D), dtype=jnp.float32)
    edge_index = jax.random.randint(k2, (2, E), 0, N, dtype=jnp.int32)
    edge_attr = jax.random.uniform(k3, (E,), dtype=jnp.float32)
    batch_ptr = jnp.sort(jax.random.randint(k4, (N,), 0, NUM_GRAPHS, dtype=jnp.int32))
    # GCNConv learned params: Linear (no bias) weight [D, D] + output bias [D]
    W = jax.random.normal(k5, (D, D), dtype=jnp.float32) * (1.0 / np.sqrt(D))
    b = jnp.zeros((D,), dtype=jnp.float32)
    # LayerNorm(mode='node') affine params
    ln_gamma = jnp.ones((D,), dtype=jnp.float32)
    ln_beta = jnp.zeros((D,), dtype=jnp.float32)
    return {"node": node, "edge_index": edge_index, "edge_attr": edge_attr,
            "batch_ptr": batch_ptr, "W": W, "b": b,
            "ln_gamma": ln_gamma, "ln_beta": ln_beta}


def _gcn_conv(node, edge_index, edge_weight, W, b):
    n = node.shape[0]
    src = edge_index[0]
    dst = edge_index[1]
    # add_self_loops=True with fill_value 1.0 for edge_weight
    loop = jnp.arange(n, dtype=src.dtype)
    src2 = jnp.concatenate([src, loop], axis=0)
    dst2 = jnp.concatenate([dst, loop], axis=0)
    ew = jnp.concatenate([edge_weight, jnp.ones((n,), dtype=edge_weight.dtype)], axis=0)
    # normalize=True: sym normalization D^{-1/2} A D^{-1/2}
    deg = jax.ops.segment_sum(ew, dst2, num_segments=n)
    dinv = jnp.where(deg > 0, deg ** -0.5, 0.0)
    norm = dinv[src2] * ew * dinv[dst2]
    h = node @ W
    msg = h[src2] * norm[:, None]
    agg = jax.ops.segment_sum(msg, dst2, num_segments=n)
    return agg + b


def _layer_norm_node(x, gamma, beta, eps=1e-5):
    mean = jnp.mean(x, axis=-1, keepdims=True)
    var = jnp.mean((x - mean) ** 2, axis=-1, keepdims=True)
    return (x - mean) / jnp.sqrt(var + eps) * gamma + beta


def reference(node, edge_index, edge_attr, batch_ptr, W, b, ln_gamma, ln_beta):
    conv_out = _gcn_conv(node, edge_index, edge_attr, W, b)
    y = node + conv_out  # residual as written in forward
    # LayerNorm mode='node' normalizes per-node over features; batch_ptr is not
    # used in the normalization statistics for node mode
    y = _layer_norm_node(y, ln_gamma, ln_beta)
    return jax.nn.relu(y)

if __name__ == "__main__":
    import jax
    _d = setup_inputs()
    print(jax.jit(kernel)(*tuple(_d.values())))

</pallas_src>

<mosaic_0001>
#map = affine_map<(d0, d1) -> (0)>
module attributes {stable_mosaic.version = 14 : i64} {
  func.func @_deg_kernel(%arg0: i32, %arg1: i32, %arg2: memref<163840xi32, #tpu.memory_space<hbm>>, %arg3: memref<163840xf32, #tpu.memory_space<hbm>>, %arg4: memref<320000xf32, #tpu.memory_space<hbm>>, %arg5: memref<10000xf32, #tpu.memory_space<vmem>>, %arg6: memref<5120xi32, #tpu.memory_space<vmem>>, %arg7: memref<5120xf32, #tpu.memory_space<vmem>>) attributes {dimension_semantics = [#tpu.dimension_semantics<core_parallel>, #tpu.dimension_semantics<subcore_parallel>], iteration_bounds = array<i64: 2, 16>, scalar_prefetch = 0 : i64, scratch_operands = 3 : i64, tpu.core_type = #tpu.core_type<sc_vector_subcore>, window_params = [{transform_indices = #map}, {transform_indices = #map}, {transform_indices = #map}]} {
    %mul3A = arith.constant 2 : i32
    %mul3A_0 = arith.muli %arg1, %mul3A : i32
    %add3A = arith.addi %mul3A_0, %arg0 : i32
    %mul3A_1 = arith.constant 5120 : i32
    %mul3A_2 = arith.muli %add3A, %mul3A_1 : i32
    %scan3A = arith.constant 0 : i32
    %scan3A_3 = arith.constant 625 : i32
    %scan3A_4 = arith.addi %scan3A, %scan3A_3 : i32
    %scan3A_5 = arith.constant 1 : i32
    scf.for %scan3A_14 = %scan3A to %scan3A_4 step %scan3A_5  : i32 {
      %mul3A_15 = arith.constant 16 : i32
      %mul3A_16 = arith.muli %scan3A_14, %mul3A_15 : i32
      %add3A_17 = arith.constant 0 : i32
      %add3A_18 = arith.addi %add3A_17, %mul3A_16 : i32
      %broadcast_in_dim3A = arith.constant 0.000000e+00 : f32
      %broadcast_in_dim3A_19 = vector.broadcast %broadcast_in_dim3A : f32 to vector<16xf32>
      %swap3A = arith.index_cast %add3A_18 : i32 to index
      %swap3A_20 = tpu.vector_load %arg5[%swap3A] {strides = array<i32>} : memref<10000xf32, #tpu.memory_space<vmem>>, vector<16xf32>,
      tpu.vector_store %arg5[%swap3A], %broadcast_in_dim3A_19 {strides = array<i32>} : memref<10000xf32, #tpu.memory_space<vmem>>, vector<16xf32>,
    }
    %scan3A_6 = arith.constant 625 : i32
    "tpu.region"() ({
      %run_scoped3A = tpu.sem_alloc : memref<!tpu.dma_semaphore, #tpu.memory_space<semaphore_mem>>
      %dma_start3A = tpu.memref_slice %arg2[%mul3A_2] : memref<163840xi32, #tpu.memory_space<hbm>> -> memref<5120xi32, #tpu.memory_space<hbm>>
      %dma_start3A_14 = tpu.memref_slice %arg2[%mul3A_2] : memref<163840xi32, #tpu.memory_space<hbm>> -> memref<5120xi32, #tpu.memory_space<hbm>>
      tpu.enqueue_dma source(%dma_start3A_14 : memref<5120xi32, #tpu.memory_space<hbm>>) target(%arg6 : memref<5120xi32, #tpu.memory_space<vmem>>) target_semaphore(%run_scoped3A : memref<!tpu.dma_semaphore, #tpu.memory_space<semaphore_mem>>)
      %dma_wait3A = tpu.memref_slice %arg2[%mul3A_2] : memref<163840xi32, #tpu.memory_space<hbm>> -> memref<5120xi32, #tpu.memory_space<hbm>>
      %dma_wait3A_15 = tpu.memref_slice %arg2[%mul3A_2] : memref<163840xi32, #tpu.memory_space<hbm>> -> memref<5120xi32, #tpu.memory_space<hbm>>
      tpu.wait_dma2 semaphore(%run_scoped3A : memref<!tpu.dma_semaphore, #tpu.memory_space<semaphore_mem>>) src(%dma_wait3A_15 : memref<5120xi32, #tpu.memory_space<hbm>>) dst(%arg6 : memref<5120xi32, #tpu.memory_space<vmem>>)
      tpu.yield
    }) : () -> ()
    "tpu.region"() ({
      %run_scoped3A = tpu.sem_alloc : memref<!tpu.dma_semaphore, #tpu.memory_space<semaphore_mem>>
      %dma_start3A = tpu.memref_slice %arg3[%mul3A_2] : memref<163840xf32, #tpu.memory_space<hbm>> -> memref<5120xf32, #tpu.memory_space<hbm>>
      %dma_start3A_14 = tpu.memref_slice %arg3[%mul3A_2] : memref<163840xf32, #tpu.memory_space<hbm>> -> memref<5120xf32, #tpu.memory_space<hbm>>
      tpu.enqueue_dma source(%dma_start3A_14 : memref<5120xf32, #tpu.memory_space<hbm>>) target(%arg7 : memref<5120xf32, #tpu.memory_space<vmem>>) target_semaphore(%run_scoped3A : memref<!tpu.dma_semaphore, #tpu.memory_space<semaphore_mem>>)
      %dma_wait3A = tpu.memref_slice %arg3[%mul3A_2] : memref<163840xf32, #tpu.memory_space<hbm>> -> memref<5120xf32, #tpu.memory_space<hbm>>
      %dma_wait3A_15 = tpu.memref_slice %arg3[%mul3A_2] : memref<163840xf32, #tpu.memory_space<hbm>> -> memref<5120xf32, #tpu.memory_space<hbm>>
      tpu.wait_dma2 semaphore(%run_scoped3A : memref<!tpu.dma_semaphore, #tpu.memory_space<semaphore_mem>>) src(%dma_wait3A_15 : memref<5120xf32, #tpu.memory_space<hbm>>) dst(%arg7 : memref<5120xf32, #tpu.memory_space<vmem>>)
      tpu.yield
    }) : () -> ()
    %scan3A_7 = arith.constant 0 : i32
    %scan3A_8 = arith.constant 320 : i32
    %scan3A_9 = arith.addi %scan3A_7, %scan3A_8 : i32
    %scan3A_10 = arith.constant 1 : i32
    scf.for %scan3A_14 = %scan3A_7 to %scan3A_9 step %scan3A_10  : i32 {
      %mul3A_15 = arith.constant 16 : i32
      %mul3A_16 = arith.muli %scan3A_14, %mul3A_15 : i32
      %add3A_17 = arith.constant 0 : i32
      %add3A_18 = arith.addi %add3A_17, %mul3A_16 : i32
      %get3A = arith.index_cast %add3A_18 : i32 to index
      %get3A_19 = tpu.vector_load %arg6[%get3A] {strides = array<i32>} : memref<5120xi32, #tpu.memory_space<vmem>>, vector<16xi32>,
      %get3A_20 = arith.index_cast %add3A_18 : i32 to index
      %get3A_21 = tpu.vector_load %arg7[%get3A_20] {strides = array<i32>} : memref<5120xf32, #tpu.memory_space<vmem>>, vector<16xf32>,
      tpu.vector_store_idx %arg5[%get3A_19], %get3A_21 {add = true} : memref<10000xf32, #tpu.memory_space<vmem>>[vector<16xi32>], vector<16xf32>,
    }
    %scan3A_11 = arith.constant 320 : i32
    %mul3A_12 = arith.constant 10000 : i32
    %mul3A_13 = arith.muli %add3A, %mul3A_12 : i32
    "tpu.region"() ({
      %run_scoped3A = tpu.sem_alloc : memref<!tpu.dma_semaphore, #tpu.memory_space<semaphore_mem>>
      %dma_start3A = tpu.memref_slice %arg4[%mul3A_13] : memref<320000xf32, #tpu.memory_space<hbm>> -> memref<10000xf32, #tpu.memory_space<hbm>>
      %dma_start3A_14 = tpu.memref_slice %arg4[%mul3A_13] : memref<320000xf32, #tpu.memory_space<hbm>> -> memref<10000xf32, #tpu.memory_space<hbm>>
      tpu.enqueue_dma source(%arg5 : memref<10000xf32, #tpu.memory_space<vmem>>) target(%dma_start3A_14 : memref<10000xf32, #tpu.memory_space<hbm>>) target_semaphore(%run_scoped3A : memref<!tpu.dma_semaphore, #tpu.memory_space<semaphore_mem>>)
      %dma_wait3A = tpu.memref_slice %arg4[%mul3A_13] : memref<320000xf32, #tpu.memory_space<hbm>> -> memref<10000xf32, #tpu.memory_space<hbm>>
      %dma_wait3A_15 = tpu.memref_slice %arg4[%mul3A_13] : memref<320000xf32, #tpu.memory_space<hbm>> -> memref<10000xf32, #tpu.memory_space<hbm>>
      tpu.wait_dma2 semaphore(%run_scoped3A : memref<!tpu.dma_semaphore, #tpu.memory_space<semaphore_mem>>) src(%arg5 : memref<10000xf32, #tpu.memory_space<vmem>>) dst(%dma_wait3A_15 : memref<10000xf32, #tpu.memory_space<hbm>>)
      tpu.yield
    }) : () -> ()
    return
  }
}

#map = affine_map<(d0, d1) -> (0, 0)>
#map1 = affine_map<(d0, d1) -> (0)>
module attributes {stable_mosaic.version = 14 : i64} {
  func.func @_agg_kernel(%arg0: i32, %arg1: i32, %arg2: memref<10000x128xf32, #tpu.memory_space<hbm>>, %arg3: memref<10000x128xf32, #tpu.memory_space<hbm>>, %arg4: memref<163840xi32, #tpu.memory_space<hbm>>, %arg5: memref<1280x128xi32, #tpu.memory_space<hbm>>, %arg6: memref<163840xf32, #tpu.memory_space<hbm>>, %arg7: memref<10000x128xf32, #tpu.memory_space<hbm>>, %arg8: memref<10000x128xf32, #tpu.memory_space<hbm>>, %arg9: memref<10000x128xf32, #tpu.memory_space<vmem_shared>>, %arg10: memref<5120xi32, #tpu.memory_space<vmem>>, %arg11: memref<40x128xi32, #tpu.memory_space<vmem>>, %arg12: memref<5120xf32, #tpu.memory_space<vmem>>, %arg13: memref<128x128xf32, #tpu.memory_space<vmem>>, %arg14: memref<128x128xf32, #tpu.memory_space<vmem>>, %arg15: memref<4x!tpu.dma_semaphore, #tpu.memory_space<semaphore_mem>>, %arg16: memref<2x!tpu.dma_semaphore, #tpu.memory_space<semaphore_mem>>, %arg17: memref<!tpu.dma_semaphore, #tpu.memory_space<semaphore_mem>>) attributes {dimension_semantics = [#tpu.dimension_semantics<core_parallel>, #tpu.dimension_semantics<subcore_parallel>], iteration_bounds = array<i64: 2, 16>, scalar_prefetch = 0 : i64, scratch_operands = 9 : i64, tpu.core_type = #tpu.core_type<sc_vector_subcore>, window_params = [{transform_indices = #map}, {transform_indices = #map}, {transform_indices = #map1}, {transform_indices = #map}, {transform_indices = #map1}, {transform_indices = #map}, {transform_indices = #map}]} {
    %eq3A = arith.constant 0 : i32
    %eq3A_0 = arith.cmpi eq, %arg0, %eq3A : i32
    %convert_element_type3A = arith.extui %eq3A_0 : i1 to i32
    %cond3A = arith.constant 0 : i32
    %cond3A_1 = arith.cmpi ne, %convert_element_type3A, %cond3A : i32
    scf.if %cond3A_1 {
      %mul3A = arith.constant 624 : i32
      %mul3A_7 = arith.muli %arg1, %mul3A : i32
      %dma_start3A = arith.constant 0 : i32
      %dma_start3A_8 = tpu.memref_slice %arg9[%mul3A_7, %dma_start3A] : memref<10000x128xf32, #tpu.memory_space<vmem_shared>> -> memref<624x128xf32, #tpu.memory_space<vmem_shared>>
      %dma_start3A_9 = arith.constant 0 : i32
      %dma_start3A_10 = tpu.memref_slice %arg2[%mul3A_7, %dma_start3A_9] : memref<10000x128xf32, #tpu.memory_space<hbm>> -> memref<624x128xf32, #tpu.memory_space<hbm>>
      tpu.enqueue_dma source(%dma_start3A_10 : memref<624x128xf32, #tpu.memory_space<hbm>>) target(%dma_start3A_8 : memref<624x128xf32, #tpu.memory_space<vmem_shared>>) target_semaphore(%arg17 : memref<!tpu.dma_semaphore, #tpu.memory_space<semaphore_mem>>)
      %dma_wait3A = arith.constant 0 : i32
      %dma_wait3A_11 = tpu.memref_slice %arg9[%mul3A_7, %dma_wait3A] : memref<10000x128xf32, #tpu.memory_space<vmem_shared>> -> memref<624x128xf32, #tpu.memory_space<vmem_shared>>
      %dma_wait3A_12 = arith.constant 0 : i32
      %dma_wait3A_13 = tpu.memref_slice %arg2[%mul3A_7, %dma_wait3A_12] : memref<10000x128xf32, #tpu.memory_space<hbm>> -> memref<624x128xf32, #tpu.memory_space<hbm>>
      tpu.wait_dma2 semaphore(%arg17 : memref<!tpu.dma_semaphore, #tpu.memory_space<semaphore_mem>>) src(%dma_wait3A_13 : memref<624x128xf32, #tpu.memory_space<hbm>>) dst(%dma_wait3A_11 : memref<624x128xf32, #tpu.memory_space<vmem_shared>>)
      %eq3A_14 = arith.constant 15 : i32
      %eq3A_15 = arith.cmpi eq, %arg1, %eq3A_14 : i32
      %convert_element_type3A_16 = arith.extui %eq3A_15 : i1 to i32
      %cond3A_17 = arith.constant 0 : i32
      %cond3A_18 = arith.cmpi ne, %convert_element_type3A_16, %cond3A_17 : i32
      scf.if %cond3A_18 {
        "tpu.region"() ({
          %run_scoped3A = tpu.sem_alloc : memref<!tpu.dma_semaphore, #tpu.memory_space<semaphore_mem>>
          %dma_start3A_124 = arith.constant 9984 : i32
          %dma_start3A_125 = arith.constant 0 : i32
          %dma_start3A_126 = tpu.memref_slice %arg9[%dma_start3A_124, %dma_start3A_125] : memref<10000x128xf32, #tpu.memory_space<vmem_shared>> -> memref<16x128xf32, #tpu.memory_space<vmem_shared>>
          %dma_start3A_127 = arith.constant 9984 : i32
          %dma_start3A_128 = arith.constant 0 : i32
          %dma_start3A_129 = tpu.memref_slice %arg2[%dma_start3A_127, %dma_start3A_128] : memref<10000x128xf32, #tpu.memory_space<hbm>> -> memref<16x128xf32, #tpu.memory_space<hbm>>
          tpu.enqueue_dma source(%dma_start3A_129 : memref<16x128xf32, #tpu.memory_space<hbm>>) target(%dma_start3A_126 : memref<16x128xf32, #tpu.memory_space<vmem_shared>>) target_semaphore(%run_scoped3A : memref<!tpu.dma_semaphore, #tpu.memory_space<semaphore_mem>>)
          %dma_wait3A_130 = arith.constant 9984 : i32
          %dma_wait3A_131 = arith.constant 0 : i32
          %dma_wait3A_132 = tpu.memref_slice %arg9[%dma_wait3A_130, %dma_wait3A_131] : memref<10000x128xf32, #tpu.memory_space<vmem_shared>> -> memref<16x128xf32, #tpu.memory_space<vmem_shared>>
          %dma_wait3A_133 = arith.constant 9984 : i32
          %dma_wait3A_134 = arith.constant 0 : i32
          %dma_wait3A_135 = tpu.memref_slice %arg2[%dma_wait3A_133, %dma_wait3A_134] : memref<10000x128xf32, #tpu.memory_space<hbm>> -> memref<16x128xf32, #tpu.memory_space<hbm>>
          tpu.wait_dma2 semaphore(%run_scoped3A : memref<!tpu.dma_semaphore, #tpu.memory_space<semaphore_mem>>) src(%dma_wait3A_135 : memref<16x128xf32, #tpu.memory_space<hbm>>) dst(%dma_wait3A_132 : memref<16x128xf32, #tpu.memory_space<vmem_shared>>)
          tpu.yield
        }) : () -> ()
      } else {
      }
      %barrier3A = arith.constant 0 : index
      tpu.barrier barrier_id(%barrier3A)
      %mul3A_19 = arith.constant 2 : i32
      %mul3A_20 = arith.muli %arg1, %mul3A_19 : i32
      %mul3A_21 = arith.constant 5120 : i32
      %mul3A_22 = arith.muli %mul3A_20, %mul3A_21 : i32
      %add3A = arith.constant 0 : i32
      %add3A_23 = arith.addi %mul3A_22, %add3A : i32
      %multiple_of3A = tpu.assume_multiple %add3A_23, 128 : i32
      %mul3A_24 = arith.constant 2 : i32
      %mul3A_25 = arith.muli %arg1, %mul3A_24 : i32
      %mul3A_26 = arith.constant 40 : i32
      %mul3A_27 = arith.muli %mul3A_25, %mul3A_26 : i32
      %add3A_28 = arith.constant 0 : i32
      %add3A_29 = arith.addi %mul3A_27, %add3A_28 : i32
      %multiple_of3A_30 = tpu.assume_multiple %add3A_29, 8 : i32
      "tpu.region"() ({
        %run_scoped3A = tpu.sem_alloc : memref<!tpu.dma_semaphore, #tpu.memory_space<semaphore_mem>>
        %dma_start3A_124 = tpu.memref_slice %arg4[%multiple_of3A] : memref<163840xi32, #tpu.memory_space<hbm>> -> memref<5120xi32, #tpu.memory_space<hbm>>
        %dma_start3A_125 = tpu.memref_slice %arg4[%multiple_of3A] : memref<163840xi32, #tpu.memory_space<hbm>> -> memref<5120xi32, #tpu.memory_space<hbm>>
        tpu.enqueue_dma source(%dma_start3A_125 : memref<5120xi32, #tpu.memory_space<hbm>>) target(%arg10 : memref<5120xi32, #tpu.memory_space<vmem>>) target_semaphore(%run_scoped3A : memref<!tpu.dma_semaphore, #tpu.memory_space<semaphore_mem>>)
        %dma_wait3A_126 = tpu.memref_slice %arg4[%multiple_of3A] : memref<163840xi32, #tpu.memory_space<hbm>> -> memref<5120xi32, #tpu.memory_space<hbm>>
        %dma_wait3A_127 = tpu.memref_slice %arg4[%multiple_of3A] : memref<163840xi32, #tpu.memory_space<hbm>> -> memref<5120xi32, #tpu.memory_space<hbm>>
        tpu.wait_dma2 semaphore(%run_scoped3A : memref<!tpu.dma_semaphore, #tpu.memory_space<semaphore_mem>>) src(%dma_wait3A_127 : memref<5120xi32, #tpu.memory_space<hbm>>) dst(%arg10 : memref<5120xi32, #tpu.memory_space<vmem>>)
        tpu.yield
      }) : () -> ()
      "tpu.region"() ({
        %run_scoped3A = tpu.sem_alloc : memref<!tpu.dma_semaphore, #tpu.memory_space<semaphore_mem>>
        %dma_start3A_124 = arith.constant 0 : i32
        %dma_start3A_125 = tpu.memref_slice %arg5[%multiple_of3A_30, %dma_start3A_124] : memref<1280x128xi32, #tpu.memory_space<hbm>> -> memref<40x128xi32, #tpu.memory_space<hbm>>
        %dma_start3A_126 = arith.constant 0 : i32
        %dma_start3A_127 = tpu.memref_slice %arg5[%multiple_of3A_30, %dma_start3A_126] : memref<1280x128xi32, #tpu.memory_space<hbm>> -> memref<40x128xi32, #tpu.memory_space<hbm>>
        tpu.enqueue_dma source(%dma_start3A_127 : memref<40x128xi32, #tpu.memory_space<hbm>>) target(%arg11 : memref<40x128xi32, #tpu.memory_space<vmem>>) target_semaphore(%run_scoped3A : memref<!tpu.dma_semaphore, #tpu.memory_space<semaphore_mem>>)
        %dma_wait3A_128 = arith.constant 0 : i32
        %dma_wait3A_129 = tpu.memref_slice %arg5[%multiple_of3A_30, %dma_wait3A_128] : memref<1280x128xi32, #tpu.memory_space<hbm>> -> memref<40x128xi32, #tpu.memory_space<hbm>>
        %dma_wait3A_130 = arith.constant 0 : i32
        %dma_wait3A_131 = tpu.memref_slice %arg5[%multiple_of3A_30, %dma_wait3A_130] : memref<1280x128xi32, #tpu.memory_space<hbm>> -> memref<40x128xi32, #tpu.memory_space<hbm>>
        tpu.wait_dma2 semaphore(%run_scoped3A : memref<!tpu.dma_semaphore, #tpu.memory_space<semaphore_mem>>) src(%dma_wait3A_131 : memref<40x128xi32, #tpu.memory_space<hbm>>) dst(%arg11 : memref<40x128xi32, #tpu.memory_space<vmem>>)
        tpu.yield
      }) : () -> ()
      "tpu.region"() ({
        %run_scoped3A = tpu.sem_alloc : memref<!tpu.dma_semaphore, #tpu.memory_space<semaphore_mem>>
        %dma_start3A_124 = tpu.memref_slice %arg6[%multiple_of3A] : memref<163840xf32, #tpu.memory_space<hbm>> -> memref<5120xf32, #tpu.memory_space<hbm>>
        %dma_start3A_125 = tpu.memref_slice %arg6[%multiple_of3A] : memref<163840xf32, #tpu.memory_space<hbm>> -> memref<5120xf32, #tpu.memory_space<hbm>>
        tpu.enqueue_dma source(%dma_start3A_125 : memref<5120xf32, #tpu.memory_space<hbm>>) target(%arg12 : memref<5120xf32, #tpu.memory_space<vmem>>) target_semaphore(%run_scoped3A : memref<!tpu.dma_semaphore, #tpu.memory_space<semaphore_mem>>)
        %dma_wait3A_126 = tpu.memref_slice %arg6[%multiple_of3A] : memref<163840xf32, #tpu.memory_space<hbm>> -> memref<5120xf32, #tpu.memory_space<hbm>>
        %dma_wait3A_127 = tpu.memref_slice %arg6[%multiple_of3A] : memref<163840xf32, #tpu.memory_space<hbm>> -> memref<5120xf32, #tpu.memory_space<hbm>>
        tpu.wait_dma2 semaphore(%run_scoped3A : memref<!tpu.dma_semaphore, #tpu.memory_space<semaphore_mem>>) src(%dma_wait3A_127 : memref<5120xf32, #tpu.memory_space<hbm>>) dst(%arg12 : memref<5120xf32, #tpu.memory_space<vmem>>)
        tpu.yield
      }) : () -> ()
      %dma_start3A_31 = arith.constant 0 : i32
      %dma_start3A_32 = arith.constant 0 : i32
      %dma_start3A_33 = arith.constant 0 : i32
      %dma_start3A_34 = tpu.memref_slice %arg13[%dma_start3A_32, %dma_start3A_33] : memref<128x128xf32, #tpu.memory_space<vmem>> -> memref<64x128xf32, #tpu.memory_space<vmem>>
      %dma_start3A_35 = arith.constant 0 : i32
      %dma_start3A_36 = tpu.memref_slice %arg10[%dma_start3A_35] : memref<5120xi32, #tpu.memory_space<vmem>> -> memref<64xi32, #tpu.memory_space<vmem>>
      %dma_start3A_37 = arith.constant 0 : i32
      %dma_start3A_38 = arith.constant 0 : i32
      %dma_start3A_39 = tpu.memref_slice %arg2[%dma_start3A_37, %dma_start3A_38] : memref<10000x128xf32, #tpu.memory_space<hbm>> -> memref<10000x128xf32, #tpu.memory_space<hbm>>
      %dma_start3A_40 = tpu.memref_slice %arg15[%dma_start3A_31] : memref<4x!tpu.dma_semaphore, #tpu.memory_space<semaphore_mem>> -> memref<1x!tpu.dma_semaphore, #tpu.memory_space<semaphore_mem>>
      %dma_start3A_41 = tpu.memref_squeeze %dma_start3A_40 : memref<1x!tpu.dma_semaphore, #tpu.memory_space<semaphore_mem>> -> memref<!tpu.dma_semaphore, #tpu.memory_space<semaphore_mem>>
      tpu.enqueue_indirect_dma source(%dma_start3A_39 : memref<10000x128xf32, #tpu.memory_space<hbm>>) target(%dma_start3A_34 : memref<64x128xf32, #tpu.memory_space<vmem>>) offsets(%dma_start3A_36 : memref<64xi32, #tpu.memory_space<vmem>>) semaphore(%dma_start3A_41 : memref<!tpu.dma_semaphore, #tpu.memory_space<semaphore_mem>>)
      %dma_start3A_42 = arith.constant 1 : i32
      %dma_start3A_43 = arith.constant 64 : i32
      %dma_start3A_44 = arith.constant 0 : i32
      %dma_start3A_45 = tpu.memref_slice %arg13[%dma_start3A_43, %dma_start3A_44] : memref<128x128xf32, #tpu.memory_space<vmem>> -> memref<64x128xf32, #tpu.memory_space<vmem>>
      %dma_start3A_46 = arith.constant 64 : i32
      %dma_start3A_47 = tpu.memref_slice %arg10[%dma_start3A_46] : memref<5120xi32, #tpu.memory_space<vmem>> -> memref<64xi32, #tpu.memory_space<vmem>>
      %dma_start3A_48 = arith.constant 0 : i32
      %dma_start3A_49 = arith.constant 0 : i32
      %dma_start3A_50 = tpu.memref_slice %arg2[%dma_start3A_48, %dma_start3A_49] : memref<10000x128xf32, #tpu.memory_space<hbm>> -> memref<10000x128xf32, #tpu.memory_space<hbm>>
      %dma_start3A_51 = tpu.memref_slice %arg15[%dma_start3A_42] : memref<4x!tpu.dma_semaphore, #tpu.memory_space<semaphore_mem>> -> memref<1x!tpu.dma_semaphore, #tpu.memory_space<semaphore_mem>>
      %dma_start3A_52 = tpu.memref_squeeze %dma_start3A_51 : memref<1x!tpu.dma_semaphore, #tpu.memory_space<semaphore_mem>> -> memref<!tpu.dma_semaphore, #tpu.memory_space<semaphore_mem>>
      tpu.enqueue_indirect_dma source(%dma_start3A_50 : memref<10000x128xf32, #tpu.memory_space<hbm>>) target(%dma_start3A_45 : memref<64x128xf32, #tpu.memory_space<vmem>>) offsets(%dma_start3A_47 : memref<64xi32, #tpu.memory_space<vmem>>) semaphore(%dma_start3A_52 : memref<!tpu.dma_semaphore, #tpu.memory_space<semaphore_mem>>)
      %scan3A = arith.constant 0 : i32
      %scan3A_53 = arith.constant 20 : i32
      %scan3A_54 = arith.addi %scan3A, %scan3A_53 : i32
      %scan3A_55 = arith.constant 1 : i32
      scf.for %scan3A_124 = %scan3A to %scan3A_54 step %scan3A_55  : i32 {
        %mul3A_125 = arith.constant 2 : i32
        %mul3A_126 = arith.muli %scan3A_124, %mul3A_125 : i32
        %add3A_127 = arith.constant 0 : i32
        %add3A_128 = arith.addi %add3A_127, %mul3A_126 : i32
        %add3A_129 = arith.constant 0 : i32
        %add3A_130 = arith.addi %add3A_128, %add3A_129 : i32
        %ge3A = arith.constant 1 : i32
        %ge3A_131 = arith.cmpi sge, %add3A_130, %ge3A : i32
        %convert_element_type3A_132 = arith.extui %ge3A_131 : i1 to i32
        %cond3A_133 = arith.constant 0 : i32
        %cond3A_134 = arith.cmpi ne, %convert_element_type3A_132, %cond3A_133 : i32
        scf.if %cond3A_134 {
          %dma_wait3A_234 = arith.constant 0 : i32
          %dma_wait3A_235 = arith.constant 1 : i32
          %dma_wait3A_236 = arith.constant 0 : i32
          %dma_wait3A_237 = tpu.memref_slice %arg11[%dma_wait3A_234, %dma_wait3A_236] : memref<40x128xi32, #tpu.memory_space<vmem>> -> memref<1x128xi32, #tpu.memory_space<vmem>>
          %dma_wait3A_238 = tpu.memref_squeeze %dma_wait3A_237 : memref<1x128xi32, #tpu.memory_space<vmem>> -> memref<128xi32, #tpu.memory_space<vmem>>
          %dma_wait3A_239 = arith.constant 0 : i32
          %dma_wait3A_240 = arith.constant 0 : i32
          %dma_wait3A_241 = tpu.memref_slice %arg9[%dma_wait3A_239, %dma_wait3A_240] : memref<10000x128xf32, #tpu.memory_space<vmem_shared>> -> memref<10000x128xf32, #tpu.memory_space<vmem_shared>>
          %dma_wait3A_242 = tpu.memref_slice %arg16[%dma_wait3A_235] : memref<2x!tpu.dma_semaphore, #tpu.memory_space<semaphore_mem>> -> memref<1x!tpu.dma_semaphore, #tpu.memory_space<semaphore_mem>>
          %dma_wait3A_243 = tpu.memref_squeeze %dma_wait3A_242 : memref<1x!tpu.dma_semaphore, #tpu.memory_space<semaphore_mem>> -> memref<!tpu.dma_semaphore, #tpu.memory_space<semaphore_mem>>
          tpu.wait_indirect_dma semaphore(%dma_wait3A_243 : memref<!tpu.dma_semaphore, #tpu.memory_space<semaphore_mem>>) src(%arg14 : memref<128x128xf32, #tpu.memory_space<vmem>>) dst(%dma_wait3A_241 : memref<10000x128xf32, #tpu.memory_space<vmem_shared>>)
        } else {
        }
        %add3A_135 = arith.constant 1 : i32
        %add3A_136 = arith.addi %add3A_130, %add3A_135 : i32
        %lt3A = arith.constant 40 : i32
        %lt3A_137 = arith.cmpi slt, %add3A_136, %lt3A : i32
        %convert_element_type3A_138 = arith.extui %lt3A_137 : i1 to i32
        %cond3A_139 = arith.constant 0 : i32
        %cond3A_140 = arith.cmpi ne, %convert_element_type3A_138, %cond3A_139 : i32
        scf.if %cond3A_140 {
          %add3A_234 = arith.constant 1 : i32
          %add3A_235 = arith.addi %add3A_130, %add3A_234 : i32
          %mul3A_236 = arith.constant 128 : i32
          %mul3A_237 = arith.muli %add3A_235, %mul3A_236 : i32
          %add3A_238 = arith.constant 0 : i32
          %add3A_239 = arith.addi %mul3A_237, %add3A_238 : i32
          %dma_start3A_240 = arith.constant 2 : i32
          %dma_start3A_241 = arith.constant 0 : i32
          %dma_start3A_242 = arith.constant 0 : i32
          %dma_start3A_243 = tpu.memref_slice %arg14[%dma_start3A_241, %dma_start3A_242] : memref<128x128xf32, #tpu.memory_space<vmem>> -> memref<64x128xf32, #tpu.memory_space<vmem>>
          %dma_start3A_244 = tpu.memref_slice %arg10[%add3A_239] : memref<5120xi32, #tpu.memory_space<vmem>> -> memref<64xi32, #tpu.memory_space<vmem>>
          %dma_start3A_245 = arith.constant 0 : i32
          %dma_start3A_246 = arith.constant 0 : i32
          %dma_start3A_247 = tpu.memref_slice %arg2[%dma_start3A_245, %dma_start3A_246] : memref<10000x128xf32, #tpu.memory_space<hbm>> -> memref<10000x128xf32, #tpu.memory_space<hbm>>
          %dma_start3A_248 = tpu.memref_slice %arg15[%dma_start3A_240] : memref<4x!tpu.dma_semaphore, #tpu.memory_space<semaphore_mem>> -> memref<1x!tpu.dma_semaphore, #tpu.memory_space<semaphore_mem>>
          %dma_start3A_249 = tpu.memref_squeeze %dma_start3A_248 : memref<1x!tpu.dma_semaphore, #tpu.memory_space<semaphore_mem>> -> memref<!tpu.dma_semaphore, #tpu.memory_space<semaphore_mem>>
          tpu.enqueue_indirect_dma source(%dma_start3A_247 : memref<10000x128xf32, #tpu.memory_space<hbm>>) target(%dma_start3A_243 : memref<64x128xf32, #tpu.memory_space<vmem>>) offsets(%dma_start3A_244 : memref<64xi32, #tpu.memory_space<vmem>>) semaphore(%dma_start3A_249 : memref<!tpu.dma_semaphore, #tpu.memory_space<semaphore_mem>>)
          %mul3A_250 = arith.constant 128 : i32
          %mul3A_251 = arith.muli %add3A_235, %mul3A_250 : i32
          %add3A_252 = arith.constant 64 : i32
          %add3A_253 = arith.addi %mul3A_251, %add3A_252 : i32
          %dma_start3A_254 = arith.constant 3 : i32
          %dma_start3A_255 = arith.constant 64 : i32
          %dma_start3A_256 = arith.constant 0 : i32
          %dma_start3A_257 = tpu.memref_slice %arg14[%dma_start3A_255, %dma_start3A_256] : memref<128x128xf32, #tpu.memory_space<vmem>> -> memref<64x128xf32, #tpu.memory_space<vmem>>
          %dma_start3A_258 = tpu.memref_slice %arg10[%add3A_253] : memref<5120xi32, #tpu.memory_space<vmem>> -> memref<64xi32, #tpu.memory_space<vmem>>
          %dma_start3A_259 = arith.constant 0 : i32
          %dma_start3A_260 = arith.constant 0 : i32
          %dma_start3A_261 = tpu.memref_slice %arg2[%dma_start3A_259, %dma_start3A_260] : memref<10000x128xf32, #tpu.memory_space<hbm>> -> memref<10000x128xf32, #tpu.memory_space<hbm>>
          %dma_start3A_262 = tpu.memref_slice %arg15[%dma_start3A_254] : memref<4x!tpu.dma_semaphore, #tpu.memory_space<semaphore_mem>> -> memref<1x!tpu.dma_semaphore, #tpu.memory_space<semaphore_mem>>
          %dma_start3A_263 = tpu.memref_squeeze %dma_start3A_262 : memref<1x!tpu.dma_semaphore, #tpu.memory_space<semaphore_mem>> -> memref<!tpu.dma_semaphore, #tpu.memory_space<semaphore_mem>>
          tpu.enqueue_indirect_dma source(%dma_start3A_261 : memref<10000x128xf32, #tpu.memory_space<hbm>>) target(%dma_start3A_257 : memref<64x128xf32, #tpu.memory_space<vmem>>) offsets(%dma_start3A_258 : memref<64xi32, #tpu.memory_space<vmem>>) semaphore(%dma_start3A_263 : memref<!tpu.dma_semaphore, #tpu.memory_space<semaphore_mem>>)
        } else {
        }
        %mul3A_141 = arith.constant 128 : i32
        %mul3A_142 = arith.muli %add3A_130, %mul3A_141 : i32
        %add3A_143 = arith.constant 0 : i32
        %add3A_144 = arith.addi %mul3A_142, %add3A_143 : i32
        %dma_wait3A_145 = arith.constant 0 : i32
        %dma_wait3A_146 = arith.constant 0 : i32
        %dma_wait3A_147 = arith.constant 0 : i32
        %dma_wait3A_148 = tpu.memref_slice %arg13[%dma_wait3A_146, %dma_wait3A_147] : memref<128x128xf32, #tpu.memory_space<vmem>> -> memref<64x128xf32, #tpu.memory_space<vmem>>
        %dma_wait3A_149 = tpu.memref_slice %arg10[%add3A_144] : memref<5120xi32, #tpu.memory_space<vmem>> -> memref<64xi32, #tpu.memory_space<vmem>>
        %dma_wait3A_150 = arith.constant 0 : i32
        %dma_wait3A_151 = arith.constant 0 : i32
        %dma_wait3A_152 = tpu.memref_slice %arg2[%dma_wait3A_150, %dma_wait3A_151] : memref<10000x128xf32, #tpu.memory_space<hbm>> -> memref<10000x128xf32, #tpu.memory_space<hbm>>
        %dma_wait3A_153 = tpu.memref_slice %arg15[%dma_wait3A_145] : memref<4x!tpu.dma_semaphore, #tpu.memory_space<semaphore_mem>> -> memref<1x!tpu.dma_semaphore, #tpu.memory_space<semaphore_mem>>
        %dma_wait3A_154 = tpu.memref_squeeze %dma_wait3A_153 : memref<1x!tpu.dma_semaphore, #tpu.memory_space<semaphore_mem>> -> memref<!tpu.dma_semaphore, #tpu.memory_space<semaphore_mem>>
        tpu.wait_indirect_dma semaphore(%dma_wait3A_154 : memref<!tpu.dma_semaphore, #tpu.memory_space<semaphore_mem>>) src(%dma_wait3A_152 : memref<10000x128xf32, #tpu.memory_space<hbm>>) dst(%dma_wait3A_148 : memref<64x128xf32, #tpu.memory_space<vmem>>)
        %mul3A_155 = arith.constant 128 : i32
        %mul3A_156 = arith.muli %add3A_130, %mul3A_155 : i32
        %add3A_157 = arith.constant 64 : i32
        %add3A_158 = arith.addi %mul3A_156, %add3A_157 : i32
        %dma_wait3A_159 = arith.constant 1 : i32
        %dma_wait3A_160 = arith.constant 64 : i32
        %dma_wait3A_161 = arith.constant 0 : i32
        %dma_wait3A_162 = tpu.memref_slice %arg13[%dma_wait3A_160, %dma_wait3A_161] : memref<128x128xf32, #tpu.memory_space<vmem>> -> memref<64x128xf32, #tpu.memory_space<vmem>>
        %dma_wait3A_163 = tpu.memref_slice %arg10[%add3A_158] : memref<5120xi32, #tpu.memory_space<vmem>> -> memref<64xi32, #tpu.memory_space<vmem>>
        %dma_wait3A_164 = arith.constant 0 : i32
        %dma_wait3A_165 = arith.constant 0 : i32
        %dma_wait3A_166 = tpu.memref_slice %arg2[%dma_wait3A_164, %dma_wait3A_165] : memref<10000x128xf32, #tpu.memory_space<hbm>> -> memref<10000x128xf32, #tpu.memory_space<hbm>>
        %dma_wait3A_167 = tpu.memref_slice %arg15[%dma_wait3A_159] : memref<4x!tpu.dma_semaphore, #tpu.memory_space<semaphore_mem>> -> memref<1x!tpu.dma_semaphore, #tpu.memory_space<semaphore_mem>>
        %dma_wait3A_168 = tpu.memref_squeeze %dma_wait3A_167 : memref<1x!tpu.dma_semaphore, #tpu.memory_space<semaphore_mem>> -> memref<!tpu.dma_semaphore, #tpu.memory_space<semaphore_mem>>
        tpu.wait_indirect_dma semaphore(%dma_wait3A_168 : memref<!tpu.dma_semaphore, #tpu.memory_space<semaphore_mem>>) src(%dma_wait3A_166 : memref<10000x128xf32, #tpu.memory_space<hbm>>) dst(%dma_wait3A_162 : memref<64x128xf32, #tpu.memory_space<vmem>>)
        %parallel_loop3A = arith.constant 0 : i32
        %parallel_loop3A_169 = arith.constant 128 : i32
        %parallel_loop3A_170 = arith.constant 1 : i32
        scf.for %parallel_loop3A_234 = %parallel_loop3A to %parallel_loop3A_169 step %parallel_loop3A_170  : i32 {
          %parallel_loop3A_235 = arith.constant 0 : i32
          %parallel_loop3A_236 = vector.broadcast %parallel_loop3A_235 : i32 to vector<16xi32>
          %parallel_loop3A_237 = arith.constant 128 : i32
          %parallel_loop3A_238 = arith.muli %add3A_130, %parallel_loop3A_237 : i32
          %parallel_loop3A_239 = vector.broadcast %parallel_loop3A_238 : i32 to vector<16xi32>
          %parallel_loop3A_240 = arith.addi %parallel_loop3A_236, %parallel_loop3A_239 : vector<16xi32>
          %parallel_loop3A_241 = vector.broadcast %parallel_loop3A_234 : i32 to vector<16xi32>
          %parallel_loop3A_242 = arith.addi %parallel_loop3A_240, %parallel_loop3A_241 : vector<16xi32>
          %parallel_loop3A_243 = tpu.vector_load_idx %arg12[%parallel_loop3A_242] : memref<5120xf32, #tpu.memory_space<vmem>>[vector<16xi32>], vector<16xf32>,
          %parallel_loop3A_244 = arith.index_cast %parallel_loop3A_234 : i32 to index
          %parallel_loop3A_245 = arith.constant 0 : index
          %parallel_loop3A_246 = tpu.vector_load %arg13[%parallel_loop3A_244, %parallel_loop3A_245] {strides = array<i32>} : memref<128x128xf32, #tpu.memory_space<vmem>>, vector<16xf32>,
          %parallel_loop3A_247 = arith.mulf %parallel_loop3A_246, %parallel_loop3A_243 : vector<16xf32>
          %parallel_loop3A_248 = arith.index_cast %parallel_loop3A_234 : i32 to index
          %parallel_loop3A_249 = arith.constant 0 : index
          %parallel_loop3A_250 = tpu.vector_load %arg13[%parallel_loop3A_248, %parallel_loop3A_249] {strides = array<i32>} : memref<128x128xf32, #tpu.memory_space<vmem>>, vector<16xf32>,
          tpu.vector_store %arg13[%parallel_loop3A_248, %parallel_loop3A_249], %parallel_loop3A_247 {strides = array<i32>} : memref<128x128xf32, #tpu.memory_space<vmem>>, vector<16xf32>,
          %parallel_loop3A_251 = arith.index_cast %parallel_loop3A_234 : i32 to index
          %parallel_loop3A_252 = arith.constant 16 : index
          %parallel_loop3A_253 = tpu.vector_load %arg13[%parallel_loop3A_251, %parallel_loop3A_252] {strides = array<i32>} : memref<128x128xf32, #tpu.memory_space<vmem>>, vector<16xf32>,
          %parallel_loop3A_254 = arith.mulf %parallel_loop3A_253, %parallel_loop3A_243 : vector<16xf32>
          %parallel_loop3A_255 = arith.index_cast %parallel_loop3A_234 : i32 to index
          %parallel_loop3A_256 = arith.constant 16 : index
          %parallel_loop3A_257 = tpu.vector_load %arg13[%parallel_loop3A_255, %parallel_loop3A_256] {strides = array<i32>} : memref<128x128xf32, #tpu.memory_space<vmem>>, vector<16xf32>,
          tpu.vector_store %arg13[%parallel_loop3A_255, %parallel_loop3A_256], %parallel_loop3A_254 {strides = array<i32>} : memref<128x128xf32, #tpu.memory_space<vmem>>, vector<16xf32>,
          %parallel_loop3A_258 = arith.index_cast %parallel_loop3A_234 : i32 to index
          %parallel_loop3A_259 = arith.constant 32 : index
          %parallel_loop3A_260 = tpu.vector_load %arg13[%parallel_loop3A_258, %parallel_loop3A_259] {strides = array<i32>} : memref<128x128xf32, #tpu.memory_space<vmem>>, vector<16xf32>,
          %parallel_loop3A_261 = arith.mulf %parallel_loop3A_260, %parallel_loop3A_243 : vector<16xf32>
          %parallel_loop3A_262 = arith.index_cast %parallel_loop3A_234 : i32 to index
          %parallel_loop3A_263 = arith.constant 32 : index
          %parallel_loop3A_264 = tpu.vector_load %arg13[%parallel_loop3A_262, %parallel_loop3A_263] {strides = array<i32>} : memref<128x128xf32, #tpu.memory_space<vmem>>, vector<16xf32>,
          tpu.vector_store %arg13[%parallel_loop3A_262, %parallel_loop3A_263], %parallel_loop3A_261 {strides = array<i32>} : memref<128x128xf32, #tpu.memory_space<vmem>>, vector<16xf32>,
          %parallel_loop3A_265 = arith.index_cast %parallel_loop3A_234 : i32 to index
          %parallel_loop3A_266 = arith.constant 48 : index
          %parallel_loop3A_267 = tpu.vector_load %arg13[%parallel_loop3A_265, %parallel_loop3A_266] {strides = array<i32>} : memref<128x128xf32, #tpu.memory_space<vmem>>, vector<16xf32>,
          %parallel_loop3A_268 = arith.mulf %parallel_loop3A_267, %parallel_loop3A_243 : vector<16xf32>
          %parallel_loop3A_269 = arith.index_cast %parallel_loop3A_234 : i32 to index
          %parallel_loop3A_270 = arith.constant 48 : index
          %parallel_loop3A_271 = tpu.vector_load %arg13[%parallel_loop3A_269, %parallel_loop3A_270] {strides = array<i32>} : memref<128x128xf32, #tpu.memory_space<vmem>>, vector<16xf32>,
          tpu.vector_store %arg13[%parallel_loop3A_269, %parallel_loop3A_270], %parallel_loop3A_268 {strides = array<i32>} : memref<128x128xf32, #tpu.memory_space<vmem>>, vector<16xf32>,
          %parallel_loop3A_272 = arith.index_cast %parallel_loop3A_234 : i32 to index
          %parallel_loop3A_273 = arith.constant 64 : index
          %parallel_loop3A_274 = tpu.vector_load %arg13[%parallel_loop3A_272, %parallel_loop3A_273] {strides = array<i32>} : memref<128x128xf32, #tpu.memory_space<vmem>>, vector<16xf32>,
          %parallel_loop3A_275 = arith.mulf %parallel_loop3A_274, %parallel_loop3A_243 : vector<16xf32>
          %parallel_loop3A_276 = arith.index_cast %parallel_loop3A_234 : i32 to index
          %parallel_loop3A_277 = arith.constant 64 : index
          %parallel_loop3A_278 = tpu.vector_load %arg13[%parallel_loop3A_276, %parallel_loop3A_277] {strides = array<i32>} : memref<128x128xf32, #tpu.memory_space<vmem>>, vector<16xf32>,
          tpu.vector_store %arg13[%parallel_loop3A_276, %parallel_loop3A_277], %parallel_loop3A_275 {strides = array<i32>} : memref<128x128xf32, #tpu.memory_space<vmem>>, vector<16xf32>,
          %parallel_loop3A_279 = arith.index_cast %parallel_loop3A_234 : i32 to index
          %parallel_loop3A_280 = arith.constant 80 : index
          %parallel_loop3A_281 = tpu.vector_load %arg13[%parallel_loop3A_279, %parallel_loop3A_280] {strides = array<i32>} : memref<128x128xf32, #tpu.memory_space<vmem>>, vector<16xf32>,
          %parallel_loop3A_282 = arith.mulf %parallel_loop3A_281, %parallel_loop3A_243 : vector<16xf32>
          %parallel_loop3A_283 = arith.index_cast %parallel_loop3A_234 : i32 to index
          %parallel_loop3A_284 = arith.constant 80 : index
          %parallel_loop3A_285 = tpu.vector_load %arg13[%parallel_loop3A_283, %parallel_loop3A_284] {strides = array<i32>} : memref<128x128xf32, #tpu.memory_space<vmem>>, vector<16xf32>,
          tpu.vector_store %arg13[%parallel_loop3A_283, %parallel_loop3A_284], %parallel_loop3A_282 {strides = array<i32>} : memref<128x128xf32, #tpu.memory_space<vmem>>, vector<16xf32>,
          %parallel_loop3A_286 = arith.index_cast %parallel_loop3A_234 : i32 to index
          %parallel_loop3A_287 = arith.constant 96 : index
          %parallel_loop3A_288 = tpu.vector_load %arg13[%parallel_loop3A_286, %parallel_loop3A_287] {strides = array<i32>} : memref<128x128xf32, #tpu.memory_space<vmem>>, vector<16xf32>,
          %parallel_loop3A_289 = arith.mulf %parallel_loop3A_288, %parallel_loop3A_243 : vector<16xf32>
          %parallel_loop3A_290 = arith.index_cast %parallel_loop3A_234 : i32 to index
          %parallel_loop3A_291 = arith.constant 96 : index
          %parallel_loop3A_292 = tpu.vector_load %arg13[%parallel_loop3A_290, %parallel_loop3A_291] {strides = array<i32>} : memref<128x128xf32, #tpu.memory_space<vmem>>, vector<16xf32>,
          tpu.vector_store %arg13[%parallel_loop3A_290, %parallel_loop3A_291], %parallel_loop3A_289 {strides = array<i32>} : memref<128x128xf32, #tpu.memory_space<vmem>>, vector<16xf32>,
          %parallel_loop3A_293 = arith.index_cast %parallel_loop3A_234 : i32 to index
          %parallel_loop3A_294 = arith.constant 112 : index
          %parallel_loop3A_295 = tpu.vector_load %arg13[%parallel_loop3A_293, %parallel_loop3A_294] {strides = array<i32>} : memref<128x128xf32, #tpu.memory_space<vmem>>, vector<16xf32>,
          %parallel_loop3A_296 = arith.mulf %parallel_loop3A_295, %parallel_loop3A_243 : vector<16xf32>
          %parallel_loop3A_297 = arith.index_cast %parallel_loop3A_234 : i32 to index
          %parallel_loop3A_298 = arith.constant 112 : index
          %parallel_loop3A_299 = tpu.vector_load %arg13[%parallel_loop3A_297, %parallel_loop3A_298] {strides = array<i32>} : memref<128x128xf32, #tpu.memory_space<vmem>>, vector<16xf32>,
          tpu.vector_store %arg13[%parallel_loop3A_297, %parallel_loop3A_298], %parallel_loop3A_296 {strides = array<i32>} : memref<128x128xf32, #tpu.memory_space<vmem>>, vector<16xf32>,
        } {sc.loop_unroll_factor = 4 : i64, sc.parallel_access}
        %dma_start3A_171 = arith.constant 0 : i32
        %dma_start3A_172 = arith.constant 0 : i32
        %dma_start3A_173 = tpu.memref_slice %arg11[%add3A_130, %dma_start3A_172] : memref<40x128xi32, #tpu.memory_space<vmem>> -> memref<1x128xi32, #tpu.memory_space<vmem>>
        %dma_start3A_174 = tpu.memref_squeeze %dma_start3A_173 : memref<1x128xi32, #tpu.memory_space<vmem>> -> memref<128xi32, #tpu.memory_space<vmem>>
        %dma_start3A_175 = arith.constant 0 : i32
        %dma_start3A_176 = arith.constant 0 : i32
        %dma_start3A_177 = tpu.memref_slice %arg9[%dma_start3A_175, %dma_start3A_176] : memref<10000x128xf32, #tpu.memory_space<vmem_shared>> -> memref<10000x128xf32, #tpu.memory_space<vmem_shared>>
        %dma_start3A_178 = tpu.memref_slice %arg16[%dma_start3A_171] : memref<2x!tpu.dma_semaphore, #tpu.memory_space<semaphore_mem>> -> memref<1x!tpu.dma_semaphore, #tpu.memory_space<semaphore_mem>>
        %dma_start3A_179 = tpu.memref_squeeze %dma_start3A_178 : memref<1x!tpu.dma_semaphore, #tpu.memory_space<semaphore_mem>> -> memref<!tpu.dma_semaphore, #tpu.memory_space<semaphore_mem>>
        tpu.enqueue_indirect_dma source(%arg13 : memref<128x128xf32, #tpu.memory_space<vmem>>) target(%dma_start3A_177 : memref<10000x128xf32, #tpu.memory_space<vmem_shared>>) offsets(%dma_start3A_174 : memref<128xi32, #tpu.memory_space<vmem>>) semaphore(%dma_start3A_179 : memref<!tpu.dma_semaphore, #tpu.memory_space<semaphore_mem>>) {add = true}
        %add3A_180 = arith.constant 1 : i32
        %add3A_181 = arith.addi %add3A_128, %add3A_180 : i32
        %ge3A_182 = arith.constant 1 : i32
        %ge3A_183 = arith.cmpi sge, %add3A_181, %ge3A_182 : i32
        %convert_element_type3A_184 = arith.extui %ge3A_183 : i1 to i32
        %cond3A_185 = arith.constant 0 : i32
        %cond3A_186 = arith.cmpi ne, %convert_element_type3A_184, %cond3A_185 : i32
        scf.if %cond3A_186 {
          %dma_wait3A_234 = arith.constant 0 : i32
          %dma_wait3A_235 = arith.constant 0 : i32
          %dma_wait3A_236 = arith.constant 0 : i32
          %dma_wait3A_237 = tpu.memref_slice %arg11[%dma_wait3A_234, %dma_wait3A_236] : memref<40x128xi32, #tpu.memory_space<vmem>> -> memref<1x128xi32, #tpu.memory_space<vmem>>
          %dma_wait3A_238 = tpu.memref_squeeze %dma_wait3A_237 : memref<1x128xi32, #tpu.memory_space<vmem>> -> memref<128xi32, #tpu.memory_space<vmem>>
          %dma_wait3A_239 = arith.constant 0 : i32
          %dma_wait3A_240 = arith.constant 0 : i32
          %dma_wait3A_241 = tpu.memref_slice %arg9[%dma_wait3A_239, %dma_wait3A_240] : memref<10000x128xf32, #tpu.memory_space<vmem_shared>> -> memref<10000x128xf32, #tpu.memory_space<vmem_shared>>
          %dma_wait3A_242 = tpu.memref_slice %arg16[%dma_wait3A_235] : memref<2x!tpu.dma_semaphore, #tpu.memory_space<semaphore_mem>> -> memref<1x!tpu.dma_semaphore, #tpu.memory_space<semaphore_mem>>
          %dma_wait3A_243 = tpu.memref_squeeze %dma_wait3A_242 : memref<1x!tpu.dma_semaphore, #tpu.memory_space<semaphore_mem>> -> memref<!tpu.dma_semaphore, #tpu.memory_space<semaphore_mem>>
          tpu.wait_indirect_dma semaphore(%dma_wait3A_243 : memref<!tpu.dma_semaphore, #tpu.memory_space<semaphore_mem>>) src(%arg13 : memref<128x128xf32, #tpu.memory_space<vmem>>) dst(%dma_wait3A_241 : memref<10000x128xf32, #tpu.memory_space<vmem_shared>>)
        } else {
        }
        %add3A_187 = arith.constant 1 : i32
        %add3A_188 = arith.addi %add3A_181, %add3A_187 : i32
        %lt3A_189 = arith.constant 40 : i32
        %lt3A_190 = arith.cmpi slt, %add3A_188, %lt3A_189 : i32
        %convert_element_type3A_191 = arith.extui %lt3A_190 : i1 to i32
        %cond3A_192 = arith.constant 0 : i32
        %cond3A_193 = arith.cmpi ne, %convert_element_type3A_191, %cond3A_192 : i32
        scf.if %cond3A_193 {
          %add3A_234 = arith.constant 1 : i32
          %add3A_235 = arith.addi %add3A_181, %add3A_234 : i32
          %mul3A_236 = arith.constant 128 : i32
          %mul3A_237 = arith.muli %add3A_235, %mul3A_236 : i32
          %add3A_238 = arith.constant 0 : i32
          %add3A_239 = arith.addi %mul3A_237, %add3A_238 : i32
          %dma_start3A_240 = arith.constant 0 : i32
          %dma_start3A_241 = arith.constant 0 : i32
          %dma_start3A_242 = arith.constant 0 : i32
          %dma_start3A_243 = tpu.memref_slice %arg13[%dma_start3A_241, %dma_start3A_242] : memref<128x128xf32, #tpu.memory_space<vmem>> -> memref<64x128xf32, #tpu.memory_space<vmem>>
          %dma_start3A_244 = tpu.memref_slice %arg10[%add3A_239] : memref<5120xi32, #tpu.memory_space<vmem>> -> memref<64xi32, #tpu.memory_space<vmem>>
          %dma_start3A_245 = arith.constant 0 : i32
          %dma_start3A_246 = arith.constant 0 : i32
          %dma_start3A_247 = tpu.memref_slice %arg2[%dma_start3A_245, %dma_start3A_246] : memref<10000x128xf32, #tpu.memory_space<hbm>> -> memref<10000x128xf32, #tpu.memory_space<hbm>>
          %dma_start3A_248 = tpu.memref_slice %arg15[%dma_start3A_240] : memref<4x!tpu.dma_semaphore, #tpu.memory_space<semaphore_mem>> -> memref<1x!tpu.dma_semaphore, #tpu.memory_space<semaphore_mem>>
          %dma_start3A_249 = tpu.memref_squeeze %dma_start3A_248 : memref<1x!tpu.dma_semaphore, #tpu.memory_space<semaphore_mem>> -> memref<!tpu.dma_semaphore, #tpu.memory_space<semaphore_mem>>
          tpu.enqueue_indirect_dma source(%dma_start3A_247 : memref<10000x128xf32, #tpu.memory_space<hbm>>) target(%dma_start3A_243 : memref<64x128xf32, #tpu.memory_space<vmem>>) offsets(%dma_start3A_244 : memref<64xi32, #tpu.memory_space<vmem>>) semaphore(%dma_start3A_249 : memref<!tpu.dma_semaphore, #tpu.memory_space<semaphore_mem>>)
          %mul3A_250 = arith.constant 128 : i32
          %mul3A_251 = arith.muli %add3A_235, %mul3A_250 : i32
          %add3A_252 = arith.constant 64 : i32
          %add3A_253 = arith.addi %mul3A_251, %add3A_252 : i32
          %dma_start3A_254 = arith.constant 1 : i32
          %dma_start3A_255 = arith.constant 64 : i32
          %dma_start3A_256 = arith.constant 0 : i32
          %dma_start3A_257 = tpu.memref_slice %arg13[%dma_start3A_255, %dma_start3A_256] : memref<128x128xf32, #tpu.memory_space<vmem>> -> memref<64x128xf32, #tpu.memory_space<vmem>>
          %dma_start3A_258 = tpu.memref_slice %arg10[%add3A_253] : memref<5120xi32, #tpu.memory_space<vmem>> -> memref<64xi32, #tpu.memory_space<vmem>>
          %dma_start3A_259 = arith.constant 0 : i32
          %dma_start3A_260 = arith.constant 0 : i32
          %dma_start3A_261 = tpu.memref_slice %arg2[%dma_start3A_259, %dma_start3A_260] : memref<10000x128xf32, #tpu.memory_space<hbm>> -> memref<10000x128xf32, #tpu.memory_space<hbm>>
          %dma_start3A_262 = tpu.memref_slice %arg15[%dma_start3A_254] : memref<4x!tpu.dma_semaphore, #tpu.memory_space<semaphore_mem>> -> memref<1x!tpu.dma_semaphore, #tpu.memory_space<semaphore_mem>>
          %dma_start3A_263 = tpu.memref_squeeze %dma_start3A_262 : memref<1x!tpu.dma_semaphore, #tpu.memory_space<semaphore_mem>> -> memref<!tpu.dma_semaphore, #tpu.memory_space<semaphore_mem>>
          tpu.enqueue_indirect_dma source(%dma_start3A_261 : memref<10000x128xf32, #tpu.memory_space<hbm>>) target(%dma_start3A_257 : memref<64x128xf32, #tpu.memory_space<vmem>>) offsets(%dma_start3A_258 : memref<64xi32, #tpu.memory_space<vmem>>) semaphore(%dma_start3A_263 : memref<!tpu.dma_semaphore, #tpu.memory_space<semaphore_mem>>)
        } else {
        }
        %mul3A_194 = arith.constant 128 : i32
        %mul3A_195 = arith.muli %add3A_181, %mul3A_194 : i32
        %add3A_196 = arith.constant 0 : i32
        %add3A_197 = arith.addi %mul3A_195, %add3A_196 : i32
        %dma_wait3A_198 = arith.constant 2 : i32
        %dma_wait3A_199 = arith.constant 0 : i32
        %dma_wait3A_200 = arith.constant 0 : i32
        %dma_wait3A_201 = tpu.memref_slice %arg14[%dma_wait3A_199, %dma_wait3A_200] : memref<128x128xf32, #tpu.memory_space<vmem>> -> memref<64x128xf32, #tpu.memory_space<vmem>>
        %dma_wait3A_202 = tpu.memref_slice %arg10[%add3A_197] : memref<5120xi32, #tpu.memory_space<vmem>> -> memref<64xi32, #tpu.memory_space<vmem>>
        %dma_wait3A_203 = arith.constant 0 : i32
        %dma_wait3A_204 = arith.constant 0 : i32
        %dma_wait3A_205 = tpu.memref_slice %arg2[%dma_wait3A_203, %dma_wait3A_204] : memref<10000x128xf32, #tpu.memory_space<hbm>> -> memref<10000x128xf32, #tpu.memory_space<hbm>>
        %dma_wait3A_206 = tpu.memref_slice %arg15[%dma_wait3A_198] : memref<4x!tpu.dma_semaphore, #tpu.memory_space<semaphore_mem>> -> memref<1x!tpu.dma_semaphore, #tpu.memory_space<semaphore_mem>>
        %dma_wait3A_207 = tpu.memref_squeeze %dma_wait3A_206 : memref<1x!tpu.dma_semaphore, #tpu.memory_space<semaphore_mem>> -> memref<!tpu.dma_semaphore, #tpu.memory_space<semaphore_mem>>
        tpu.wait_indirect_dma semaphore(%dma_wait3A_207 : memref<!tpu.dma_semaphore, #tpu.memory_space<semaphore_mem>>) src(%dma_wait3A_205 : memref<10000x128xf32, #tpu.memory_space<hbm>>) dst(%dma_wait3A_201 : memref<64x128xf32, #tpu.memory_space<vmem>>)
        %mul3A_208 = arith.constant 128 : i32
        %mul3A_209 = arith.muli %add3A_181, %mul3A_208 : i32
        %add3A_210 = arith.constant 64 : i32
        %add3A_211 = arith.addi %mul3A_209, %add3A_210 : i32
        %dma_wait3A_212 = arith.constant 3 : i32
        %dma_wait3A_213 = arith.constant 64 : i32
        %dma_wait3A_214 = arith.constant 0 : i32
        %dma_wait3A_215 = tpu.memref_slice %arg14[%dma_wait3A_213, %dma_wait3A_214] : memref<128x128xf32, #tpu.memory_space<vmem>> -> memref<64x128xf32, #tpu.memory_space<vmem>>
        %dma_wait3A_216 = tpu.memref_slice %arg10[%add3A_211] : memref<5120xi32, #tpu.memory_space<vmem>> -> memref<64xi32, #tpu.memory_space<vmem>>
        %dma_wait3A_217 = arith.constant 0 : i32
        %dma_wait3A_218 = arith.constant 0 : i32
        %dma_wait3A_219 = tpu.memref_slice %arg2[%dma_wait3A_217, %dma_wait3A_218] : memref<10000x128xf32, #tpu.memory_space<hbm>> -> memref<10000x128xf32, #tpu.memory_space<hbm>>
        %dma_wait3A_220 = tpu.memref_slice %arg15[%dma_wait3A_212] : memref<4x!tpu.dma_semaphore, #tpu.memory_space<semaphore_mem>> -> memref<1x!tpu.dma_semaphore, #tpu.memory_space<semaphore_mem>>
        %dma_wait3A_221 = tpu.memref_squeeze %dma_wait3A_220 : memref<1x!tpu.dma_semaphore, #tpu.memory_space<semaphore_mem>> -> memref<!tpu.dma_semaphore, #tpu.memory_space<semaphore_mem>>
        tpu.wait_indirect_dma semaphore(%dma_wait3A_221 : memref<!tpu.dma_semaphore, #tpu.memory_space<semaphore_mem>>) src(%dma_wait3A_219 : memref<10000x128xf32, #tpu.memory_space<hbm>>) dst(%dma_wait3A_215 : memref<64x128xf32, #tpu.memory_space<vmem>>)
        %parallel_loop3A_222 = arith.constant 0 : i32
        %parallel_loop3A_223 = arith.constant 128 : i32
        %parallel_loop3A_224 = arith.constant 1 : i32
        scf.for %parallel_loop3A_234 = %parallel_loop3A_222 to %parallel_loop3A_223 step %parallel_loop3A_224  : i32 {
          %parallel_loop3A_235 = arith.constant 0 : i32
          %parallel_loop3A_236 = vector.broadcast %parallel_loop3A_235 : i32 to vector<16xi32>
          %parallel_loop3A_237 = arith.constant 128 : i32
          %parallel_loop3A_238 = arith.muli %add3A_181, %parallel_loop3A_237 : i32
          %parallel_loop3A_239 = vector.broadcast %parallel_loop3A_238 : i32 to vector<16xi32>
          %parallel_loop3A_240 = arith.addi %parallel_loop3A_236, %parallel_loop3A_239 : vector<16xi32>
          %parallel_loop3A_241 = vector.broadcast %parallel_loop3A_234 : i32 to vector<16xi32>
          %parallel_loop3A_242 = arith.addi %parallel_loop3A_240, %parallel_loop3A_241 : vector<16xi32>
          %parallel_loop3A_243 = tpu.vector_load_idx %arg12[%parallel_loop3A_242] : memref<5120xf32, #tpu.memory_space<vmem>>[vector<16xi32>], vector<16xf32>,
          %parallel_loop3A_244 = arith.index_cast %parallel_loop3A_234 : i32 to index
          %parallel_loop3A_245 = arith.constant 0 : index
          %parallel_loop3A_246 = tpu.vector_load %arg14[%parallel_loop3A_244, %parallel_loop3A_245] {strides = array<i32>} : memref<128x128xf32, #tpu.memory_space<vmem>>, vector<16xf32>,
          %parallel_loop3A_247 = arith.mulf %parallel_loop3A_246, %parallel_loop3A_243 : vector<16xf32>
          %parallel_loop3A_248 = arith.index_cast %parallel_loop3A_234 : i32 to index
          %parallel_loop3A_249 = arith.constant 0 : index
          %parallel_loop3A_250 = tpu.vector_load %arg14[%parallel_loop3A_248, %parallel_loop3A_249] {strides = array<i32>} : memref<128x128xf32, #tpu.memory_space<vmem>>, vector<16xf32>,
          tpu.vector_store %arg14[%parallel_loop3A_248, %parallel_loop3A_249], %parallel_loop3A_247 {strides = array<i32>} : memref<128x128xf32, #tpu.memory_space<vmem>>, vector<16xf32>,
          %parallel_loop3A_251 = arith.index_cast %parallel_loop3A_234 : i32 to index
          %parallel_loop3A_252 = arith.constant 16 : index
          %parallel_loop3A_253 = tpu.vector_load %arg14[%parallel_loop3A_251, %parallel_loop3A_252] {strides = array<i32>} : memref<128x128xf32, #tpu.memory_space<vmem>>, vector<16xf32>,
          %parallel_loop3A_254 = arith.mulf %parallel_loop3A_253, %parallel_loop3A_243 : vector<16xf32>
          %parallel_loop3A_255 = arith.index_cast %parallel_loop3A_234 : i32 to index
          %parallel_loop3A_256 = arith.constant 16 : index
          %parallel_loop3A_257 = tpu.vector_load %arg14[%parallel_loop3A_255, %parallel_loop3A_256] {strides = array<i32>} : memref<128x128xf32, #tpu.memory_space<vmem>>, vector<16xf32>,
          tpu.vector_store %arg14[%parallel_loop3A_255, %parallel_loop3A_256], %parallel_loop3A_254 {strides = array<i32>} : memref<128x128xf32, #tpu.memory_space<vmem>>, vector<16xf32>,
          %parallel_loop3A_258 = arith.index_cast %parallel_loop3A_234 : i32 to index
          %parallel_loop3A_259 = arith.constant 32 : index
          %parallel_loop3A_260 = tpu.vector_load %arg14[%parallel_loop3A_258, %parallel_loop3A_259] {strides = array<i32>} : memref<128x128xf32, #tpu.memory_space<vmem>>, vector<16xf32>,
          %parallel_loop3A_261 = arith.mulf %parallel_loop3A_260, %parallel_loop3A_243 : vector<16xf32>
          %parallel_loop3A_262 = arith.index_cast %parallel_loop3A_234 : i32 to index
          %parallel_loop3A_263 = arith.constant 32 : index
          %parallel_loop3A_264 = tpu.vector_load %arg14[%parallel_loop3A_262, %parallel_loop3A_263] {strides = array<i32>} : memref<128x128xf32, #tpu.memory_space<vmem>>, vector<16xf32>,
          tpu.vector_store %arg14[%parallel_loop3A_262, %parallel_loop3A_263], %parallel_loop3A_261 {strides = array<i32>} : memref<128x128xf32, #tpu.memory_space<vmem>>, vector<16xf32>,
          %parallel_loop3A_265 = arith.index_cast %parallel_loop3A_234 : i32 to index
          %parallel_loop3A_266 = arith.constant 48 : index
          %parallel_loop3A_267 = tpu.vector_load %arg14[%parallel_loop3A_265, %parallel_loop3A_266] {strides = array<i32>} : memref<128x128xf32, #tpu.memory_space<vmem>>, vector<16xf32>,
          %parallel_loop3A_268 = arith.mulf %parallel_loop3A_267, %parallel_loop3A_243 : vector<16xf32>
          %parallel_loop3A_269 = arith.index_cast %parallel_loop3A_234 : i32 to index
          %parallel_loop3A_270 = arith.constant 48 : index
          %parallel_loop3A_271 = tpu.vector_load %arg14[%parallel_loop3A_269, %parallel_loop3A_270] {strides = array<i32>} : memref<128x128xf32, #tpu.memory_space<vmem>>, vector<16xf32>,
          tpu.vector_store %arg14[%parallel_loop3A_269, %parallel_loop3A_270], %parallel_loop3A_268 {strides = array<i32>} : memref<128x128xf32, #tpu.memory_space<vmem>>, vector<16xf32>,
          %parallel_loop3A_272 = arith.index_cast %parallel_loop3A_234 : i32 to index
          %parallel_loop3A_273 = arith.constant 64 : index
          %parallel_loop3A_274 = tpu.vector_load %arg14[%parallel_loop3A_272, %parallel_loop3A_273] {strides = array<i32>} : memref<128x128xf32, #tpu.memory_space<vmem>>, vector<16xf32>,
          %parallel_loop3A_275 = arith.mulf %parallel_loop3A_274, %parallel_loop3A_243 : vector<16xf32>
          %parallel_loop3A_276 = arith.index_cast %parallel_loop3A_234 : i32 to index
          %parallel_loop3A_277 = arith.constant 64 : index
          %parallel_loop3A_278 = tpu.vector_load %arg14[%parallel_loop3A_276, %parallel_loop3A_277] {strides = array<i32>} : memref<128x128xf32, #tpu.memory_space<vmem>>, vector<16xf32>,
          tpu.vector_store %arg14[%parallel_loop3A_276, %parallel_loop3A_277], %parallel_loop3A_275 {strides = array<i32>} : memref<128x128xf32, #tpu.memory_space<vmem>>, vector<16xf32>,
          %parallel_loop3A_279 = arith.index_cast %parallel_loop3A_234 : i32 to index
          %parallel_loop3A_280 = arith.constant 80 : index
          %parallel_loop3A_281 = tpu.vector_load %arg14[%parallel_loop3A_279, %parallel_loop3A_280] {strides = array<i32>} : memref<128x128xf32, #tpu.memory_space<vmem>>, vector<16xf32>,
          %parallel_loop3A_282 = arith.mulf %parallel_loop3A_281, %parallel_loop3A_243 : vector<16xf32>
          %parallel_loop3A_283 = arith.index_cast %parallel_loop3A_234 : i32 to index
          %parallel_loop3A_284 = arith.constant 80 : index
          %parallel_loop3A_285 = tpu.vector_load %arg14[%parallel_loop3A_283, %parallel_loop3A_284] {strides = array<i32>} : memref<128x128xf32, #tpu.memory_space<vmem>>, vector<16xf32>,
          tpu.vector_store %arg14[%parallel_loop3A_283, %parallel_loop3A_284], %parallel_loop3A_282 {strides = array<i32>} : memref<128x128xf32, #tpu.memory_space<vmem>>, vector<16xf32>,
          %parallel_loop3A_286 = arith.index_cast %parallel_loop3A_234 : i32 to index
          %parallel_loop3A_287 = arith.constant 96 : index
          %parallel_loop3A_288 = tpu.vector_load %arg14[%parallel_loop3A_286, %parallel_loop3A_287] {strides = array<i32>} : memref<128x128xf32, #tpu.memory_space<vmem>>, vector<16xf32>,
          %parallel_loop3A_289 = arith.mulf %parallel_loop3A_288, %parallel_loop3A_243 : vector<16xf32>
          %parallel_loop3A_290 = arith.index_cast %parallel_loop3A_234 : i32 to index
          %parallel_loop3A_291 = arith.constant 96 : index
          %parallel_loop3A_292 = tpu.vector_load %arg14[%parallel_loop3A_290, %parallel_loop3A_291] {strides = array<i32>} : memref<128x128xf32, #tpu.memory_space<vmem>>, vector<16xf32>,
          tpu.vector_store %arg14[%parallel_loop3A_290, %parallel_loop3A_291], %parallel_loop3A_289 {strides = array<i32>} : memref<128x128xf32, #tpu.memory_space<vmem>>, vector<16xf32>,
          %parallel_loop3A_293 = arith.index_cast %parallel_loop3A_234 : i32 to index
          %parallel_loop3A_294 = arith.constant 112 : index
          %parallel_loop3A_295 = tpu.vector_load %arg14[%parallel_loop3A_293, %parallel_loop3A_294] {strides = array<i32>} : memref<128x128xf32, #tpu.memory_space<vmem>>, vector<16xf32>,
          %parallel_loop3A_296 = arith.mulf %parallel_loop3A_295, %parallel_loop3A_243 : vector<16xf32>
          %parallel_loop3A_297 = arith.index_cast %parallel_loop3A_234 : i32 to index
          %parallel_loop3A_298 = arith.constant 112 : index
          %parallel_loop3A_299 = tpu.vector_load %arg14[%parallel_loop3A_297, %parallel_loop3A_298] {strides = array<i32>} : memref<128x128xf32, #tpu.memory_space<vmem>>, vector<16xf32>,
          tpu.vector_store %arg14[%parallel_loop3A_297, %parallel_loop3A_298], %parallel_loop3A_296 {strides = array<i32>} : memref<128x128xf32, #tpu.memory_space<vmem>>, vector<16xf32>,
        } {sc.loop_unroll_factor = 4 : i64, sc.parallel_access}
        %dma_start3A_225 = arith.constant 1 : i32
        %dma_start3A_226 = arith.constant 0 : i32
        %dma_start3A_227 = tpu.memref_slice %arg11[%add3A_181, %dma_start3A_226] : memref<40x128xi32, #tpu.memory_space<vmem>> -> memref<1x128xi32, #tpu.memory_space<vmem>>
        %dma_start3A_228 = tpu.memref_squeeze %dma_start3A_227 : memref<1x128xi32, #tpu.memory_space<vmem>> -> memref<128xi32, #tpu.memory_space<vmem>>
        %dma_start3A_229 = arith.constant 0 : i32
        %dma_start3A_230 = arith.constant 0 : i32
        %dma_start3A_231 = tpu.memref_slice %arg9[%dma_start3A_229, %dma_start3A_230] : memref<10000x128xf32, #tpu.memory_space<vmem_shared>> -> memref<10000x128xf32, #tpu.memory_space<vmem_shared>>
        %dma_start3A_232 = tpu.memref_slice %arg16[%dma_start3A_225] : memref<2x!tpu.dma_semaphore, #tpu.memory_space<semaphore_mem>> -> memref<1x!tpu.dma_semaphore, #tpu.memory_space<semaphore_mem>>
        %dma_start3A_233 = tpu.memref_squeeze %dma_start3A_232 : memref<1x!tpu.dma_semaphore, #tpu.memory_space<semaphore_mem>> -> memref<!tpu.dma_semaphore, #tpu.memory_space<semaphore_mem>>
        tpu.enqueue_indirect_dma source(%arg14 : memref<128x128xf32, #tpu.memory_space<vmem>>) target(%dma_start3A_231 : memref<10000x128xf32, #tpu.memory_space<vmem_shared>>) offsets(%dma_start3A_228 : memref<128xi32, #tpu.memory_space<vmem>>) semaphore(%dma_start3A_233 : memref<!tpu.dma_semaphore, #tpu.memory_space<semaphore_mem>>) {add = true}
      }
      %scan3A_56 = arith.constant 20 : i32
      %dma_wait3A_57 = arith.constant 0 : i32
      %dma_wait3A_58 = arith.constant 1 : i32
      %dma_wait3A_59 = arith.constant 0 : i32
      %dma_wait3A_60 = tpu.memref_slice %arg11[%dma_wait3A_57, %dma_wait3A_59] : memref<40x128xi32, #tpu.memory_space<vmem>> -> memref<1x128xi32, #tpu.memory_space<vmem>>
      %dma_wait3A_61 = tpu.memref_squeeze %dma_wait3A_60 : memref<1x128xi32, #tpu.memory_space<vmem>> -> memref<128xi32, #tpu.memory_space<vmem>>
      %dma_wait3A_62 = arith.constant 0 : i32
      %dma_wait3A_63 = arith.constant 0 : i32
      %dma_wait3A_64 = tpu.memref_slice %arg9[%dma_wait3A_62, %dma_wait3A_63] : memref<10000x128xf32, #tpu.memory_space<vmem_shared>> -> memref<10000x128xf32, #tpu.memory_space<vmem_shared>>
      %dma_wait3A_65 = tpu.memref_slice %arg16[%dma_wait3A_58] : memref<2x!tpu.dma_semaphore, #tpu.memory_space<semaphore_mem>> -> memref<1x!tpu.dma_semaphore, #tpu.memory_space<semaphore_mem>>
      %dma_wait3A_66 = tpu.memref_squeeze %dma_wait3A_65 : memref<1x!tpu.dma_semaphore, #tpu.memory_space<semaphore_mem>> -> memref<!tpu.dma_semaphore, #tpu.memory_space<semaphore_mem>>
      tpu.wait_indirect_dma semaphore(%dma_wait3A_66 : memref<!tpu.dma_semaphore, #tpu.memory_space<semaphore_mem>>) src(%arg14 : memref<128x128xf32, #tpu.memory_space<vmem>>) dst(%dma_wait3A_64 : memref<10000x128xf32, #tpu.memory_space<vmem_shared>>)
      %mul3A_67 = arith.constant 2 : i32
      %mul3A_68 = arith.muli %arg1, %mul3A_67 : i32
      %mul3A_69 = arith.constant 5120 : i32
      %mul3A_70 = arith.muli %mul3A_68, %mul3A_69 : i32
      %add3A_71 = arith.constant 5120 : i32
      %add3A_72 = arith.addi %mul3A_70, %add3A_71 : i32
      %multiple_of3A_73 = tpu.assume_multiple %add3A_72, 128 : i32
      %mul3A_74 = arith.constant 2 : i32
      %mul3A_75 = arith.muli %arg1, %mul3A_74 : i32
      %mul3A_76 = arith.constant 40 : i32
      %mul3A_77 = arith.muli %mul3A_75, %mul3A_76 : i32
      %add3A_78 = arith.constant 40 : i32
      %add3A_79 = arith.addi %mul3A_77, %add3A_78 : i32
      %multiple_of3A_80 = tpu.assume_multiple %add3A_79, 8 : i32
      "tpu.region"() ({
        %run_scoped3A = tpu.sem_alloc : memref<!tpu.dma_semaphore, #tpu.memory_space<semaphore_mem>>
        %dma_start3A_124 = tpu.memref_slice %arg4[%multiple_of3A_73] : memref<163840xi32, #tpu.memory_space<hbm>> -> memref<5120xi32, #tpu.memory_space<hbm>>
        %dma_start3A_125 = tpu.memref_slice %arg4[%multiple_of3A_73] : memref<163840xi32, #tpu.memory_space<hbm>> -> memref<5120xi32, #tpu.memory_space<hbm>>
        tpu.enqueue_dma source(%dma_start3A_125 : memref<5120xi32, #tpu.memory_space<hbm>>) target(%arg10 : memref<5120xi32, #tpu.memory_space<vmem>>) target_semaphore(%run_scoped3A : memref<!tpu.dma_semaphore, #tpu.memory_space<semaphore_mem>>)
        %dma_wait3A_126 = tpu.memref_slice %arg4[%multiple_of3A_73] : memref<163840xi32, #tpu.memory_space<hbm>> -> memref<5120xi32, #tpu.memory_space<hbm>>
        %dma_wait3A_127 = tpu.memref_slice %arg4[%multiple_of3A_73] : memref<163840xi32, #tpu.memory_space<hbm>> -> memref<5120xi32, #tpu.memory_space<hbm>>
        tpu.wait_dma2 semaphore(%run_scoped3A : memref<!tpu.dma_semaphore, #tpu.memory_space<semaphore_mem>>) src(%dma_wait3A_127 : memref<5120xi32, #tpu.memory_space<hbm>>) dst(%arg10 : memref<5120xi32, #tpu.memory_space<vmem>>)
        tpu.yield
      }) : () -> ()
      "tpu.region"() ({
        %run_scoped3A = tpu.sem_alloc : memref<!tpu.dma_semaphore, #tpu.memory_space<semaphore_mem>>
        %dma_start3A_124 = arith.constant 0 : i32
        %dma_start3A_125 = tpu.memref_slice %arg5[%multiple_of3A_80, %dma_start3A_124] : memref<1280x128xi32, #tpu.memory_space<hbm>> -> memref<40x128xi32, #tpu.memory_space<hbm>>
        %dma_start3A_126 = arith.constant 0 : i32
        %dma_start3A_127 = tpu.memref_slice %arg5[%multiple_of3A_80, %dma_start3A_126] : memref<1280x128xi32, #tpu.memory_space<hbm>> -> memref<40x128xi32, #tpu.memory_space<hbm>>
        tpu.enqueue_dma source(%dma_start3A_127 : memref<40x128xi32, #tpu.memory_space<hbm>>) target(%arg11 : memref<40x128xi32, #tpu.memory_space<vmem>>) target_semaphore(%run_scoped3A : memref<!tpu.dma_semaphore, #tpu.memory_space<semaphore_mem>>)
        %dma_wait3A_128 = arith.constant 0 : i32
        %dma_wait3A_129 = tpu.memref_slice %arg5[%multiple_of3A_80, %dma_wait3A_128] : memref<1280x128xi32, #tpu.memory_space<hbm>> -> memref<40x128xi32, #tpu.memory_space<hbm>>
        %dma_wait3A_130 = arith.constant 0 : i32
        %dma_wait3A_131 = tpu.memref_slice %arg5[%multiple_of3A_80, %dma_wait3A_130] : memref<1280x128xi32, #tpu.memory_space<hbm>> -> memref<40x128xi32, #tpu.memory_space<hbm>>
        tpu.wait_dma2 semaphore(%run_scoped3A : memref<!tpu.dma_semaphore, #tpu.memory_space<semaphore_mem>>) src(%dma_wait3A_131 : memref<40x128xi32, #tpu.memory_space<hbm>>) dst(%arg11 : memref<40x128xi32, #tpu.memory_space<vmem>>)
        tpu.yield
      }) : () -> ()
      "tpu.region"() ({
        %run_scoped3A = tpu.sem_alloc : memref<!tpu.dma_semaphore, #tpu.memory_space<semaphore_mem>>
        %dma_start3A_124 = tpu.memref_slice %arg6[%multiple_of3A_73] : memref<163840xf32, #tpu.memory_space<hbm>> -> memref<5120xf32, #tpu.memory_space<hbm>>
        %dma_start3A_125 = tpu.memref_slice %arg6[%multiple_of3A_73] : memref<163840xf32, #tpu.memory_space<hbm>> -> memref<5120xf32, #tpu.memory_space<hbm>>
        tpu.enqueue_dma source(%dma_start3A_125 : memref<5120xf32, #tpu.memory_space<hbm>>) target(%arg12 : memref<5120xf32, #tpu.memory_space<vmem>>) target_semaphore(%run_scoped3A : memref<!tpu.dma_semaphore, #tpu.memory_space<semaphore_mem>>)
        %dma_wait3A_126 = tpu.memref_slice %arg6[%multiple_of3A_73] : memref<163840xf32, #tpu.memory_space<hbm>> -> memref<5120xf32, #tpu.memory_space<hbm>>
        %dma_wait3A_127 = tpu.memref_slice %arg6[%multiple_of3A_73] : memref<163840xf32, #tpu.memory_space<hbm>> -> memref<5120xf32, #tpu.memory_space<hbm>>
        tpu.wait_dma2 semaphore(%run_scoped3A : memref<!tpu.dma_semaphore, #tpu.memory_space<semaphore_mem>>) src(%dma_wait3A_127 : memref<5120xf32, #tpu.memory_space<hbm>>) dst(%arg12 : memref<5120xf32, #tpu.memory_space<vmem>>)
        tpu.yield
      }) : () -> ()
      %dma_start3A_81 = arith.constant 0 : i32
      %dma_start3A_82 = arith.constant 0 : i32
      %dma_start3A_83 = arith.constant 0 : i32
      %dma_start3A_84 = tpu.memref_slice %arg13[%dma_start3A_82, %dma_start3A_83] : memref<128x128xf32, #tpu.memory_space<vmem>> -> memref<64x128xf32, #tpu.memory_space<vmem>>
      %dma_start3A_85 = arith.constant 0 : i32
      %dma_start3A_86 = tpu.memref_slice %arg10[%dma_start3A_85] : memref<5120xi32, #tpu.memory_space<vmem>> -> memref<64xi32, #tpu.memory_space<vmem>>
      %dma_start3A_87 = arith.constant 0 : i32
      %dma_start3A_88 = arith.constant 0 : i32
      %dma_start3A_89 = tpu.memref_slice %arg2[%dma_start3A_87, %dma_start3A_88] : memref<10000x128xf32, #tpu.memory_space<hbm>> -> memref<10000x128xf32, #tpu.memory_space<hbm>>
      %dma_start3A_90 = tpu.memref_slice %arg15[%dma_start3A_81] : memref<4x!tpu.dma_semaphore, #tpu.memory_space<semaphore_mem>> -> memref<1x!tpu.dma_semaphore, #tpu.memory_space<semaphore_mem>>
      %dma_start3A_91 = tpu.memref_squeeze %dma_start3A_90 : memref<1x!tpu.dma_semaphore, #tpu.memory_space<semaphore_mem>> -> memref<!tpu.dma_semaphore, #tpu.memory_space<semaphore_mem>>
      tpu.enqueue_indirect_dma source(%dma_start3A_89 : memref<10000x128xf32, #tpu.memory_space<hbm>>) target(%dma_start3A_84 : memref<64x128xf32, #tpu.memory_space<vmem>>) offsets(%dma_start3A_86 : memref<64xi32, #tpu.memory_space<vmem>>) semaphore(%dma_start3A_91 : memref<!tpu.dma_semaphore, #tpu.memory_space<semaphore_mem>>)
      %dma_start3A_92 = arith.constant 1 : i32
      %dma_start3A_93 = arith.constant 64 : i32
      %dma_start3A_94 = arith.constant 0 : i32
      %dma_start3A_95 = tpu.memref_slice %arg13[%dma_start3A_93, %dma_start3A_94] : memref<128x128xf32, #tpu.memory_space<vmem>> -> memref<64x128xf32, #tpu.memory_space<vmem>>
      %dma_start3A_96 = arith.constant 64 : i32
      %dma_start3A_97 = tpu.memref_slice %arg10[%dma_start3A_96] : memref<5120xi32, #tpu.memory_space<vmem>> -> memref<64xi32, #tpu.memory_space<vmem>>
      %dma_start3A_98 = arith.constant 0 : i32
      %dma_start3A_99 = arith.constant 0 : i32
      %dma_start3A_100 = tpu.memref_slice %arg2[%dma_start3A_98, %dma_start3A_99] : memref<10000x128xf32, #tpu.memory_space<hbm>> -> memref<10000x128xf32, #tpu.memory_space<hbm>>
      %dma_start3A_101 = tpu.memref_slice %arg15[%dma_start3A_92] : memref<4x!tpu.dma_semaphore, #tpu.memory_space<semaphore_mem>> -> memref<1x!tpu.dma_semaphore, #tpu.memory_space<semaphore_mem>>
      %dma_start3A_102 = tpu.memref_squeeze %dma_start3A_101 : memref<1x!tpu.dma_semaphore, #tpu.memory_space<semaphore_mem>> -> memref<!tpu.dma_semaphore, #tpu.memory_space<semaphore_mem>>
      tpu.enqueue_indirect_dma source(%dma_start3A_100 : memref<10000x128xf32, #tpu.memory_space<hbm>>) target(%dma_start3A_95 : memref<64x128xf32, #tpu.memory_space<vmem>>) offsets(%dma_start3A_97 : memref<64xi32, #tpu.memory_space<vmem>>) semaphore(%dma_start3A_102 : memref<!tpu.dma_semaphore, #tpu.memory_space<semaphore_mem>>)
      %scan3A_103 = arith.constant 0 : i32
      %scan3A_104 = arith.constant 20 : i32
      %scan3A_105 = arith.addi %scan3A_103, %scan3A_104 : i32
      %scan3A_106 = arith.constant 1 : i32
      scf.for %scan3A_124 = %scan3A_103 to %scan3A_105 step %scan3A_106  : i32 {
        %mul3A_125 = arith.constant 2 : i32
        %mul3A_126 = arith.muli %scan3A_124, %mul3A_125 : i32
        %add3A_127 = arith.constant 0 : i32
        %add3A_128 = arith.addi %add3A_127, %mul3A_126 : i32
        %add3A_129 = arith.constant 0 : i32
        %add3A_130 = arith.addi %add3A_128, %add3A_129 : i32
        %ge3A = arith.constant 1 : i32
        %ge3A_131 = arith.cmpi sge, %add3A_130, %ge3A : i32
        %convert_element_type3A_132 = arith.extui %ge3A_131 : i1 to i32
        %cond3A_133 = arith.constant 0 : i32
        %cond3A_134 = arith.cmpi ne, %convert_element_type3A_132, %cond3A_133 : i32
        scf.if %cond3A_134 {
          %dma_wait3A_234 = arith.constant 0 : i32
          %dma_wait3A_235 = arith.constant 1 : i32
          %dma_wait3A_236 = arith.constant 0 : i32
          %dma_wait3A_237 = tpu.memref_slice %arg11[%dma_wait3A_234, %dma_wait3A_236] : memref<40x128xi32, #tpu.memory_space<vmem>> -> memref<1x128xi32, #tpu.memory_space<vmem>>
          %dma_wait3A_238 = tpu.memref_squeeze %dma_wait3A_237 : memref<1x128xi32, #tpu.memory_space<vmem>> -> memref<128xi32, #tpu.memory_space<vmem>>
          %dma_wait3A_239 = arith.constant 0 : i32
          %dma_wait3A_240 = arith.constant 0 : i32
          %dma_wait3A_241 = tpu.memref_slice %arg9[%dma_wait3A_239, %dma_wait3A_240] : memref<10000x128xf32, #tpu.memory_space<vmem_shared>> -> memref<10000x128xf32, #tpu.memory_space<vmem_shared>>
          %dma_wait3A_242 = tpu.memref_slice %arg16[%dma_wait3A_235] : memref<2x!tpu.dma_semaphore, #tpu.memory_space<semaphore_mem>> -> memref<1x!tpu.dma_semaphore, #tpu.memory_space<semaphore_mem>>
          %dma_wait3A_243 = tpu.memref_squeeze %dma_wait3A_242 : memref<1x!tpu.dma_semaphore, #tpu.memory_space<semaphore_mem>> -> memref<!tpu.dma_semaphore, #tpu.memory_space<semaphore_mem>>
          tpu.wait_indirect_dma semaphore(%dma_wait3A_243 : memref<!tpu.dma_semaphore, #tpu.memory_space<semaphore_mem>>) src(%arg14 : memref<128x128xf32, #tpu.memory_space<vmem>>) dst(%dma_wait3A_241 : memref<10000x128xf32, #tpu.memory_space<vmem_shared>>)
        } else {
        }
        %add3A_135 = arith.constant 1 : i32
        %add3A_136 = arith.addi %add3A_130, %add3A_135 : i32
        %lt3A = arith.constant 40 : i32
        %lt3A_137 = arith.cmpi slt, %add3A_136, %lt3A : i32
        %convert_element_type3A_138 = arith.extui %lt3A_137 : i1 to i32
        %cond3A_139 = arith.constant 0 : i32
        %cond3A_140 = arith.cmpi ne, %convert_element_type3A_138, %cond3A_139 : i32
        scf.if %cond3A_140 {
          %add3A_234 = arith.constant 1 : i32
          %add3A_235 = arith.addi %add3A_130, %add3A_234 : i32
          %mul3A_236 = arith.constant 128 : i32
          %mul3A_237 = arith.muli %add3A_235, %mul3A_236 : i32
          %add3A_238 = arith.constant 0 : i32
          %add3A_239 = arith.addi %mul3A_237, %add3A_238 : i32
          %dma_start3A_240 = arith.constant 2 : i32
          %dma_start3A_241 = arith.constant 0 : i32
          %dma_start3A_242 = arith.constant 0 : i32
          %dma_start3A_243 = tpu.memref_slice %arg14[%dma_start3A_241, %dma_start3A_242] : memref<128x128xf32, #tpu.memory_space<vmem>> -> memref<64x128xf32, #tpu.memory_space<vmem>>
          %dma_start3A_244 = tpu.memref_slice %arg10[%add3A_239] : memref<5120xi32, #tpu.memory_space<vmem>> -> memref<64xi32, #tpu.memory_space<vmem>>
          %dma_start3A_245 = arith.constant 0 : i32
          %dma_start3A_246 = arith.constant 0 : i32
          %dma_start3A_247 = tpu.memref_slice %arg2[%dma_start3A_245, %dma_start3A_246] : memref<10000x128xf32, #tpu.memory_space<hbm>> -> memref<10000x128xf32, #tpu.memory_space<hbm>>
          %dma_start3A_248 = tpu.memref_slice %arg15[%dma_start3A_240] : memref<4x!tpu.dma_semaphore, #tpu.memory_space<semaphore_mem>> -> memref<1x!tpu.dma_semaphore, #tpu.memory_space<semaphore_mem>>
          %dma_start3A_249 = tpu.memref_squeeze %dma_start3A_248 : memref<1x!tpu.dma_semaphore, #tpu.memory_space<semaphore_mem>> -> memref<!tpu.dma_semaphore, #tpu.memory_space<semaphore_mem>>
          tpu.enqueue_indirect_dma source(%dma_start3A_247 : memref<10000x128xf32, #tpu.memory_space<hbm>>) target(%dma_start3A_243 : memref<64x128xf32, #tpu.memory_space<vmem>>) offsets(%dma_start3A_244 : memref<64xi32, #tpu.memory_space<vmem>>) semaphore(%dma_start3A_249 : memref<!tpu.dma_semaphore, #tpu.memory_space<semaphore_mem>>)
          %mul3A_250 = arith.constant 128 : i32
          %mul3A_251 = arith.muli %add3A_235, %mul3A_250 : i32
          %add3A_252 = arith.constant 64 : i32
          %add3A_253 = arith.addi %mul3A_251, %add3A_252 : i32
          %dma_start3A_254 = arith.constant 3 : i32
          %dma_start3A_255 = arith.constant 64 : i32
          %dma_start3A_256 = arith.constant 0 : i32
          %dma_start3A_257 = tpu.memref_slice %arg14[%dma_start3A_255, %dma_start3A_256] : memref<128x128xf32, #tpu.memory_space<vmem>> -> memref<64x128xf32, #tpu.memory_space<vmem>>
          %dma_start3A_258 = tpu.memref_slice %arg10[%add3A_253] : memref<5120xi32, #tpu.memory_space<vmem>> -> memref<64xi32, #tpu.memory_space<vmem>>
          %dma_start3A_259 = arith.constant 0 : i32
          %dma_start3A_260 = arith.constant 0 : i32
          %dma_start3A_261 = tpu.memref_slice %arg2[%dma_start3A_259, %dma_start3A_260] : memref<10000x128xf32, #tpu.memory_space<hbm>> -> memref<10000x128xf32, #tpu.memory_space<hbm>>
          %dma_start3A_262 = tpu.memref_slice %arg15[%dma_start3A_254] : memref<4x!tpu.dma_semaphore, #tpu.memory_space<semaphore_mem>> -> memref<1x!tpu.dma_semaphore, #tpu.memory_space<semaphore_mem>>
          %dma_start3A_263 = tpu.memref_squeeze %dma_start3A_262 : memref<1x!tpu.dma_semaphore, #tpu.memory_space<semaphore_mem>> -> memref<!tpu.dma_semaphore, #tpu.memory_space<semaphore_mem>>
          tpu.enqueue_indirect_dma source(%dma_start3A_261 : memref<10000x128xf32, #tpu.memory_space<hbm>>) target(%dma_start3A_257 : memref<64x128xf32, #tpu.memory_space<vmem>>) offsets(%dma_start3A_258 : memref<64xi32, #tpu.memory_space<vmem>>) semaphore(%dma_start3A_263 : memref<!tpu.dma_semaphore, #tpu.memory_space<semaphore_mem>>)
        } else {
        }
        %mul3A_141 = arith.constant 128 : i32
        %mul3A_142 = arith.muli %add3A_130, %mul3A_141 : i32
        %add3A_143 = arith.constant 0 : i32
        %add3A_144 = arith.addi %mul3A_142, %add3A_143 : i32
        %dma_wait3A_145 = arith.constant 0 : i32
        %dma_wait3A_146 = arith.constant 0 : i32
        %dma_wait3A_147 = arith.constant 0 : i32
        %dma_wait3A_148 = tpu.memref_slice %arg13[%dma_wait3A_146, %dma_wait3A_147] : memref<128x128xf32, #tpu.memory_space<vmem>> -> memref<64x128xf32, #tpu.memory_space<vmem>>
        %dma_wait3A_149 = tpu.memref_slice %arg10[%add3A_144] : memref<5120xi32, #tpu.memory_space<vmem>> -> memref<64xi32, #tpu.memory_space<vmem>>
        %dma_wait3A_150 = arith.constant 0 : i32
        %dma_wait3A_151 = arith.constant 0 : i32
        %dma_wait3A_152 = tpu.memref_slice %arg2[%dma_wait3A_150, %dma_wait3A_151] : memref<10000x128xf32, #tpu.memory_space<hbm>> -> memref<10000x128xf32, #tpu.memory_space<hbm>>
        %dma_wait3A_153 = tpu.memref_slice %arg15[%dma_wait3A_145] : memref<4x!tpu.dma_semaphore, #tpu.memory_space<semaphore_mem>> -> memref<1x!tpu.dma_semaphore, #tpu.memory_space<semaphore_mem>>
        %dma_wait3A_154 = tpu.memref_squeeze %dma_wait3A_153 : memref<1x!tpu.dma_semaphore, #tpu.memory_space<semaphore_mem>> -> memref<!tpu.dma_semaphore, #tpu.memory_space<semaphore_mem>>
        tpu.wait_indirect_dma semaphore(%dma_wait3A_154 : memref<!tpu.dma_semaphore, #tpu.memory_space<semaphore_mem>>) src(%dma_wait3A_152 : memref<10000x128xf32, #tpu.memory_space<hbm>>) dst(%dma_wait3A_148 : memref<64x128xf32, #tpu.memory_space<vmem>>)
        %mul3A_155 = arith.constant 128 : i32
        %mul3A_156 = arith.muli %add3A_130, %mul3A_155 : i32
        %add3A_157 = arith.constant 64 : i32
        %add3A_158 = arith.addi %mul3A_156, %add3A_157 : i32
        %dma_wait3A_159 = arith.constant 1 : i32
        %dma_wait3A_160 = arith.constant 64 : i32
        %dma_wait3A_161 = arith.constant 0 : i32
        %dma_wait3A_162 = tpu.memref_slice %arg13[%dma_wait3A_160, %dma_wait3A_161] : memref<128x128xf32, #tpu.memory_space<vmem>> -> memref<64x128xf32, #tpu.memory_space<vmem>>
        %dma_wait3A_163 = tpu.memref_slice %arg10[%add3A_158] : memref<5120xi32, #tpu.memory_space<vmem>> -> memref<64xi32, #tpu.memory_space<vmem>>
        %dma_wait3A_164 = arith.constant 0 : i32
        %dma_wait3A_165 = arith.constant 0 : i32
        %dma_wait3A_166 = tpu.memref_slice %arg2[%dma_wait3A_164, %dma_wait3A_165] : memref<10000x128xf32, #tpu.memory_space<hbm>> -> memref<10000x128xf32, #tpu.memory_space<hbm>>
        %dma_wait3A_167 = tpu.memref_slice %arg15[%dma_wait3A_159] : memref<4x!tpu.dma_semaphore, #tpu.memory_space<semaphore_mem>> -> memref<1x!tpu.dma_semaphore, #tpu.memory_space<semaphore_mem>>
        %dma_wait3A_168 = tpu.memref_squeeze %dma_wait3A_167 : memref<1x!tpu.dma_semaphore, #tpu.memory_space<semaphore_mem>> -> memref<!tpu.dma_semaphore, #tpu.memory_space<semaphore_mem>>
        tpu.wait_indirect_dma semaphore(%dma_wait3A_168 : memref<!tpu.dma_semaphore, #tpu.memory_space<semaphore_mem>>) src(%dma_wait3A_166 : memref<10000x128xf32, #tpu.memory_space<hbm>>) dst(%dma_wait3A_162 : memref<64x128xf32, #tpu.memory_space<vmem>>)
        %parallel_loop3A = arith.constant 0 : i32
        %parallel_loop3A_169 = arith.constant 128 : i32
        %parallel_loop3A_170 = arith.constant 1 : i32
        scf.for %parallel_loop3A_234 = %parallel_loop3A to %parallel_loop3A_169 step %parallel_loop3A_170  : i32 {
          %parallel_loop3A_235 = arith.constant 0 : i32
          %parallel_loop3A_236 = vector.broadcast %parallel_loop3A_235 : i32 to vector<16xi32>
          %parallel_loop3A_237 = arith.constant 128 : i32
          %parallel_loop3A_238 = arith.muli %add3A_130, %parallel_loop3A_237 : i32
          %parallel_loop3A_239 = vector.broadcast %parallel_loop3A_238 : i32 to vector<16xi32>
          %parallel_loop3A_240 = arith.addi %parallel_loop3A_236, %parallel_loop3A_239 : vector<16xi32>
          %parallel_loop3A_241 = vector.broadcast %parallel_loop3A_234 : i32 to vector<16xi32>
          %parallel_loop3A_242 = arith.addi %parallel_loop3A_240, %parallel_loop3A_241 : vector<16xi32>
          %parallel_loop3A_243 = tpu.vector_load_idx %arg12[%parallel_loop3A_242] : memref<5120xf32, #tpu.memory_space<vmem>>[vector<16xi32>], vector<16xf32>,
          %parallel_loop3A_244 = arith.index_cast %parallel_loop3A_234 : i32 to index
          %parallel_loop3A_245 = arith.constant 0 : index
          %parallel_loop3A_246 = tpu.vector_load %arg13[%parallel_loop3A_244, %parallel_loop3A_245] {strides = array<i32>} : memref<128x128xf32, #tpu.memory_space<vmem>>, vector<16xf32>,
          %parallel_loop3A_247 = arith.mulf %parallel_loop3A_246, %parallel_loop3A_243 : vector<16xf32>
          %parallel_loop3A_248 = arith.index_cast %parallel_loop3A_234 : i32 to index
          %parallel_loop3A_249 = arith.constant 0 : index
          %parallel_loop3A_250 = tpu.vector_load %arg13[%parallel_loop3A_248, %parallel_loop3A_249] {strides = array<i32>} : memref<128x128xf32, #tpu.memory_space<vmem>>, vector<16xf32>,
          tpu.vector_store %arg13[%parallel_loop3A_248, %parallel_loop3A_249], %parallel_loop3A_247 {strides = array<i32>} : memref<128x128xf32, #tpu.memory_space<vmem>>, vector<16xf32>,
          %parallel_loop3A_251 = arith.index_cast %parallel_loop3A_234 : i32 to index
          %parallel_loop3A_252 = arith.constant 16 : index
          %parallel_loop3A_253 = tpu.vector_load %arg13[%parallel_loop3A_251, %parallel_loop3A_252] {strides = array<i32>} : memref<128x128xf32, #tpu.memory_space<vmem>>, vector<16xf32>,
          %parallel_loop3A_254 = arith.mulf %parallel_loop3A_253, %parallel_loop3A_243 : vector<16xf32>
          %parallel_loop3A_255 = arith.index_cast %parallel_loop3A_234 : i32 to index
          %parallel_loop3A_256 = arith.constant 16 : index
          %parallel_loop3A_257 = tpu.vector_load %arg13[%parallel_loop3A_255, %parallel_loop3A_256] {strides = array<i32>} : memref<128x128xf32, #tpu.memory_space<vmem>>, vector<16xf32>,
          tpu.vector_store %arg13[%parallel_loop3A_255, %parallel_loop3A_256], %parallel_loop3A_254 {strides = array<i32>} : memref<128x128xf32, #tpu.memory_space<vmem>>, vector<16xf32>,
          %parallel_loop3A_258 = arith.index_cast %parallel_loop3A_234 : i32 to index
          %parallel_loop3A_259 = arith.constant 32 : index
          %parallel_loop3A_260 = tpu.vector_load %arg13[%parallel_loop3A_258, %parallel_loop3A_259] {strides = array<i32>} : memref<128x128xf32, #tpu.memory_space<vmem>>, vector<16xf32>,
          %parallel_loop3A_261 = arith.mulf %parallel_loop3A_260, %parallel_loop3A_243 : vector<16xf32>
          %parallel_loop3A_262 = arith.index_cast %parallel_loop3A_234 : i32 to index
          %parallel_loop3A_263 = arith.constant 32 : index
          %parallel_loop3A_264 = tpu.vector_load %arg13[%parallel_loop3A_262, %parallel_loop3A_263] {strides = array<i32>} : memref<128x128xf32, #tpu.memory_space<vmem>>, vector<16xf32>,
          tpu.vector_store %arg13[%parallel_loop3A_262, %parallel_loop3A_263], %parallel_loop3A_261 {strides = array<i32>} : memref<128x128xf32, #tpu.memory_space<vmem>>, vector<16xf32>,
          %parallel_loop3A_265 = arith.index_cast %parallel_loop3A_234 : i32 to index
          %parallel_loop3A_266 = arith.constant 48 : index
          %parallel_loop3A_267 = tpu.vector_load %arg13[%parallel_loop3A_265, %parallel_loop3A_266] {strides = array<i32>} : memref<128x128xf32, #tpu.memory_space<vmem>>, vector<16xf32>,
          %parallel_loop3A_268 = arith.mulf %parallel_loop3A_267, %parallel_loop3A_243 : vector<16xf32>
          %parallel_loop3A_269 = arith.index_cast %parallel_loop3A_234 : i32 to index
          %parallel_loop3A_270 = arith.constant 48 : index
          %parallel_loop3A_271 = tpu.vector_load %arg13[%parallel_loop3A_269, %parallel_loop3A_270] {strides = array<i32>} : memref<128x128xf32, #tpu.memory_space<vmem>>, vector<16xf32>,
          tpu.vector_store %arg13[%parallel_loop3A_269, %parallel_loop3A_270], %parallel_loop3A_268 {strides = array<i32>} : memref<128x128xf32, #tpu.memory_space<vmem>>, vector<16xf32>,
          %parallel_loop3A_272 = arith.index_cast %parallel_loop3A_234 : i32 to index
          %parallel_loop3A_273 = arith.constant 64 : index
          %parallel_loop3A_274 = tpu.vector_load %arg13[%parallel_loop3A_272, %parallel_loop3A_273] {strides = array<i32>} : memref<128x128xf32, #tpu.memory_space<vmem>>, vector<16xf32>,
          %parallel_loop3A_275 = arith.mulf %parallel_loop3A_274, %parallel_loop3A_243 : vector<16xf32>
          %parallel_loop3A_276 = arith.index_cast %parallel_loop3A_234 : i32 to index
          %parallel_loop3A_277 = arith.constant 64 : index
          %parallel_loop3A_278 = tpu.vector_load %arg13[%parallel_loop3A_276, %parallel_loop3A_277] {strides = array<i32>} : memref<128x128xf32, #tpu.memory_space<vmem>>, vector<16xf32>,
          tpu.vector_store %arg13[%parallel_loop3A_276, %parallel_loop3A_277], %parallel_loop3A_275 {strides = array<i32>} : memref<128x128xf32, #tpu.memory_space<vmem>>, vector<16xf32>,
          %parallel_loop3A_279 = arith.index_cast %parallel_loop3A_234 : i32 to index
          %parallel_loop3A_280 = arith.constant 80 : index
          %parallel_loop3A_281 = tpu.vector_load %arg13[%parallel_loop3A_279, %parallel_loop3A_280] {strides = array<i32>} : memref<128x128xf32, #tpu.memory_space<vmem>>, vector<16xf32>,
          %parallel_loop3A_282 = arith.mulf %parallel_loop3A_281, %parallel_loop3A_243 : vector<16xf32>
          %parallel_loop3A_283 = arith.index_cast %parallel_loop3A_234 : i32 to index
          %parallel_loop3A_284 = arith.constant 80 : index
          %parallel_loop3A_285 = tpu.vector_load %arg13[%parallel_loop3A_283, %parallel_loop3A_284] {strides = array<i32>} : memref<128x128xf32, #tpu.memory_space<vmem>>, vector<16xf32>,
          tpu.vector_store %arg13[%parallel_loop3A_283, %parallel_loop3A_284], %parallel_loop3A_282 {strides = array<i32>} : memref<128x128xf32, #tpu.memory_space<vmem>>, vector<16xf32>,
          %parallel_loop3A_286 = arith.index_cast %parallel_loop3A_234 : i32 to index
          %parallel_loop3A_287 = arith.constant 96 : index
          %parallel_loop3A_288 = tpu.vector_load %arg13[%parallel_loop3A_286, %parallel_loop3A_287] {strides = array<i32>} : memref<128x128xf32, #tpu.memory_space<vmem>>, vector<16xf32>,
          %parallel_loop3A_289 = arith.mulf %parallel_loop3A_288, %parallel_loop3A_243 : vector<16xf32>
          %parallel_loop3A_290 = arith.index_cast %parallel_loop3A_234 : i32 to index
          %parallel_loop3A_291 = arith.constant 96 : index
          %parallel_loop3A_292 = tpu.vector_load %arg13[%parallel_loop3A_290, %parallel_loop3A_291] {strides = array<i32>} : memref<128x128xf32, #tpu.memory_space<vmem>>, vector<16xf32>,
          tpu.vector_store %arg13[%parallel_loop3A_290, %parallel_loop3A_291], %parallel_loop3A_289 {strides = array<i32>} : memref<128x128xf32, #tpu.memory_space<vmem>>, vector<16xf32>,
          %parallel_loop3A_293 = arith.index_cast %parallel_loop3A_234 : i32 to index
          %parallel_loop3A_294 = arith.constant 112 : index
          %parallel_loop3A_295 = tpu.vector_load %arg13[%parallel_loop3A_293, %parallel_loop3A_294] {strides = array<i32>} : memref<128x128xf32, #tpu.memory_space<vmem>>, vector<16xf32>,
          %parallel_loop3A_296 = arith.mulf %parallel_loop3A_295, %parallel_loop3A_243 : vector<16xf32>
          %parallel_loop3A_297 = arith.index_cast %parallel_loop3A_234 : i32 to index
          %parallel_loop3A_298 = arith.constant 112 : index
          %parallel_loop3A_299 = tpu.vector_load %arg13[%parallel_loop3A_297, %parallel_loop3A_298] {strides = array<i32>} : memref<128x128xf32, #tpu.memory_space<vmem>>, vector<16xf32>,
          tpu.vector_store %arg13[%parallel_loop3A_297, %parallel_loop3A_298], %parallel_loop3A_296 {strides = array<i32>} : memref<128x128xf32, #tpu.memory_space<vmem>>, vector<16xf32>,
        } {sc.loop_unroll_factor = 4 : i64, sc.parallel_access}
        %dma_start3A_171 = arith.constant 0 : i32
        %dma_start3A_172 = arith.constant 0 : i32
        %dma_start3A_173 = tpu.memref_slice %arg11[%add3A_130, %dma_start3A_172] : memref<40x128xi32, #tpu.memory_space<vmem>> -> memref<1x128xi32, #tpu.memory_space<vmem>>
        %dma_start3A_174 = tpu.memref_squeeze %dma_start3A_173 : memref<1x128xi32, #tpu.memory_space<vmem>> -> memref<128xi32, #tpu.memory_space<vmem>>
        %dma_start3A_175 = arith.constant 0 : i32
        %dma_start3A_176 = arith.constant 0 : i32
        %dma_start3A_177 = tpu.memref_slice %arg9[%dma_start3A_175, %dma_start3A_176] : memref<10000x128xf32, #tpu.memory_space<vmem_shared>> -> memref<10000x128xf32, #tpu.memory_space<vmem_shared>>
        %dma_start3A_178 = tpu.memref_slice %arg16[%dma_start3A_171] : memref<2x!tpu.dma_semaphore, #tpu.memory_space<semaphore_mem>> -> memref<1x!tpu.dma_semaphore, #tpu.memory_space<semaphore_mem>>
        %dma_start3A_179 = tpu.memref_squeeze %dma_start3A_178 : memref<1x!tpu.dma_semaphore, #tpu.memory_space<semaphore_mem>> -> memref<!tpu.dma_semaphore, #tpu.memory_space<semaphore_mem>>
        tpu.enqueue_indirect_dma source(%arg13 : memref<128x128xf32, #tpu.memory_space<vmem>>) target(%dma_start3A_177 : memref<10000x128xf32, #tpu.memory_space<vmem_shared>>) offsets(%dma_start3A_174 : memref<128xi32, #tpu.memory_space<vmem>>) semaphore(%dma_start3A_179 : memref<!tpu.dma_semaphore, #tpu.memory_space<semaphore_mem>>) {add = true}
        %add3A_180 = arith.constant 1 : i32
        %add3A_181 = arith.addi %add3A_128, %add3A_180 : i32
        %ge3A_182 = arith.constant 1 : i32
        %ge3A_183 = arith.cmpi sge, %add3A_181, %ge3A_182 : i32
        %convert_element_type3A_184 = arith.extui %ge3A_183 : i1 to i32
        %cond3A_185 = arith.constant 0 : i32
        %cond3A_186 = arith.cmpi ne, %convert_element_type3A_184, %cond3A_185 : i32
        scf.if %cond3A_186 {
          %dma_wait3A_234 = arith.constant 0 : i32
          %dma_wait3A_235 = arith.constant 0 : i32
          %dma_wait3A_236 = arith.constant 0 : i32
          %dma_wait3A_237 = tpu.memref_slice %arg11[%dma_wait3A_234, %dma_wait3A_236] : memref<40x128xi32, #tpu.memory_space<vmem>> -> memref<1x128xi32, #tpu.memory_space<vmem>>
          %dma_wait3A_238 = tpu.memref_squeeze %dma_wait3A_237 : memref<1x128xi32, #tpu.memory_space<vmem>> -> memref<128xi32, #tpu.memory_space<vmem>>
          %dma_wait3A_239 = arith.constant 0 : i32
          %dma_wait3A_240 = arith.constant 0 : i32
          %dma_wait3A_241 = tpu.memref_slice %arg9[%dma_wait3A_239, %dma_wait3A_240] : memref<10000x128xf32, #tpu.memory_space<vmem_shared>> -> memref<10000x128xf32, #tpu.memory_space<vmem_shared>>
          %dma_wait3A_242 = tpu.memref_slice %arg16[%dma_wait3A_235] : memref<2x!tpu.dma_semaphore, #tpu.memory_space<semaphore_mem>> -> memref<1x!tpu.dma_semaphore, #tpu.memory_space<semaphore_mem>>
          %dma_wait3A_243 = tpu.memref_squeeze %dma_wait3A_242 : memref<1x!tpu.dma_semaphore, #tpu.memory_space<semaphore_mem>> -> memref<!tpu.dma_semaphore, #tpu.memory_space<semaphore_mem>>
          tpu.wait_indirect_dma semaphore(%dma_wait3A_243 : memref<!tpu.dma_semaphore, #tpu.memory_space<semaphore_mem>>) src(%arg13 : memref<128x128xf32, #tpu.memory_space<vmem>>) dst(%dma_wait3A_241 : memref<10000x128xf32, #tpu.memory_space<vmem_shared>>)
        } else {
        }
        %add3A_187 = arith.constant 1 : i32
        %add3A_188 = arith.addi %add3A_181, %add3A_187 : i32
        %lt3A_189 = arith.constant 40 : i32
        %lt3A_190 = arith.cmpi slt, %add3A_188, %lt3A_189 : i32
        %convert_element_type3A_191 = arith.extui %lt3A_190 : i1 to i32
        %cond3A_192 = arith.constant 0 : i32
        %cond3A_193 = arith.cmpi ne, %convert_element_type3A_191, %cond3A_192 : i32
        scf.if %cond3A_193 {
          %add3A_234 = arith.constant 1 : i32
          %add3A_235 = arith.addi %add3A_181, %add3A_234 : i32
          %mul3A_236 = arith.constant 128 : i32
          %mul3A_237 = arith.muli %add3A_235, %mul3A_236 : i32
          %add3A_238 = arith.constant 0 : i32
          %add3A_239 = arith.addi %mul3A_237, %add3A_238 : i32
          %dma_start3A_240 = arith.constant 0 : i32
          %dma_start3A_241 = arith.constant 0 : i32
          %dma_start3A_242 = arith.constant 0 : i32
          %dma_start3A_243 = tpu.memref_slice %arg13[%dma_start3A_241, %dma_start3A_242] : memref<128x128xf32, #tpu.memory_space<vmem>> -> memref<64x128xf32, #tpu.memory_space<vmem>>
          %dma_start3A_244 = tpu.memref_slice %arg10[%add3A_239] : memref<5120xi32, #tpu.memory_space<vmem>> -> memref<64xi32, #tpu.memory_space<vmem>>
          %dma_start3A_245 = arith.constant 0 : i32
          %dma_start3A_246 = arith.constant 0 : i32
          %dma_start3A_247 = tpu.memref_slice %arg2[%dma_start3A_245, %dma_start3A_246] : memref<10000x128xf32, #tpu.memory_space<hbm>> -> memref<10000x128xf32, #tpu.memory_space<hbm>>
          %dma_start3A_248 = tpu.memref_slice %arg15[%dma_start3A_240] : memref<4x!tpu.dma_semaphore, #tpu.memory_space<semaphore_mem>> -> memref<1x!tpu.dma_semaphore, #tpu.memory_space<semaphore_mem>>
          %dma_start3A_249 = tpu.memref_squeeze %dma_start3A_248 : memref<1x!tpu.dma_semaphore, #tpu.memory_space<semaphore_mem>> -> memref<!tpu.dma_semaphore, #tpu.memory_space<semaphore_mem>>
          tpu.enqueue_indirect_dma source(%dma_start3A_247 : memref<10000x128xf32, #tpu.memory_space<hbm>>) target(%dma_start3A_243 : memref<64x128xf32, #tpu.memory_space<vmem>>) offsets(%dma_start3A_244 : memref<64xi32, #tpu.memory_space<vmem>>) semaphore(%dma_start3A_249 : memref<!tpu.dma_semaphore, #tpu.memory_space<semaphore_mem>>)
          %mul3A_250 = arith.constant 128 : i32
          %mul3A_251 = arith.muli %add3A_235, %mul3A_250 : i32
          %add3A_252 = arith.constant 64 : i32
          %add3A_253 = arith.addi %mul3A_251, %add3A_252 : i32
          %dma_start3A_254 = arith.constant 1 : i32
          %dma_start3A_255 = arith.constant 64 : i32
          %dma_start3A_256 = arith.constant 0 : i32
          %dma_start3A_257 = tpu.memref_slice %arg13[%dma_start3A_255, %dma_start3A_256] : memref<128x128xf32, #tpu.memory_space<vmem>> -> memref<64x128xf32, #tpu.memory_space<vmem>>
          %dma_start3A_258 = tpu.memref_slice %arg10[%add3A_253] : memref<5120xi32, #tpu.memory_space<vmem>> -> memref<64xi32, #tpu.memory_space<vmem>>
          %dma_start3A_259 = arith.constant 0 : i32
          %dma_start3A_260 = arith.constant 0 : i32
          %dma_start3A_261 = tpu.memref_slice %arg2[%dma_start3A_259, %dma_start3A_260] : memref<10000x128xf32, #tpu.memory_space<hbm>> -> memref<10000x128xf32, #tpu.memory_space<hbm>>
          %dma_start3A_262 = tpu.memref_slice %arg15[%dma_start3A_254] : memref<4x!tpu.dma_semaphore, #tpu.memory_space<semaphore_mem>> -> memref<1x!tpu.dma_semaphore, #tpu.memory_space<semaphore_mem>>
          %dma_start3A_263 = tpu.memref_squeeze %dma_start3A_262 : memref<1x!tpu.dma_semaphore, #tpu.memory_space<semaphore_mem>> -> memref<!tpu.dma_semaphore, #tpu.memory_space<semaphore_mem>>
          tpu.enqueue_indirect_dma source(%dma_start3A_261 : memref<10000x128xf32, #tpu.memory_space<hbm>>) target(%dma_start3A_257 : memref<64x128xf32, #tpu.memory_space<vmem>>) offsets(%dma_start3A_258 : memref<64xi32, #tpu.memory_space<vmem>>) semaphore(%dma_start3A_263 : memref<!tpu.dma_semaphore, #tpu.memory_space<semaphore_mem>>)
        } else {
        }
        %mul3A_194 = arith.constant 128 : i32
        %mul3A_195 = arith.muli %add3A_181, %mul3A_194 : i32
        %add3A_196 = arith.constant 0 : i32
        %add3A_197 = arith.addi %mul3A_195, %add3A_196 : i32
        %dma_wait3A_198 = arith.constant 2 : i32
        %dma_wait3A_199 = arith.constant 0 : i32
        %dma_wait3A_200 = arith.constant 0 : i32
        %dma_wait3A_201 = tpu.memref_slice %arg14[%dma_wait3A_199, %dma_wait3A_200] : memref<128x128xf32, #tpu.memory_space<vmem>> -> memref<64x128xf32, #tpu.memory_space<vmem>>
        %dma_wait3A_202 = tpu.memref_slice %arg10[%add3A_197] : memref<5120xi32, #tpu.memory_space<vmem>> -> memref<64xi32, #tpu.memory_space<vmem>>
        %dma_wait3A_203 = arith.constant 0 : i32
        %dma_wait3A_204 = arith.constant 0 : i32
        %dma_wait3A_205 = tpu.memref_slice %arg2[%dma_wait3A_203, %dma_wait3A_204] : memref<10000x128xf32, #tpu.memory_space<hbm>> -> memref<10000x128xf32, #tpu.memory_space<hbm>>
        %dma_wait3A_206 = tpu.memref_slice %arg15[%dma_wait3A_198] : memref<4x!tpu.dma_semaphore, #tpu.memory_space<semaphore_mem>> -> memref<1x!tpu.dma_semaphore, #tpu.memory_space<semaphore_mem>>
        %dma_wait3A_207 = tpu.memref_squeeze %dma_wait3A_206 : memref<1x!tpu.dma_semaphore, #tpu.memory_space<semaphore_mem>> -> memref<!tpu.dma_semaphore, #tpu.memory_space<semaphore_mem>>
        tpu.wait_indirect_dma semaphore(%dma_wait3A_207 : memref<!tpu.dma_semaphore, #tpu.memory_space<semaphore_mem>>) src(%dma_wait3A_205 : memref<10000x128xf32, #tpu.memory_space<hbm>>) dst(%dma_wait3A_201 : memref<64x128xf32, #tpu.memory_space<vmem>>)
        %mul3A_208 = arith.constant 128 : i32
        %mul3A_209 = arith.muli %add3A_181, %mul3A_208 : i32
        %add3A_210 = arith.constant 64 : i32
        %add3A_211 = arith.addi %mul3A_209, %add3A_210 : i32
        %dma_wait3A_212 = arith.constant 3 : i32
        %dma_wait3A_213 = arith.constant 64 : i32
        %dma_wait3A_214 = arith.constant 0 : i32
        %dma_wait3A_215 = tpu.memref_slice %arg14[%dma_wait3A_213, %dma_wait3A_214] : memref<128x128xf32, #tpu.memory_space<vmem>> -> memref<64x128xf32, #tpu.memory_space<vmem>>
        %dma_wait3A_216 = tpu.memref_slice %arg10[%add3A_211] : memref<5120xi32, #tpu.memory_space<vmem>> -> memref<64xi32, #tpu.memory_space<vmem>>
        %dma_wait3A_217 = arith.constant 0 : i32
        %dma_wait3A_218 = arith.constant 0 : i32
        %dma_wait3A_219 = tpu.memref_slice %arg2[%dma_wait3A_217, %dma_wait3A_218] : memref<10000x128xf32, #tpu.memory_space<hbm>> -> memref<10000x128xf32, #tpu.memory_space<hbm>>
        %dma_wait3A_220 = tpu.memref_slice %arg15[%dma_wait3A_212] : memref<4x!tpu.dma_semaphore, #tpu.memory_space<semaphore_mem>> -> memref<1x!tpu.dma_semaphore, #tpu.memory_space<semaphore_mem>>
        %dma_wait3A_221 = tpu.memref_squeeze %dma_wait3A_220 : memref<1x!tpu.dma_semaphore, #tpu.memory_space<semaphore_mem>> -> memref<!tpu.dma_semaphore, #tpu.memory_space<semaphore_mem>>
        tpu.wait_indirect_dma semaphore(%dma_wait3A_221 : memref<!tpu.dma_semaphore, #tpu.memory_space<semaphore_mem>>) src(%dma_wait3A_219 : memref<10000x128xf32, #tpu.memory_space<hbm>>) dst(%dma_wait3A_215 : memref<64x128xf32, #tpu.memory_space<vmem>>)
        %parallel_loop3A_222 = arith.constant 0 : i32
        %parallel_loop3A_223 = arith.constant 128 : i32
        %parallel_loop3A_224 = arith.constant 1 : i32
        scf.for %parallel_loop3A_234 = %parallel_loop3A_222 to %parallel_loop3A_223 step %parallel_loop3A_224  : i32 {
          %parallel_loop3A_235 = arith.constant 0 : i32
          %parallel_loop3A_236 = vector.broadcast %parallel_loop3A_235 : i32 to vector<16xi32>
          %parallel_loop3A_237 = arith.constant 128 : i32
          %parallel_loop3A_238 = arith.muli %add3A_181, %parallel_loop3A_237 : i32
          %parallel_loop3A_239 = vector.broadcast %parallel_loop3A_238 : i32 to vector<16xi32>
          %parallel_loop3A_240 = arith.addi %parallel_loop3A_236, %parallel_loop3A_239 : vector<16xi32>
          %parallel_loop3A_241 = vector.broadcast %parallel_loop3A_234 : i32 to vector<16xi32>
          %parallel_loop3A_242 = arith.addi %parallel_loop3A_240, %parallel_loop3A_241 : vector<16xi32>
          %parallel_loop3A_243 = tpu.vector_load_idx %arg12[%parallel_loop3A_242] : memref<5120xf32, #tpu.memory_space<vmem>>[vector<16xi32>], vector<16xf32>,
          %parallel_loop3A_244 = arith.index_cast %parallel_loop3A_234 : i32 to index
          %parallel_loop3A_245 = arith.constant 0 : index
          %parallel_loop3A_246 = tpu.vector_load %arg14[%parallel_loop3A_244, %parallel_loop3A_245] {strides = array<i32>} : memref<128x128xf32, #tpu.memory_space<vmem>>, vector<16xf32>,
          %parallel_loop3A_247 = arith.mulf %parallel_loop3A_246, %parallel_loop3A_243 : vector<16xf32>
          %parallel_loop3A_248 = arith.index_cast %parallel_loop3A_234 : i32 to index
          %parallel_loop3A_249 = arith.constant 0 : index
          %parallel_loop3A_250 = tpu.vector_load %arg14[%parallel_loop3A_248, %parallel_loop3A_249] {strides = array<i32>} : memref<128x128xf32, #tpu.memory_space<vmem>>, vector<16xf32>,
          tpu.vector_store %arg14[%parallel_loop3A_248, %parallel_loop3A_249], %parallel_loop3A_247 {strides = array<i32>} : memref<128x128xf32, #tpu.memory_space<vmem>>, vector<16xf32>,
          %parallel_loop3A_251 = arith.index_cast %parallel_loop3A_234 : i32 to index
          %parallel_loop3A_252 = arith.constant 16 : index
          %parallel_loop3A_253 = tpu.vector_load %arg14[%parallel_loop3A_251, %parallel_loop3A_252] {strides = array<i32>} : memref<128x128xf32, #tpu.memory_space<vmem>>, vector<16xf32>,
          %parallel_loop3A_254 = arith.mulf %parallel_loop3A_253, %parallel_loop3A_243 : vector<16xf32>
          %parallel_loop3A_255 = arith.index_cast %parallel_loop3A_234 : i32 to index
          %parallel_loop3A_256 = arith.constant 16 : index
          %parallel_loop3A_257 = tpu.vector_load %arg14[%parallel_loop3A_255, %parallel_loop3A_256] {strides = array<i32>} : memref<128x128xf32, #tpu.memory_space<vmem>>, vector<16xf32>,
          tpu.vector_store %arg14[%parallel_loop3A_255, %parallel_loop3A_256], %parallel_loop3A_254 {strides = array<i32>} : memref<128x128xf32, #tpu.memory_space<vmem>>, vector<16xf32>,
          %parallel_loop3A_258 = arith.index_cast %parallel_loop3A_234 : i32 to index
          %parallel_loop3A_259 = arith.constant 32 : index
          %parallel_loop3A_260 = tpu.vector_load %arg14[%parallel_loop3A_258, %parallel_loop3A_259] {strides = array<i32>} : memref<128x128xf32, #tpu.memory_space<vmem>>, vector<16xf32>,
          %parallel_loop3A_261 = arith.mulf %parallel_loop3A_260, %parallel_loop3A_243 : vector<16xf32>
          %parallel_loop3A_262 = arith.index_cast %parallel_loop3A_234 : i32 to index
          %parallel_loop3A_263 = arith.constant 32 : index
          %parallel_loop3A_264 = tpu.vector_load %arg14[%parallel_loop3A_262, %parallel_loop3A_263] {strides = array<i32>} : memref<128x128xf32, #tpu.memory_space<vmem>>, vector<16xf32>,
          tpu.vector_store %arg14[%parallel_loop3A_262, %parallel_loop3A_263], %parallel_loop3A_261 {strides = array<i32>} : memref<128x128xf32, #tpu.memory_space<vmem>>, vector<16xf32>,
          %parallel_loop3A_265 = arith.index_cast %parallel_loop3A_234 : i32 to index
          %parallel_loop3A_266 = arith.constant 48 : index
          %parallel_loop3A_267 = tpu.vector_load %arg14[%parallel_loop3A_265, %parallel_loop3A_266] {strides = array<i32>} : memref<128x128xf32, #tpu.memory_space<vmem>>, vector<16xf32>,
          %parallel_loop3A_268 = arith.mulf %parallel_loop3A_267, %parallel_loop3A_243 : vector<16xf32>
          %parallel_loop3A_269 = arith.index_cast %parallel_loop3A_234 : i32 to index
          %parallel_loop3A_270 = arith.constant 48 : index
          %parallel_loop3A_271 = tpu.vector_load %arg14[%parallel_loop3A_269, %parallel_loop3A_270] {strides = array<i32>} : memref<128x128xf32, #tpu.memory_space<vmem>>, vector<16xf32>,
          tpu.vector_store %arg14[%parallel_loop3A_269, %parallel_loop3A_270], %parallel_loop3A_268 {strides = array<i32>} : memref<128x128xf32, #tpu.memory_space<vmem>>, vector<16xf32>,
          %parallel_loop3A_272 = arith.index_cast %parallel_loop3A_234 : i32 to index
          %parallel_loop3A_273 = arith.constant 64 : index
          %parallel_loop3A_274 = tpu.vector_load %arg14[%parallel_loop3A_272, %parallel_loop3A_273] {strides = array<i32>} : memref<128x128xf32, #tpu.memory_space<vmem>>, vector<16xf32>,
          %parallel_loop3A_275 = arith.mulf %parallel_loop3A_274, %parallel_loop3A_243 : vector<16xf32>
          %parallel_loop3A_276 = arith.index_cast %parallel_loop3A_234 : i32 to index
          %parallel_loop3A_277 = arith.constant 64 : index
          %parallel_loop3A_278 = tpu.vector_load %arg14[%parallel_loop3A_276, %parallel_loop3A_277] {strides = array<i32>} : memref<128x128xf32, #tpu.memory_space<vmem>>, vector<16xf32>,
          tpu.vector_store %arg14[%parallel_loop3A_276, %parallel_loop3A_277], %parallel_loop3A_275 {strides = array<i32>} : memref<128x128xf32, #tpu.memory_space<vmem>>, vector<16xf32>,
          %parallel_loop3A_279 = arith.index_cast %parallel_loop3A_234 : i32 to index
          %parallel_loop3A_280 = arith.constant 80 : index
          %parallel_loop3A_281 = tpu.vector_load %arg14[%parallel_loop3A_279, %parallel_loop3A_280] {strides = array<i32>} : memref<128x128xf32, #tpu.memory_space<vmem>>, vector<16xf32>,
          %parallel_loop3A_282 = arith.mulf %parallel_loop3A_281, %parallel_loop3A_243 : vector<16xf32>
          %parallel_loop3A_283 = arith.index_cast %parallel_loop3A_234 : i32 to index
          %parallel_loop3A_284 = arith.constant 80 : index
          %parallel_loop3A_285 = tpu.vector_load %arg14[%parallel_loop3A_283, %parallel_loop3A_284] {strides = array<i32>} : memref<128x128xf32, #tpu.memory_space<vmem>>, vector<16xf32>,
          tpu.vector_store %arg14[%parallel_loop3A_283, %parallel_loop3A_284], %parallel_loop3A_282 {strides = array<i32>} : memref<128x128xf32, #tpu.memory_space<vmem>>, vector<16xf32>,
          %parallel_loop3A_286 = arith.index_cast %parallel_loop3A_234 : i32 to index
          %parallel_loop3A_287 = arith.constant 96 : index
          %parallel_loop3A_288 = tpu.vector_load %arg14[%parallel_loop3A_286, %parallel_loop3A_287] {strides = array<i32>} : memref<128x128xf32, #tpu.memory_space<vmem>>, vector<16xf32>,
          %parallel_loop3A_289 = arith.mulf %parallel_loop3A_288, %parallel_loop3A_243 : vector<16xf32>
          %parallel_loop3A_290 = arith.index_cast %parallel_loop3A_234 : i32 to index
          %parallel_loop3A_291 = arith.constant 96 : index
          %parallel_loop3A_292 = tpu.vector_load %arg14[%parallel_loop3A_290, %parallel_loop3A_291] {strides = array<i32>} : memref<128x128xf32, #tpu.memory_space<vmem>>, vector<16xf32>,
          tpu.vector_store %arg14[%parallel_loop3A_290, %parallel_loop3A_291], %parallel_loop3A_289 {strides = array<i32>} : memref<128x128xf32, #tpu.memory_space<vmem>>, vector<16xf32>,
          %parallel_loop3A_293 = arith.index_cast %parallel_loop3A_234 : i32 to index
          %parallel_loop3A_294 = arith.constant 112 : index
          %parallel_loop3A_295 = tpu.vector_load %arg14[%parallel_loop3A_293, %parallel_loop3A_294] {strides = array<i32>} : memref<128x128xf32, #tpu.memory_space<vmem>>, vector<16xf32>,
          %parallel_loop3A_296 = arith.mulf %parallel_loop3A_295, %parallel_loop3A_243 : vector<16xf32>
          %parallel_loop3A_297 = arith.index_cast %parallel_loop3A_234 : i32 to index
          %parallel_loop3A_298 = arith.constant 112 : index
          %parallel_loop3A_299 = tpu.vector_load %arg14[%parallel_loop3A_297, %parallel_loop3A_298] {strides = array<i32>} : memref<128x128xf32, #tpu.memory_space<vmem>>, vector<16xf32>,
          tpu.vector_store %arg14[%parallel_loop3A_297, %parallel_loop3A_298], %parallel_loop3A_296 {strides = array<i32>} : memref<128x128xf32, #tpu.memory_space<vmem>>, vector<16xf32>,
        } {sc.loop_unroll_factor = 4 : i64, sc.parallel_access}
        %dma_start3A_225 = arith.constant 1 : i32
        %dma_start3A_226 = arith.constant 0 : i32
        %dma_start3A_227 = tpu.memref_slice %arg11[%add3A_181, %dma_start3A_226] : memref<40x128xi32, #tpu.memory_space<vmem>> -> memref<1x128xi32, #tpu.memory_space<vmem>>
        %dma_start3A_228 = tpu.memref_squeeze %dma_start3A_227 : memref<1x128xi32, #tpu.memory_space<vmem>> -> memref<128xi32, #tpu.memory_space<vmem>>
        %dma_start3A_229 = arith.constant 0 : i32
        %dma_start3A_230 = arith.constant 0 : i32
        %dma_start3A_231 = tpu.memref_slice %arg9[%dma_start3A_229, %dma_start3A_230] : memref<10000x128xf32, #tpu.memory_space<vmem_shared>> -> memref<10000x128xf32, #tpu.memory_space<vmem_shared>>
        %dma_start3A_232 = tpu.memref_slice %arg16[%dma_start3A_225] : memref<2x!tpu.dma_semaphore, #tpu.memory_space<semaphore_mem>> -> memref<1x!tpu.dma_semaphore, #tpu.memory_space<semaphore_mem>>
        %dma_start3A_233 = tpu.memref_squeeze %dma_start3A_232 : memref<1x!tpu.dma_semaphore, #tpu.memory_space<semaphore_mem>> -> memref<!tpu.dma_semaphore, #tpu.memory_space<semaphore_mem>>
        tpu.enqueue_indirect_dma source(%arg14 : memref<128x128xf32, #tpu.memory_space<vmem>>) target(%dma_start3A_231 : memref<10000x128xf32, #tpu.memory_space<vmem_shared>>) offsets(%dma_start3A_228 : memref<128xi32, #tpu.memory_space<vmem>>) semaphore(%dma_start3A_233 : memref<!tpu.dma_semaphore, #tpu.memory_space<semaphore_mem>>) {add = true}
      }
      %scan3A_107 = arith.constant 20 : i32
      %dma_wait3A_108 = arith.constant 0 : i32
      %dma_wait3A_109 = arith.constant 1 : i32
      %dma_wait3A_110 = arith.constant 0 : i32
      %dma_wait3A_111 = tpu.memref_slice %arg11[%dma_wait3A_108, %dma_wait3A_110] : memref<40x128xi32, #tpu.memory_space<vmem>> -> memref<1x128xi32, #tpu.memory_space<vmem>>
      %dma_wait3A_112 = tpu.memref_squeeze %dma_wait3A_111 : memref<1x128xi32, #tpu.memory_space<vmem>> -> memref<128xi32, #tpu.memory_space<vmem>>
      %dma_wait3A_113 = arith.constant 0 : i32
      %dma_wait3A_114 = arith.constant 0 : i32
      %dma_wait3A_115 = tpu.memref_slice %arg9[%dma_wait3A_113, %dma_wait3A_114] : memref<10000x128xf32, #tpu.memory_space<vmem_shared>> -> memref<10000x128xf32, #tpu.memory_space<vmem_shared>>
      %dma_wait3A_116 = tpu.memref_slice %arg16[%dma_wait3A_109] : memref<2x!tpu.dma_semaphore, #tpu.memory_space<semaphore_mem>> -> memref<1x!tpu.dma_semaphore, #tpu.memory_space<semaphore_mem>>
      %dma_wait3A_117 = tpu.memref_squeeze %dma_wait3A_116 : memref<1x!tpu.dma_semaphore, #tpu.memory_space<semaphore_mem>> -> memref<!tpu.dma_semaphore, #tpu.memory_space<semaphore_mem>>
      tpu.wait_indirect_dma semaphore(%dma_wait3A_117 : memref<!tpu.dma_semaphore, #tpu.memory_space<semaphore_mem>>) src(%arg14 : memref<128x128xf32, #tpu.memory_space<vmem>>) dst(%dma_wait3A_115 : memref<10000x128xf32, #tpu.memory_space<vmem_shared>>)
      %barrier3A_118 = arith.constant 0 : index
      tpu.barrier barrier_id(%barrier3A_118)
      "tpu.region"() ({
        %run_scoped3A = tpu.sem_alloc : memref<!tpu.dma_semaphore, #tpu.memory_space<semaphore_mem>>
        %dma_start3A_124 = arith.constant 0 : i32
        %dma_start3A_125 = tpu.memref_slice %arg7[%mul3A_7, %dma_start3A_124] : memref<10000x128xf32, #tpu.memory_space<hbm>> -> memref<624x128xf32, #tpu.memory_space<hbm>>
        %dma_start3A_126 = arith.constant 0 : i32
        %dma_start3A_127 = tpu.memref_slice %arg9[%mul3A_7, %dma_start3A_126] : memref<10000x128xf32, #tpu.memory_space<vmem_shared>> -> memref<624x128xf32, #tpu.memory_space<vmem_shared>>
        tpu.enqueue_dma source(%dma_start3A_127 : memref<624x128xf32, #tpu.memory_space<vmem_shared>>) target(%dma_start3A_125 : memref<624x128xf32, #tpu.memory_space<hbm>>) target_semaphore(%run_scoped3A : memref<!tpu.dma_semaphore, #tpu.memory_space<semaphore_mem>>)
        %dma_wait3A_128 = arith.constant 0 : i32
        %dma_wait3A_129 = tpu.memref_slice %arg7[%mul3A_7, %dma_wait3A_128] : memref<10000x128xf32, #tpu.memory_space<hbm>> -> memref<624x128xf32, #tpu.memory_space<hbm>>
        %dma_wait3A_130 = arith.constant 0 : i32
        %dma_wait3A_131 = tpu.memref_slice %arg9[%mul3A_7, %dma_wait3A_130] : memref<10000x128xf32, #tpu.memory_space<vmem_shared>> -> memref<624x128xf32, #tpu.memory_space<vmem_shared>>
        tpu.wait_dma2 semaphore(%run_scoped3A : memref<!tpu.dma_semaphore, #tpu.memory_space<semaphore_mem>>) src(%dma_wait3A_131 : memref<624x128xf32, #tpu.memory_space<vmem_shared>>) dst(%dma_wait3A_129 : memref<624x128xf32, #tpu.memory_space<hbm>>)
        tpu.yield
      }) : () -> ()
      %eq3A_119 = arith.constant 15 : i32
      %eq3A_120 = arith.cmpi eq, %arg1, %eq3A_119 : i32
      %convert_element_type3A_121 = arith.extui %eq3A_120 : i1 to i32
      %cond3A_122 = arith.constant 0 : i32
      %cond3A_123 = arith.cmpi ne, %convert_element_type3A_121, %cond3A_122 : i32
      scf.if %cond3A_123 {
        "tpu.region"() ({
          %run_scoped3A = tpu.sem_alloc : memref<!tpu.dma_semaphore, #tpu.memory_space<semaphore_mem>>
          %dma_start3A_124 = arith.constant 9984 : i32
          %dma_start3A_125 = arith.constant 0 : i32
          %dma_start3A_126 = tpu.memref_slice %arg7[%dma_start3A_124, %dma_start3A_125] : memref<10000x128xf32, #tpu.memory_space<hbm>> -> memref<16x128xf32, #tpu.memory_space<hbm>>
          %dma_start3A_127 = arith.constant 9984 : i32
          %dma_start3A_128 = arith.constant 0 : i32
          %dma_start3A_129 = tpu.memref_slice %arg9[%dma_start3A_127, %dma_start3A_128] : memref<10000x128xf32, #tpu.memory_space<vmem_shared>> -> memref<16x128xf32, #tpu.memory_space<vmem_shared>>
          tpu.enqueue_dma source(%dma_start3A_129 : memref<16x128xf32, #tpu.memory_space<vmem_shared>>) target(%dma_start3A_126 : memref<16x128xf32, #tpu.memory_space<hbm>>) target_semaphore(%run_scoped3A : memref<!tpu.dma_semaphore, #tpu.memory_space<semaphore_mem>>)
          %dma_wait3A_130 = arith.constant 9984 : i32
          %dma_wait3A_131 = arith.constant 0 : i32
          %dma_wait3A_132 = tpu.memref_slice %arg7[%dma_wait3A_130, %dma_wait3A_131] : memref<10000x128xf32, #tpu.memory_space<hbm>> -> memref<16x128xf32, #tpu.memory_space<hbm>>
          %dma_wait3A_133 = arith.constant 9984 : i32
          %dma_wait3A_134 = arith.constant 0 : i32
          %dma_wait3A_135 = tpu.memref_slice %arg9[%dma_wait3A_133, %dma_wait3A_134] : memref<10000x128xf32, #tpu.memory_space<vmem_shared>> -> memref<16x128xf32, #tpu.memory_space<vmem_shared>>
          tpu.wait_dma2 semaphore(%run_scoped3A : memref<!tpu.dma_semaphore, #tpu.memory_space<semaphore_mem>>) src(%dma_wait3A_135 : memref<16x128xf32, #tpu.memory_space<vmem_shared>>) dst(%dma_wait3A_132 : memref<16x128xf32, #tpu.memory_space<hbm>>)
          tpu.yield
        }) : () -> ()
      } else {
      }
    } else {
    }
    %eq3A_2 = arith.constant 1 : i32
    %eq3A_3 = arith.cmpi eq, %arg0, %eq3A_2 : i32
    %convert_element_type3A_4 = arith.extui %eq3A_3 : i1 to i32
    %cond3A_5 = arith.constant 0 : i32
    %cond3A_6 = arith.cmpi ne, %convert_element_type3A_4, %cond3A_5 : i32
    scf.if %cond3A_6 {
      %mul3A = arith.constant 624 : i32
      %mul3A_7 = arith.muli %arg1, %mul3A : i32
      %dma_start3A = arith.constant 0 : i32
      %dma_start3A_8 = tpu.memref_slice %arg9[%mul3A_7, %dma_start3A] : memref<10000x128xf32, #tpu.memory_space<vmem_shared>> -> memref<624x128xf32, #tpu.memory_space<vmem_shared>>
      %dma_start3A_9 = arith.constant 0 : i32
      %dma_start3A_10 = tpu.memref_slice %arg3[%mul3A_7, %dma_start3A_9] : memref<10000x128xf32, #tpu.memory_space<hbm>> -> memref<624x128xf32, #tpu.memory_space<hbm>>
      tpu.enqueue_dma source(%dma_start3A_10 : memref<624x128xf32, #tpu.memory_space<hbm>>) target(%dma_start3A_8 : memref<624x128xf32, #tpu.memory_space<vmem_shared>>) target_semaphore(%arg17 : memref<!tpu.dma_semaphore, #tpu.memory_space<semaphore_mem>>)
      %dma_wait3A = arith.constant 0 : i32
      %dma_wait3A_11 = tpu.memref_slice %arg9[%mul3A_7, %dma_wait3A] : memref<10000x128xf32, #tpu.memory_space<vmem_shared>> -> memref<624x128xf32, #tpu.memory_space<vmem_shared>>
      %dma_wait3A_12 = arith.constant 0 : i32
      %dma_wait3A_13 = tpu.memref_slice %arg3[%mul3A_7, %dma_wait3A_12] : memref<10000x128xf32, #tpu.memory_space<hbm>> -> memref<624x128xf32, #tpu.memory_space<hbm>>
      tpu.wait_dma2 semaphore(%arg17 : memref<!tpu.dma_semaphore, #tpu.memory_space<semaphore_mem>>) src(%dma_wait3A_13 : memref<624x128xf32, #tpu.memory_space<hbm>>) dst(%dma_wait3A_11 : memref<624x128xf32, #tpu.memory_space<vmem_shared>>)
      %eq3A_14 = arith.constant 15 : i32
      %eq3A_15 = arith.cmpi eq, %arg1, %eq3A_14 : i32
      %convert_element_type3A_16 = arith.extui %eq3A_15 : i1 to i32
      %cond3A_17 = arith.constant 0 : i32
      %cond3A_18 = arith.cmpi ne, %convert_element_type3A_16, %cond3A_17 : i32
      scf.if %cond3A_18 {
        "tpu.region"() ({
          %run_scoped3A = tpu.sem_alloc : memref<!tpu.dma_semaphore, #tpu.memory_space<semaphore_mem>>
          %dma_start3A_124 = arith.constant 9984 : i32
          %dma_start3A_125 = arith.constant 0 : i32
          %dma_start3A_126 = tpu.memref_slice %arg9[%dma_start3A_124, %dma_start3A_125] : memref<10000x128xf32, #tpu.memory_space<vmem_shared>> -> memref<16x128xf32, #tpu.memory_space<vmem_shared>>
          %dma_start3A_127 = arith.constant 9984 : i32
          %dma_start3A_128 = arith.constant 0 : i32
          %dma_start3A_129 = tpu.memref_slice %arg3[%dma_start3A_127, %dma_start3A_128] : memref<10000x128xf32, #tpu.memory_space<hbm>> -> memref<16x128xf32, #tpu.memory_space<hbm>>
          tpu.enqueue_dma source(%dma_start3A_129 : memref<16x128xf32, #tpu.memory_space<hbm>>) target(%dma_start3A_126 : memref<16x128xf32, #tpu.memory_space<vmem_shared>>) target_semaphore(%run_scoped3A : memref<!tpu.dma_semaphore, #tpu.memory_space<semaphore_mem>>)
          %dma_wait3A_130 = arith.constant 9984 : i32
          %dma_wait3A_131 = arith.constant 0 : i32
          %dma_wait3A_132 = tpu.memref_slice %arg9[%dma_wait3A_130, %dma_wait3A_131] : memref<10000x128xf32, #tpu.memory_space<vmem_shared>> -> memref<16x128xf32, #tpu.memory_space<vmem_shared>>
          %dma_wait3A_133 = arith.constant 9984 : i32
          %dma_wait3A_134 = arith.constant 0 : i32
          %dma_wait3A_135 = tpu.memref_slice %arg3[%dma_wait3A_133, %dma_wait3A_134] : memref<10000x128xf32, #tpu.memory_space<hbm>> -> memref<16x128xf32, #tpu.memory_space<hbm>>
          tpu.wait_dma2 semaphore(%run_scoped3A : memref<!tpu.dma_semaphore, #tpu.memory_space<semaphore_mem>>) src(%dma_wait3A_135 : memref<16x128xf32, #tpu.memory_space<hbm>>) dst(%dma_wait3A_132 : memref<16x128xf32, #tpu.memory_space<vmem_shared>>)
          tpu.yield
        }) : () -> ()
      } else {
      }
      %barrier3A = arith.constant 0 : index
      tpu.barrier barrier_id(%barrier3A)
      %mul3A_19 = arith.constant 2 : i32
      %mul3A_20 = arith.muli %arg1, %mul3A_19 : i32
      %mul3A_21 = arith.constant 5120 : i32
      %mul3A_22 = arith.muli %mul3A_20, %mul3A_21 : i32
      %add3A = arith.constant 0 : i32
      %add3A_23 = arith.addi %mul3A_22, %add3A : i32
      %multiple_of3A = tpu.assume_multiple %add3A_23, 128 : i32
      %mul3A_24 = arith.constant 2 : i32
      %mul3A_25 = arith.muli %arg1, %mul3A_24 : i32
      %mul3A_26 = arith.constant 40 : i32
      %mul3A_27 = arith.muli %mul3A_25, %mul3A_26 : i32
      %add3A_28 = arith.constant 0 : i32
      %add3A_29 = arith.addi %mul3A_27, %add3A_28 : i32
      %multiple_of3A_30 = tpu.assume_multiple %add3A_29, 8 : i32
      "tpu.region"() ({
        %run_scoped3A = tpu.sem_alloc : memref<!tpu.dma_semaphore, #tpu.memory_space<semaphore_mem>>
        %dma_start3A_124 = tpu.memref_slice %arg4[%multiple_of3A] : memref<163840xi32, #tpu.memory_space<hbm>> -> memref<5120xi32, #tpu.memory_space<hbm>>
        %dma_start3A_125 = tpu.memref_slice %arg4[%multiple_of3A] : memref<163840xi32, #tpu.memory_space<hbm>> -> memref<5120xi32, #tpu.memory_space<hbm>>
        tpu.enqueue_dma source(%dma_start3A_125 : memref<5120xi32, #tpu.memory_space<hbm>>) target(%arg10 : memref<5120xi32, #tpu.memory_space<vmem>>) target_semaphore(%run_scoped3A : memref<!tpu.dma_semaphore, #tpu.memory_space<semaphore_mem>>)
        %dma_wait3A_126 = tpu.memref_slice %arg4[%multiple_of3A] : memref<163840xi32, #tpu.memory_space<hbm>> -> memref<5120xi32, #tpu.memory_space<hbm>>
        %dma_wait3A_127 = tpu.memref_slice %arg4[%multiple_of3A] : memref<163840xi32, #tpu.memory_space<hbm>> -> memref<5120xi32, #tpu.memory_space<hbm>>
        tpu.wait_dma2 semaphore(%run_scoped3A : memref<!tpu.dma_semaphore, #tpu.memory_space<semaphore_mem>>) src(%dma_wait3A_127 : memref<5120xi32, #tpu.memory_space<hbm>>) dst(%arg10 : memref<5120xi32, #tpu.memory_space<vmem>>)
        tpu.yield
      }) : () -> ()
      "tpu.region"() ({
        %run_scoped3A = tpu.sem_alloc : memref<!tpu.dma_semaphore, #tpu.memory_space<semaphore_mem>>
        %dma_start3A_124 = arith.constant 0 : i32
        %dma_start3A_125 = tpu.memref_slice %arg5[%multiple_of3A_30, %dma_start3A_124] : memref<1280x128xi32, #tpu.memory_space<hbm>> -> memref<40x128xi32, #tpu.memory_space<hbm>>
        %dma_start3A_126 = arith.constant 0 : i32
        %dma_start3A_127 = tpu.memref_slice %arg5[%multiple_of3A_30, %dma_start3A_126] : memref<1280x128xi32, #tpu.memory_space<hbm>> -> memref<40x128xi32, #tpu.memory_space<hbm>>
        tpu.enqueue_dma source(%dma_start3A_127 : memref<40x128xi32, #tpu.memory_space<hbm>>) target(%arg11 : memref<40x128xi32, #tpu.memory_space<vmem>>) target_semaphore(%run_scoped3A : memref<!tpu.dma_semaphore, #tpu.memory_space<semaphore_mem>>)
        %dma_wait3A_128 = arith.constant 0 : i32
        %dma_wait3A_129 = tpu.memref_slice %arg5[%multiple_of3A_30, %dma_wait3A_128] : memref<1280x128xi32, #tpu.memory_space<hbm>> -> memref<40x128xi32, #tpu.memory_space<hbm>>
        %dma_wait3A_130 = arith.constant 0 : i32
        %dma_wait3A_131 = tpu.memref_slice %arg5[%multiple_of3A_30, %dma_wait3A_130] : memref<1280x128xi32, #tpu.memory_space<hbm>> -> memref<40x128xi32, #tpu.memory_space<hbm>>
        tpu.wait_dma2 semaphore(%run_scoped3A : memref<!tpu.dma_semaphore, #tpu.memory_space<semaphore_mem>>) src(%dma_wait3A_131 : memref<40x128xi32, #tpu.memory_space<hbm>>) dst(%arg11 : memref<40x128xi32, #tpu.memory_space<vmem>>)
        tpu.yield
      }) : () -> ()
      "tpu.region"() ({
        %run_scoped3A = tpu.sem_alloc : memref<!tpu.dma_semaphore, #tpu.memory_space<semaphore_mem>>
        %dma_start3A_124 = tpu.memref_slice %arg6[%multiple_of3A] : memref<163840xf32, #tpu.memory_space<hbm>> -> memref<5120xf32, #tpu.memory_space<hbm>>
        %dma_start3A_125 = tpu.memref_slice %arg6[%multiple_of3A] : memref<163840xf32, #tpu.memory_space<hbm>> -> memref<5120xf32, #tpu.memory_space<hbm>>
        tpu.enqueue_dma source(%dma_start3A_125 : memref<5120xf32, #tpu.memory_space<hbm>>) target(%arg12 : memref<5120xf32, #tpu.memory_space<vmem>>) target_semaphore(%run_scoped3A : memref<!tpu.dma_semaphore, #tpu.memory_space<semaphore_mem>>)
        %dma_wait3A_126 = tpu.memref_slice %arg6[%multiple_of3A] : memref<163840xf32, #tpu.memory_space<hbm>> -> memref<5120xf32, #tpu.memory_space<hbm>>
        %dma_wait3A_127 = tpu.memref_slice %arg6[%multiple_of3A] : memref<163840xf32, #tpu.memory_space<hbm>> -> memref<5120xf32, #tpu.memory_space<hbm>>
        tpu.wait_dma2 semaphore(%run_scoped3A : memref<!tpu.dma_semaphore, #tpu.memory_space<semaphore_mem>>) src(%dma_wait3A_127 : memref<5120xf32, #tpu.memory_space<hbm>>) dst(%arg12 : memref<5120xf32, #tpu.memory_space<vmem>>)
        tpu.yield
      }) : () -> ()
      %dma_start3A_31 = arith.constant 0 : i32
      %dma_start3A_32 = arith.constant 0 : i32
      %dma_start3A_33 = arith.constant 0 : i32
      %dma_start3A_34 = tpu.memref_slice %arg13[%dma_start3A_32, %dma_start3A_33] : memref<128x128xf32, #tpu.memory_space<vmem>> -> memref<64x128xf32, #tpu.memory_space<vmem>>
      %dma_start3A_35 = arith.constant 0 : i32
      %dma_start3A_36 = tpu.memref_slice %arg10[%dma_start3A_35] : memref<5120xi32, #tpu.memory_space<vmem>> -> memref<64xi32, #tpu.memory_space<vmem>>
      %dma_start3A_37 = arith.constant 0 : i32
      %dma_start3A_38 = arith.constant 0 : i32
      %dma_start3A_39 = tpu.memref_slice %arg3[%dma_start3A_37, %dma_start3A_38] : memref<10000x128xf32, #tpu.memory_space<hbm>> -> memref<10000x128xf32, #tpu.memory_space<hbm>>
      %dma_start3A_40 = tpu.memref_slice %arg15[%dma_start3A_31] : memref<4x!tpu.dma_semaphore, #tpu.memory_space<semaphore_mem>> -> memref<1x!tpu.dma_semaphore, #tpu.memory_space<semaphore_mem>>
      %dma_start3A_41 = tpu.memref_squeeze %dma_start3A_40 : memref<1x!tpu.dma_semaphore, #tpu.memory_space<semaphore_mem>> -> memref<!tpu.dma_semaphore, #tpu.memory_space<semaphore_mem>>
      tpu.enqueue_indirect_dma source(%dma_start3A_39 : memref<10000x128xf32, #tpu.memory_space<hbm>>) target(%dma_start3A_34 : memref<64x128xf32, #tpu.memory_space<vmem>>) offsets(%dma_start3A_36 : memref<64xi32, #tpu.memory_space<vmem>>) semaphore(%dma_start3A_41 : memref<!tpu.dma_semaphore, #tpu.memory_space<semaphore_mem>>)
      %dma_start3A_42 = arith.constant 1 : i32
      %dma_start3A_43 = arith.constant 64 : i32
      %dma_start3A_44 = arith.constant 0 : i32
      %dma_start3A_45 = tpu.memref_slice %arg13[%dma_start3A_43, %dma_start3A_44] : memref<128x128xf32, #tpu.memory_space<vmem>> -> memref<64x128xf32, #tpu.memory_space<vmem>>
      %dma_start3A_46 = arith.constant 64 : i32
      %dma_start3A_47 = tpu.memref_slice %arg10[%dma_start3A_46] : memref<5120xi32, #tpu.memory_space<vmem>> -> memref<64xi32, #tpu.memory_space<vmem>>
      %dma_start3A_48 = arith.constant 0 : i32
      %dma_start3A_49 = arith.constant 0 : i32
      %dma_start3A_50 = tpu.memref_slice %arg3[%dma_start3A_48, %dma_start3A_49] : memref<10000x128xf32, #tpu.memory_space<hbm>> -> memref<10000x128xf32, #tpu.memory_space<hbm>>
      %dma_start3A_51 = tpu.memref_slice %arg15[%dma_start3A_42] : memref<4x!tpu.dma_semaphore, #tpu.memory_space<semaphore_mem>> -> memref<1x!tpu.dma_semaphore, #tpu.memory_space<semaphore_mem>>
      %dma_start3A_52 = tpu.memref_squeeze %dma_start3A_51 : memref<1x!tpu.dma_semaphore, #tpu.memory_space<semaphore_mem>> -> memref<!tpu.dma_semaphore, #tpu.memory_space<semaphore_mem>>
      tpu.enqueue_indirect_dma source(%dma_start3A_50 : memref<10000x128xf32, #tpu.memory_space<hbm>>) target(%dma_start3A_45 : memref<64x128xf32, #tpu.memory_space<vmem>>) offsets(%dma_start3A_47 : memref<64xi32, #tpu.memory_space<vmem>>) semaphore(%dma_start3A_52 : memref<!tpu.dma_semaphore, #tpu.memory_space<semaphore_mem>>)
      %scan3A = arith.constant 0 : i32
      %scan3A_53 = arith.constant 20 : i32
      %scan3A_54 = arith.addi %scan3A, %scan3A_53 : i32
      %scan3A_55 = arith.constant 1 : i32
      scf.for %scan3A_124 = %scan3A to %scan3A_54 step %scan3A_55  : i32 {
        %mul3A_125 = arith.constant 2 : i32
        %mul3A_126 = arith.muli %scan3A_124, %mul3A_125 : i32
        %add3A_127 = arith.constant 0 : i32
        %add3A_128 = arith.addi %add3A_127, %mul3A_126 : i32
        %add3A_129 = arith.constant 0 : i32
        %add3A_130 = arith.addi %add3A_128, %add3A_129 : i32
        %ge3A = arith.constant 1 : i32
        %ge3A_131 = arith.cmpi sge, %add3A_130, %ge3A : i32
        %convert_element_type3A_132 = arith.extui %ge3A_131 : i1 to i32
        %cond3A_133 = arith.constant 0 : i32
        %cond3A_134 = arith.cmpi ne, %convert_element_type3A_132, %cond3A_133 : i32
        scf.if %cond3A_134 {
          %dma_wait3A_234 = arith.constant 0 : i32
          %dma_wait3A_235 = arith.constant 1 : i32
          %dma_wait3A_236 = arith.constant 0 : i32
          %dma_wait3A_237 = tpu.memref_slice %arg11[%dma_wait3A_234, %dma_wait3A_236] : memref<40x128xi32, #tpu.memory_space<vmem>> -> memref<1x128xi32, #tpu.memory_space<vmem>>
          %dma_wait3A_238 = tpu.memref_squeeze %dma_wait3A_237 : memref<1x128xi32, #tpu.memory_space<vmem>> -> memref<128xi32, #tpu.memory_space<vmem>>
          %dma_wait3A_239 = arith.constant 0 : i32
          %dma_wait3A_240 = arith.constant 0 : i32
          %dma_wait3A_241 = tpu.memref_slice %arg9[%dma_wait3A_239, %dma_wait3A_240] : memref<10000x128xf32, #tpu.memory_space<vmem_shared>> -> memref<10000x128xf32, #tpu.memory_space<vmem_shared>>
          %dma_wait3A_242 = tpu.memref_slice %arg16[%dma_wait3A_235] : memref<2x!tpu.dma_semaphore, #tpu.memory_space<semaphore_mem>> -> memref<1x!tpu.dma_semaphore, #tpu.memory_space<semaphore_mem>>
          %dma_wait3A_243 = tpu.memref_squeeze %dma_wait3A_242 : memref<1x!tpu.dma_semaphore, #tpu.memory_space<semaphore_mem>> -> memref<!tpu.dma_semaphore, #tpu.memory_space<semaphore_mem>>
          tpu.wait_indirect_dma semaphore(%dma_wait3A_243 : memref<!tpu.dma_semaphore, #tpu.memory_space<semaphore_mem>>) src(%arg14 : memref<128x128xf32, #tpu.memory_space<vmem>>) dst(%dma_wait3A_241 : memref<10000x128xf32, #tpu.memory_space<vmem_shared>>)
        } else {
        }
        %add3A_135 = arith.constant 1 : i32
        %add3A_136 = arith.addi %add3A_130, %add3A_135 : i32
        %lt3A = arith.constant 40 : i32
        %lt3A_137 = arith.cmpi slt, %add3A_136, %lt3A : i32
        %convert_element_type3A_138 = arith.extui %lt3A_137 : i1 to i32
        %cond3A_139 = arith.constant 0 : i32
        %cond3A_140 = arith.cmpi ne, %convert_element_type3A_138, %cond3A_139 : i32
        scf.if %cond3A_140 {
          %add3A_234 = arith.constant 1 : i32
          %add3A_235 = arith.addi %add3A_130, %add3A_234 : i32
          %mul3A_236 = arith.constant 128 : i32
          %mul3A_237 = arith.muli %add3A_235, %mul3A_236 : i32
          %add3A_238 = arith.constant 0 : i32
          %add3A_239 = arith.addi %mul3A_237, %add3A_238 : i32
          %dma_start3A_240 = arith.constant 2 : i32
          %dma_start3A_241 = arith.constant 0 : i32
          %dma_start3A_242 = arith.constant 0 : i32
          %dma_start3A_243 = tpu.memref_slice %arg14[%dma_start3A_241, %dma_start3A_242] : memref<128x128xf32, #tpu.memory_space<vmem>> -> memref<64x128xf32, #tpu.memory_space<vmem>>
          %dma_start3A_244 = tpu.memref_slice %arg10[%add3A_239] : memref<5120xi32, #tpu.memory_space<vmem>> -> memref<64xi32, #tpu.memory_space<vmem>>
          %dma_start3A_245 = arith.constant 0 : i32
          %dma_start3A_246 = arith.constant 0 : i32
          %dma_start3A_247 = tpu.memref_slice %arg3[%dma_start3A_245, %dma_start3A_246] : memref<10000x128xf32, #tpu.memory_space<hbm>> -> memref<10000x128xf32, #tpu.memory_space<hbm>>
          %dma_start3A_248 = tpu.memref_slice %arg15[%dma_start3A_240] : memref<4x!tpu.dma_semaphore, #tpu.memory_space<semaphore_mem>> -> memref<1x!tpu.dma_semaphore, #tpu.memory_space<semaphore_mem>>
          %dma_start3A_249 = tpu.memref_squeeze %dma_start3A_248 : memref<1x!tpu.dma_semaphore, #tpu.memory_space<semaphore_mem>> -> memref<!tpu.dma_semaphore, #tpu.memory_space<semaphore_mem>>
          tpu.enqueue_indirect_dma source(%dma_start3A_247 : memref<10000x128xf32, #tpu.memory_space<hbm>>) target(%dma_start3A_243 : memref<64x128xf32, #tpu.memory_space<vmem>>) offsets(%dma_start3A_244 : memref<64xi32, #tpu.memory_space<vmem>>) semaphore(%dma_start3A_249 : memref<!tpu.dma_semaphore, #tpu.memory_space<semaphore_mem>>)
          %mul3A_250 = arith.constant 128 : i32
          %mul3A_251 = arith.muli %add3A_235, %mul3A_250 : i32
          %add3A_252 = arith.constant 64 : i32
          %add3A_253 = arith.addi %mul3A_251, %add3A_252 : i32
          %dma_start3A_254 = arith.constant 3 : i32
          %dma_start3A_255 = arith.constant 64 : i32
          %dma_start3A_256 = arith.constant 0 : i32
          %dma_start3A_257 = tpu.memref_slice %arg14[%dma_start3A_255, %dma_start3A_256] : memref<128x128xf32, #tpu.memory_space<vmem>> -> memref<64x128xf32, #tpu.memory_space<vmem>>
          %dma_start3A_258 = tpu.memref_slice %arg10[%add3A_253] : memref<5120xi32, #tpu.memory_space<vmem>> -> memref<64xi32, #tpu.memory_space<vmem>>
          %dma_start3A_259 = arith.constant 0 : i32
          %dma_start3A_260 = arith.constant 0 : i32
          %dma_start3A_261 = tpu.memref_slice %arg3[%dma_start3A_259, %dma_start3A_260] : memref<10000x128xf32, #tpu.memory_space<hbm>> -> memref<10000x128xf32, #tpu.memory_space<hbm>>
          %dma_start3A_262 = tpu.memref_slice %arg15[%dma_start3A_254] : memref<4x!tpu.dma_semaphore, #tpu.memory_space<semaphore_mem>> -> memref<1x!tpu.dma_semaphore, #tpu.memory_space<semaphore_mem>>
          %dma_start3A_263 = tpu.memref_squeeze %dma_start3A_262 : memref<1x!tpu.dma_semaphore, #tpu.memory_space<semaphore_mem>> -> memref<!tpu.dma_semaphore, #tpu.memory_space<semaphore_mem>>
          tpu.enqueue_indirect_dma source(%dma_start3A_261 : memref<10000x128xf32, #tpu.memory_space<hbm>>) target(%dma_start3A_257 : memref<64x128xf32, #tpu.memory_space<vmem>>) offsets(%dma_start3A_258 : memref<64xi32, #tpu.memory_space<vmem>>) semaphore(%dma_start3A_263 : memref<!tpu.dma_semaphore, #tpu.memory_space<semaphore_mem>>)
        } else {
        }
        %mul3A_141 = arith.constant 128 : i32
        %mul3A_142 = arith.muli %add3A_130, %mul3A_141 : i32
        %add3A_143 = arith.constant 0 : i32
        %add3A_144 = arith.addi %mul3A_142, %add3A_143 : i32
        %dma_wait3A_145 = arith.constant 0 : i32
        %dma_wait3A_146 = arith.constant 0 : i32
        %dma_wait3A_147 = arith.constant 0 : i32
        %dma_wait3A_148 = tpu.memref_slice %arg13[%dma_wait3A_146, %dma_wait3A_147] : memref<128x128xf32, #tpu.memory_space<vmem>> -> memref<64x128xf32, #tpu.memory_space<vmem>>
        %dma_wait3A_149 = tpu.memref_slice %arg10[%add3A_144] : memref<5120xi32, #tpu.memory_space<vmem>> -> memref<64xi32, #tpu.memory_space<vmem>>
        %dma_wait3A_150 = arith.constant 0 : i32
        %dma_wait3A_151 = arith.constant 0 : i32
        %dma_wait3A_152 = tpu.memref_slice %arg3[%dma_wait3A_150, %dma_wait3A_151] : memref<10000x128xf32, #tpu.memory_space<hbm>> -> memref<10000x128xf32, #tpu.memory_space<hbm>>
        %dma_wait3A_153 = tpu.memref_slice %arg15[%dma_wait3A_145] : memref<4x!tpu.dma_semaphore, #tpu.memory_space<semaphore_mem>> -> memref<1x!tpu.dma_semaphore, #tpu.memory_space<semaphore_mem>>
        %dma_wait3A_154 = tpu.memref_squeeze %dma_wait3A_153 : memref<1x!tpu.dma_semaphore, #tpu.memory_space<semaphore_mem>> -> memref<!tpu.dma_semaphore, #tpu.memory_space<semaphore_mem>>
        tpu.wait_indirect_dma semaphore(%dma_wait3A_154 : memref<!tpu.dma_semaphore, #tpu.memory_space<semaphore_mem>>) src(%dma_wait3A_152 : memref<10000x128xf32, #tpu.memory_space<hbm>>) dst(%dma_wait3A_148 : memref<64x128xf32, #tpu.memory_space<vmem>>)
        %mul3A_155 = arith.constant 128 : i32
        %mul3A_156 = arith.muli %add3A_130, %mul3A_155 : i32
        %add3A_157 = arith.constant 64 : i32
        %add3A_158 = arith.addi %mul3A_156, %add3A_157 : i32
        %dma_wait3A_159 = arith.constant 1 : i32
        %dma_wait3A_160 = arith.constant 64 : i32
        %dma_wait3A_161 = arith.constant 0 : i32
        %dma_wait3A_162 = tpu.memref_slice %arg13[%dma_wait3A_160, %dma_wait3A_161] : memref<128x128xf32, #tpu.memory_space<vmem>> -> memref<64x128xf32, #tpu.memory_space<vmem>>
        %dma_wait3A_163 = tpu.memref_slice %arg10[%add3A_158] : memref<5120xi32, #tpu.memory_space<vmem>> -> memref<64xi32, #tpu.memory_space<vmem>>
        %dma_wait3A_164 = arith.constant 0 : i32
        %dma_wait3A_165 = arith.constant 0 : i32
        %dma_wait3A_166 = tpu.memref_slice %arg3[%dma_wait3A_164, %dma_wait3A_165] : memref<10000x128xf32, #tpu.memory_space<hbm>> -> memref<10000x128xf32, #tpu.memory_space<hbm>>
        %dma_wait3A_167 = tpu.memref_slice %arg15[%dma_wait3A_159] : memref<4x!tpu.dma_semaphore, #tpu.memory_space<semaphore_mem>> -> memref<1x!tpu.dma_semaphore, #tpu.memory_space<semaphore_mem>>
        %dma_wait3A_168 = tpu.memref_squeeze %dma_wait3A_167 : memref<1x!tpu.dma_semaphore, #tpu.memory_space<semaphore_mem>> -> memref<!tpu.dma_semaphore, #tpu.memory_space<semaphore_mem>>
        tpu.wait_indirect_dma semaphore(%dma_wait3A_168 : memref<!tpu.dma_semaphore, #tpu.memory_space<semaphore_mem>>) src(%dma_wait3A_166 : memref<10000x128xf32, #tpu.memory_space<hbm>>) dst(%dma_wait3A_162 : memref<64x128xf32, #tpu.memory_space<vmem>>)
        %parallel_loop3A = arith.constant 0 : i32
        %parallel_loop3A_169 = arith.constant 128 : i32
        %parallel_loop3A_170 = arith.constant 1 : i32
        scf.for %parallel_loop3A_234 = %parallel_loop3A to %parallel_loop3A_169 step %parallel_loop3A_170  : i32 {
          %parallel_loop3A_235 = arith.constant 0 : i32
          %parallel_loop3A_236 = vector.broadcast %parallel_loop3A_235 : i32 to vector<16xi32>
          %parallel_loop3A_237 = arith.constant 128 : i32
          %parallel_loop3A_238 = arith.muli %add3A_130, %parallel_loop3A_237 : i32
          %parallel_loop3A_239 = vector.broadcast %parallel_loop3A_238 : i32 to vector<16xi32>
          %parallel_loop3A_240 = arith.addi %parallel_loop3A_236, %parallel_loop3A_239 : vector<16xi32>
          %parallel_loop3A_241 = vector.broadcast %parallel_loop3A_234 : i32 to vector<16xi32>
          %parallel_loop3A_242 = arith.addi %parallel_loop3A_240, %parallel_loop3A_241 : vector<16xi32>
          %parallel_loop3A_243 = tpu.vector_load_idx %arg12[%parallel_loop3A_242] : memref<5120xf32, #tpu.memory_space<vmem>>[vector<16xi32>], vector<16xf32>,
          %parallel_loop3A_244 = arith.index_cast %parallel_loop3A_234 : i32 to index
          %parallel_loop3A_245 = arith.constant 0 : index
          %parallel_loop3A_246 = tpu.vector_load %arg13[%parallel_loop3A_244, %parallel_loop3A_245] {strides = array<i32>} : memref<128x128xf32, #tpu.memory_space<vmem>>, vector<16xf32>,
          %parallel_loop3A_247 = arith.mulf %parallel_loop3A_246, %parallel_loop3A_243 : vector<16xf32>
          %parallel_loop3A_248 = arith.index_cast %parallel_loop3A_234 : i32 to index
          %parallel_loop3A_249 = arith.constant 0 : index
          %parallel_loop3A_250 = tpu.vector_load %arg13[%parallel_loop3A_248, %parallel_loop3A_249] {strides = array<i32>} : memref<128x128xf32, #tpu.memory_space<vmem>>, vector<16xf32>,
          tpu.vector_store %arg13[%parallel_loop3A_248, %parallel_loop3A_249], %parallel_loop3A_247 {strides = array<i32>} : memref<128x128xf32, #tpu.memory_space<vmem>>, vector<16xf32>,
          %parallel_loop3A_251 = arith.index_cast %parallel_loop3A_234 : i32 to index
          %parallel_loop3A_252 = arith.constant 16 : index
          %parallel_loop3A_253 = tpu.vector_load %arg13[%parallel_loop3A_251, %parallel_loop3A_252] {strides = array<i32>} : memref<128x128xf32, #tpu.memory_space<vmem>>, vector<16xf32>,
          %parallel_loop3A_254 = arith.mulf %parallel_loop3A_253, %parallel_loop3A_243 : vector<16xf32>
          %parallel_loop3A_255 = arith.index_cast %parallel_loop3A_234 : i32 to index
          %parallel_loop3A_256 = arith.constant 16 : index
          %parallel_loop3A_257 = tpu.vector_load %arg13[%parallel_loop3A_255, %parallel_loop3A_256] {strides = array<i32>} : memref<128x128xf32, #tpu.memory_space<vmem>>, vector<16xf32>,
          tpu.vector_store %arg13[%parallel_loop3A_255, %parallel_loop3A_256], %parallel_loop3A_254 {strides = array<i32>} : memref<128x128xf32, #tpu.memory_space<vmem>>, vector<16xf32>,
          %parallel_loop3A_258 = arith.index_cast %parallel_loop3A_234 : i32 to index
          %parallel_loop3A_259 = arith.constant 32 : index
          %parallel_loop3A_260 = tpu.vector_load %arg13[%parallel_loop3A_258, %parallel_loop3A_259] {strides = array<i32>} : memref<128x128xf32, #tpu.memory_space<vmem>>, vector<16xf32>,
          %parallel_loop3A_261 = arith.mulf %parallel_loop3A_260, %parallel_loop3A_243 : vector<16xf32>
          %parallel_loop3A_262 = arith.index_cast %parallel_loop3A_234 : i32 to index
          %parallel_loop3A_263 = arith.constant 32 : index
          %parallel_loop3A_264 = tpu.vector_load %arg13[%parallel_loop3A_262, %parallel_loop3A_263] {strides = array<i32>} : memref<128x128xf32, #tpu.memory_space<vmem>>, vector<16xf32>,
          tpu.vector_store %arg13[%parallel_loop3A_262, %parallel_loop3A_263], %parallel_loop3A_261 {strides = array<i32>} : memref<128x128xf32, #tpu.memory_space<vmem>>, vector<16xf32>,
          %parallel_loop3A_265 = arith.index_cast %parallel_loop3A_234 : i32 to index
          %parallel_loop3A_266 = arith.constant 48 : index
          %parallel_loop3A_267 = tpu.vector_load %arg13[%parallel_loop3A_265, %parallel_loop3A_266] {strides = array<i32>} : memref<128x128xf32, #tpu.memory_space<vmem>>, vector<16xf32>,
          %parallel_loop3A_268 = arith.mulf %parallel_loop3A_267, %parallel_loop3A_243 : vector<16xf32>
          %parallel_loop3A_269 = arith.index_cast %parallel_loop3A_234 : i32 to index
          %parallel_loop3A_270 = arith.constant 48 : index
          %parallel_loop3A_271 = tpu.vector_load %arg13[%parallel_loop3A_269, %parallel_loop3A_270] {strides = array<i32>} : memref<128x128xf32, #tpu.memory_space<vmem>>, vector<16xf32>,
          tpu.vector_store %arg13[%parallel_loop3A_269, %parallel_loop3A_270], %parallel_loop3A_268 {strides = array<i32>} : memref<128x128xf32, #tpu.memory_space<vmem>>, vector<16xf32>,
          %parallel_loop3A_272 = arith.index_cast %parallel_loop3A_234 : i32 to index
          %parallel_loop3A_273 = arith.constant 64 : index
          %parallel_loop3A_274 = tpu.vector_load %arg13[%parallel_loop3A_272, %parallel_loop3A_273] {strides = array<i32>} : memref<128x128xf32, #tpu.memory_space<vmem>>, vector<16xf32>,
          %parallel_loop3A_275 = arith.mulf %parallel_loop3A_274, %parallel_loop3A_243 : vector<16xf32>
          %parallel_loop3A_276 = arith.index_cast %parallel_loop3A_234 : i32 to index
          %parallel_loop3A_277 = arith.constant 64 : index
          %parallel_loop3A_278 = tpu.vector_load %arg13[%parallel_loop3A_276, %parallel_loop3A_277] {strides = array<i32>} : memref<128x128xf32, #tpu.memory_space<vmem>>, vector<16xf32>,
          tpu.vector_store %arg13[%parallel_loop3A_276, %parallel_loop3A_277], %parallel_loop3A_275 {strides = array<i32>} : memref<128x128xf32, #tpu.memory_space<vmem>>, vector<16xf32>,
          %parallel_loop3A_279 = arith.index_cast %parallel_loop3A_234 : i32 to index
          %parallel_loop3A_280 = arith.constant 80 : index
          %parallel_loop3A_281 = tpu.vector_load %arg13[%parallel_loop3A_279, %parallel_loop3A_280] {strides = array<i32>} : memref<128x128xf32, #tpu.memory_space<vmem>>, vector<16xf32>,
          %parallel_loop3A_282 = arith.mulf %parallel_loop3A_281, %parallel_loop3A_243 : vector<16xf32>
          %parallel_loop3A_283 = arith.index_cast %parallel_loop3A_234 : i32 to index
          %parallel_loop3A_284 = arith.constant 80 : index
          %parallel_loop3A_285 = tpu.vector_load %arg13[%parallel_loop3A_283, %parallel_loop3A_284] {strides = array<i32>} : memref<128x128xf32, #tpu.memory_space<vmem>>, vector<16xf32>,
          tpu.vector_store %arg13[%parallel_loop3A_283, %parallel_loop3A_284], %parallel_loop3A_282 {strides = array<i32>} : memref<128x128xf32, #tpu.memory_space<vmem>>, vector<16xf32>,
          %parallel_loop3A_286 = arith.index_cast %parallel_loop3A_234 : i32 to index
          %parallel_loop3A_287 = arith.constant 96 : index
          %parallel_loop3A_288 = tpu.vector_load %arg13[%parallel_loop3A_286, %parallel_loop3A_287] {strides = array<i32>} : memref<128x128xf32, #tpu.memory_space<vmem>>, vector<16xf32>,
          %parallel_loop3A_289 = arith.mulf %parallel_loop3A_288, %parallel_loop3A_243 : vector<16xf32>
          %parallel_loop3A_290 = arith.index_cast %parallel_loop3A_234 : i32 to index
          %parallel_loop3A_291 = arith.constant 96 : index
          %parallel_loop3A_292 = tpu.vector_load %arg13[%parallel_loop3A_290, %parallel_loop3A_291] {strides = array<i32>} : memref<128x128xf32, #tpu.memory_space<vmem>>, vector<16xf32>,
          tpu.vector_store %arg13[%parallel_loop3A_290, %parallel_loop3A_291], %parallel_loop3A_289 {strides = array<i32>} : memref<128x128xf32, #tpu.memory_space<vmem>>, vector<16xf32>,
          %parallel_loop3A_293 = arith.index_cast %parallel_loop3A_234 : i32 to index
          %parallel_loop3A_294 = arith.constant 112 : index
          %parallel_loop3A_295 = tpu.vector_load %arg13[%parallel_loop3A_293, %parallel_loop3A_294] {strides = array<i32>} : memref<128x128xf32, #tpu.memory_space<vmem>>, vector<16xf32>,
          %parallel_loop3A_296 = arith.mulf %parallel_loop3A_295, %parallel_loop3A_243 : vector<16xf32>
          %parallel_loop3A_297 = arith.index_cast %parallel_loop3A_234 : i32 to index
          %parallel_loop3A_298 = arith.constant 112 : index
          %parallel_loop3A_299 = tpu.vector_load %arg13[%parallel_loop3A_297, %parallel_loop3A_298] {strides = array<i32>} : memref<128x128xf32, #tpu.memory_space<vmem>>, vector<16xf32>,
          tpu.vector_store %arg13[%parallel_loop3A_297, %parallel_loop3A_298], %parallel_loop3A_296 {strides = array<i32>} : memref<128x128xf32, #tpu.memory_space<vmem>>, vector<16xf32>,
        } {sc.loop_unroll_factor = 4 : i64, sc.parallel_access}
        %dma_start3A_171 = arith.constant 0 : i32
        %dma_start3A_172 = arith.constant 0 : i32
        %dma_start3A_173 = tpu.memref_slice %arg11[%add3A_130, %dma_start3A_172] : memref<40x128xi32, #tpu.memory_space<vmem>> -> memref<1x128xi32, #tpu.memory_space<vmem>>
        %dma_start3A_174 = tpu.memref_squeeze %dma_start3A_173 : memref<1x128xi32, #tpu.memory_space<vmem>> -> memref<128xi32, #tpu.memory_space<vmem>>
        %dma_start3A_175 = arith.constant 0 : i32
        %dma_start3A_176 = arith.constant 0 : i32
        %dma_start3A_177 = tpu.memref_slice %arg9[%dma_start3A_175, %dma_start3A_176] : memref<10000x128xf32, #tpu.memory_space<vmem_shared>> -> memref<10000x128xf32, #tpu.memory_space<vmem_shared>>
        %dma_start3A_178 = tpu.memref_slice %arg16[%dma_start3A_171] : memref<2x!tpu.dma_semaphore, #tpu.memory_space<semaphore_mem>> -> memref<1x!tpu.dma_semaphore, #tpu.memory_space<semaphore_mem>>
        %dma_start3A_179 = tpu.memref_squeeze %dma_start3A_178 : memref<1x!tpu.dma_semaphore, #tpu.memory_space<semaphore_mem>> -> memref<!tpu.dma_semaphore, #tpu.memory_space<semaphore_mem>>
        tpu.enqueue_indirect_dma source(%arg13 : memref<128x128xf32, #tpu.memory_space<vmem>>) target(%dma_start3A_177 : memref<10000x128xf32, #tpu.memory_space<vmem_shared>>) offsets(%dma_start3A_174 : memref<128xi32, #tpu.memory_space<vmem>>) semaphore(%dma_start3A_179 : memref<!tpu.dma_semaphore, #tpu.memory_space<semaphore_mem>>) {add = true}
        %add3A_180 = arith.constant 1 : i32
        %add3A_181 = arith.addi %add3A_128, %add3A_180 : i32
        %ge3A_182 = arith.constant 1 : i32
        %ge3A_183 = arith.cmpi sge, %add3A_181, %ge3A_182 : i32
        %convert_element_type3A_184 = arith.extui %ge3A_183 : i1 to i32
        %cond3A_185 = arith.constant 0 : i32
        %cond3A_186 = arith.cmpi ne, %convert_element_type3A_184, %cond3A_185 : i32
        scf.if %cond3A_186 {
          %dma_wait3A_234 = arith.constant 0 : i32
          %dma_wait3A_235 = arith.constant 0 : i32
          %dma_wait3A_236 = arith.constant 0 : i32
          %dma_wait3A_237 = tpu.memref_slice %arg11[%dma_wait3A_234, %dma_wait3A_236] : memref<40x128xi32, #tpu.memory_space<vmem>> -> memref<1x128xi32, #tpu.memory_space<vmem>>
          %dma_wait3A_238 = tpu.memref_squeeze %dma_wait3A_237 : memref<1x128xi32, #tpu.memory_space<vmem>> -> memref<128xi32, #tpu.memory_space<vmem>>
          %dma_wait3A_239 = arith.constant 0 : i32
          %dma_wait3A_240 = arith.constant 0 : i32
          %dma_wait3A_241 = tpu.memref_slice %arg9[%dma_wait3A_239, %dma_wait3A_240] : memref<10000x128xf32, #tpu.memory_space<vmem_shared>> -> memref<10000x128xf32, #tpu.memory_space<vmem_shared>>
          %dma_wait3A_242 = tpu.memref_slice %arg16[%dma_wait3A_235] : memref<2x!tpu.dma_semaphore, #tpu.memory_space<semaphore_mem>> -> memref<1x!tpu.dma_semaphore, #tpu.memory_space<semaphore_mem>>
          %dma_wait3A_243 = tpu.memref_squeeze %dma_wait3A_242 : memref<1x!tpu.dma_semaphore, #tpu.memory_space<semaphore_mem>> -> memref<!tpu.dma_semaphore, #tpu.memory_space<semaphore_mem>>
          tpu.wait_indirect_dma semaphore(%dma_wait3A_243 : memref<!tpu.dma_semaphore, #tpu.memory_space<semaphore_mem>>) src(%arg13 : memref<128x128xf32, #tpu.memory_space<vmem>>) dst(%dma_wait3A_241 : memref<10000x128xf32, #tpu.memory_space<vmem_shared>>)
        } else {
        }
        %add3A_187 = arith.constant 1 : i32
        %add3A_188 = arith.addi %add3A_181, %add3A_187 : i32
        %lt3A_189 = arith.constant 40 : i32
        %lt3A_190 = arith.cmpi slt, %add3A_188, %lt3A_189 : i32
        %convert_element_type3A_191 = arith.extui %lt3A_190 : i1 to i32
        %cond3A_192 = arith.constant 0 : i32
        %cond3A_193 = arith.cmpi ne, %convert_element_type3A_191, %cond3A_192 : i32
        scf.if %cond3A_193 {
          %add3A_234 = arith.constant 1 : i32
          %add3A_235 = arith.addi %add3A_181, %add3A_234 : i32
          %mul3A_236 = arith.constant 128 : i32
          %mul3A_237 = arith.muli %add3A_235, %mul3A_236 : i32
          %add3A_238 = arith.constant 0 : i32
          %add3A_239 = arith.addi %mul3A_237, %add3A_238 : i32
          %dma_start3A_240 = arith.constant 0 : i32
          %dma_start3A_241 = arith.constant 0 : i32
          %dma_start3A_242 = arith.constant 0 : i32
          %dma_start3A_243 = tpu.memref_slice %arg13[%dma_start3A_241, %dma_start3A_242] : memref<128x128xf32, #tpu.memory_space<vmem>> -> memref<64x128xf32, #tpu.memory_space<vmem>>
          %dma_start3A_244 = tpu.memref_slice %arg10[%add3A_239] : memref<5120xi32, #tpu.memory_space<vmem>> -> memref<64xi32, #tpu.memory_space<vmem>>
          %dma_start3A_245 = arith.constant 0 : i32
          %dma_start3A_246 = arith.constant 0 : i32
          %dma_start3A_247 = tpu.memref_slice %arg3[%dma_start3A_245, %dma_start3A_246] : memref<10000x128xf32, #tpu.memory_space<hbm>> -> memref<10000x128xf32, #tpu.memory_space<hbm>>
          %dma_start3A_248 = tpu.memref_slice %arg15[%dma_start3A_240] : memref<4x!tpu.dma_semaphore, #tpu.memory_space<semaphore_mem>> -> memref<1x!tpu.dma_semaphore, #tpu.memory_space<semaphore_mem>>
          %dma_start3A_249 = tpu.memref_squeeze %dma_start3A_248 : memref<1x!tpu.dma_semaphore, #tpu.memory_space<semaphore_mem>> -> memref<!tpu.dma_semaphore, #tpu.memory_space<semaphore_mem>>
          tpu.enqueue_indirect_dma source(%dma_start3A_247 : memref<10000x128xf32, #tpu.memory_space<hbm>>) target(%dma_start3A_243 : memref<64x128xf32, #tpu.memory_space<vmem>>) offsets(%dma_start3A_244 : memref<64xi32, #tpu.memory_space<vmem>>) semaphore(%dma_start3A_249 : memref<!tpu.dma_semaphore, #tpu.memory_space<semaphore_mem>>)
          %mul3A_250 = arith.constant 128 : i32
          %mul3A_251 = arith.muli %add3A_235, %mul3A_250 : i32
          %add3A_252 = arith.constant 64 : i32
          %add3A_253 = arith.addi %mul3A_251, %add3A_252 : i32
          %dma_start3A_254 = arith.constant 1 : i32
          %dma_start3A_255 = arith.constant 64 : i32
          %dma_start3A_256 = arith.constant 0 : i32
          %dma_start3A_257 = tpu.memref_slice %arg13[%dma_start3A_255, %dma_start3A_256] : memref<128x128xf32, #tpu.memory_space<vmem>> -> memref<64x128xf32, #tpu.memory_space<vmem>>
          %dma_start3A_258 = tpu.memref_slice %arg10[%add3A_253] : memref<5120xi32, #tpu.memory_space<vmem>> -> memref<64xi32, #tpu.memory_space<vmem>>
          %dma_start3A_259 = arith.constant 0 : i32
          %dma_start3A_260 = arith.constant 0 : i32
          %dma_start3A_261 = tpu.memref_slice %arg3[%dma_start3A_259, %dma_start3A_260] : memref<10000x128xf32, #tpu.memory_space<hbm>> -> memref<10000x128xf32, #tpu.memory_space<hbm>>
          %dma_start3A_262 = tpu.memref_slice %arg15[%dma_start3A_254] : memref<4x!tpu.dma_semaphore, #tpu.memory_space<semaphore_mem>> -> memref<1x!tpu.dma_semaphore, #tpu.memory_space<semaphore_mem>>
          %dma_start3A_263 = tpu.memref_squeeze %dma_start3A_262 : memref<1x!tpu.dma_semaphore, #tpu.memory_space<semaphore_mem>> -> memref<!tpu.dma_semaphore, #tpu.memory_space<semaphore_mem>>
          tpu.enqueue_indirect_dma source(%dma_start3A_261 : memref<10000x128xf32, #tpu.memory_space<hbm>>) target(%dma_start3A_257 : memref<64x128xf32, #tpu.memory_space<vmem>>) offsets(%dma_start3A_258 : memref<64xi32, #tpu.memory_space<vmem>>) semaphore(%dma_start3A_263 : memref<!tpu.dma_semaphore, #tpu.memory_space<semaphore_mem>>)
        } else {
        }
        %mul3A_194 = arith.constant 128 : i32
        %mul3A_195 = arith.muli %add3A_181, %mul3A_194 : i32
        %add3A_196 = arith.constant 0 : i32
        %add3A_197 = arith.addi %mul3A_195, %add3A_196 : i32
        %dma_wait3A_198 = arith.constant 2 : i32
        %dma_wait3A_199 = arith.constant 0 : i32
        %dma_wait3A_200 = arith.constant 0 : i32
        %dma_wait3A_201 = tpu.memref_slice %arg14[%dma_wait3A_199, %dma_wait3A_200] : memref<128x128xf32, #tpu.memory_space<vmem>> -> memref<64x128xf32, #tpu.memory_space<vmem>>
        %dma_wait3A_202 = tpu.memref_slice %arg10[%add3A_197] : memref<5120xi32, #tpu.memory_space<vmem>> -> memref<64xi32, #tpu.memory_space<vmem>>
        %dma_wait3A_203 = arith.constant 0 : i32
        %dma_wait3A_204 = arith.constant 0 : i32
        %dma_wait3A_205 = tpu.memref_slice %arg3[%dma_wait3A_203, %dma_wait3A_204] : memref<10000x128xf32, #tpu.memory_space<hbm>> -> memref<10000x128xf32, #tpu.memory_space<hbm>>
        %dma_wait3A_206 = tpu.memref_slice %arg15[%dma_wait3A_198] : memref<4x!tpu.dma_semaphore, #tpu.memory_space<semaphore_mem>> -> memref<1x!tpu.dma_semaphore, #tpu.memory_space<semaphore_mem>>
        %dma_wait3A_207 = tpu.memref_squeeze %dma_wait3A_206 : memref<1x!tpu.dma_semaphore, #tpu.memory_space<semaphore_mem>> -> memref<!tpu.dma_semaphore, #tpu.memory_space<semaphore_mem>>
        tpu.wait_indirect_dma semaphore(%dma_wait3A_207 : memref<!tpu.dma_semaphore, #tpu.memory_space<semaphore_mem>>) src(%dma_wait3A_205 : memref<10000x128xf32, #tpu.memory_space<hbm>>) dst(%dma_wait3A_201 : memref<64x128xf32, #tpu.memory_space<vmem>>)
        %mul3A_208 = arith.constant 128 : i32
        %mul3A_209 = arith.muli %add3A_181, %mul3A_208 : i32
        %add3A_210 = arith.constant 64 : i32
        %add3A_211 = arith.addi %mul3A_209, %add3A_210 : i32
        %dma_wait3A_212 = arith.constant 3 : i32
        %dma_wait3A_213 = arith.constant 64 : i32
        %dma_wait3A_214 = arith.constant 0 : i32
        %dma_wait3A_215 = tpu.memref_slice %arg14[%dma_wait3A_213, %dma_wait3A_214] : memref<128x128xf32, #tpu.memory_space<vmem>> -> memref<64x128xf32, #tpu.memory_space<vmem>>
        %dma_wait3A_216 = tpu.memref_slice %arg10[%add3A_211] : memref<5120xi32, #tpu.memory_space<vmem>> -> memref<64xi32, #tpu.memory_space<vmem>>
        %dma_wait3A_217 = arith.constant 0 : i32
        %dma_wait3A_218 = arith.constant 0 : i32
        %dma_wait3A_219 = tpu.memref_slice %arg3[%dma_wait3A_217, %dma_wait3A_218] : memref<10000x128xf32, #tpu.memory_space<hbm>> -> memref<10000x128xf32, #tpu.memory_space<hbm>>
        %dma_wait3A_220 = tpu.memref_slice %arg15[%dma_wait3A_212] : memref<4x!tpu.dma_semaphore, #tpu.memory_space<semaphore_mem>> -> memref<1x!tpu.dma_semaphore, #tpu.memory_space<semaphore_mem>>
        %dma_wait3A_221 = tpu.memref_squeeze %dma_wait3A_220 : memref<1x!tpu.dma_semaphore, #tpu.memory_space<semaphore_mem>> -> memref<!tpu.dma_semaphore, #tpu.memory_space<semaphore_mem>>
        tpu.wait_indirect_dma semaphore(%dma_wait3A_221 : memref<!tpu.dma_semaphore, #tpu.memory_space<semaphore_mem>>) src(%dma_wait3A_219 : memref<10000x128xf32, #tpu.memory_space<hbm>>) dst(%dma_wait3A_215 : memref<64x128xf32, #tpu.memory_space<vmem>>)
        %parallel_loop3A_222 = arith.constant 0 : i32
        %parallel_loop3A_223 = arith.constant 128 : i32
        %parallel_loop3A_224 = arith.constant 1 : i32
        scf.for %parallel_loop3A_234 = %parallel_loop3A_222 to %parallel_loop3A_223 step %parallel_loop3A_224  : i32 {
          %parallel_loop3A_235 = arith.constant 0 : i32
          %parallel_loop3A_236 = vector.broadcast %parallel_loop3A_235 : i32 to vector<16xi32>
          %parallel_loop3A_237 = arith.constant 128 : i32
          %parallel_loop3A_238 = arith.muli %add3A_181, %parallel_loop3A_237 : i32
          %parallel_loop3A_239 = vector.broadcast %parallel_loop3A_238 : i32 to vector<16xi32>
          %parallel_loop3A_240 = arith.addi %parallel_loop3A_236, %parallel_loop3A_239 : vector<16xi32>
          %parallel_loop3A_241 = vector.broadcast %parallel_loop3A_234 : i32 to vector<16xi32>
          %parallel_loop3A_242 = arith.addi %parallel_loop3A_240, %parallel_loop3A_241 : vector<16xi32>
          %parallel_loop3A_243 = tpu.vector_load_idx %arg12[%parallel_loop3A_242] : memref<5120xf32, #tpu.memory_space<vmem>>[vector<16xi32>], vector<16xf32>,
          %parallel_loop3A_244 = arith.index_cast %parallel_loop3A_234 : i32 to index
          %parallel_loop3A_245 = arith.constant 0 : index
          %parallel_loop3A_246 = tpu.vector_load %arg14[%parallel_loop3A_244, %parallel_loop3A_245] {strides = array<i32>} : memref<128x128xf32, #tpu.memory_space<vmem>>, vector<16xf32>,
          %parallel_loop3A_247 = arith.mulf %parallel_loop3A_246, %parallel_loop3A_243 : vector<16xf32>
          %parallel_loop3A_248 = arith.index_cast %parallel_loop3A_234 : i32 to index
          %parallel_loop3A_249 = arith.constant 0 : index
          %parallel_loop3A_250 = tpu.vector_load %arg14[%parallel_loop3A_248, %parallel_loop3A_249] {strides = array<i32>} : memref<128x128xf32, #tpu.memory_space<vmem>>, vector<16xf32>,
          tpu.vector_store %arg14[%parallel_loop3A_248, %parallel_loop3A_249], %parallel_loop3A_247 {strides = array<i32>} : memref<128x128xf32, #tpu.memory_space<vmem>>, vector<16xf32>,
          %parallel_loop3A_251 = arith.index_cast %parallel_loop3A_234 : i32 to index
          %parallel_loop3A_252 = arith.constant 16 : index
          %parallel_loop3A_253 = tpu.vector_load %arg14[%parallel_loop3A_251, %parallel_loop3A_252] {strides = array<i32>} : memref<128x128xf32, #tpu.memory_space<vmem>>, vector<16xf32>,
          %parallel_loop3A_254 = arith.mulf %parallel_loop3A_253, %parallel_loop3A_243 : vector<16xf32>
          %parallel_loop3A_255 = arith.index_cast %parallel_loop3A_234 : i32 to index
          %parallel_loop3A_256 = arith.constant 16 : index
          %parallel_loop3A_257 = tpu.vector_load %arg14[%parallel_loop3A_255, %parallel_loop3A_256] {strides = array<i32>} : memref<128x128xf32, #tpu.memory_space<vmem>>, vector<16xf32>,
          tpu.vector_store %arg14[%parallel_loop3A_255, %parallel_loop3A_256], %parallel_loop3A_254 {strides = array<i32>} : memref<128x128xf32, #tpu.memory_space<vmem>>, vector<16xf32>,
          %parallel_loop3A_258 = arith.index_cast %parallel_loop3A_234 : i32 to index
          %parallel_loop3A_259 = arith.constant 32 : index
          %parallel_loop3A_260 = tpu.vector_load %arg14[%parallel_loop3A_258, %parallel_loop3A_259] {strides = array<i32>} : memref<128x128xf32, #tpu.memory_space<vmem>>, vector<16xf32>,
          %parallel_loop3A_261 = arith.mulf %parallel_loop3A_260, %parallel_loop3A_243 : vector<16xf32>
          %parallel_loop3A_262 = arith.index_cast %parallel_loop3A_234 : i32 to index
          %parallel_loop3A_263 = arith.constant 32 : index
          %parallel_loop3A_264 = tpu.vector_load %arg14[%parallel_loop3A_262, %parallel_loop3A_263] {strides = array<i32>} : memref<128x128xf32, #tpu.memory_space<vmem>>, vector<16xf32>,
          tpu.vector_store %arg14[%parallel_loop3A_262, %parallel_loop3A_263], %parallel_loop3A_261 {strides = array<i32>} : memref<128x128xf32, #tpu.memory_space<vmem>>, vector<16xf32>,
          %parallel_loop3A_265 = arith.index_cast %parallel_loop3A_234 : i32 to index
          %parallel_loop3A_266 = arith.constant 48 : index
          %parallel_loop3A_267 = tpu.vector_load %arg14[%parallel_loop3A_265, %parallel_loop3A_266] {strides = array<i32>} : memref<128x128xf32, #tpu.memory_space<vmem>>, vector<16xf32>,
          %parallel_loop3A_268 = arith.mulf %parallel_loop3A_267, %parallel_loop3A_243 : vector<16xf32>
          %parallel_loop3A_269 = arith.index_cast %parallel_loop3A_234 : i32 to index
          %parallel_loop3A_270 = arith.constant 48 : index
          %parallel_loop3A_271 = tpu.vector_load %arg14[%parallel_loop3A_269, %parallel_loop3A_270] {strides = array<i32>} : memref<128x128xf32, #tpu.memory_space<vmem>>, vector<16xf32>,
          tpu.vector_store %arg14[%parallel_loop3A_269, %parallel_loop3A_270], %parallel_loop3A_268 {strides = array<i32>} : memref<128x128xf32, #tpu.memory_space<vmem>>, vector<16xf32>,
          %parallel_loop3A_272 = arith.index_cast %parallel_loop3A_234 : i32 to index
          %parallel_loop3A_273 = arith.constant 64 : index
          %parallel_loop3A_274 = tpu.vector_load %arg14[%parallel_loop3A_272, %parallel_loop3A_273] {strides = array<i32>} : memref<128x128xf32, #tpu.memory_space<vmem>>, vector<16xf32>,
          %parallel_loop3A_275 = arith.mulf %parallel_loop3A_274, %parallel_loop3A_243 : vector<16xf32>
          %parallel_loop3A_276 = arith.index_cast %parallel_loop3A_234 : i32 to index
          %parallel_loop3A_277 = arith.constant 64 : index
          %parallel_loop3A_278 = tpu.vector_load %arg14[%parallel_loop3A_276, %parallel_loop3A_277] {strides = array<i32>} : memref<128x128xf32, #tpu.memory_space<vmem>>, vector<16xf32>,
          tpu.vector_store %arg14[%parallel_loop3A_276, %parallel_loop3A_277], %parallel_loop3A_275 {strides = array<i32>} : memref<128x128xf32, #tpu.memory_space<vmem>>, vector<16xf32>,
          %parallel_loop3A_279 = arith.index_cast %parallel_loop3A_234 : i32 to index
          %parallel_loop3A_280 = arith.constant 80 : index
          %parallel_loop3A_281 = tpu.vector_load %arg14[%parallel_loop3A_279, %parallel_loop3A_280] {strides = array<i32>} : memref<128x128xf32, #tpu.memory_space<vmem>>, vector<16xf32>,
          %parallel_loop3A_282 = arith.mulf %parallel_loop3A_281, %parallel_loop3A_243 : vector<16xf32>
          %parallel_loop3A_283 = arith.index_cast %parallel_loop3A_234 : i32 to index
          %parallel_loop3A_284 = arith.constant 80 : index
          %parallel_loop3A_285 = tpu.vector_load %arg14[%parallel_loop3A_283, %parallel_loop3A_284] {strides = array<i32>} : memref<128x128xf32, #tpu.memory_space<vmem>>, vector<16xf32>,
          tpu.vector_store %arg14[%parallel_loop3A_283, %parallel_loop3A_284], %parallel_loop3A_282 {strides = array<i32>} : memref<128x128xf32, #tpu.memory_space<vmem>>, vector<16xf32>,
          %parallel_loop3A_286 = arith.index_cast %parallel_loop3A_234 : i32 to index
          %parallel_loop3A_287 = arith.constant 96 : index
          %parallel_loop3A_288 = tpu.vector_load %arg14[%parallel_loop3A_286, %parallel_loop3A_287] {strides = array<i32>} : memref<128x128xf32, #tpu.memory_space<vmem>>, vector<16xf32>,
          %parallel_loop3A_289 = arith.mulf %parallel_loop3A_288, %parallel_loop3A_243 : vector<16xf32>
          %parallel_loop3A_290 = arith.index_cast %parallel_loop3A_234 : i32 to index
          %parallel_loop3A_291 = arith.constant 96 : index
          %parallel_loop3A_292 = tpu.vector_load %arg14[%parallel_loop3A_290, %parallel_loop3A_291] {strides = array<i32>} : memref<128x128xf32, #tpu.memory_space<vmem>>, vector<16xf32>,
          tpu.vector_store %arg14[%parallel_loop3A_290, %parallel_loop3A_291], %parallel_loop3A_289 {strides = array<i32>} : memref<128x128xf32, #tpu.memory_space<vmem>>, vector<16xf32>,
          %parallel_loop3A_293 = arith.index_cast %parallel_loop3A_234 : i32 to index
          %parallel_loop3A_294 = arith.constant 112 : index
          %parallel_loop3A_295 = tpu.vector_load %arg14[%parallel_loop3A_293, %parallel_loop3A_294] {strides = array<i32>} : memref<128x128xf32, #tpu.memory_space<vmem>>, vector<16xf32>,
          %parallel_loop3A_296 = arith.mulf %parallel_loop3A_295, %parallel_loop3A_243 : vector<16xf32>
          %parallel_loop3A_297 = arith.index_cast %parallel_loop3A_234 : i32 to index
          %parallel_loop3A_298 = arith.constant 112 : index
          %parallel_loop3A_299 = tpu.vector_load %arg14[%parallel_loop3A_297, %parallel_loop3A_298] {strides = array<i32>} : memref<128x128xf32, #tpu.memory_space<vmem>>, vector<16xf32>,
          tpu.vector_store %arg14[%parallel_loop3A_297, %parallel_loop3A_298], %parallel_loop3A_296 {strides = array<i32>} : memref<128x128xf32, #tpu.memory_space<vmem>>, vector<16xf32>,
        } {sc.loop_unroll_factor = 4 : i64, sc.parallel_access}
        %dma_start3A_225 = arith.constant 1 : i32
        %dma_start3A_226 = arith.constant 0 : i32
        %dma_start3A_227 = tpu.memref_slice %arg11[%add3A_181, %dma_start3A_226] : memref<40x128xi32, #tpu.memory_space<vmem>> -> memref<1x128xi32, #tpu.memory_space<vmem>>
        %dma_start3A_228 = tpu.memref_squeeze %dma_start3A_227 : memref<1x128xi32, #tpu.memory_space<vmem>> -> memref<128xi32, #tpu.memory_space<vmem>>
        %dma_start3A_229 = arith.constant 0 : i32
        %dma_start3A_230 = arith.constant 0 : i32
        %dma_start3A_231 = tpu.memref_slice %arg9[%dma_start3A_229, %dma_start3A_230] : memref<10000x128xf32, #tpu.memory_space<vmem_shared>> -> memref<10000x128xf32, #tpu.memory_space<vmem_shared>>
        %dma_start3A_232 = tpu.memref_slice %arg16[%dma_start3A_225] : memref<2x!tpu.dma_semaphore, #tpu.memory_space<semaphore_mem>> -> memref<1x!tpu.dma_semaphore, #tpu.memory_space<semaphore_mem>>
        %dma_start3A_233 = tpu.memref_squeeze %dma_start3A_232 : memref<1x!tpu.dma_semaphore, #tpu.memory_space<semaphore_mem>> -> memref<!tpu.dma_semaphore, #tpu.memory_space<semaphore_mem>>
        tpu.enqueue_indirect_dma source(%arg14 : memref<128x128xf32, #tpu.memory_space<vmem>>) target(%dma_start3A_231 : memref<10000x128xf32, #tpu.memory_space<vmem_shared>>) offsets(%dma_start3A_228 : memref<128xi32, #tpu.memory_space<vmem>>) semaphore(%dma_start3A_233 : memref<!tpu.dma_semaphore, #tpu.memory_space<semaphore_mem>>) {add = true}
      }
      %scan3A_56 = arith.constant 20 : i32
      %dma_wait3A_57 = arith.constant 0 : i32
      %dma_wait3A_58 = arith.constant 1 : i32
      %dma_wait3A_59 = arith.constant 0 : i32
      %dma_wait3A_60 = tpu.memref_slice %arg11[%dma_wait3A_57, %dma_wait3A_59] : memref<40x128xi32, #tpu.memory_space<vmem>> -> memref<1x128xi32, #tpu.memory_space<vmem>>
      %dma_wait3A_61 = tpu.memref_squeeze %dma_wait3A_60 : memref<1x128xi32, #tpu.memory_space<vmem>> -> memref<128xi32, #tpu.memory_space<vmem>>
      %dma_wait3A_62 = arith.constant 0 : i32
      %dma_wait3A_63 = arith.constant 0 : i32
      %dma_wait3A_64 = tpu.memref_slice %arg9[%dma_wait3A_62, %dma_wait3A_63] : memref<10000x128xf32, #tpu.memory_space<vmem_shared>> -> memref<10000x128xf32, #tpu.memory_space<vmem_shared>>
      %dma_wait3A_65 = tpu.memref_slice %arg16[%dma_wait3A_58] : memref<2x!tpu.dma_semaphore, #tpu.memory_space<semaphore_mem>> -> memref<1x!tpu.dma_semaphore, #tpu.memory_space<semaphore_mem>>
      %dma_wait3A_66 = tpu.memref_squeeze %dma_wait3A_65 : memref<1x!tpu.dma_semaphore, #tpu.memory_space<semaphore_mem>> -> memref<!tpu.dma_semaphore, #tpu.memory_space<semaphore_mem>>
      tpu.wait_indirect_dma semaphore(%dma_wait3A_66 : memref<!tpu.dma_semaphore, #tpu.memory_space<semaphore_mem>>) src(%arg14 : memref<128x128xf32, #tpu.memory_space<vmem>>) dst(%dma_wait3A_64 : memref<10000x128xf32, #tpu.memory_space<vmem_shared>>)
      %mul3A_67 = arith.constant 2 : i32
      %mul3A_68 = arith.muli %arg1, %mul3A_67 : i32
      %mul3A_69 = arith.constant 5120 : i32
      %mul3A_70 = arith.muli %mul3A_68, %mul3A_69 : i32
      %add3A_71 = arith.constant 5120 : i32
      %add3A_72 = arith.addi %mul3A_70, %add3A_71 : i32
      %multiple_of3A_73 = tpu.assume_multiple %add3A_72, 128 : i32
      %mul3A_74 = arith.constant 2 : i32
      %mul3A_75 = arith.muli %arg1, %mul3A_74 : i32
      %mul3A_76 = arith.constant 40 : i32
      %mul3A_77 = arith.muli %mul3A_75, %mul3A_76 : i32
      %add3A_78 = arith.constant 40 : i32
      %add3A_79 = arith.addi %mul3A_77, %add3A_78 : i32
      %multiple_of3A_80 = tpu.assume_multiple %add3A_79, 8 : i32
      "tpu.region"() ({
        %run_scoped3A = tpu.sem_alloc : memref<!tpu.dma_semaphore, #tpu.memory_space<semaphore_mem>>
        %dma_start3A_124 = tpu.memref_slice %arg4[%multiple_of3A_73] : memref<163840xi32, #tpu.memory_space<hbm>> -> memref<5120xi32, #tpu.memory_space<hbm>>
        %dma_start3A_125 = tpu.memref_slice %arg4[%multiple_of3A_73] : memref<163840xi32, #tpu.memory_space<hbm>> -> memref<5120xi32, #tpu.memory_space<hbm>>
        tpu.enqueue_dma source(%dma_start3A_125 : memref<5120xi32, #tpu.memory_space<hbm>>) target(%arg10 : memref<5120xi32, #tpu.memory_space<vmem>>) target_semaphore(%run_scoped3A : memref<!tpu.dma_semaphore, #tpu.memory_space<semaphore_mem>>)
        %dma_wait3A_126 = tpu.memref_slice %arg4[%multiple_of3A_73] : memref<163840xi32, #tpu.memory_space<hbm>> -> memref<5120xi32, #tpu.memory_space<hbm>>
        %dma_wait3A_127 = tpu.memref_slice %arg4[%multiple_of3A_73] : memref<163840xi32, #tpu.memory_space<hbm>> -> memref<5120xi32, #tpu.memory_space<hbm>>
        tpu.wait_dma2 semaphore(%run_scoped3A : memref<!tpu.dma_semaphore, #tpu.memory_space<semaphore_mem>>) src(%dma_wait3A_127 : memref<5120xi32, #tpu.memory_space<hbm>>) dst(%arg10 : memref<5120xi32, #tpu.memory_space<vmem>>)
        tpu.yield
      }) : () -> ()
      "tpu.region"() ({
        %run_scoped3A = tpu.sem_alloc : memref<!tpu.dma_semaphore, #tpu.memory_space<semaphore_mem>>
        %dma_start3A_124 = arith.constant 0 : i32
        %dma_start3A_125 = tpu.memref_slice %arg5[%multiple_of3A_80, %dma_start3A_124] : memref<1280x128xi32, #tpu.memory_space<hbm>> -> memref<40x128xi32, #tpu.memory_space<hbm>>
        %dma_start3A_126 = arith.constant 0 : i32
        %dma_start3A_127 = tpu.memref_slice %arg5[%multiple_of3A_80, %dma_start3A_126] : memref<1280x128xi32, #tpu.memory_space<hbm>> -> memref<40x128xi32, #tpu.memory_space<hbm>>
        tpu.enqueue_dma source(%dma_start3A_127 : memref<40x128xi32, #tpu.memory_space<hbm>>) target(%arg11 : memref<40x128xi32, #tpu.memory_space<vmem>>) target_semaphore(%run_scoped3A : memref<!tpu.dma_semaphore, #tpu.memory_space<semaphore_mem>>)
        %dma_wait3A_128 = arith.constant 0 : i32
        %dma_wait3A_129 = tpu.memref_slice %arg5[%multiple_of3A_80, %dma_wait3A_128] : memref<1280x128xi32, #tpu.memory_space<hbm>> -> memref<40x128xi32, #tpu.memory_space<hbm>>
        %dma_wait3A_130 = arith.constant 0 : i32
        %dma_wait3A_131 = tpu.memref_slice %arg5[%multiple_of3A_80, %dma_wait3A_130] : memref<1280x128xi32, #tpu.memory_space<hbm>> -> memref<40x128xi32, #tpu.memory_space<hbm>>
        tpu.wait_dma2 semaphore(%run_scoped3A : memref<!tpu.dma_semaphore, #tpu.memory_space<semaphore_mem>>) src(%dma_wait3A_131 : memref<40x128xi32, #tpu.memory_space<hbm>>) dst(%arg11 : memref<40x128xi32, #tpu.memory_space<vmem>>)
        tpu.yield
      }) : () -> ()
      "tpu.region"() ({
        %run_scoped3A = tpu.sem_alloc : memref<!tpu.dma_semaphore, #tpu.memory_space<semaphore_mem>>
        %dma_start3A_124 = tpu.memref_slice %arg6[%multiple_of3A_73] : memref<163840xf32, #tpu.memory_space<hbm>> -> memref<5120xf32, #tpu.memory_space<hbm>>
        %dma_start3A_125 = tpu.memref_slice %arg6[%multiple_of3A_73] : memref<163840xf32, #tpu.memory_space<hbm>> -> memref<5120xf32, #tpu.memory_space<hbm>>
        tpu.enqueue_dma source(%dma_start3A_125 : memref<5120xf32, #tpu.memory_space<hbm>>) target(%arg12 : memref<5120xf32, #tpu.memory_space<vmem>>) target_semaphore(%run_scoped3A : memref<!tpu.dma_semaphore, #tpu.memory_space<semaphore_mem>>)
        %dma_wait3A_126 = tpu.memref_slice %arg6[%multiple_of3A_73] : memref<163840xf32, #tpu.memory_space<hbm>> -> memref<5120xf32, #tpu.memory_space<hbm>>
        %dma_wait3A_127 = tpu.memref_slice %arg6[%multiple_of3A_73] : memref<163840xf32, #tpu.memory_space<hbm>> -> memref<5120xf32, #tpu.memory_space<hbm>>
        tpu.wait_dma2 semaphore(%run_scoped3A : memref<!tpu.dma_semaphore, #tpu.memory_space<semaphore_mem>>) src(%dma_wait3A_127 : memref<5120xf32, #tpu.memory_space<hbm>>) dst(%arg12 : memref<5120xf32, #tpu.memory_space<vmem>>)
        tpu.yield
      }) : () -> ()
      %dma_start3A_81 = arith.constant 0 : i32
      %dma_start3A_82 = arith.constant 0 : i32
      %dma_start3A_83 = arith.constant 0 : i32
      %dma_start3A_84 = tpu.memref_slice %arg13[%dma_start3A_82, %dma_start3A_83] : memref<128x128xf32, #tpu.memory_space<vmem>> -> memref<64x128xf32, #tpu.memory_space<vmem>>
      %dma_start3A_85 = arith.constant 0 : i32
      %dma_start3A_86 = tpu.memref_slice %arg10[%dma_start3A_85] : memref<5120xi32, #tpu.memory_space<vmem>> -> memref<64xi32, #tpu.memory_space<vmem>>
      %dma_start3A_87 = arith.constant 0 : i32
      %dma_start3A_88 = arith.constant 0 : i32
      %dma_start3A_89 = tpu.memref_slice %arg3[%dma_start3A_87, %dma_start3A_88] : memref<10000x128xf32, #tpu.memory_space<hbm>> -> memref<10000x128xf32, #tpu.memory_space<hbm>>
      %dma_start3A_90 = tpu.memref_slice %arg15[%dma_start3A_81] : memref<4x!tpu.dma_semaphore, #tpu.memory_space<semaphore_mem>> -> memref<1x!tpu.dma_semaphore, #tpu.memory_space<semaphore_mem>>
      %dma_start3A_91 = tpu.memref_squeeze %dma_start3A_90 : memref<1x!tpu.dma_semaphore, #tpu.memory_space<semaphore_mem>> -> memref<!tpu.dma_semaphore, #tpu.memory_space<semaphore_mem>>
      tpu.enqueue_indirect_dma source(%dma_start3A_89 : memref<10000x128xf32, #tpu.memory_space<hbm>>) target(%dma_start3A_84 : memref<64x128xf32, #tpu.memory_space<vmem>>) offsets(%dma_start3A_86 : memref<64xi32, #tpu.memory_space<vmem>>) semaphore(%dma_start3A_91 : memref<!tpu.dma_semaphore, #tpu.memory_space<semaphore_mem>>)
      %dma_start3A_92 = arith.constant 1 : i32
      %dma_start3A_93 = arith.constant 64 : i32
      %dma_start3A_94 = arith.constant 0 : i32
      %dma_start3A_95 = tpu.memref_slice %arg13[%dma_start3A_93, %dma_start3A_94] : memref<128x128xf32, #tpu.memory_space<vmem>> -> memref<64x128xf32, #tpu.memory_space<vmem>>
      %dma_start3A_96 = arith.constant 64 : i32
      %dma_start3A_97 = tpu.memref_slice %arg10[%dma_start3A_96] : memref<5120xi32, #tpu.memory_space<vmem>> -> memref<64xi32, #tpu.memory_space<vmem>>
      %dma_start3A_98 = arith.constant 0 : i32
      %dma_start3A_99 = arith.constant 0 : i32
      %dma_start3A_100 = tpu.memref_slice %arg3[%dma_start3A_98, %dma_start3A_99] : memref<10000x128xf32, #tpu.memory_space<hbm>> -> memref<10000x128xf32, #tpu.memory_space<hbm>>
      %dma_start3A_101 = tpu.memref_slice %arg15[%dma_start3A_92] : memref<4x!tpu.dma_semaphore, #tpu.memory_space<semaphore_mem>> -> memref<1x!tpu.dma_semaphore, #tpu.memory_space<semaphore_mem>>
      %dma_start3A_102 = tpu.memref_squeeze %dma_start3A_101 : memref<1x!tpu.dma_semaphore, #tpu.memory_space<semaphore_mem>> -> memref<!tpu.dma_semaphore, #tpu.memory_space<semaphore_mem>>
      tpu.enqueue_indirect_dma source(%dma_start3A_100 : memref<10000x128xf32, #tpu.memory_space<hbm>>) target(%dma_start3A_95 : memref<64x128xf32, #tpu.memory_space<vmem>>) offsets(%dma_start3A_97 : memref<64xi32, #tpu.memory_space<vmem>>) semaphore(%dma_start3A_102 : memref<!tpu.dma_semaphore, #tpu.memory_space<semaphore_mem>>)
      %scan3A_103 = arith.constant 0 : i32
      %scan3A_104 = arith.constant 20 : i32
      %scan3A_105 = arith.addi %scan3A_103, %scan3A_104 : i32
      %scan3A_106 = arith.constant 1 : i32
      scf.for %scan3A_124 = %scan3A_103 to %scan3A_105 step %scan3A_106  : i32 {
        %mul3A_125 = arith.constant 2 : i32
        %mul3A_126 = arith.muli %scan3A_124, %mul3A_125 : i32
        %add3A_127 = arith.constant 0 : i32
        %add3A_128 = arith.addi %add3A_127, %mul3A_126 : i32
        %add3A_129 = arith.constant 0 : i32
        %add3A_130 = arith.addi %add3A_128, %add3A_129 : i32
        %ge3A = arith.constant 1 : i32
        %ge3A_131 = arith.cmpi sge, %add3A_130, %ge3A : i32
        %convert_element_type3A_132 = arith.extui %ge3A_131 : i1 to i32
        %cond3A_133 = arith.constant 0 : i32
        %cond3A_134 = arith.cmpi ne, %convert_element_type3A_132, %cond3A_133 : i32
        scf.if %cond3A_134 {
          %dma_wait3A_234 = arith.constant 0 : i32
          %dma_wait3A_235 = arith.constant 1 : i32
          %dma_wait3A_236 = arith.constant 0 : i32
          %dma_wait3A_237 = tpu.memref_slice %arg11[%dma_wait3A_234, %dma_wait3A_236] : memref<40x128xi32, #tpu.memory_space<vmem>> -> memref<1x128xi32, #tpu.memory_space<vmem>>
          %dma_wait3A_238 = tpu.memref_squeeze %dma_wait3A_237 : memref<1x128xi32, #tpu.memory_space<vmem>> -> memref<128xi32, #tpu.memory_space<vmem>>
          %dma_wait3A_239 = arith.constant 0 : i32
          %dma_wait3A_240 = arith.constant 0 : i32
          %dma_wait3A_241 = tpu.memref_slice %arg9[%dma_wait3A_239, %dma_wait3A_240] : memref<10000x128xf32, #tpu.memory_space<vmem_shared>> -> memref<10000x128xf32, #tpu.memory_space<vmem_shared>>
          %dma_wait3A_242 = tpu.memref_slice %arg16[%dma_wait3A_235] : memref<2x!tpu.dma_semaphore, #tpu.memory_space<semaphore_mem>> -> memref<1x!tpu.dma_semaphore, #tpu.memory_space<semaphore_mem>>
          %dma_wait3A_243 = tpu.memref_squeeze %dma_wait3A_242 : memref<1x!tpu.dma_semaphore, #tpu.memory_space<semaphore_mem>> -> memref<!tpu.dma_semaphore, #tpu.memory_space<semaphore_mem>>
          tpu.wait_indirect_dma semaphore(%dma_wait3A_243 : memref<!tpu.dma_semaphore, #tpu.memory_space<semaphore_mem>>) src(%arg14 : memref<128x128xf32, #tpu.memory_space<vmem>>) dst(%dma_wait3A_241 : memref<10000x128xf32, #tpu.memory_space<vmem_shared>>)
        } else {
        }
        %add3A_135 = arith.constant 1 : i32
        %add3A_136 = arith.addi %add3A_130, %add3A_135 : i32
        %lt3A = arith.constant 40 : i32
        %lt3A_137 = arith.cmpi slt, %add3A_136, %lt3A : i32
        %convert_element_type3A_138 = arith.extui %lt3A_137 : i1 to i32
        %cond3A_139 = arith.constant 0 : i32
        %cond3A_140 = arith.cmpi ne, %convert_element_type3A_138, %cond3A_139 : i32
        scf.if %cond3A_140 {
          %add3A_234 = arith.constant 1 : i32
          %add3A_235 = arith.addi %add3A_130, %add3A_234 : i32
          %mul3A_236 = arith.constant 128 : i32
          %mul3A_237 = arith.muli %add3A_235, %mul3A_236 : i32
          %add3A_238 = arith.constant 0 : i32
          %add3A_239 = arith.addi %mul3A_237, %add3A_238 : i32
          %dma_start3A_240 = arith.constant 2 : i32
          %dma_start3A_241 = arith.constant 0 : i32
          %dma_start3A_242 = arith.constant 0 : i32
          %dma_start3A_243 = tpu.memref_slice %arg14[%dma_start3A_241, %dma_start3A_242] : memref<128x128xf32, #tpu.memory_space<vmem>> -> memref<64x128xf32, #tpu.memory_space<vmem>>
          %dma_start3A_244 = tpu.memref_slice %arg10[%add3A_239] : memref<5120xi32, #tpu.memory_space<vmem>> -> memref<64xi32, #tpu.memory_space<vmem>>
          %dma_start3A_245 = arith.constant 0 : i32
          %dma_start3A_246 = arith.constant 0 : i32
          %dma_start3A_247 = tpu.memref_slice %arg3[%dma_start3A_245, %dma_start3A_246] : memref<10000x128xf32, #tpu.memory_space<hbm>> -> memref<10000x128xf32, #tpu.memory_space<hbm>>
          %dma_start3A_248 = tpu.memref_slice %arg15[%dma_start3A_240] : memref<4x!tpu.dma_semaphore, #tpu.memory_space<semaphore_mem>> -> memref<1x!tpu.dma_semaphore, #tpu.memory_space<semaphore_mem>>
          %dma_start3A_249 = tpu.memref_squeeze %dma_start3A_248 : memref<1x!tpu.dma_semaphore, #tpu.memory_space<semaphore_mem>> -> memref<!tpu.dma_semaphore, #tpu.memory_space<semaphore_mem>>
          tpu.enqueue_indirect_dma source(%dma_start3A_247 : memref<10000x128xf32, #tpu.memory_space<hbm>>) target(%dma_start3A_243 : memref<64x128xf32, #tpu.memory_space<vmem>>) offsets(%dma_start3A_244 : memref<64xi32, #tpu.memory_space<vmem>>) semaphore(%dma_start3A_249 : memref<!tpu.dma_semaphore, #tpu.memory_space<semaphore_mem>>)
          %mul3A_250 = arith.constant 128 : i32
          %mul3A_251 = arith.muli %add3A_235, %mul3A_250 : i32
          %add3A_252 = arith.constant 64 : i32
          %add3A_253 = arith.addi %mul3A_251, %add3A_252 : i32
          %dma_start3A_254 = arith.constant 3 : i32
          %dma_start3A_255 = arith.constant 64 : i32
          %dma_start3A_256 = arith.constant 0 : i32
          %dma_start3A_257 = tpu.memref_slice %arg14[%dma_start3A_255, %dma_start3A_256] : memref<128x128xf32, #tpu.memory_space<vmem>> -> memref<64x128xf32, #tpu.memory_space<vmem>>
          %dma_start3A_258 = tpu.memref_slice %arg10[%add3A_253] : memref<5120xi32, #tpu.memory_space<vmem>> -> memref<64xi32, #tpu.memory_space<vmem>>
          %dma_start3A_259 = arith.constant 0 : i32
          %dma_start3A_260 = arith.constant 0 : i32
          %dma_start3A_261 = tpu.memref_slice %arg3[%dma_start3A_259, %dma_start3A_260] : memref<10000x128xf32, #tpu.memory_space<hbm>> -> memref<10000x128xf32, #tpu.memory_space<hbm>>
          %dma_start3A_262 = tpu.memref_slice %arg15[%dma_start3A_254] : memref<4x!tpu.dma_semaphore, #tpu.memory_space<semaphore_mem>> -> memref<1x!tpu.dma_semaphore, #tpu.memory_space<semaphore_mem>>
          %dma_start3A_263 = tpu.memref_squeeze %dma_start3A_262 : memref<1x!tpu.dma_semaphore, #tpu.memory_space<semaphore_mem>> -> memref<!tpu.dma_semaphore, #tpu.memory_space<semaphore_mem>>
          tpu.enqueue_indirect_dma source(%dma_start3A_261 : memref<10000x128xf32, #tpu.memory_space<hbm>>) target(%dma_start3A_257 : memref<64x128xf32, #tpu.memory_space<vmem>>) offsets(%dma_start3A_258 : memref<64xi32, #tpu.memory_space<vmem>>) semaphore(%dma_start3A_263 : memref<!tpu.dma_semaphore, #tpu.memory_space<semaphore_mem>>)
        } else {
        }
        %mul3A_141 = arith.constant 128 : i32
        %mul3A_142 = arith.muli %add3A_130, %mul3A_141 : i32
        %add3A_143 = arith.constant 0 : i32
        %add3A_144 = arith.addi %mul3A_142, %add3A_143 : i32
        %dma_wait3A_145 = arith.constant 0 : i32
        %dma_wait3A_146 = arith.constant 0 : i32
        %dma_wait3A_147 = arith.constant 0 : i32
        %dma_wait3A_148 = tpu.memref_slice %arg13[%dma_wait3A_146, %dma_wait3A_147] : memref<128x128xf32, #tpu.memory_space<vmem>> -> memref<64x128xf32, #tpu.memory_space<vmem>>
        %dma_wait3A_149 = tpu.memref_slice %arg10[%add3A_144] : memref<5120xi32, #tpu.memory_space<vmem>> -> memref<64xi32, #tpu.memory_space<vmem>>
        %dma_wait3A_150 = arith.constant 0 : i32
        %dma_wait3A_151 = arith.constant 0 : i32
        %dma_wait3A_152 = tpu.memref_slice %arg3[%dma_wait3A_150, %dma_wait3A_151] : memref<10000x128xf32, #tpu.memory_space<hbm>> -> memref<10000x128xf32, #tpu.memory_space<hbm>>
        %dma_wait3A_153 = tpu.memref_slice %arg15[%dma_wait3A_145] : memref<4x!tpu.dma_semaphore, #tpu.memory_space<semaphore_mem>> -> memref<1x!tpu.dma_semaphore, #tpu.memory_space<semaphore_mem>>
        %dma_wait3A_154 = tpu.memref_squeeze %dma_wait3A_153 : memref<1x!tpu.dma_semaphore, #tpu.memory_space<semaphore_mem>> -> memref<!tpu.dma_semaphore, #tpu.memory_space<semaphore_mem>>
        tpu.wait_indirect_dma semaphore(%dma_wait3A_154 : memref<!tpu.dma_semaphore, #tpu.memory_space<semaphore_mem>>) src(%dma_wait3A_152 : memref<10000x128xf32, #tpu.memory_space<hbm>>) dst(%dma_wait3A_148 : memref<64x128xf32, #tpu.memory_space<vmem>>)
        %mul3A_155 = arith.constant 128 : i32
        %mul3A_156 = arith.muli %add3A_130, %mul3A_155 : i32
        %add3A_157 = arith.constant 64 : i32
        %add3A_158 = arith.addi %mul3A_156, %add3A_157 : i32
        %dma_wait3A_159 = arith.constant 1 : i32
        %dma_wait3A_160 = arith.constant 64 : i32
        %dma_wait3A_161 = arith.constant 0 : i32
        %dma_wait3A_162 = tpu.memref_slice %arg13[%dma_wait3A_160, %dma_wait3A_161] : memref<128x128xf32, #tpu.memory_space<vmem>> -> memref<64x128xf32, #tpu.memory_space<vmem>>
        %dma_wait3A_163 = tpu.memref_slice %arg10[%add3A_158] : memref<5120xi32, #tpu.memory_space<vmem>> -> memref<64xi32, #tpu.memory_space<vmem>>
        %dma_wait3A_164 = arith.constant 0 : i32
        %dma_wait3A_165 = arith.constant 0 : i32
        %dma_wait3A_166 = tpu.memref_slice %arg3[%dma_wait3A_164, %dma_wait3A_165] : memref<10000x128xf32, #tpu.memory_space<hbm>> -> memref<10000x128xf32, #tpu.memory_space<hbm>>
        %dma_wait3A_167 = tpu.memref_slice %arg15[%dma_wait3A_159] : memref<4x!tpu.dma_semaphore, #tpu.memory_space<semaphore_mem>> -> memref<1x!tpu.dma_semaphore, #tpu.memory_space<semaphore_mem>>
        %dma_wait3A_168 = tpu.memref_squeeze %dma_wait3A_167 : memref<1x!tpu.dma_semaphore, #tpu.memory_space<semaphore_mem>> -> memref<!tpu.dma_semaphore, #tpu.memory_space<semaphore_mem>>
        tpu.wait_indirect_dma semaphore(%dma_wait3A_168 : memref<!tpu.dma_semaphore, #tpu.memory_space<semaphore_mem>>) src(%dma_wait3A_166 : memref<10000x128xf32, #tpu.memory_space<hbm>>) dst(%dma_wait3A_162 : memref<64x128xf32, #tpu.memory_space<vmem>>)
        %parallel_loop3A = arith.constant 0 : i32
        %parallel_loop3A_169 = arith.constant 128 : i32
        %parallel_loop3A_170 = arith.constant 1 : i32
        scf.for %parallel_loop3A_234 = %parallel_loop3A to %parallel_loop3A_169 step %parallel_loop3A_170  : i32 {
          %parallel_loop3A_235 = arith.constant 0 : i32
          %parallel_loop3A_236 = vector.broadcast %parallel_loop3A_235 : i32 to vector<16xi32>
          %parallel_loop3A_237 = arith.constant 128 : i32
          %parallel_loop3A_238 = arith.muli %add3A_130, %parallel_loop3A_237 : i32
          %parallel_loop3A_239 = vector.broadcast %parallel_loop3A_238 : i32 to vector<16xi32>
          %parallel_loop3A_240 = arith.addi %parallel_loop3A_236, %parallel_loop3A_239 : vector<16xi32>
          %parallel_loop3A_241 = vector.broadcast %parallel_loop3A_234 : i32 to vector<16xi32>
          %parallel_loop3A_242 = arith.addi %parallel_loop3A_240, %parallel_loop3A_241 : vector<16xi32>
          %parallel_loop3A_243 = tpu.vector_load_idx %arg12[%parallel_loop3A_242] : memref<5120xf32, #tpu.memory_space<vmem>>[vector<16xi32>], vector<16xf32>,
          %parallel_loop3A_244 = arith.index_cast %parallel_loop3A_234 : i32 to index
          %parallel_loop3A_245 = arith.constant 0 : index
          %parallel_loop3A_246 = tpu.vector_load %arg13[%parallel_loop3A_244, %parallel_loop3A_245] {strides = array<i32>} : memref<128x128xf32, #tpu.memory_space<vmem>>, vector<16xf32>,
          %parallel_loop3A_247 = arith.mulf %parallel_loop3A_246, %parallel_loop3A_243 : vector<16xf32>
          %parallel_loop3A_248 = arith.index_cast %parallel_loop3A_234 : i32 to index
          %parallel_loop3A_249 = arith.constant 0 : index
          %parallel_loop3A_250 = tpu.vector_load %arg13[%parallel_loop3A_248, %parallel_loop3A_249] {strides = array<i32>} : memref<128x128xf32, #tpu.memory_space<vmem>>, vector<16xf32>,
          tpu.vector_store %arg13[%parallel_loop3A_248, %parallel_loop3A_249], %parallel_loop3A_247 {strides = array<i32>} : memref<128x128xf32, #tpu.memory_space<vmem>>, vector<16xf32>,
          %parallel_loop3A_251 = arith.index_cast %parallel_loop3A_234 : i32 to index
          %parallel_loop3A_252 = arith.constant 16 : index
          %parallel_loop3A_253 = tpu.vector_load %arg13[%parallel_loop3A_251, %parallel_loop3A_252] {strides = array<i32>} : memref<128x128xf32, #tpu.memory_space<vmem>>, vector<16xf32>,
          %parallel_loop3A_254 = arith.mulf %parallel_loop3A_253, %parallel_loop3A_243 : vector<16xf32>
          %parallel_loop3A_255 = arith.index_cast %parallel_loop3A_234 : i32 to index
          %parallel_loop3A_256 = arith.constant 16 : index
          %parallel_loop3A_257 = tpu.vector_load %arg13[%parallel_loop3A_255, %parallel_loop3A_256] {strides = array<i32>} : memref<128x128xf32, #tpu.memory_space<vmem>>, vector<16xf32>,
          tpu.vector_store %arg13[%parallel_loop3A_255, %parallel_loop3A_256], %parallel_loop3A_254 {strides = array<i32>} : memref<128x128xf32, #tpu.memory_space<vmem>>, vector<16xf32>,
          %parallel_loop3A_258 = arith.index_cast %parallel_loop3A_234 : i32 to index
          %parallel_loop3A_259 = arith.constant 32 : index
          %parallel_loop3A_260 = tpu.vector_load %arg13[%parallel_loop3A_258, %parallel_loop3A_259] {strides = array<i32>} : memref<128x128xf32, #tpu.memory_space<vmem>>, vector<16xf32>,
          %parallel_loop3A_261 = arith.mulf %parallel_loop3A_260, %parallel_loop3A_243 : vector<16xf32>
          %parallel_loop3A_262 = arith.index_cast %parallel_loop3A_234 : i32 to index
          %parallel_loop3A_263 = arith.constant 32 : index
          %parallel_loop3A_264 = tpu.vector_load %arg13[%parallel_loop3A_262, %parallel_loop3A_263] {strides = array<i32>} : memref<128x128xf32, #tpu.memory_space<vmem>>, vector<16xf32>,
          tpu.vector_store %arg13[%parallel_loop3A_262, %parallel_loop3A_263], %parallel_loop3A_261 {strides = array<i32>} : memref<128x128xf32, #tpu.memory_space<vmem>>, vector<16xf32>,
          %parallel_loop3A_265 = arith.index_cast %parallel_loop3A_234 : i32 to index
          %parallel_loop3A_266 = arith.constant 48 : index
          %parallel_loop3A_267 = tpu.vector_load %arg13[%parallel_loop3A_265, %parallel_loop3A_266] {strides = array<i32>} : memref<128x128xf32, #tpu.memory_space<vmem>>, vector<16xf32>,
          %parallel_loop3A_268 = arith.mulf %parallel_loop3A_267, %parallel_loop3A_243 : vector<16xf32>
          %parallel_loop3A_269 = arith.index_cast %parallel_loop3A_234 : i32 to index
          %parallel_loop3A_270 = arith.constant 48 : index
          %parallel_loop3A_271 = tpu.vector_load %arg13[%parallel_loop3A_269, %parallel_loop3A_270] {strides = array<i32>} : memref<128x128xf32, #tpu.memory_space<vmem>>, vector<16xf32>,
          tpu.vector_store %arg13[%parallel_loop3A_269, %parallel_loop3A_270], %parallel_loop3A_268 {strides = array<i32>} : memref<128x128xf32, #tpu.memory_space<vmem>>, vector<16xf32>,
          %parallel_loop3A_272 = arith.index_cast %parallel_loop3A_234 : i32 to index
          %parallel_loop3A_273 = arith.constant 64 : index
          %parallel_loop3A_274 = tpu.vector_load %arg13[%parallel_loop3A_272, %parallel_loop3A_273] {strides = array<i32>} : memref<128x128xf32, #tpu.memory_space<vmem>>, vector<16xf32>,
          %parallel_loop3A_275 = arith.mulf %parallel_loop3A_274, %parallel_loop3A_243 : vector<16xf32>
          %parallel_loop3A_276 = arith.index_cast %parallel_loop3A_234 : i32 to index
          %parallel_loop3A_277 = arith.constant 64 : index
          %parallel_loop3A_278 = tpu.vector_load %arg13[%parallel_loop3A_276, %parallel_loop3A_277] {strides = array<i32>} : memref<128x128xf32, #tpu.memory_space<vmem>>, vector<16xf32>,
          tpu.vector_store %arg13[%parallel_loop3A_276, %parallel_loop3A_277], %parallel_loop3A_275 {strides = array<i32>} : memref<128x128xf32, #tpu.memory_space<vmem>>, vector<16xf32>,
          %parallel_loop3A_279 = arith.index_cast %parallel_loop3A_234 : i32 to index
          %parallel_loop3A_280 = arith.constant 80 : index
          %parallel_loop3A_281 = tpu.vector_load %arg13[%parallel_loop3A_279, %parallel_loop3A_280] {strides = array<i32>} : memref<128x128xf32, #tpu.memory_space<vmem>>, vector<16xf32>,
          %parallel_loop3A_282 = arith.mulf %parallel_loop3A_281, %parallel_loop3A_243 : vector<16xf32>
          %parallel_loop3A_283 = arith.index_cast %parallel_loop3A_234 : i32 to index
          %parallel_loop3A_284 = arith.constant 80 : index
          %parallel_loop3A_285 = tpu.vector_load %arg13[%parallel_loop3A_283, %parallel_loop3A_284] {strides = array<i32>} : memref<128x128xf32, #tpu.memory_space<vmem>>, vector<16xf32>,
          tpu.vector_store %arg13[%parallel_loop3A_283, %parallel_loop3A_284], %parallel_loop3A_282 {strides = array<i32>} : memref<128x128xf32, #tpu.memory_space<vmem>>, vector<16xf32>,
          %parallel_loop3A_286 = arith.index_cast %parallel_loop3A_234 : i32 to index
          %parallel_loop3A_287 = arith.constant 96 : index
          %parallel_loop3A_288 = tpu.vector_load %arg13[%parallel_loop3A_286, %parallel_loop3A_287] {strides = array<i32>} : memref<128x128xf32, #tpu.memory_space<vmem>>, vector<16xf32>,
          %parallel_loop3A_289 = arith.mulf %parallel_loop3A_288, %parallel_loop3A_243 : vector<16xf32>
          %parallel_loop3A_290 = arith.index_cast %parallel_loop3A_234 : i32 to index
          %parallel_loop3A_291 = arith.constant 96 : index
          %parallel_loop3A_292 = tpu.vector_load %arg13[%parallel_loop3A_290, %parallel_loop3A_291] {strides = array<i32>} : memref<128x128xf32, #tpu.memory_space<vmem>>, vector<16xf32>,
          tpu.vector_store %arg13[%parallel_loop3A_290, %parallel_loop3A_291], %parallel_loop3A_289 {strides = array<i32>} : memref<128x128xf32, #tpu.memory_space<vmem>>, vector<16xf32>,
          %parallel_loop3A_293 = arith.index_cast %parallel_loop3A_234 : i32 to index
          %parallel_loop3A_294 = arith.constant 112 : index
          %parallel_loop3A_295 = tpu.vector_load %arg13[%parallel_loop3A_293, %parallel_loop3A_294] {strides = array<i32>} : memref<128x128xf32, #tpu.memory_space<vmem>>, vector<16xf32>,
          %parallel_loop3A_296 = arith.mulf %parallel_loop3A_295, %parallel_loop3A_243 : vector<16xf32>
          %parallel_loop3A_297 = arith.index_cast %parallel_loop3A_234 : i32 to index
          %parallel_loop3A_298 = arith.constant 112 : index
          %parallel_loop3A_299 = tpu.vector_load %arg13[%parallel_loop3A_297, %parallel_loop3A_298] {strides = array<i32>} : memref<128x128xf32, #tpu.memory_space<vmem>>, vector<16xf32>,
          tpu.vector_store %arg13[%parallel_loop3A_297, %parallel_loop3A_298], %parallel_loop3A_296 {strides = array<i32>} : memref<128x128xf32, #tpu.memory_space<vmem>>, vector<16xf32>,
        } {sc.loop_unroll_factor = 4 : i64, sc.parallel_access}
        %dma_start3A_171 = arith.constant 0 : i32
        %dma_start3A_172 = arith.constant 0 : i32
        %dma_start3A_173 = tpu.memref_slice %arg11[%add3A_130, %dma_start3A_172] : memref<40x128xi32, #tpu.memory_space<vmem>> -> memref<1x128xi32, #tpu.memory_space<vmem>>
        %dma_start3A_174 = tpu.memref_squeeze %dma_start3A_173 : memref<1x128xi32, #tpu.memory_space<vmem>> -> memref<128xi32, #tpu.memory_space<vmem>>
        %dma_start3A_175 = arith.constant 0 : i32
        %dma_start3A_176 = arith.constant 0 : i32
        %dma_start3A_177 = tpu.memref_slice %arg9[%dma_start3A_175, %dma_start3A_176] : memref<10000x128xf32, #tpu.memory_space<vmem_shared>> -> memref<10000x128xf32, #tpu.memory_space<vmem_shared>>
        %dma_start3A_178 = tpu.memref_slice %arg16[%dma_start3A_171] : memref<2x!tpu.dma_semaphore, #tpu.memory_space<semaphore_mem>> -> memref<1x!tpu.dma_semaphore, #tpu.memory_space<semaphore_mem>>
        %dma_start3A_179 = tpu.memref_squeeze %dma_start3A_178 : memref<1x!tpu.dma_semaphore, #tpu.memory_space<semaphore_mem>> -> memref<!tpu.dma_semaphore, #tpu.memory_space<semaphore_mem>>
        tpu.enqueue_indirect_dma source(%arg13 : memref<128x128xf32, #tpu.memory_space<vmem>>) target(%dma_start3A_177 : memref<10000x128xf32, #tpu.memory_space<vmem_shared>>) offsets(%dma_start3A_174 : memref<128xi32, #tpu.memory_space<vmem>>) semaphore(%dma_start3A_179 : memref<!tpu.dma_semaphore, #tpu.memory_space<semaphore_mem>>) {add = true}
        %add3A_180 = arith.constant 1 : i32
        %add3A_181 = arith.addi %add3A_128, %add3A_180 : i32
        %ge3A_182 = arith.constant 1 : i32
        %ge3A_183 = arith.cmpi sge, %add3A_181, %ge3A_182 : i32
        %convert_element_type3A_184 = arith.extui %ge3A_183 : i1 to i32
        %cond3A_185 = arith.constant 0 : i32
        %cond3A_186 = arith.cmpi ne, %convert_element_type3A_184, %cond3A_185 : i32
        scf.if %cond3A_186 {
          %dma_wait3A_234 = arith.constant 0 : i32
          %dma_wait3A_235 = arith.constant 0 : i32
          %dma_wait3A_236 = arith.constant 0 : i32
          %dma_wait3A_237 = tpu.memref_slice %arg11[%dma_wait3A_234, %dma_wait3A_236] : memref<40x128xi32, #tpu.memory_space<vmem>> -> memref<1x128xi32, #tpu.memory_space<vmem>>
          %dma_wait3A_238 = tpu.memref_squeeze %dma_wait3A_237 : memref<1x128xi32, #tpu.memory_space<vmem>> -> memref<128xi32, #tpu.memory_space<vmem>>
          %dma_wait3A_239 = arith.constant 0 : i32
          %dma_wait3A_240 = arith.constant 0 : i32
          %dma_wait3A_241 = tpu.memref_slice %arg9[%dma_wait3A_239, %dma_wait3A_240] : memref<10000x128xf32, #tpu.memory_space<vmem_shared>> -> memref<10000x128xf32, #tpu.memory_space<vmem_shared>>
          %dma_wait3A_242 = tpu.memref_slice %arg16[%dma_wait3A_235] : memref<2x!tpu.dma_semaphore, #tpu.memory_space<semaphore_mem>> -> memref<1x!tpu.dma_semaphore, #tpu.memory_space<semaphore_mem>>
          %dma_wait3A_243 = tpu.memref_squeeze %dma_wait3A_242 : memref<1x!tpu.dma_semaphore, #tpu.memory_space<semaphore_mem>> -> memref<!tpu.dma_semaphore, #tpu.memory_space<semaphore_mem>>
          tpu.wait_indirect_dma semaphore(%dma_wait3A_243 : memref<!tpu.dma_semaphore, #tpu.memory_space<semaphore_mem>>) src(%arg13 : memref<128x128xf32, #tpu.memory_space<vmem>>) dst(%dma_wait3A_241 : memref<10000x128xf32, #tpu.memory_space<vmem_shared>>)
        } else {
        }
        %add3A_187 = arith.constant 1 : i32
        %add3A_188 = arith.addi %add3A_181, %add3A_187 : i32
        %lt3A_189 = arith.constant 40 : i32
        %lt3A_190 = arith.cmpi slt, %add3A_188, %lt3A_189 : i32
        %convert_element_type3A_191 = arith.extui %lt3A_190 : i1 to i32
        %cond3A_192 = arith.constant 0 : i32
        %cond3A_193 = arith.cmpi ne, %convert_element_type3A_191, %cond3A_192 : i32
        scf.if %cond3A_193 {
          %add3A_234 = arith.constant 1 : i32
          %add3A_235 = arith.addi %add3A_181, %add3A_234 : i32
          %mul3A_236 = arith.constant 128 : i32
          %mul3A_237 = arith.muli %add3A_235, %mul3A_236 : i32
          %add3A_238 = arith.constant 0 : i32
          %add3A_239 = arith.addi %mul3A_237, %add3A_238 : i32
          %dma_start3A_240 = arith.constant 0 : i32
          %dma_start3A_241 = arith.constant 0 : i32
          %dma_start3A_242 = arith.constant 0 : i32
          %dma_start3A_243 = tpu.memref_slice %arg13[%dma_start3A_241, %dma_start3A_242] : memref<128x128xf32, #tpu.memory_space<vmem>> -> memref<64x128xf32, #tpu.memory_space<vmem>>
          %dma_start3A_244 = tpu.memref_slice %arg10[%add3A_239] : memref<5120xi32, #tpu.memory_space<vmem>> -> memref<64xi32, #tpu.memory_space<vmem>>
          %dma_start3A_245 = arith.constant 0 : i32
          %dma_start3A_246 = arith.constant 0 : i32
          %dma_start3A_247 = tpu.memref_slice %arg3[%dma_start3A_245, %dma_start3A_246] : memref<10000x128xf32, #tpu.memory_space<hbm>> -> memref<10000x128xf32, #tpu.memory_space<hbm>>
          %dma_start3A_248 = tpu.memref_slice %arg15[%dma_start3A_240] : memref<4x!tpu.dma_semaphore, #tpu.memory_space<semaphore_mem>> -> memref<1x!tpu.dma_semaphore, #tpu.memory_space<semaphore_mem>>
          %dma_start3A_249 = tpu.memref_squeeze %dma_start3A_248 : memref<1x!tpu.dma_semaphore, #tpu.memory_space<semaphore_mem>> -> memref<!tpu.dma_semaphore, #tpu.memory_space<semaphore_mem>>
          tpu.enqueue_indirect_dma source(%dma_start3A_247 : memref<10000x128xf32, #tpu.memory_space<hbm>>) target(%dma_start3A_243 : memref<64x128xf32, #tpu.memory_space<vmem>>) offsets(%dma_start3A_244 : memref<64xi32, #tpu.memory_space<vmem>>) semaphore(%dma_start3A_249 : memref<!tpu.dma_semaphore, #tpu.memory_space<semaphore_mem>>)
          %mul3A_250 = arith.constant 128 : i32
          %mul3A_251 = arith.muli %add3A_235, %mul3A_250 : i32
          %add3A_252 = arith.constant 64 : i32
          %add3A_253 = arith.addi %mul3A_251, %add3A_252 : i32
          %dma_start3A_254 = arith.constant 1 : i32
          %dma_start3A_255 = arith.constant 64 : i32
          %dma_start3A_256 = arith.constant 0 : i32
          %dma_start3A_257 = tpu.memref_slice %arg13[%dma_start3A_255, %dma_start3A_256] : memref<128x128xf32, #tpu.memory_space<vmem>> -> memref<64x128xf32, #tpu.memory_space<vmem>>
          %dma_start3A_258 = tpu.memref_slice %arg10[%add3A_253] : memref<5120xi32, #tpu.memory_space<vmem>> -> memref<64xi32, #tpu.memory_space<vmem>>
          %dma_start3A_259 = arith.constant 0 : i32
          %dma_start3A_260 = arith.constant 0 : i32
          %dma_start3A_261 = tpu.memref_slice %arg3[%dma_start3A_259, %dma_start3A_260] : memref<10000x128xf32, #tpu.memory_space<hbm>> -> memref<10000x128xf32, #tpu.memory_space<hbm>>
          %dma_start3A_262 = tpu.memref_slice %arg15[%dma_start3A_254] : memref<4x!tpu.dma_semaphore, #tpu.memory_space<semaphore_mem>> -> memref<1x!tpu.dma_semaphore, #tpu.memory_space<semaphore_mem>>
          %dma_start3A_263 = tpu.memref_squeeze %dma_start3A_262 : memref<1x!tpu.dma_semaphore, #tpu.memory_space<semaphore_mem>> -> memref<!tpu.dma_semaphore, #tpu.memory_space<semaphore_mem>>
          tpu.enqueue_indirect_dma source(%dma_start3A_261 : memref<10000x128xf32, #tpu.memory_space<hbm>>) target(%dma_start3A_257 : memref<64x128xf32, #tpu.memory_space<vmem>>) offsets(%dma_start3A_258 : memref<64xi32, #tpu.memory_space<vmem>>) semaphore(%dma_start3A_263 : memref<!tpu.dma_semaphore, #tpu.memory_space<semaphore_mem>>)
        } else {
        }
        %mul3A_194 = arith.constant 128 : i32
        %mul3A_195 = arith.muli %add3A_181, %mul3A_194 : i32
        %add3A_196 = arith.constant 0 : i32
        %add3A_197 = arith.addi %mul3A_195, %add3A_196 : i32
        %dma_wait3A_198 = arith.constant 2 : i32
        %dma_wait3A_199 = arith.constant 0 : i32
        %dma_wait3A_200 = arith.constant 0 : i32
        %dma_wait3A_201 = tpu.memref_slice %arg14[%dma_wait3A_199, %dma_wait3A_200] : memref<128x128xf32, #tpu.memory_space<vmem>> -> memref<64x128xf32, #tpu.memory_space<vmem>>
        %dma_wait3A_202 = tpu.memref_slice %arg10[%add3A_197] : memref<5120xi32, #tpu.memory_space<vmem>> -> memref<64xi32, #tpu.memory_space<vmem>>
        %dma_wait3A_203 = arith.constant 0 : i32
        %dma_wait3A_204 = arith.constant 0 : i32
        %dma_wait3A_205 = tpu.memref_slice %arg3[%dma_wait3A_203, %dma_wait3A_204] : memref<10000x128xf32, #tpu.memory_space<hbm>> -> memref<10000x128xf32, #tpu.memory_space<hbm>>
        %dma_wait3A_206 = tpu.memref_slice %arg15[%dma_wait3A_198] : memref<4x!tpu.dma_semaphore, #tpu.memory_space<semaphore_mem>> -> memref<1x!tpu.dma_semaphore, #tpu.memory_space<semaphore_mem>>
        %dma_wait3A_207 = tpu.memref_squeeze %dma_wait3A_206 : memref<1x!tpu.dma_semaphore, #tpu.memory_space<semaphore_mem>> -> memref<!tpu.dma_semaphore, #tpu.memory_space<semaphore_mem>>
        tpu.wait_indirect_dma semaphore(%dma_wait3A_207 : memref<!tpu.dma_semaphore, #tpu.memory_space<semaphore_mem>>) src(%dma_wait3A_205 : memref<10000x128xf32, #tpu.memory_space<hbm>>) dst(%dma_wait3A_201 : memref<64x128xf32, #tpu.memory_space<vmem>>)
        %mul3A_208 = arith.constant 128 : i32
        %mul3A_209 = arith.muli %add3A_181, %mul3A_208 : i32
        %add3A_210 = arith.constant 64 : i32
        %add3A_211 = arith.addi %mul3A_209, %add3A_210 : i32
        %dma_wait3A_212 = arith.constant 3 : i32
        %dma_wait3A_213 = arith.constant 64 : i32
        %dma_wait3A_214 = arith.constant 0 : i32
        %dma_wait3A_215 = tpu.memref_slice %arg14[%dma_wait3A_213, %dma_wait3A_214] : memref<128x128xf32, #tpu.memory_space<vmem>> -> memref<64x128xf32, #tpu.memory_space<vmem>>
        %dma_wait3A_216 = tpu.memref_slice %arg10[%add3A_211] : memref<5120xi32, #tpu.memory_space<vmem>> -> memref<64xi32, #tpu.memory_space<vmem>>
        %dma_wait3A_217 = arith.constant 0 : i32
        %dma_wait3A_218 = arith.constant 0 : i32
        %dma_wait3A_219 = tpu.memref_slice %arg3[%dma_wait3A_217, %dma_wait3A_218] : memref<10000x128xf32, #tpu.memory_space<hbm>> -> memref<10000x128xf32, #tpu.memory_space<hbm>>
        %dma_wait3A_220 = tpu.memref_slice %arg15[%dma_wait3A_212] : memref<4x!tpu.dma_semaphore, #tpu.memory_space<semaphore_mem>> -> memref<1x!tpu.dma_semaphore, #tpu.memory_space<semaphore_mem>>
        %dma_wait3A_221 = tpu.memref_squeeze %dma_wait3A_220 : memref<1x!tpu.dma_semaphore, #tpu.memory_space<semaphore_mem>> -> memref<!tpu.dma_semaphore, #tpu.memory_space<semaphore_mem>>
        tpu.wait_indirect_dma semaphore(%dma_wait3A_221 : memref<!tpu.dma_semaphore, #tpu.memory_space<semaphore_mem>>) src(%dma_wait3A_219 : memref<10000x128xf32, #tpu.memory_space<hbm>>) dst(%dma_wait3A_215 : memref<64x128xf32, #tpu.memory_space<vmem>>)
        %parallel_loop3A_222 = arith.constant 0 : i32
        %parallel_loop3A_223 = arith.constant 128 : i32
        %parallel_loop3A_224 = arith.constant 1 : i32
        scf.for %parallel_loop3A_234 = %parallel_loop3A_222 to %parallel_loop3A_223 step %parallel_loop3A_224  : i32 {
          %parallel_loop3A_235 = arith.constant 0 : i32
          %parallel_loop3A_236 = vector.broadcast %parallel_loop3A_235 : i32 to vector<16xi32>
          %parallel_loop3A_237 = arith.constant 128 : i32
          %parallel_loop3A_238 = arith.muli %add3A_181, %parallel_loop3A_237 : i32
          %parallel_loop3A_239 = vector.broadcast %parallel_loop3A_238 : i32 to vector<16xi32>
          %parallel_loop3A_240 = arith.addi %parallel_loop3A_236, %parallel_loop3A_239 : vector<16xi32>
          %parallel_loop3A_241 = vector.broadcast %parallel_loop3A_234 : i32 to vector<16xi32>
          %parallel_loop3A_242 = arith.addi %parallel_loop3A_240, %parallel_loop3A_241 : vector<16xi32>
          %parallel_loop3A_243 = tpu.vector_load_idx %arg12[%parallel_loop3A_242] : memref<5120xf32, #tpu.memory_space<vmem>>[vector<16xi32>], vector<16xf32>,
          %parallel_loop3A_244 = arith.index_cast %parallel_loop3A_234 : i32 to index
          %parallel_loop3A_245 = arith.constant 0 : index
          %parallel_loop3A_246 = tpu.vector_load %arg14[%parallel_loop3A_244, %parallel_loop3A_245] {strides = array<i32>} : memref<128x128xf32, #tpu.memory_space<vmem>>, vector<16xf32>,
          %parallel_loop3A_247 = arith.mulf %parallel_loop3A_246, %parallel_loop3A_243 : vector<16xf32>
          %parallel_loop3A_248 = arith.index_cast %parallel_loop3A_234 : i32 to index
          %parallel_loop3A_249 = arith.constant 0 : index
          %parallel_loop3A_250 = tpu.vector_load %arg14[%parallel_loop3A_248, %parallel_loop3A_249] {strides = array<i32>} : memref<128x128xf32, #tpu.memory_space<vmem>>, vector<16xf32>,
          tpu.vector_store %arg14[%parallel_loop3A_248, %parallel_loop3A_249], %parallel_loop3A_247 {strides = array<i32>} : memref<128x128xf32, #tpu.memory_space<vmem>>, vector<16xf32>,
          %parallel_loop3A_251 = arith.index_cast %parallel_loop3A_234 : i32 to index
          %parallel_loop3A_252 = arith.constant 16 : index
          %parallel_loop3A_253 = tpu.vector_load %arg14[%parallel_loop3A_251, %parallel_loop3A_252] {strides = array<i32>} : memref<128x128xf32, #tpu.memory_space<vmem>>, vector<16xf32>,
          %parallel_loop3A_254 = arith.mulf %parallel_loop3A_253, %parallel_loop3A_243 : vector<16xf32>
          %parallel_loop3A_255 = arith.index_cast %parallel_loop3A_234 : i32 to index
          %parallel_loop3A_256 = arith.constant 16 : index
          %parallel_loop3A_257 = tpu.vector_load %arg14[%parallel_loop3A_255, %parallel_loop3A_256] {strides = array<i32>} : memref<128x128xf32, #tpu.memory_space<vmem>>, vector<16xf32>,
          tpu.vector_store %arg14[%parallel_loop3A_255, %parallel_loop3A_256], %parallel_loop3A_254 {strides = array<i32>} : memref<128x128xf32, #tpu.memory_space<vmem>>, vector<16xf32>,
          %parallel_loop3A_258 = arith.index_cast %parallel_loop3A_234 : i32 to index
          %parallel_loop3A_259 = arith.constant 32 : index
          %parallel_loop3A_260 = tpu.vector_load %arg14[%parallel_loop3A_258, %parallel_loop3A_259] {strides = array<i32>} : memref<128x128xf32, #tpu.memory_space<vmem>>, vector<16xf32>,
          %parallel_loop3A_261 = arith.mulf %parallel_loop3A_260, %parallel_loop3A_243 : vector<16xf32>
          %parallel_loop3A_262 = arith.index_cast %parallel_loop3A_234 : i32 to index
          %parallel_loop3A_263 = arith.constant 32 : index
          %parallel_loop3A_264 = tpu.vector_load %arg14[%parallel_loop3A_262, %parallel_loop3A_263] {strides = array<i32>} : memref<128x128xf32, #tpu.memory_space<vmem>>, vector<16xf32>,
          tpu.vector_store %arg14[%parallel_loop3A_262, %parallel_loop3A_263], %parallel_loop3A_261 {strides = array<i32>} : memref<128x128xf32, #tpu.memory_space<vmem>>, vector<16xf32>,
          %parallel_loop3A_265 = arith.index_cast %parallel_loop3A_234 : i32 to index
          %parallel_loop3A_266 = arith.constant 48 : index
          %parallel_loop3A_267 = tpu.vector_load %arg14[%parallel_loop3A_265, %parallel_loop3A_266] {strides = array<i32>} : memref<128x128xf32, #tpu.memory_space<vmem>>, vector<16xf32>,
          %parallel_loop3A_268 = arith.mulf %parallel_loop3A_267, %parallel_loop3A_243 : vector<16xf32>
          %parallel_loop3A_269 = arith.index_cast %parallel_loop3A_234 : i32 to index
          %parallel_loop3A_270 = arith.constant 48 : index
          %parallel_loop3A_271 = tpu.vector_load %arg14[%parallel_loop3A_269, %parallel_loop3A_270] {strides = array<i32>} : memref<128x128xf32, #tpu.memory_space<vmem>>, vector<16xf32>,
          tpu.vector_store %arg14[%parallel_loop3A_269, %parallel_loop3A_270], %parallel_loop3A_268 {strides = array<i32>} : memref<128x128xf32, #tpu.memory_space<vmem>>, vector<16xf32>,
          %parallel_loop3A_272 = arith.index_cast %parallel_loop3A_234 : i32 to index
          %parallel_loop3A_273 = arith.constant 64 : index
          %parallel_loop3A_274 = tpu.vector_load %arg14[%parallel_loop3A_272, %parallel_loop3A_273] {strides = array<i32>} : memref<128x128xf32, #tpu.memory_space<vmem>>, vector<16xf32>,
          %parallel_loop3A_275 = arith.mulf %parallel_loop3A_274, %parallel_loop3A_243 : vector<16xf32>
          %parallel_loop3A_276 = arith.index_cast %parallel_loop3A_234 : i32 to index
          %parallel_loop3A_277 = arith.constant 64 : index
          %parallel_loop3A_278 = tpu.vector_load %arg14[%parallel_loop3A_276, %parallel_loop3A_277] {strides = array<i32>} : memref<128x128xf32, #tpu.memory_space<vmem>>, vector<16xf32>,
          tpu.vector_store %arg14[%parallel_loop3A_276, %parallel_loop3A_277], %parallel_loop3A_275 {strides = array<i32>} : memref<128x128xf32, #tpu.memory_space<vmem>>, vector<16xf32>,
          %parallel_loop3A_279 = arith.index_cast %parallel_loop3A_234 : i32 to index
          %parallel_loop3A_280 = arith.constant 80 : index
          %parallel_loop3A_281 = tpu.vector_load %arg14[%parallel_loop3A_279, %parallel_loop3A_280] {strides = array<i32>} : memref<128x128xf32, #tpu.memory_space<vmem>>, vector<16xf32>,
          %parallel_loop3A_282 = arith.mulf %parallel_loop3A_281, %parallel_loop3A_243 : vector<16xf32>
          %parallel_loop3A_283 = arith.index_cast %parallel_loop3A_234 : i32 to index
          %parallel_loop3A_284 = arith.constant 80 : index
          %parallel_loop3A_285 = tpu.vector_load %arg14[%parallel_loop3A_283, %parallel_loop3A_284] {strides = array<i32>} : memref<128x128xf32, #tpu.memory_space<vmem>>, vector<16xf32>,
          tpu.vector_store %arg14[%parallel_loop3A_283, %parallel_loop3A_284], %parallel_loop3A_282 {strides = array<i32>} : memref<128x128xf32, #tpu.memory_space<vmem>>, vector<16xf32>,
          %parallel_loop3A_286 = arith.index_cast %parallel_loop3A_234 : i32 to index
          %parallel_loop3A_287 = arith.constant 96 : index
          %parallel_loop3A_288 = tpu.vector_load %arg14[%parallel_loop3A_286, %parallel_loop3A_287] {strides = array<i32>} : memref<128x128xf32, #tpu.memory_space<vmem>>, vector<16xf32>,
          %parallel_loop3A_289 = arith.mulf %parallel_loop3A_288, %parallel_loop3A_243 : vector<16xf32>
          %parallel_loop3A_290 = arith.index_cast %parallel_loop3A_234 : i32 to index
          %parallel_loop3A_291 = arith.constant 96 : index
          %parallel_loop3A_292 = tpu.vector_load %arg14[%parallel_loop3A_290, %parallel_loop3A_291] {strides = array<i32>} : memref<128x128xf32, #tpu.memory_space<vmem>>, vector<16xf32>,
          tpu.vector_store %arg14[%parallel_loop3A_290, %parallel_loop3A_291], %parallel_loop3A_289 {strides = array<i32>} : memref<128x128xf32, #tpu.memory_space<vmem>>, vector<16xf32>,
          %parallel_loop3A_293 = arith.index_cast %parallel_loop3A_234 : i32 to index
          %parallel_loop3A_294 = arith.constant 112 : index
          %parallel_loop3A_295 = tpu.vector_load %arg14[%parallel_loop3A_293, %parallel_loop3A_294] {strides = array<i32>} : memref<128x128xf32, #tpu.memory_space<vmem>>, vector<16xf32>,
          %parallel_loop3A_296 = arith.mulf %parallel_loop3A_295, %parallel_loop3A_243 : vector<16xf32>
          %parallel_loop3A_297 = arith.index_cast %parallel_loop3A_234 : i32 to index
          %parallel_loop3A_298 = arith.constant 112 : index
          %parallel_loop3A_299 = tpu.vector_load %arg14[%parallel_loop3A_297, %parallel_loop3A_298] {strides = array<i32>} : memref<128x128xf32, #tpu.memory_space<vmem>>, vector<16xf32>,
          tpu.vector_store %arg14[%parallel_loop3A_297, %parallel_loop3A_298], %parallel_loop3A_296 {strides = array<i32>} : memref<128x128xf32, #tpu.memory_space<vmem>>, vector<16xf32>,
        } {sc.loop_unroll_factor = 4 : i64, sc.parallel_access}
        %dma_start3A_225 = arith.constant 1 : i32
        %dma_start3A_226 = arith.constant 0 : i32
        %dma_start3A_227 = tpu.memref_slice %arg11[%add3A_181, %dma_start3A_226] : memref<40x128xi32, #tpu.memory_space<vmem>> -> memref<1x128xi32, #tpu.memory_space<vmem>>
        %dma_start3A_228 = tpu.memref_squeeze %dma_start3A_227 : memref<1x128xi32, #tpu.memory_space<vmem>> -> memref<128xi32, #tpu.memory_space<vmem>>
        %dma_start3A_229 = arith.constant 0 : i32
        %dma_start3A_230 = arith.constant 0 : i32
        %dma_start3A_231 = tpu.memref_slice %arg9[%dma_start3A_229, %dma_start3A_230] : memref<10000x128xf32, #tpu.memory_space<vmem_shared>> -> memref<10000x128xf32, #tpu.memory_space<vmem_shared>>
        %dma_start3A_232 = tpu.memref_slice %arg16[%dma_start3A_225] : memref<2x!tpu.dma_semaphore, #tpu.memory_space<semaphore_mem>> -> memref<1x!tpu.dma_semaphore, #tpu.memory_space<semaphore_mem>>
        %dma_start3A_233 = tpu.memref_squeeze %dma_start3A_232 : memref<1x!tpu.dma_semaphore, #tpu.memory_space<semaphore_mem>> -> memref<!tpu.dma_semaphore, #tpu.memory_space<semaphore_mem>>
        tpu.enqueue_indirect_dma source(%arg14 : memref<128x128xf32, #tpu.memory_space<vmem>>) target(%dma_start3A_231 : memref<10000x128xf32, #tpu.memory_space<vmem_shared>>) offsets(%dma_start3A_228 : memref<128xi32, #tpu.memory_space<vmem>>) semaphore(%dma_start3A_233 : memref<!tpu.dma_semaphore, #tpu.memory_space<semaphore_mem>>) {add = true}
      }
      %scan3A_107 = arith.constant 20 : i32
      %dma_wait3A_108 = arith.constant 0 : i32
      %dma_wait3A_109 = arith.constant 1 : i32
      %dma_wait3A_110 = arith.constant 0 : i32
      %dma_wait3A_111 = tpu.memref_slice %arg11[%dma_wait3A_108, %dma_wait3A_110] : memref<40x128xi32, #tpu.memory_space<vmem>> -> memref<1x128xi32, #tpu.memory_space<vmem>>
      %dma_wait3A_112 = tpu.memref_squeeze %dma_wait3A_111 : memref<1x128xi32, #tpu.memory_space<vmem>> -> memref<128xi32, #tpu.memory_space<vmem>>
      %dma_wait3A_113 = arith.constant 0 : i32
      %dma_wait3A_114 = arith.constant 0 : i32
      %dma_wait3A_115 = tpu.memref_slice %arg9[%dma_wait3A_113, %dma_wait3A_114] : memref<10000x128xf32, #tpu.memory_space<vmem_shared>> -> memref<10000x128xf32, #tpu.memory_space<vmem_shared>>
      %dma_wait3A_116 = tpu.memref_slice %arg16[%dma_wait3A_109] : memref<2x!tpu.dma_semaphore, #tpu.memory_space<semaphore_mem>> -> memref<1x!tpu.dma_semaphore, #tpu.memory_space<semaphore_mem>>
      %dma_wait3A_117 = tpu.memref_squeeze %dma_wait3A_116 : memref<1x!tpu.dma_semaphore, #tpu.memory_space<semaphore_mem>> -> memref<!tpu.dma_semaphore, #tpu.memory_space<semaphore_mem>>
      tpu.wait_indirect_dma semaphore(%dma_wait3A_117 : memref<!tpu.dma_semaphore, #tpu.memory_space<semaphore_mem>>) src(%arg14 : memref<128x128xf32, #tpu.memory_space<vmem>>) dst(%dma_wait3A_115 : memref<10000x128xf32, #tpu.memory_space<vmem_shared>>)
      %barrier3A_118 = arith.constant 0 : index
      tpu.barrier barrier_id(%barrier3A_118)
      "tpu.region"() ({
        %run_scoped3A = tpu.sem_alloc : memref<!tpu.dma_semaphore, #tpu.memory_space<semaphore_mem>>
        %dma_start3A_124 = arith.constant 0 : i32
        %dma_start3A_125 = tpu.memref_slice %arg8[%mul3A_7, %dma_start3A_124] : memref<10000x128xf32, #tpu.memory_space<hbm>> -> memref<624x128xf32, #tpu.memory_space<hbm>>
        %dma_start3A_126 = arith.constant 0 : i32
        %dma_start3A_127 = tpu.memref_slice %arg9[%mul3A_7, %dma_start3A_126] : memref<10000x128xf32, #tpu.memory_space<vmem_shared>> -> memref<624x128xf32, #tpu.memory_space<vmem_shared>>
        tpu.enqueue_dma source(%dma_start3A_127 : memref<624x128xf32, #tpu.memory_space<vmem_shared>>) target(%dma_start3A_125 : memref<624x128xf32, #tpu.memory_space<hbm>>) target_semaphore(%run_scoped3A : memref<!tpu.dma_semaphore, #tpu.memory_space<semaphore_mem>>)
        %dma_wait3A_128 = arith.constant 0 : i32
        %dma_wait3A_129 = tpu.memref_slice %arg8[%mul3A_7, %dma_wait3A_128] : memref<10000x128xf32, #tpu.memory_space<hbm>> -> memref<624x128xf32, #tpu.memory_space<hbm>>
        %dma_wait3A_130 = arith.constant 0 : i32
        %dma_wait3A_131 = tpu.memref_slice %arg9[%mul3A_7, %dma_wait3A_130] : memref<10000x128xf32, #tpu.memory_space<vmem_shared>> -> memref<624x128xf32, #tpu.memory_space<vmem_shared>>
        tpu.wait_dma2 semaphore(%run_scoped3A : memref<!tpu.dma_semaphore, #tpu.memory_space<semaphore_mem>>) src(%dma_wait3A_131 : memref<624x128xf32, #tpu.memory_space<vmem_shared>>) dst(%dma_wait3A_129 : memref<624x128xf32, #tpu.memory_space<hbm>>)
        tpu.yield
      }) : () -> ()
      %eq3A_119 = arith.constant 15 : i32
      %eq3A_120 = arith.cmpi eq, %arg1, %eq3A_119 : i32
      %convert_element_type3A_121 = arith.extui %eq3A_120 : i1 to i32
      %cond3A_122 = arith.constant 0 : i32
      %cond3A_123 = arith.cmpi ne, %convert_element_type3A_121, %cond3A_122 : i32
      scf.if %cond3A_123 {
        "tpu.region"() ({
          %run_scoped3A = tpu.sem_alloc : memref<!tpu.dma_semaphore, #tpu.memory_space<semaphore_mem>>
          %dma_start3A_124 = arith.constant 9984 : i32
          %dma_start3A_125 = arith.constant 0 : i32
          %dma_start3A_126 = tpu.memref_slice %arg8[%dma_start3A_124, %dma_start3A_125] : memref<10000x128xf32, #tpu.memory_space<hbm>> -> memref<16x128xf32, #tpu.memory_space<hbm>>
          %dma_start3A_127 = arith.constant 9984 : i32
          %dma_start3A_128 = arith.constant 0 : i32
          %dma_start3A_129 = tpu.memref_slice %arg9[%dma_start3A_127, %dma_start3A_128] : memref<10000x128xf32, #tpu.memory_space<vmem_shared>> -> memref<16x128xf32, #tpu.memory_space<vmem_shared>>
          tpu.enqueue_dma source(%dma_start3A_129 : memref<16x128xf32, #tpu.memory_space<vmem_shared>>) target(%dma_start3A_126 : memref<16x128xf32, #tpu.memory_space<hbm>>) target_semaphore(%run_scoped3A : memref<!tpu.dma_semaphore, #tpu.memory_space<semaphore_mem>>)
          %dma_wait3A_130 = arith.constant 9984 : i32
          %dma_wait3A_131 = arith.constant 0 : i32
          %dma_wait3A_132 = tpu.memref_slice %arg8[%dma_wait3A_130, %dma_wait3A_131] : memref<10000x128xf32, #tpu.memory_space<hbm>> -> memref<16x128xf32, #tpu.memory_space<hbm>>
          %dma_wait3A_133 = arith.constant 9984 : i32
          %dma_wait3A_134 = arith.constant 0 : i32
          %dma_wait3A_135 = tpu.memref_slice %arg9[%dma_wait3A_133, %dma_wait3A_134] : memref<10000x128xf32, #tpu.memory_space<vmem_shared>> -> memref<16x128xf32, #tpu.memory_space<vmem_shared>>
          tpu.wait_dma2 semaphore(%run_scoped3A : memref<!tpu.dma_semaphore, #tpu.memory_space<semaphore_mem>>) src(%dma_wait3A_135 : memref<16x128xf32, #tpu.memory_space<vmem_shared>>) dst(%dma_wait3A_132 : memref<16x128xf32, #tpu.memory_space<hbm>>)
          tpu.yield
        }) : () -> ()
      } else {
      }
    } else {
    }
    return
  }
}

module attributes {stable_mosaic.version = 14 : i64} {
  func.func @_mm_body(%arg0: i32, %arg1: memref<1000x256xf32, #tpu.memory_space<vmem>>, %arg2: memref<256x256xf32, #tpu.memory_space<vmem>>, %arg3: memref<1000x32xf32, #tpu.memory_space<vmem>>, %arg4: memref<1000x128xf32, #tpu.memory_space<vmem>>, %arg5: memref<1000x128xf32, #tpu.memory_space<vmem>>, %arg6: memref<1000x1xf32, #tpu.memory_space<vmem>>) attributes {dimension_semantics = [#tpu.dimension_semantics<arbitrary>], iteration_bounds = array<i64: 10>, scalar_prefetch = 0 : i64, scratch_operands = 0 : i64, tpu.core_type = #tpu.core_type<tc>, window_params = [{transform_indices = @transform_0, window_bounds = array<i64: 1000, 256>}, {pipeline_mode = #tpu.pipeline_mode<synchronous>, transform_indices = @transform_1, window_bounds = array<i64: 256, 256>}, {transform_indices = @transform_2, window_bounds = array<i64: 1000, 32>}, {transform_indices = @transform_3, window_bounds = array<i64: 1000, 128>}, {transform_indices = @transform_4, window_bounds = array<i64: 1000, 128>}, {transform_indices = @transform_5, window_bounds = array<i64: 1000, 1>}]} {
    %get3A = arith.constant 0 : index
    %get3A_0 = arith.constant 0 : index
    %get3A_1 = vector.load %arg3[%get3A, %get3A_0] : memref<1000x32xf32, #tpu.memory_space<vmem>>, vector<1000x32xf32>
    %reduce_sum3A = arith.constant dense<0.000000e+00> : vector<1000xf32>
    %reduce_sum3A_2 = vector.multi_reduction <add>, %get3A_1, %reduce_sum3A [1] : vector<1000x32xf32> to vector<1000xf32>
    %add3A = arith.constant 1.000000e+00 : f32
    %add3A_3 = vector.broadcast %add3A : f32 to vector<1000xf32>
    %add3A_4 = arith.addf %reduce_sum3A_2, %add3A_3 : vector<1000xf32>
    %gt3A = arith.constant 0.000000e+00 : f32
    %gt3A_5 = vector.broadcast %gt3A : f32 to vector<1000xf32>
    %gt3A_6 = arith.cmpf ogt, %add3A_4, %gt3A_5 : vector<1000xf32>
    %rsqrt3A = math.rsqrt %add3A_4 : vector<1000xf32>
    %jit3A = arith.constant 0.000000e+00 : f32
    %broadcast_in_dim3A = vector.broadcast %jit3A : f32 to vector<1000xf32>
    %select_n3A = arith.select %gt3A_6, %rsqrt3A, %broadcast_in_dim3A : vector<1000xi1>, vector<1000xf32>
    %get3A_7 = arith.constant 0 : index
    %get3A_8 = arith.constant 0 : index
    %get3A_9 = vector.load %arg1[%get3A_7, %get3A_8] : memref<1000x256xf32, #tpu.memory_space<vmem>>, vector<1000x256xf32>
    %get3A_10 = arith.constant 0 : index
    %get3A_11 = arith.constant 0 : index
    %get3A_12 = vector.load %arg2[%get3A_10, %get3A_11] : memref<256x256xf32, #tpu.memory_space<vmem>>, vector<256x256xf32>
    %dot_general3A = arith.constant dense<0.000000e+00> : vector<1000x256xf32>
    %dot_general3A_13 = tpu.matmul %get3A_9, %get3A_12, %dot_general3A {dimension_numbers = #tpu.dot_dimension_numbers<[1], [0], [0], [1], [0, 0, 1, 1], [], []>, transpose_lhs_hint = false} : vector<1000x256xf32>, vector<256x256xf32>, vector<1000x256xf32> -> vector<1000x256xf32>
    %broadcast_in_dim3A_14 = vector.shape_cast %select_n3A : vector<1000xf32> to vector<1000x1xf32>
    %mul3A = vector.broadcast %broadcast_in_dim3A_14 : vector<1000x1xf32> to vector<1000x256xf32>
    %mul3A_15 = arith.mulf %dot_general3A_13, %mul3A : vector<1000x256xf32>
    %slice3A = vector.extract_strided_slice %mul3A_15 {offsets = [0, 0], sizes = [1000, 128], strides = [1, 1]} : vector<1000x256xf32> to vector<1000x128xf32>
    %swap3A = arith.constant 0 : index
    %swap3A_16 = arith.constant 0 : index
    %swap3A_17 = vector.load %arg4[%swap3A, %swap3A_16] : memref<1000x128xf32, #tpu.memory_space<vmem>>, vector<1000x128xf32>
    tpu.vector_store %arg4[%swap3A, %swap3A_16], %slice3A {strides = array<i32>} : memref<1000x128xf32, #tpu.memory_space<vmem>>, vector<1000x128xf32>,
    %slice3A_18 = vector.extract_strided_slice %mul3A_15 {offsets = [0, 128], sizes = [1000, 128], strides = [1, 1]} : vector<1000x256xf32> to vector<1000x128xf32>
    %swap3A_19 = arith.constant 0 : index
    %swap3A_20 = arith.constant 0 : index
    %swap3A_21 = vector.load %arg5[%swap3A_19, %swap3A_20] : memref<1000x128xf32, #tpu.memory_space<vmem>>, vector<1000x128xf32>
    tpu.vector_store %arg5[%swap3A_19, %swap3A_20], %slice3A_18 {strides = array<i32>} : memref<1000x128xf32, #tpu.memory_space<vmem>>, vector<1000x128xf32>,
    %broadcast_in_dim3A_22 = vector.shape_cast %select_n3A : vector<1000xf32> to vector<1000x1xf32>
    %swap3A_23 = arith.constant 0 : index
    %swap3A_24 = arith.constant 0 : index
    %swap3A_25 = vector.load %arg6[%swap3A_23, %swap3A_24] : memref<1000x1xf32, #tpu.memory_space<vmem>>, vector<1000x1xf32>
    tpu.vector_store %arg6[%swap3A_23, %swap3A_24], %broadcast_in_dim3A_22 {strides = array<i32>} : memref<1000x1xf32, #tpu.memory_space<vmem>>, vector<1000x1xf32>,
    return
  }
  func.func @transform_0(%arg0: i32) -> (i32, i32) {
    %c0_i32 = arith.constant 0 : i32
    %c0_i32_0 = arith.constant 0 : i32
    return %arg0, %c0_i32 : i32, i32
  }
  func.func @transform_1(%arg0: i32) -> (i32, i32) {
    %c0_i32 = arith.constant 0 : i32
    %c0_i32_0 = arith.constant 0 : i32
    %c0_i32_1 = arith.constant 0 : i32
    return %c0_i32, %c0_i32_0 : i32, i32
  }
  func.func @transform_2(%arg0: i32) -> (i32, i32) {
    %c0_i32 = arith.constant 0 : i32
    %c0_i32_0 = arith.constant 0 : i32
    return %arg0, %c0_i32 : i32, i32
  }
  func.func @transform_3(%arg0: i32) -> (i32, i32) {
    %c0_i32 = arith.constant 0 : i32
    %c0_i32_0 = arith.constant 0 : i32
    return %arg0, %c0_i32 : i32, i32
  }
  func.func @transform_4(%arg0: i32) -> (i32, i32) {
    %c0_i32 = arith.constant 0 : i32
    %c0_i32_0 = arith.constant 0 : i32
    return %arg0, %c0_i32 : i32, i32
  }
  func.func @transform_5(%arg0: i32) -> (i32, i32) {
    %c0_i32 = arith.constant 0 : i32
    %c0_i32_0 = arith.constant 0 : i32
    return %arg0, %c0_i32 : i32, i32
  }
}

module attributes {stable_mosaic.version = 14 : i64} {
  func.func @_ln_body(%arg0: i32, %arg1: memref<1000x256xf32, #tpu.memory_space<vmem>>, %arg2: memref<1000x128xf32, #tpu.memory_space<vmem>>, %arg3: memref<1000x128xf32, #tpu.memory_space<vmem>>, %arg4: memref<1000x1xf32, #tpu.memory_space<vmem>>, %arg5: memref<1x256xf32, #tpu.memory_space<vmem>>, %arg6: memref<1x256xf32, #tpu.memory_space<vmem>>, %arg7: memref<1x256xf32, #tpu.memory_space<vmem>>, %arg8: memref<1000x256xf32, #tpu.memory_space<vmem>>) attributes {dimension_semantics = [#tpu.dimension_semantics<arbitrary>], iteration_bounds = array<i64: 10>, scalar_prefetch = 0 : i64, scratch_operands = 0 : i64, tpu.core_type = #tpu.core_type<tc>, window_params = [{transform_indices = @transform_0, window_bounds = array<i64: 1000, 256>}, {transform_indices = @transform_1, window_bounds = array<i64: 1000, 128>}, {transform_indices = @transform_2, window_bounds = array<i64: 1000, 128>}, {transform_indices = @transform_3, window_bounds = array<i64: 1000, 1>}, {pipeline_mode = #tpu.pipeline_mode<synchronous>, transform_indices = @transform_4, window_bounds = array<i64: 1, 256>}, {pipeline_mode = #tpu.pipeline_mode<synchronous>, transform_indices = @transform_5, window_bounds = array<i64: 1, 256>}, {pipeline_mode = #tpu.pipeline_mode<synchronous>, transform_indices = @transform_6, window_bounds = array<i64: 1, 256>}, {transform_indices = @transform_7, window_bounds = array<i64: 1000, 256>}]} {
    %get3A = arith.constant 0 : index
    %get3A_0 = arith.constant 0 : index
    %get3A_1 = vector.load %arg2[%get3A, %get3A_0] : memref<1000x128xf32, #tpu.memory_space<vmem>>, vector<1000x128xf32>
    %get3A_2 = arith.constant 0 : index
    %get3A_3 = arith.constant 0 : index
    %get3A_4 = vector.load %arg3[%get3A_2, %get3A_3] : memref<1000x128xf32, #tpu.memory_space<vmem>>, vector<1000x128xf32>
    %concatenate3A = tpu.concatenate %get3A_1, %get3A_4 in 1 : vector<1000x128xf32>, vector<1000x128xf32> -> vector<1000x256xf32>
    %get3A_5 = arith.constant 0 : index
    %get3A_6 = arith.constant 0 : index
    %get3A_7 = vector.load %arg1[%get3A_5, %get3A_6] : memref<1000x256xf32, #tpu.memory_space<vmem>>, vector<1000x256xf32>
    %get3A_8 = arith.constant 0 : index
    %get3A_9 = arith.constant 0 : index
    %get3A_10 = vector.load %arg4[%get3A_8, %get3A_9] : memref<1000x1xf32, #tpu.memory_space<vmem>>, vector<1000x1xf32>
    %mul3A = vector.broadcast %get3A_10 : vector<1000x1xf32> to vector<1000x256xf32>
    %mul3A_11 = arith.mulf %mul3A, %concatenate3A : vector<1000x256xf32>
    %add3A = arith.addf %get3A_7, %mul3A_11 : vector<1000x256xf32>
    %get3A_12 = arith.constant 0 : index
    %get3A_13 = arith.constant 0 : index
    %get3A_14 = vector.load %arg5[%get3A_12, %get3A_13] : memref<1x256xf32, #tpu.memory_space<vmem>>, vector<1x256xf32>
    %add3A_15 = vector.broadcast %get3A_14 : vector<1x256xf32> to vector<1000x256xf32>
    %add3A_16 = arith.addf %add3A, %add3A_15 : vector<1000x256xf32>
    %reduce_sum3A = arith.constant dense<0.000000e+00> : vector<1000xf32>
    %reduce_sum3A_17 = vector.multi_reduction <add>, %add3A_16, %reduce_sum3A [1] : vector<1000x256xf32> to vector<1000xf32>
    %broadcast_in_dim3A = vector.shape_cast %reduce_sum3A_17 : vector<1000xf32> to vector<1000x1xf32>
    %div3A = arith.constant 2.560000e+02 : f32
    %div3A_18 = vector.broadcast %div3A : f32 to vector<1000x1xf32>
    %div3A_19 = arith.divf %broadcast_in_dim3A, %div3A_18 : vector<1000x1xf32>
    %sub3A = vector.broadcast %div3A_19 : vector<1000x1xf32> to vector<1000x256xf32>
    %sub3A_20 = arith.subf %add3A_16, %sub3A : vector<1000x256xf32>
    %mul3A_21 = arith.mulf %sub3A_20, %sub3A_20 : vector<1000x256xf32>
    %reduce_sum3A_22 = arith.constant dense<0.000000e+00> : vector<1000xf32>
    %reduce_sum3A_23 = vector.multi_reduction <add>, %mul3A_21, %reduce_sum3A_22 [1] : vector<1000x256xf32> to vector<1000xf32>
    %broadcast_in_dim3A_24 = vector.shape_cast %reduce_sum3A_23 : vector<1000xf32> to vector<1000x1xf32>
    %div3A_25 = arith.constant 2.560000e+02 : f32
    %div3A_26 = vector.broadcast %div3A_25 : f32 to vector<1000x1xf32>
    %div3A_27 = arith.divf %broadcast_in_dim3A_24, %div3A_26 : vector<1000x1xf32>
    %add3A_28 = arith.constant 9.99999974E-6 : f32
    %add3A_29 = vector.broadcast %add3A_28 : f32 to vector<1000x1xf32>
    %add3A_30 = arith.addf %div3A_27, %add3A_29 : vector<1000x1xf32>
    %rsqrt3A = math.rsqrt %add3A_30 : vector<1000x1xf32>
    %mul3A_31 = vector.broadcast %rsqrt3A : vector<1000x1xf32> to vector<1000x256xf32>
    %mul3A_32 = arith.mulf %sub3A_20, %mul3A_31 : vector<1000x256xf32>
    %get3A_33 = arith.constant 0 : index
    %get3A_34 = arith.constant 0 : index
    %get3A_35 = vector.load %arg6[%get3A_33, %get3A_34] : memref<1x256xf32, #tpu.memory_space<vmem>>, vector<1x256xf32>
    %mul3A_36 = vector.broadcast %get3A_35 : vector<1x256xf32> to vector<1000x256xf32>
    %mul3A_37 = arith.mulf %mul3A_32, %mul3A_36 : vector<1000x256xf32>
    %get3A_38 = arith.constant 0 : index
    %get3A_39 = arith.constant 0 : index
    %get3A_40 = vector.load %arg7[%get3A_38, %get3A_39] : memref<1x256xf32, #tpu.memory_space<vmem>>, vector<1x256xf32>
    %add3A_41 = vector.broadcast %get3A_40 : vector<1x256xf32> to vector<1000x256xf32>
    %add3A_42 = arith.addf %mul3A_37, %add3A_41 : vector<1000x256xf32>
    %max3A = arith.constant 0.000000e+00 : f32
    %max3A_43 = vector.broadcast %max3A : f32 to vector<1000x256xf32>
    %max3A_44 = arith.maximumf %add3A_42, %max3A_43 : vector<1000x256xf32>
    %swap3A = arith.constant 0 : index
    %swap3A_45 = arith.constant 0 : index
    %swap3A_46 = vector.load %arg8[%swap3A, %swap3A_45] : memref<1000x256xf32, #tpu.memory_space<vmem>>, vector<1000x256xf32>
    tpu.vector_store %arg8[%swap3A, %swap3A_45], %max3A_44 {strides = array<i32>} : memref<1000x256xf32, #tpu.memory_space<vmem>>, vector<1000x256xf32>,
    return
  }
  func.func @transform_0(%arg0: i32) -> (i32, i32) {
    %c0_i32 = arith.constant 0 : i32
    %c0_i32_0 = arith.constant 0 : i32
    return %arg0, %c0_i32 : i32, i32
  }
  func.func @transform_1(%arg0: i32) -> (i32, i32) {
    %c0_i32 = arith.constant 0 : i32
    %c0_i32_0 = arith.constant 0 : i32
    return %arg0, %c0_i32 : i32, i32
  }
  func.func @transform_2(%arg0: i32) -> (i32, i32) {
    %c0_i32 = arith.constant 0 : i32
    %c0_i32_0 = arith.constant 0 : i32
    return %arg0, %c0_i32 : i32, i32
  }
  func.func @transform_3(%arg0: i32) -> (i32, i32) {
    %c0_i32 = arith.constant 0 : i32
    %c0_i32_0 = arith.constant 0 : i32
    return %arg0, %c0_i32 : i32, i32
  }
  func.func @transform_4(%arg0: i32) -> (i32, i32) {
    %c0_i32 = arith.constant 0 : i32
    %c0_i32_0 = arith.constant 0 : i32
    %c0_i32_1 = arith.constant 0 : i32
    return %c0_i32, %c0_i32_0 : i32, i32
  }
  func.func @transform_5(%arg0: i32) -> (i32, i32) {
    %c0_i32 = arith.constant 0 : i32
    %c0_i32_0 = arith.constant 0 : i32
    %c0_i32_1 = arith.constant 0 : i32
    return %c0_i32, %c0_i32_0 : i32, i32
  }
  func.func @transform_6(%arg0: i32) -> (i32, i32) {
    %c0_i32 = arith.constant 0 : i32
    %c0_i32_0 = arith.constant 0 : i32
    %c0_i32_1 = arith.constant 0 : i32
    return %c0_i32, %c0_i32_0 : i32, i32
  }
  func.func @transform_7(%arg0: i32) -> (i32, i32) {
    %c0_i32 = arith.constant 0 : i32
    %c0_i32_0 = arith.constant 0 : i32
    return %arg0, %c0_i32 : i32, i32
  }
}

</mosaic_0001>

<sc_bundles>
// kernel: kernel.6.cloned.1.call-start
scs
__scs_entry_jumppad:
0x0: {  	(pc) =	sbr.rel $0x88, $3  }
0x1: {  	(tag) =	ssettag $0x0;
	lr =	simm.s32 $0x1  }
0x2: {  	[smem:$0x3F9A] =	sst lr;
	_ =	strace $0xD0000000  }
0x3: {  	_ = 	snop  }
0x4: {  	_ = 	snop  }
0x5: {  	_ = 	snop  }
0x6: {  	_ = 	snop  }
0x7: {  	_ = 	snop  }
__scs_overlays_trampoline_lowered:
0x8: {  	[smem:$0x3FA9] =	sst s0  }
0x9: {  	[smem:$0x3FAA] =	sst s1  }
0xa: {  	[smem:$0x3FAB] =	sst s2  }
0xb: {  	[smem:$0x3FAC] =	sst s3  }
0xc: {  	[smem:$0x3FAD] =	sst s4  }
0xd: {  	[smem:$0x3FAE] =	sst s5  }
0xe: {  	[smem:$0x3FAF] =	sst s6  }
0xf: {  	[smem:$0x3FB0] =	sst s7  }
0x10: {  	[smem:$0x3FB1] =	sst s8  }
0x11: {  	[smem:$0x3FB2] =	sst s9;
	s0 =	simm.s32 @!p0 $0x0  }
0x12: {  	s1 =	sld [smem:$0x3F98];
	s0 =	simm.s32 @p0 $0x1  }
0x13: {  	[smem:$0x3FB3] =	sst s0;
	s0 =	simm.s32 @!p1 $0x0  }
0x14: {  	s2 =	sld [smem:$0x3F97];
	s0 =	simm.s32 @p1 $0x1  }
0x15: {  	[smem:$0x3FB4] =	sst s0;
	s0 =	simm.s32 @!p2 $0x0  }
0x16: {  	s3 =	sld [smem:$0x3FDB];
	s0 =	simm.s32 @p2 $0x1  }
0x17: {  	s4 =	simm.s32 $0x1BF5;
	[smem:$0x3FB6] =	sst s0  }
0x18: {  	s0 =	sld [smem:$0x3F99];
	_ =	swait.ge [sflag:s4], $0x0  }
0x19: {  	s7 =	sld [smem:$0x3F9A]  }
0x1a: {  	s8 =	sadd.s32 $0xFFFFE003, lr  }
0x1b: {  	s9 =	sadd.s32 $0xFFFFFEF7, lr;
	s5 =	simm.s32 $0xFFFFFFFF;
	p2 =	slt.u32 s8, $0xFFFFF086  }
0x1c: {  	p1 =	slt.u32 s9, $0xF7A;
	s5 =	simm.s32 @!p2 $0x0  }
0x1d: {  	s5 =	simm.s32 @p1 $0x1;
	p0 =	seq.s32 s7, s2  }
0x1e: {  	s7 =	smul.u32 @!p0 $0xF7A, s2;
	p2 =	seq.s32 @!p0 s5, $0x0  }
0x1f: {  	s9 =	smul.u32 $0xF7A, s1;
	s8 =	simm.s32 @!p0 $0x1BF5;
	p2 =	por !p2, p0  }
0x20: {  	[sflag:s8] =	ssyncset.s32 @!p0 $0xFFFFF086;
	s6 =	sadd.s32 @!p0 s3, s7;
	s7 =	simm.s32 @!p0 $0x108  }
0x21: {  	s3 =	sadd.s32 s3, s9;
	s6 =	sadd.s32 @!p0 $0x88, s6;
	s7 =	simm.s32 @p2 $0x1082  }
0x22: {  	[simem:s7], [sflag:s8] =	dma.local @!p0 [hbm:s6], $0xF7A  }
0x23: {  	s9 =	sor.u32 $0xD0000000, s2;
	s6 =	simm.s32 $0x108;
	_ =	swait.ge @!p0 [sflag:s8], $0x0  }
0x24: {  	s3 =	sadd.s32 $0x88, s3;
	s6 =	simm.s32 @!p1 $0x1082;
	[sflag:s4] =	ssyncset.s32 $0xFFFFF086  }
0x25: {  	[simem:s6], [sflag:s4] =	dma.local [hbm:s3], $0xF7A  }
0x26: {  	[smem:$0x3F9A] =	sst s1;
	(tag) =	ssettag s2;
	_ =	strace s9  }
0x27: {  	s1 =	sld [smem:$0x3FAA]  }
0x28: {  	s2 =	sld [smem:$0x3FAB]  }
0x29: {  	s4 =	sld [smem:$0x3FAD]  }
0x2a: {  	p0 =	seq.s32 s5, $0x0;
	s5 =	sld [smem:$0x3FAE]  }
0x2b: {  	s6 =	sld [smem:$0x3FAF]  }
0x2c: {  	s7 =	sld [smem:$0x3FB0]  }
0x2d: {  	s3 =	simm.s32 $0x108;
	s8 =	sld [smem:$0x3FB1]  }
0x2e: {  	s3 =	simm.s32 @!p0 $0x1082;
	s9 =	sld [smem:$0x3FB2]  }
0x2f: {  	lr =	sadd.s32 s0, s3;
	s0 =	sld [smem:$0x3FA9]  }
0x30: {  	s3 =	sld [smem:$0x3FAC]  }
0x31: {  	[smem:$0x3FB5] =	sst s10  }
0x32: {  	s10 =	sld [smem:$0x3FB3];
	_ =	sdelay $0x3  }
0x33: {  	p0 =	seq.s32 s10, $0x1;
	s10 =	sld [smem:$0x3FB5];
	_ =	sdelay $0x3  }
0x34: {  	[smem:$0x3FB5] =	sst s10  }
0x35: {  	s10 =	sld [smem:$0x3FB4];
	_ =	sdelay $0x3  }
0x36: {  	p1 =	seq.s32 s10, $0x1;
	s10 =	sld [smem:$0x3FB5];
	_ =	sdelay $0x3  }
0x37: {  	[smem:$0x3FB5] =	sst s10  }
0x38: {  	s10 =	sld [smem:$0x3FB6]  }
0x39: {  	_ = 	snop;
	(pc) =	sbr.ind lr, $3  }
0x3a: {  	_ = 	snop  }
0x3b: {  	_ = 	snop  }
0x3c: {  	p2 =	seq.s32 s10, $0x1;
	s10 =	sld [smem:$0x3FB5]  }
0x3d: {  	_ =	shalt  }
0x3e: {  	_ =	shalt  }
0x3f: {  	_ =	shalt  }
0x40: {  	_ =	shalt  }
0x41: {  	_ =	shalt  }
0x42: {  	_ =	shalt  }
0x43: {  	_ =	shalt  }
0x44: {  	_ =	shalt  }
0x45: {  	_ =	shalt  }
0x46: {  	_ =	shalt  }
0x47: {  	_ =	shalt  }
0x48: {  	_ =	shalt  }
0x49: {  	_ =	shalt  }
0x4a: {  	_ =	shalt  }
0x4b: {  	_ =	shalt  }
0x4c: {  	_ =	shalt  }
0x4d: {  	_ =	shalt  }
0x4e: {  	_ =	shalt  }
0x4f: {  	_ =	shalt  }
0x50: {  	_ =	shalt  }
0x51: {  	_ =	shalt  }
0x52: {  	_ =	shalt  }
0x53: {  	_ =	shalt  }
0x54: {  	_ =	shalt  }
0x55: {  	_ =	shalt  }
0x56: {  	_ =	shalt  }
0x57: {  	_ =	shalt  }
0x58: {  	_ =	shalt  }
0x59: {  	_ =	shalt  }
0x5a: {  	_ =	shalt  }
0x5b: {  	_ =	shalt  }
0x5c: {  	_ =	shalt  }
0x5d: {  	_ =	shalt  }
0x5e: {  	_ =	shalt  }
0x5f: {  	_ =	shalt  }
0x60: {  	_ =	shalt  }
0x61: {  	_ =	shalt  }
0x62: {  	_ =	shalt  }
0x63: {  	_ =	shalt  }
0x64: {  	_ =	shalt  }
0x65: {  	_ =	shalt  }
0x66: {  	_ =	shalt  }
0x67: {  	_ =	shalt  }
0x68: {  	_ =	shalt  }
0x69: {  	_ =	shalt  }
0x6a: {  	_ =	shalt  }
0x6b: {  	_ =	shalt  }
0x6c: {  	_ =	shalt  }
0x6d: {  	_ =	shalt  }
0x6e: {  	_ =	shalt  }
0x6f: {  	_ =	shalt  }
0x70: {  	_ =	shalt  }
0x71: {  	_ =	shalt  }
0x72: {  	_ =	shalt  }
0x73: {  	_ =	shalt  }
0x74: {  	_ =	shalt  }
0x75: {  	_ =	shalt  }
0x76: {  	_ =	shalt  }
0x77: {  	_ =	shalt  }
0x78: {  	_ =	shalt  }
0x79: {  	_ =	shalt  }
0x7a: {  	_ =	shalt  }
0x7b: {  	_ =	shalt  }
0x7c: {  	_ =	shalt  }
0x7d: {  	_ =	shalt  }
0x7e: {  	_ =	shalt  }
0x7f: {  	_ =	shalt  }
0x80: {  	_ =	shalt  }
0x81: {  	_ =	shalt  }
0x82: {  	_ =	shalt  }
0x83: {  	_ =	shalt  }
0x84: {  	_ =	shalt  }
0x85: {  	_ =	shalt  }
0x86: {  	_ =	shalt  }
0x87: {  	_ =	shalt  }
.Lfunc_end0:
.L_simem_size_0:
called_computation_lowered:
.L_overlay_start_0:
0x88: {  	s2 =	sld [smem:$0x3FD9]  }
0x89: {  	s3 =	sld [smem:$0x3FFE];
	_ =	sdelay $0x1  }
0x8a: {  	s1 =	srdreg.scid  }
0x8b: {  	s0 =	sand.u32 $0x1, s1  }
0x8c: {  	s17 =	sshll.u32 s0, $0xA;
	s2 =	sadd.s32 s3, s2  }
0x8d: {  	s2 =	sadd.s32 s2, s17  }
0x8e: {  	[smem:$0x3FC1] =	sst s2  }
0x8f: {  	_ = 	snop  }
0x90: {  	s2 =	sld [smem:$0x3FD0];
	(tm) =	ssettm $0x1  }
0x91: {  	s18 =	sld [smem:$0x3FFB];
	_ =	sdelay $0x3  }
0x92: {  	_ =	strace s18  }
0x93: {  	s3 =	sld [smem:$0x3FFC];
	_ =	sdelay $0x3  }
0x94: {  	_ =	strace s3  }
0x95: {  	s3 =	sld [smem:$0x3FFD];
	_ =	sdelay $0x3  }
0x96: {  	_ =	strace s3  }
0x97: {  	_ =	strace $0x8FFFFFFF  }
0x98: {  	s19 =	sld [smem:$0x3FDB];
	_ =	sdelay $0x1  }
0x99: {  	s4 =	simm.s32 $_scs_section_size  }
0x9a: {  	s5 =	simm.s32 $_size__tile_overlayer_lowered;
	s6 =	simm.s32 $_tile_overlayer_lowered  }
0x9b: {  	s22 =	simm.s32 $0x1BFF;
	s21 =	sshll.u32 s6, $0x1;
	s3 =	sadd.s32 s4, s19  }
0x9c: {  	s7 =	simm.s32 $0x0;
	s20 =	sshll.u32 s5, $0x1;
	s5 =	sadd.s32 s21, s3  }
0x9d: {  	[timem:s7], [sflag:s22] =	dma.local [hbm:s5], s20  }
0x9e: {  	_ =	swait.ge [sflag:s22], s20  }
0x9f: {  	s4 =	ssub.s32 $0x0, s20;
	[sflag:s22] =	ssyncset.done $0x0  }
0xa0: {  	[sflag:s22] =	ssyncadd.s32 s4;
	_ =	sdelay $0x1  }
0xa1: {  	s23 =	simm.s32 $0x1B8B  }
0xa2: {  	_ =	swait.ge [sflag:s23], $0x1  }
0xa3: {  	[sflag:s23] =	ssyncset.done $0x0  }
0xa4: {  	s25 =	simm.s32 $0x1B8E;
	s24 =	sld [smem:$0x3FFE];
	[sflag:s23] =	ssyncadd.s32 $0xFFFFFFFF  }
0xa5: {  	s26 =	simm.s32 $execute0_lowered;
	[smem:$0x3FD2] =	sst s25  }
0xa6: {  	s5 =	sshll.u32 s26, $0x1;
	_ =	strace $0x80000046;
	[dreg:$0x1] =	wrdreg $0xFFFFFFFF  }
0xa7: {  	s28 =	simm.s32 $_size_execute0_lowered;
	s3 =	sadd.s32 s3, s5;
	[dreg:$0x0] =	wrdreg $0x0  }
0xa8: {  	s5 =	sshll.u32 s28, $0x1;
	[dreg:$0x2] =	wrdreg s3  }
0xa9: {  	[dreg:$0x3] =	wrdreg s5  }
0xaa: {  	[dreg:$0x4] =	wrdreg $0xC0  }
0xab: {  	_ =	task [dreg:s7], $0x5FFFF  }
0xac: {  	[dreg:$0x1] =	wrdreg $0xFFFFFFFF  }
0xad: {  	[dreg:$0x0] =	wrdreg $0x60  }
0xae: {  	[dreg:$0x2] =	wrdreg s24  }
0xaf: {  	[dreg:$0x3] =	wrdreg s2  }
0xb0: {  	[dreg:$0x4] =	wrdreg $0x9  }
0xb1: {  	_ =	task.clear_ibuf [dreg:s7], $0x5FFFF;
	_ =	strace $0x90000046  }
0xb2: {  	s29 =	simm.s32 $0x9;
	_ =	strace $0x80000048  }
0xb3: {  	_ =	swait.ge [sflag:s29], $0x1  }
0xb4: {  	[sflag:s29] =	ssyncadd.s32 $0xFFFFFFFF  }
0xb5: {  	_ =	strace $0x90000048  }
0xb6: {  	_ =	sfence  }
0xb7: {  	s30 =	sld [smem:$0x0];
	_ =	sdelay $0x2  }
0xb8: {  	s31 =	sshll.u32 s1, $0xD;
	s1 =	sshrl.u32 s1, $0x2  }
0xb9: {  	s3 =	sand.u32 $0x4000, s31;
	s1 =	sadd.s32 s1, s30  }
0xba: {  	s0 =	sor.u32 s3, s0;
	s1 =	sshll.u32 s1, $0x11  }
0xbb: {  	s0 =	sor.u32 s1, s0  }
0xbc: {  	s0 =	sadd.s32 $0x8F2B, s0  }
0xbd: {  	[sflag:s0] =	ssyncadd.remote.s32 $0x1  }
0xbe: {  	_ =	sfence.sel $0xFFFF  }
0xbf: {  	[dreg:$0x0] =	wrdreg $0xFFFFFFFF;
	(pc) =	sbr.abs _section_cstart, $3  }
0xc0: {  	[dreg:$0x1] =	wrdreg $0xFFFFFFFF  }
0xc1: {  	_ =	task.clear_ibuf [dreg:s7], $0x2FFFF;
	_ =	strace $0x9FFFFFFF  }
0xc2: {  	(tm) =	ssettm $0x7FFFFFFF  }
0xc3: {  	_ =	shalt  }
tec
execute0_lowered:
.L_overlay_start_1:
0x0: {  	(tag) =	ssettag $0x1  }
0x1: {  	s3 =	rddreg [dreg:$0x0];
	s1 =	srdreg.scid  }
0x2: {  	s0 =	stileid.u32;
	s5 =	rddreg [dreg:$0x1]  }
0x3: {  	s2 =	simm.s32 $0x0;
	s4 =	sand.u32 $0x1, s1;
	s6 =	sshll.u32 s0, $0x1  }
0x4: {  	s9 =	simm.s32 $0x3B80;
	s10 =	simm.s32 $0x0;
	s6 =	sor.u32 s4, s6  }
0x5: {  	s1 =	rddreg [dreg:$0x2];
	s4 =	ssub.s32 $0x2, s4;
	s7 =	smul.u32 $0x280, s6  }
0x6: {  	[smem:$0x7FF] =	sst s2;
	s31 =	sshrl.u32 s4, $0x1;
	s6 =	smul.u32 $0x4E2, s6  }
0x7: {  	_ =	strace $0x80000047;
	s8 =	ssub.s32 s4, s31;
	s7 =	sadd.s32 s7, s3  }
0x8: {  	s5 =	sadd.s32 s5, s6;
	s6 =	smax.u32 s8, $0x1;
	s8 =	simm.s32 $0x1  }
0x9: {  	v0 =	vimm.f32 $0.0e+00;
	s3 =	sadd.s32 $0x1800, s7;
	s4 =	sadd.s32 $0xB800, s7;
	s7 =	simm.s32 $0x2780  }
.LBB2_1:
0xa: {  	s11 =	simm.s32 $0x40;
	s12 =	simm.s32 $0x0  }
.LBB2_2:
0xb: {  	p0 =	sne.s32 s11, $0x9C00;
	[tilespmem:s12+$0x0] =	vst v0;
	s12 =	smov.u32 s11;
	s11 =	sadd.s32 $0x40, s11  }
.Ltmp0:
0xc: {  	(pc) =	sbr.rel @p0 .LBB2_2-.Ltmp0, $2  }
0xd: {  	_ =	sdelay $0x2  }
0xe: {  	s12 =	sshra.s32 s12, $0x2  }
0xf: {  	[tilespmem:s12+$0x0] =	vst v0;
	s11 =	simm.s32 $0x0  }
0x10: {  	[tilespmem:s7], [sflag:$0x1] =	stream.linear.gather [hbm4b:s3+s11], $0x1400, $0x38;
	[tilespmem:$0x4F80] =	vst v63  }
0x11: {  	_ =	swait.ge [sflag:s8], $0x1400  }
0x12: {  	[sflag:s8] =	ssyncset.done $0x0  }
0x13: {  	[sflag:s8] =	ssyncadd.s32 $0xFFFFEC00  }
0x14: {  	[tilespmem:s9], [sflag:$0x1] =	stream.linear.gather [hbm4b:s4+s11], $0x1400, $0x38;
	[tilespmem:$0x4F80] =	vst v63  }
0x15: {  	_ =	swait.ge [sflag:s8], $0x1400  }
0x16: {  	[sflag:s8] =	ssyncset.done $0x0  }
0x17: {  	s12 =	simm.s32 $0x0;
	s11 =	simm.s32 $0x40;
	[sflag:s8] =	ssyncadd.s32 $0xFFFFEC00  }
.LBB2_4:
0x18: {  	p0 =	sne.s32 s11, $0x4FC0;
	v1 =	vld [tilespmem:s12+$0x2780];
	_ =	sdelay $0x2  }
0x19: {  	v2 =	vld [tilespmem:s12+$0x3B80]  }
.Ltmp1:
0x1a: {  	(pc) =	sbr.rel @p0 .LBB2_4-.Ltmp1, $2  }
0x1b: {  	_ =	sdelay $0x2  }
0x1c: {  	s12 =	sshra.s32 s11, $0x2;
	s11 =	sadd.s32 $0x40, s11;
	[tilespmem:v1+s2+$0x0] =	vst.idx.add.f32.msk $0xffff, v2  }
0x1d: {  	v1 =	vld [tilespmem:s12+$0x2780];
	_ =	sdelay $0x2  }
0x1e: {  	v2 =	vld [tilespmem:s12+$0x3B80];
	_ =	sdelay $0x2  }
0x1f: {  	s10 =	sadd.s32 $0x1, s10  }
0x20: {  	p0 =	sne.s32 s10, s6  }
.Ltmp2:
0x21: {  	[tilespmem:v1+s2+$0x0] =	vst.idx.add.f32.msk $0xffff, v2;
	(pc) =	sbr.rel @p0 .LBB2_1-.Ltmp2, $4  }
0x22: {  	[hbm4b:s5+s2] =	stream.linear.scatter [tilespmem:s2], [sflag:$0x1], $0x2710, $0x38;
	[tilespmem:$0x4F80] =	vst v63  }
0x23: {  	_ =	swait.ge [sflag:s8], $0x2710  }
0x24: {  	[sflag:s8] =	ssyncset.done $0x0  }
0x25: {  	[sflag:s8] =	ssyncadd.s32 $0xFFFFD8F0  }
0x26: {  	_ =	sfence.sel $0x180000  }
0x27: {  	[bflag:$0x0] =	sbarrier.arrive $0xFFFF  }
0x28: {  	p0 =	sne.s32 s0, $0x0;
	_ =	strace $0x90000047  }
0x29: {  	s0 =	sadd.s32 @!p0 $0x100000, s1;
	[bflag:$0x2] =	sbarrier.arrive $0xFFFF  }
0x2a: {  	[sflag:s0] =	ssyncadd.tile.s32 @!p0 $0x1;
	_ =	shalt  }
.Lfunc_end2:
_tile_overlayer_lowered:
.L_overlay_start_2:
0x2b: {  	(tag) =	ssettag $0x2  }
0x2c: {  	s0 =	rddreg [dreg:$0x0];
	s2 =	stileid.u32  }
0x2d: {  	s1 =	rddreg [dreg:$0x1];
	p0 =	sne.s32 s2, $0x0  }
0x2e: {  	s3 =	rddreg [dreg:$0x2];
	[bflag:$0x3] =	sbarrier.arrive $0xFFFF;
	s2 =	simm.s32 @!p0 $0x1C01  }
0x2f: {  	[timem:s3], [sflag:s2] =	dma.local @!p0 [hbm:s0], s1  }
0x30: {  	s0 =	simm.s32 @!p0 $0x1  }
0x31: {  	_ =	swait.ge @!p0 [sflag:s0], s1  }
0x32: {  	s1 =	ssub.s32 @!p0 $0x0, s1;
	[sflag:s0] =	ssyncset.done @!p0 $0x0  }
0x33: {  	[sflag:s0] =	ssyncadd.s32 @!p0 s1  }
0x34: {  	[bflag:$0x3] =	sbarrier.arrive $0xFFFF  }
0x35: {  	_ =	shalt  }

// kernel: kernel.9.cloned.1.call-start
scs
__scs_entry_jumppad:
0x0: {  	(pc) =	sbr.rel $0x88, $3  }
0x1: {  	(tag) =	ssettag $0x0;
	lr =	simm.s32 $0x1  }
0x2: {  	[smem:$0x3F9A] =	sst lr;
	_ =	strace $0xD0000000  }
0x3: {  	_ = 	snop  }
0x4: {  	_ = 	snop  }
0x5: {  	_ = 	snop  }
0x6: {  	_ = 	snop  }
0x7: {  	_ = 	snop  }
__scs_overlays_trampoline_lowered:
0x8: {  	[smem:$0x3FA9] =	sst s0  }
0x9: {  	[smem:$0x3FAA] =	sst s1  }
0xa: {  	[smem:$0x3FAB] =	sst s2  }
0xb: {  	[smem:$0x3FAC] =	sst s3  }
0xc: {  	[smem:$0x3FAD] =	sst s4  }
0xd: {  	[smem:$0x3FAE] =	sst s5  }
0xe: {  	[smem:$0x3FAF] =	sst s6  }
0xf: {  	[smem:$0x3FB0] =	sst s7  }
0x10: {  	[smem:$0x3FB1] =	sst s8  }
0x11: {  	[smem:$0x3FB2] =	sst s9;
	s0 =	simm.s32 @!p0 $0x0  }
0x12: {  	s1 =	sld [smem:$0x3F98];
	s0 =	simm.s32 @p0 $0x1  }
0x13: {  	[smem:$0x3FB3] =	sst s0;
	s0 =	simm.s32 @!p1 $0x0  }
0x14: {  	s2 =	sld [smem:$0x3F97];
	s0 =	simm.s32 @p1 $0x1  }
0x15: {  	[smem:$0x3FB4] =	sst s0;
	s0 =	simm.s32 @!p2 $0x0  }
0x16: {  	s3 =	sld [smem:$0x3FDB];
	s0 =	simm.s32 @p2 $0x1  }
0x17: {  	s4 =	simm.s32 $0x1BF5;
	[smem:$0x3FB6] =	sst s0  }
0x18: {  	s0 =	sld [smem:$0x3F99];
	_ =	swait.ge [sflag:s4], $0x0  }
0x19: {  	s7 =	sld [smem:$0x3F9A]  }
0x1a: {  	s8 =	sadd.s32 $0xFFFFE003, lr  }
0x1b: {  	s9 =	sadd.s32 $0xFFFFFEF7, lr;
	s5 =	simm.s32 $0xFFFFFFFF;
	p2 =	slt.u32 s8, $0xFFFFF086  }
0x1c: {  	p1 =	slt.u32 s9, $0xF7A;
	s5 =	simm.s32 @!p2 $0x0  }
0x1d: {  	s5 =	simm.s32 @p1 $0x1;
	p0 =	seq.s32 s7, s2  }
0x1e: {  	s7 =	smul.u32 @!p0 $0xF7A, s2;
	p2 =	seq.s32 @!p0 s5, $0x0  }
0x1f: {  	s9 =	smul.u32 $0xF7A, s1;
	s8 =	simm.s32 @!p0 $0x1BF5;
	p2 =	por !p2, p0  }
0x20: {  	[sflag:s8] =	ssyncset.s32 @!p0 $0xFFFFF086;
	s6 =	sadd.s32 @!p0 s3, s7;
	s7 =	simm.s32 @!p0 $0x108  }
0x21: {  	s3 =	sadd.s32 s3, s9;
	s6 =	sadd.s32 @!p0 $0x88, s6;
	s7 =	simm.s32 @p2 $0x1082  }
0x22: {  	[simem:s7], [sflag:s8] =	dma.local @!p0 [hbm:s6], $0xF7A  }
0x23: {  	s9 =	sor.u32 $0xD0000000, s2;
	s6 =	simm.s32 $0x108;
	_ =	swait.ge @!p0 [sflag:s8], $0x0  }
0x24: {  	s3 =	sadd.s32 $0x88, s3;
	s6 =	simm.s32 @!p1 $0x1082;
	[sflag:s4] =	ssyncset.s32 $0xFFFFF086  }
0x25: {  	[simem:s6], [sflag:s4] =	dma.local [hbm:s3], $0xF7A  }
0x26: {  	[smem:$0x3F9A] =	sst s1;
	(tag) =	ssettag s2;
	_ =	strace s9  }
0x27: {  	s1 =	sld [smem:$0x3FAA]  }
0x28: {  	s2 =	sld [smem:$0x3FAB]  }
0x29: {  	s4 =	sld [smem:$0x3FAD]  }
0x2a: {  	p0 =	seq.s32 s5, $0x0;
	s5 =	sld [smem:$0x3FAE]  }
0x2b: {  	s6 =	sld [smem:$0x3FAF]  }
0x2c: {  	s7 =	sld [smem:$0x3FB0]  }
0x2d: {  	s3 =	simm.s32 $0x108;
	s8 =	sld [smem:$0x3FB1]  }
0x2e: {  	s3 =	simm.s32 @!p0 $0x1082;
	s9 =	sld [smem:$0x3FB2]  }
0x2f: {  	lr =	sadd.s32 s0, s3;
	s0 =	sld [smem:$0x3FA9]  }
0x30: {  	s3 =	sld [smem:$0x3FAC]  }
0x31: {  	[smem:$0x3FB5] =	sst s10  }
0x32: {  	s10 =	sld [smem:$0x3FB3];
	_ =	sdelay $0x3  }
0x33: {  	p0 =	seq.s32 s10, $0x1;
	s10 =	sld [smem:$0x3FB5];
	_ =	sdelay $0x3  }
0x34: {  	[smem:$0x3FB5] =	sst s10  }
0x35: {  	s10 =	sld [smem:$0x3FB4];
	_ =	sdelay $0x3  }
0x36: {  	p1 =	seq.s32 s10, $0x1;
	s10 =	sld [smem:$0x3FB5];
	_ =	sdelay $0x3  }
0x37: {  	[smem:$0x3FB5] =	sst s10  }
0x38: {  	s10 =	sld [smem:$0x3FB6]  }
0x39: {  	_ = 	snop;
	(pc) =	sbr.ind lr, $3  }
0x3a: {  	_ = 	snop  }
0x3b: {  	_ = 	snop  }
0x3c: {  	p2 =	seq.s32 s10, $0x1;
	s10 =	sld [smem:$0x3FB5]  }
0x3d: {  	_ =	shalt  }
0x3e: {  	_ =	shalt  }
0x3f: {  	_ =	shalt  }
0x40: {  	_ =	shalt  }
0x41: {  	_ =	shalt  }
0x42: {  	_ =	shalt  }
0x43: {  	_ =	shalt  }
0x44: {  	_ =	shalt  }
0x45: {  	_ =	shalt  }
0x46: {  	_ =	shalt  }
0x47: {  	_ =	shalt  }
0x48: {  	_ =	shalt  }
0x49: {  	_ =	shalt  }
0x4a: {  	_ =	shalt  }
0x4b: {  	_ =	shalt  }
0x4c: {  	_ =	shalt  }
0x4d: {  	_ =	shalt  }
0x4e: {  	_ =	shalt  }
0x4f: {  	_ =	shalt  }
0x50: {  	_ =	shalt  }
0x51: {  	_ =	shalt  }
0x52: {  	_ =	shalt  }
0x53: {  	_ =	shalt  }
0x54: {  	_ =	shalt  }
0x55: {  	_ =	shalt  }
0x56: {  	_ =	shalt  }
0x57: {  	_ =	shalt  }
0x58: {  	_ =	shalt  }
0x59: {  	_ =	shalt  }
0x5a: {  	_ =	shalt  }
0x5b: {  	_ =	shalt  }
0x5c: {  	_ =	shalt  }
0x5d: {  	_ =	shalt  }
0x5e: {  	_ =	shalt  }
0x5f: {  	_ =	shalt  }
0x60: {  	_ =	shalt  }
0x61: {  	_ =	shalt  }
0x62: {  	_ =	shalt  }
0x63: {  	_ =	shalt  }
0x64: {  	_ =	shalt  }
0x65: {  	_ =	shalt  }
0x66: {  	_ =	shalt  }
0x67: {  	_ =	shalt  }
0x68: {  	_ =	shalt  }
0x69: {  	_ =	shalt  }
0x6a: {  	_ =	shalt  }
0x6b: {  	_ =	shalt  }
0x6c: {  	_ =	shalt  }
0x6d: {  	_ =	shalt  }
0x6e: {  	_ =	shalt  }
0x6f: {  	_ =	shalt  }
0x70: {  	_ =	shalt  }
0x71: {  	_ =	shalt  }
0x72: {  	_ =	shalt  }
0x73: {  	_ =	shalt  }
0x74: {  	_ =	shalt  }
0x75: {  	_ =	shalt  }
0x76: {  	_ =	shalt  }
0x77: {  	_ =	shalt  }
0x78: {  	_ =	shalt  }
0x79: {  	_ =	shalt  }
0x7a: {  	_ =	shalt  }
0x7b: {  	_ =	shalt  }
0x7c: {  	_ =	shalt  }
0x7d: {  	_ =	shalt  }
0x7e: {  	_ =	shalt  }
0x7f: {  	_ =	shalt  }
0x80: {  	_ =	shalt  }
0x81: {  	_ =	shalt  }
0x82: {  	_ =	shalt  }
0x83: {  	_ =	shalt  }
0x84: {  	_ =	shalt  }
0x85: {  	_ =	shalt  }
0x86: {  	_ =	shalt  }
0x87: {  	_ =	shalt  }
.Lfunc_end0:
.L_simem_size_0:
called_computation.1_lowered:
.L_overlay_start_0:
0x88: {  	s2 =	sld [smem:$0x3FD9]  }
0x89: {  	s3 =	sld [smem:$0x3FFE];
	_ =	sdelay $0x1  }
0x8a: {  	s1 =	srdreg.scid  }
0x8b: {  	s0 =	sand.u32 $0x1, s1  }
0x8c: {  	s17 =	sshll.u32 s0, $0xA;
	s2 =	sadd.s32 s3, s2  }
0x8d: {  	s2 =	sadd.s32 s2, s17  }
0x8e: {  	[smem:$0x3FC1] =	sst s2  }
0x8f: {  	_ = 	snop  }
0x90: {  	s2 =	sld [smem:$0x3FD0];
	(tm) =	ssettm $0x1  }
0x91: {  	s18 =	sld [smem:$0x3FFB];
	_ =	sdelay $0x3  }
0x92: {  	_ =	strace s18  }
0x93: {  	s3 =	sld [smem:$0x3FFC];
	_ =	sdelay $0x3  }
0x94: {  	_ =	strace s3  }
0x95: {  	s3 =	sld [smem:$0x3FFD];
	_ =	sdelay $0x3  }
0x96: {  	_ =	strace s3  }
0x97: {  	_ =	strace $0x8FFFFFFF  }
0x98: {  	s19 =	sld [smem:$0x3FDB];
	_ =	sdelay $0x1  }
0x99: {  	s4 =	simm.s32 $_scs_section_size  }
0x9a: {  	s5 =	simm.s32 $_size__tile_overlayer_lowered;
	s6 =	simm.s32 $_tile_overlayer_lowered  }
0x9b: {  	s22 =	simm.s32 $0x1BFF;
	s21 =	sshll.u32 s6, $0x1;
	s3 =	sadd.s32 s4, s19  }
0x9c: {  	s7 =	simm.s32 $0x0;
	s20 =	sshll.u32 s5, $0x1;
	s5 =	sadd.s32 s21, s3  }
0x9d: {  	[timem:s7], [sflag:s22] =	dma.local [hbm:s5], s20  }
0x9e: {  	_ =	swait.ge [sflag:s22], s20  }
0x9f: {  	s4 =	ssub.s32 $0x0, s20;
	[sflag:s22] =	ssyncset.done $0x0  }
0xa0: {  	[sflag:s22] =	ssyncadd.s32 s4;
	_ =	sdelay $0x1  }
0xa1: {  	s23 =	simm.s32 $0x1B8B  }
0xa2: {  	_ =	swait.ge [sflag:s23], $0x1  }
0xa3: {  	[sflag:s23] =	ssyncset.done $0x0  }
0xa4: {  	s25 =	simm.s32 $0x1B8E;
	s24 =	sld [smem:$0x3FFE];
	[sflag:s23] =	ssyncadd.s32 $0xFFFFFFFF  }
0xa5: {  	s26 =	simm.s32 $execute0_lowered;
	[smem:$0x3FD2] =	sst s25  }
0xa6: {  	s5 =	sshll.u32 s26, $0x1;
	_ =	strace $0x80000049;
	[dreg:$0x1] =	wrdreg $0xFFFFFFFF  }
0xa7: {  	s28 =	simm.s32 $_size_execute0_lowered;
	s3 =	sadd.s32 s3, s5;
	[dreg:$0x0] =	wrdreg $0x0  }
0xa8: {  	s5 =	sshll.u32 s28, $0x1;
	[dreg:$0x2] =	wrdreg s3  }
0xa9: {  	[dreg:$0x3] =	wrdreg s5  }
0xaa: {  	[dreg:$0x4] =	wrdreg $0xC0  }
0xab: {  	_ =	task [dreg:s7], $0x5FFFF  }
0xac: {  	[dreg:$0x1] =	wrdreg $0xFFFFFFFF  }
0xad: {  	[dreg:$0x0] =	wrdreg $0x60  }
0xae: {  	[dreg:$0x2] =	wrdreg s2  }
0xaf: {  	[dreg:$0x3] =	wrdreg s24  }
0xb0: {  	[dreg:$0x4] =	wrdreg $0x0  }
0xb1: {  	[dreg:$0x5] =	wrdreg $0x9  }
0xb2: {  	_ =	task.clear_ibuf [dreg:s7], $0x6FFFF;
	_ =	strace $0x90000049  }
0xb3: {  	s29 =	simm.s32 $0x9;
	_ =	strace $0x8000004B  }
0xb4: {  	_ =	swait.ge [sflag:s29], $0x1  }
0xb5: {  	[sflag:s29] =	ssyncadd.s32 $0xFFFFFFFF  }
0xb6: {  	_ =	strace $0x9000004B  }
0xb7: {  	_ =	sfence  }
0xb8: {  	s30 =	sld [smem:$0x0];
	_ =	sdelay $0x2  }
0xb9: {  	s31 =	sshll.u32 s1, $0xD;
	s1 =	sshrl.u32 s1, $0x2  }
0xba: {  	s3 =	sand.u32 $0x4000, s31;
	s1 =	sadd.s32 s1, s30  }
0xbb: {  	s0 =	sor.u32 s3, s0;
	s1 =	sshll.u32 s1, $0x11  }
0xbc: {  	s0 =	sor.u32 s1, s0  }
0xbd: {  	s0 =	sadd.s32 $0x8F2B, s0  }
0xbe: {  	[sflag:s0] =	ssyncadd.remote.s32 $0x1  }
0xbf: {  	_ =	sfence.sel $0xFFFF  }
0xc0: {  	[dreg:$0x0] =	wrdreg $0xFFFFFFFF;
	(pc) =	sbr.abs _section_cstart, $3  }
0xc1: {  	[dreg:$0x1] =	wrdreg $0xFFFFFFFF  }
0xc2: {  	_ =	task.clear_ibuf [dreg:s7], $0x2FFFF;
	_ =	strace $0x9FFFFFFF  }
0xc3: {  	(tm) =	ssettm $0x7FFFFFFF  }
tec
execute0_lowered:
.L_overlay_start_1:
0x0: {  	(tag) =	ssettag $0x1  }
0x1: {  	s1 =	rddreg [dreg:$0x0]  }
0x2: {  	s0 =	rddreg [dreg:$0x1]  }
0x3: {  	s2 =	rddreg [dreg:$0x2]  }
0x4: {  	s3 =	simm.s32 $0x0;
	s7 =	srdreg.scid;
	s14 =	stileid.u32  }
0x5: {  	s28 =	simm.s32 $0x16080;
	s29 =	simm.s32 $0x40;
	s30 =	simm.s32 $0x17480  }
0x6: {  	[smem:$0x7FF] =	sst s3;
	s4 =	sadd.s32 $0x15800, s0;
	s10 =	smul.u32 $0x4E000, s14  }
0x7: {  	s5 =	sadd.s32 $0x10800, s0;
	s6 =	sadd.s32 $0x6800, s0;
	s12 =	smul.u32 $0x2700, s14  }
0x8: {  	s8 =	sadd.s32 $0xB800, s0;
	s7 =	sand.u32 $0x1, s7;
	s31 =	smul.u32 $0x2800, s14  }
0x9: {  	s15 =	sadd.s32 $0x3CA00, s0;
	s16 =	sadd.s32 $0x63C00, s0;
	s19 =	smul.u32 $0x500, s14  }
0xa: {  	s0 =	sadd.s32 $0x3C800, s0;
	_ =	strace $0x8000004A;
	[dreg:$0x4] =	wrdreg s15  }
0xb: {  	p1 =	sne.s32 s14, $0xF;
	p2 =	seq.s32 s14, $0xF;
	[dreg:$0x11] =	wrdreg s0  }
0xc: {  	s9 =	ssub.s32 $0x2, s7;
	p0 =	seq.s32 s7, $0x1;
	[dreg:$0x5] =	wrdreg s16  }
0xd: {  	s11 =	sshrl.u32 s9, $0x1;
	s10 =	sshrl.u32 s10, $0x2;
	s17 =	sadd.s32 s1, s12  }
0xe: {  	s18 =	sshrl.u32 s31, $0x3;
	s24 =	sadd.s32 s15, s12;
	[dreg:$0x7] =	wrdreg s17  }
0xf: {  	s25 =	sadd.s32 s4, s12;
	s26 =	sadd.s32 s16, s12;
	[dreg:$0xf] =	wrdreg s24  }
0x10: {  	s9 =	ssub.s32 s9, s11;
	s13 =	sadd.s32 s10, s2;
	[dreg:$0x10] =	wrdreg s25  }
0x11: {  	s10 =	sadd.s32 $0x138000, s2;
	s20 =	sadd.s32 s5, s18;
	[dreg:$0x12] =	wrdreg s26  }
0x12: {  	s21 =	sadd.s32 $0x280, s18;
	s11 =	sadd.s32 s6, s19;
	[dreg:$0x6] =	wrdreg s13  }
0x13: {  	s7 =	sadd.s32 s8, s18;
	s24 =	simm.s32 $0x13880;
	[dreg:$0x9] =	wrdreg s20  }
0x14: {  	s25 =	simm.s32 $0x8;
	s18 =	simm.s32 $0x1;
	[dreg:$0xa] =	wrdreg s11  }
0x15: {  	s19 =	simm.s32 $0x2;
	s13 =	sadd.s32 $0x27000, s1;
	[dreg:$0xb] =	wrdreg s7  }
0x16: {  	s5 =	sadd.s32 s5, s21;
	s22 =	sadd.s32 s6, s21;
	s23 =	sadd.s32 s8, s21  }
.Ltmp0:
0x17: {  	s31 =	smax.u32 s9, $0x1;
	[dreg:$0x8] =	wrdreg s13;
	(pc) =	sbr.rel .LBB2_1-.Ltmp0, $4  }
0x18: {  	s9 =	simm.s32 $0x1B480;
	s11 =	simm.s32 $0x1D480;
	[dreg:$0xc] =	wrdreg s5  }
0x19: {  	s20 =	simm.s32 $0x80;
	s21 =	simm.s32 $0x5;
	[dreg:$0xd] =	wrdreg s22  }
0x1a: {  	s6 =	simm.s32 $0x3;
	s7 =	simm.s32 $0x4;
	[dreg:$0xe] =	wrdreg s23  }
0x1b: {  	[dreg:$0x13] =	wrdreg s31;
	s23 =	simm.s32 $0x7;
	s5 =	simm.s32 $0x6  }
.LBB2_28:
0x1c: {  	s8 =	sadd.s32 $0x27000, s8;
	s12 =	sshrl.u32 s10, $0x3  }
0x1d: {  	[hbm:s8], [sflag:s0] =	dma.local [spmem:s12], $0x100  }
0x1e: {  	_ =	swait.ge [sflag:s25], $0x100  }
0x1f: {  	[sflag:s25] =	ssyncset.done $0x0  }
0x20: {  	[sflag:s25] =	ssyncadd.s32 $0xFFFFFF00  }
.LBB2_29:
0x21: {  	s3 =	sadd.s32 $0x1, s3;
	s0 =	rddreg [dreg:$0x13]  }
0x22: {  	p3 =	sne.s32 s3, s0  }
.Ltmp1:
0x23: {  	_ = 	snop;
	(pc) =	sbr.rel @!p3 .LBB2_30-.Ltmp1, $1  }
0x24: {  	_ =	sdelay $0x3  }
.LBB2_1:
.Ltmp2:
0x25: {  	(pc) =	sbr.rel @!p0 .LBB2_2-.Ltmp2, $4  }
0x26: {  	_ = 	snop  }
0x27: {  	s0 =	stileid.u32  }
0x28: {  	s26 =	rddreg [dreg:$0x6];
	s31 =	sshll.u32 s0, $0x6  }
0x29: {  	s26 =	sshrl.u32 s26, $0x3;
	s0 =	sshrl.u32 @!p1 s10, $0x3;
	s8 =	sor.u32 $0x1C07, s31  }
0x2a: {  	s12 =	rddreg [dreg:$0x10]  }
0x2b: {  	[spmem:s26], [sflag:s8] =	dma.local [hbm:s12], $0x2700  }
0x2c: {  	_ =	swait.ge [sflag:s23], $0x2700  }
0x2d: {  	[sflag:s23] =	ssyncset.done $0x0  }
0x2e: {  	s8 =	simm.s32 @!p1 $0x1FC8;
	s12 =	rddreg [dreg:$0x11];
	[sflag:s23] =	ssyncadd.s32 $0xFFFFD900  }
0x2f: {  	[spmem:s0], [sflag:s8] =	dma.local @!p1 [hbm:s12], $0x100  }
0x30: {  	s0 =	simm.s32 @!p1 $0x8  }
0x31: {  	_ =	swait.ge @!p1 [sflag:s0], $0x100  }
0x32: {  	[sflag:s0] =	ssyncset.done @!p1 $0x0  }
0x33: {  	[sflag:s0] =	ssyncadd.s32 @!p1 $0xFFFFFF00  }
0x34: {  	[bflag:$0x0] =	sbarrier.arrive $0xFFFF  }
0x35: {  	s0 =	simm.s32 $0x0;
	s13 =	rddreg [dreg:$0x9]  }
0x36: {  	[tilespmem:s24], [sflag:$0x8] =	stream.linear.gather [hbm4b:s13+s0], $0x1400, $0x38;
	[tilespmem:$0x1F480] =	vst v63  }
0x37: {  	_ =	swait.ge [sflag:s25], $0x1400  }
0x38: {  	[sflag:s25] =	ssyncset.done $0x0  }
0x39: {  	s15 =	simm.s32 $0x14C80;
	s14 =	rddreg [dreg:$0xa];
	[sflag:s25] =	ssyncadd.s32 $0xFFFFEC00  }
0x3a: {  	[tilespmem:s15], [sflag:$0x8] =	stream.linear.gather [hbm4b:s14+s0], $0x1400, $0x38;
	[tilespmem:$0x1F480] =	vst v63  }
0x3b: {  	_ =	swait.ge [sflag:s25], $0x1400  }
0x3c: {  	[sflag:s25] =	ssyncset.done $0x0  }
0x3d: {  	s16 =	rddreg [dreg:$0xb];
	[sflag:s25] =	ssyncadd.s32 $0xFFFFEC00  }
0x3e: {  	[tilespmem:s28], [sflag:$0x8] =	stream.linear.gather [hbm4b:s16+s0], $0x1400, $0x38;
	[tilespmem:$0x1F480] =	vst v63  }
0x3f: {  	_ =	swait.ge [sflag:s25], $0x1400  }
0x40: {  	[sflag:s25] =	ssyncset.done $0x0  }
0x41: {  	[sflag:s25] =	ssyncadd.s32 $0xFFFFEC00  }
0x42: {  	[tilespmem:s30], [sflag:$0x1] =	stream.indirect.gather [hbm4b:s4+s29], $0x80, s24, s29, $0xb8;
	[tilespmem:$0x1F480] =	vst v63  }
0x43: {  	s17 =	simm.s32 $0x138C0;
	s22 =	simm.s32 $0x19480  }
0x44: {  	[tilespmem:s22], [sflag:$0x2] =	stream.indirect.gather [hbm4b:s4+s29], $0x80, s17, s29, $0xb8;
	[tilespmem:$0x1F480] =	vst v63  }
.LBB2_16:
0x45: {  	p3 =	seq.s32 s0, $0x0  }
0x46: {  	s8 =	sshll.u32 s0, $0x1;
	s12 =	simm.s32 @!p3 $0x6  }
0x47: {  	s8 =	sor.u32 $0x1, s8;
	_ =	swait.ge @!p3 [sflag:s12], $0x4000  }
0x48: {  	s13 =	sshll.u32 s0, $0x8;
	s8 =	sshll.u32 s8, $0x7;
	[sflag:s12] =	ssyncset.done @!p3 $0x0  }
0x49: {  	s14 =	sadd.s32 $0x0, s13;
	s16 =	sadd.s32 $0x13880, s8;
	[sflag:s12] =	ssyncadd.s32 @!p3 $0xFFFFC000  }
0x4a: {  	[tilespmem:s9], [sflag:$0x3] =	stream.indirect.gather [hbm4b:s4+s29], $0x80, s16, s29, $0xb8;
	[tilespmem:$0x1F480] =	vst v63  }
0x4b: {  	v0 =	vmov s14;
	s15 =	sadd.s32 $0x2, s14;
	s17 =	sadd.s32 $0x138C0, s8  }
0x4c: {  	v0 =	vand.u32 $0xFFFFFFFC, v0;
	v1 =	vmov s15;
	[tilespmem:s11], [sflag:$0x4] =	stream.indirect.gather [hbm4b:s4+s29], $0x80, s17, s29, $0xb8;
	[tilespmem:$0x1F480] =	vst v63  }
0x4d: {  	v0 =	vbroadcast v0, $0x0;
	v1 =	vand.u32 $0xFFFFFFFE, v1;
	_ =	swait.ge [sflag:s18], $0x2000  }
0x4e: {  	v1 =	vbroadcast v1, $0x0;
	[sflag:s18] =	ssyncset.done $0x0  }
0x4f: {  	[sflag:s18] =	ssyncadd.s32 $0xFFFFE000  }
0x50: {  	_ =	swait.ge [sflag:s19], $0x2000  }
0x51: {  	[sflag:s19] =	ssyncset.done $0x0  }
0x52: {  	[sflag:s19] =	ssyncadd.s32 $0xFFFFE000  }
0x53: {  	v0 =	vld.idx.msk [tilespmem:v0+s28+$0x0], $0xffff  }
0x54: {  	s22 =	sadd.s32 $0x1, s14;
	s12 =	simm.s32 $0x17580;
	v1 =	vld.idx.msk [tilespmem:v1+s28+$0x0], $0xffff  }
0x55: {  	v2 =	vmov s22;
	v3 =	vld [tilespmem:s12+$0x70]  }
0x56: {  	v2 =	vand.u32 $0xFFFFFFFD, v2;
	v4 =	vld [tilespmem:s12+$0xFFFFFF00]  }
0x57: {  	v2 =	vbroadcast v2, $0x0;
	v5 =	vld [tilespmem:s12+$0xFFFFFF10]  }
0x58: {  	v6 =	vld [tilespmem:s12+$0xFFFFFF20]  }
0x59: {  	v7 =	vld [tilespmem:s12+$0xFFFFFF30]  }
0x5a: {  	v8 =	vld [tilespmem:s12+$0xFFFFFF40]  }
0x5b: {  	v9 =	vld [tilespmem:s12+$0xFFFFFF50]  }
0x5c: {  	v10 =	vld [tilespmem:s12+$0xFFFFFF60];
	v4 =	vmul.f32 v4, v0  }
0x5d: {  	v11 =	vld.idx.msk [tilespmem:v2+s28+$0x0], $0xffff;
	v2 =	vmul.f32 v3, v1  }
0x5e: {  	v3 =	vmul.f32 v5, v0;
	v5 =	vld [tilespmem:s12+$0xFFFFFF80];
	[tilespmem:s12+$0xFFFFFF00] =	vst v4  }
0x5f: {  	s14 =	sadd.s32 $0x3, s14;
	v4 =	vld [tilespmem:s12+$0xFFFFFF70];
	[tilespmem:s12+$0x70] =	vst v2;
	v2 =	vmul.f32 v6, v0  }
0x60: {  	[tilespmem:s12+$0xFFFFFF10] =	vst v3;
	v3 =	vmul.f32 v7, v0;
	v6 =	vld [tilespmem:s12+$0xFFFFFF90];
	v7 =	vmov s14  }
0x61: {  	[tilespmem:s12+$0xFFFFFF20] =	vst v2;
	v2 =	vmul.f32 v8, v0;
	v8 =	vld [tilespmem:s12+$0xFFFFFFA0]  }
0x62: {  	[tilespmem:s12+$0xFFFFFF30] =	vst v3;
	v3 =	vmul.f32 v9, v0;
	v9 =	vld [tilespmem:s12+$0xFFFFFFB0]  }
0x63: {  	[tilespmem:s12+$0xFFFFFF40] =	vst v2;
	v2 =	vmul.f32 v10, v0;
	v10 =	vld [tilespmem:s12+$0xFFFFFFC0]  }
0x64: {  	[tilespmem:s12+$0xFFFFFF50] =	vst v3;
	v3 =	vmul.f32 v5, v11;
	v5 =	vld [tilespmem:s12+$0xFFFFFFD0]  }
0x65: {  	v4 =	vmul.f32 v4, v0;
	v0 =	vld.idx.msk [tilespmem:v7+s28+$0x0], $0xffff;
	[tilespmem:s12+$0xFFFFFF60] =	vst v2  }
0x66: {  	v6 =	vmul.f32 v6, v11;
	v2 =	vld [tilespmem:s12+$0xFFFFFFE0];
	[tilespmem:s12+$0xFFFFFF80] =	vst v3  }
0x67: {  	[tilespmem:s12+$0xFFFFFF70] =	vst v4;
	v3 =	vmul.f32 v8, v11;
	v4 =	vld [tilespmem:s12+$0xFFFFFFF0]  }
0x68: {  	v7 =	vld [tilespmem:s12+$0x0];
	[tilespmem:s12+$0xFFFFFF90] =	vst v6;
	v6 =	vmul.f32 v9, v11  }
0x69: {  	v9 =	vld [tilespmem:s12+$0x10];
	[tilespmem:s12+$0xFFFFFFA0] =	vst v3;
	v3 =	vmul.f32 v10, v11  }
0x6a: {  	[tilespmem:s12+$0xFFFFFFB0] =	vst v6;
	v5 =	vmul.f32 v5, v11;
	v6 =	vld [tilespmem:s12+$0x20]  }
0x6b: {  	[tilespmem:s12+$0xFFFFFFC0] =	vst v3;
	v8 =	vmul.f32 v2, v11;
	v2 =	vld [tilespmem:s12+$0x30]  }
0x6c: {  	[tilespmem:s12+$0xFFFFFFD0] =	vst v5;
	v3 =	vld [tilespmem:s12+$0x40];
	v5 =	vmul.f32 v4, v11  }
0x6d: {  	v4 =	vld [tilespmem:s12+$0x50];
	[tilespmem:s12+$0xFFFFFFE0] =	vst v8;
	v8 =	vmul.f32 v7, v1  }
0x6e: {  	s15 =	simm.s32 $0x8;
	s16 =	sadd.s32 $0x4, s13;
	s14 =	simm.s32 $0x17580;
	v7 =	vmul.f32 v9, v1;
	[tilespmem:s12+$0xFFFFFFF0] =	vst v5;
	v5 =	vld [tilespmem:s12+$0x60]  }
.LBB2_17:
0x6f: {  	p3 =	slt.u32 s15, $0x7C;
	v9 =	vmov s16;
	s17 =	sadd.s32 $0x1, s16;
	s22 =	sadd.s32 $0x2, s16;
	[tilespmem:s12+$0x0] =	vst v8;
	v6 =	vmul.f32 v6, v1;
	v8 =	vld [tilespmem:s12+$0x80]  }
0x70: {  	s16 =	sadd.s32 $0x3, s16;
	v9 =	vand.u32 $0xFFFFFFFC, v9;
	v10 =	vmov s17;
	v11 =	vmov s22;
	[tilespmem:s12+$0x10] =	vst v7;
	v7 =	vld [tilespmem:s12+$0x90]  }
0x71: {  	v9 =	vbroadcast v9, $0x0;
	v10 =	vand.u32 $0xFFFFFFFD, v10;
	v11 =	vand.u32 $0xFFFFFFFE, v11;
	[tilespmem:s12+$0x20] =	vst v6;
	v6 =	vld [tilespmem:s12+$0xA0]  }
0x72: {  	v12 =	vmov s16;
	v10 =	vbroadcast v10, $0x0;
	v11 =	vbroadcast v11, $0x0;
	v13 =	vld [tilespmem:s12+$0xB0]  }
0x73: {  	v2 =	vmul.f32 v2, v1;
	v3 =	vmul.f32 v3, v1;
	v14 =	vld [tilespmem:s12+$0xC0]  }
0x74: {  	v4 =	vmul.f32 v4, v1;
	v5 =	vmul.f32 v5, v1;
	v15 =	vld [tilespmem:s12+$0xD0]  }
0x75: {  	[tilespmem:s12+$0x30] =	vst v2;
	v2 =	vmul.f32 v8, v0;
	v7 =	vmul.f32 v7, v0;
	v8 =	vld [tilespmem:s12+$0xE0]  }
0x76: {  	[tilespmem:s12+$0x40] =	vst v3;
	v3 =	vmul.f32 v6, v0;
	v6 =	vld [tilespmem:s12+$0xF0]  }
0x77: {  	v9 =	vld.idx.msk [tilespmem:v9+s28+$0x0], $0xffff;
	[tilespmem:s12+$0x50] =	vst v4;
	v4 =	vmul.f32 v13, v0  }
0x78: {  	s12 =	sadd.s32 $0x200, s12;
	v1 =	vld.idx.msk [tilespmem:v11+s28+$0x0], $0xffff;
	[tilespmem:s14+$0x60] =	vst v5;
	v5 =	vmul.f32 v14, v0  }
0x79: {  	v11 =	vld [tilespmem:s12+$0x70];
	[tilespmem:s14+$0x80] =	vst v2;
	v2 =	vmul.f32 v15, v0  }
0x7a: {  	v10 =	vld.idx.msk [tilespmem:v10+s28+$0x0], $0xffff;
	[tilespmem:s14+$0x90] =	vst v7;
	v7 =	vmul.f32 v8, v0  }
0x7b: {  	[tilespmem:s14+$0xA0] =	vst v3;
	v3 =	vmul.f32 v6, v0;
	v0 =	vld.idx.msk [tilespmem:v12+s28+$0x0], $0xffff  }
0x7c: {  	v6 =	vld [tilespmem:s12+$0xFFFFFF00];
	[tilespmem:s14+$0xB0] =	vst v4  }
0x7d: {  	v4 =	vld [tilespmem:s12+$0xFFFFFF10];
	[tilespmem:s14+$0xC0] =	vst v5  }
0x7e: {  	v5 =	vld [tilespmem:s12+$0xFFFFFF20];
	v8 =	vmul.f32 v11, v1;
	[tilespmem:s14+$0xD0] =	vst v2  }
0x7f: {  	v2 =	vld [tilespmem:s12+$0xFFFFFF30];
	[tilespmem:s14+$0xE0] =	vst v7  }
0x80: {  	v7 =	vld [tilespmem:s12+$0xFFFFFF40];
	[tilespmem:s12+$0x70] =	vst v8  }
0x81: {  	v6 =	vmul.f32 v6, v9;
	v8 =	vld [tilespmem:s12+$0xFFFFFF50];
	[tilespmem:s14+$0xF0] =	vst v3;
	s14 =	smov.u32 s12  }
0x82: {  	v3 =	vmul.f32 v4, v9;
	v4 =	vld [tilespmem:s12+$0xFFFFFF60]  }
0x83: {  	[tilespmem:s12+$0xFFFFFF00] =	vst v6;
	v5 =	vmul.f32 v5, v9;
	v6 =	vld [tilespmem:s12+$0xFFFFFF70]  }
0x84: {  	[tilespmem:s12+$0xFFFFFF10] =	vst v3;
	v2 =	vmul.f32 v2, v9;
	v3 =	vld [tilespmem:s12+$0xFFFFFF80]  }
0x85: {  	[tilespmem:s12+$0xFFFFFF20] =	vst v5;
	v5 =	vmul.f32 v7, v9;
	v7 =	vld [tilespmem:s12+$0xFFFFFF90]  }
0x86: {  	[tilespmem:s12+$0xFFFFFF30] =	vst v2;
	v2 =	vmul.f32 v8, v9;
	v8 =	vld [tilespmem:s12+$0xFFFFFFA0]  }
0x87: {  	[tilespmem:s12+$0xFFFFFF40] =	vst v5;
	v4 =	vmul.f32 v4, v9;
	v5 =	vld [tilespmem:s12+$0xFFFFFFB0]  }
0x88: {  	[tilespmem:s12+$0xFFFFFF50] =	vst v2;
	v2 =	vmul.f32 v6, v9;
	v6 =	vld [tilespmem:s12+$0xFFFFFFC0]  }
0x89: {  	[tilespmem:s12+$0xFFFFFF60] =	vst v4;
	v3 =	vmul.f32 v3, v10;
	v4 =	vld [tilespmem:s12+$0xFFFFFFD0]  }
0x8a: {  	[tilespmem:s12+$0xFFFFFF70] =	vst v2;
	v2 =	vmul.f32 v7, v10;
	v7 =	vld [tilespmem:s12+$0xFFFFFFE0]  }
0x8b: {  	[tilespmem:s12+$0xFFFFFF80] =	vst v3;
	v3 =	vmul.f32 v8, v10;
	v8 =	vld [tilespmem:s12+$0xFFFFFFF0]  }
0x8c: {  	[tilespmem:s12+$0xFFFFFF90] =	vst v2;
	v2 =	vmul.f32 v5, v10;
	v5 =	vld [tilespmem:s12+$0x0]  }
0x8d: {  	[tilespmem:s12+$0xFFFFFFA0] =	vst v3;
	v3 =	vmul.f32 v6, v10;
	v9 =	vld [tilespmem:s12+$0x10]  }
.Ltmp3:
0x8e: {  	[tilespmem:s12+$0xFFFFFFB0] =	vst v2;
	v4 =	vmul.f32 v4, v10;
	v6 =	vld [tilespmem:s12+$0x20];
	(pc) =	sbr.rel @p3 .LBB2_17-.Ltmp3, $4  }
0x8f: {  	[tilespmem:s12+$0xFFFFFFC0] =	vst v3;
	v7 =	vmul.f32 v7, v10;
	v2 =	vld [tilespmem:s12+$0x30]  }
0x90: {  	[tilespmem:s12+$0xFFFFFFD0] =	vst v4;
	v10 =	vmul.f32 v8, v10;
	v3 =	vld [tilespmem:s12+$0x40]  }
0x91: {  	[tilespmem:s12+$0xFFFFFFE0] =	vst v7;
	v8 =	vmul.f32 v5, v1;
	v4 =	vld [tilespmem:s12+$0x50]  }
0x92: {  	s16 =	sadd.s32 s13, s15;
	s15 =	sadd.s32 $0x4, s15;
	[tilespmem:s12+$0xFFFFFFF0] =	vst v10;
	v7 =	vmul.f32 v9, v1;
	v5 =	vld [tilespmem:s12+$0x60]  }
0x93: {  	v10 =	vld [tilespmem:s12+$0x80]  }
0x94: {  	v9 =	vmov s16;
	v12 =	vld [tilespmem:s12+$0x90]  }
0x95: {  	s13 =	sadd.s32 $0x2, s16;
	s15 =	sadd.s32 $0x1, s16;
	v13 =	vld [tilespmem:s12+$0xA0];
	[tilespmem:s12+$0x0] =	vst v8;
	v6 =	vmul.f32 v6, v1;
	v9 =	vand.u32 $0xFFFFFFFC, v9  }
0x96: {  	v15 =	vld [tilespmem:s12+$0xB0];
	v11 =	vmov s13;
	v14 =	vmov s15;
	[tilespmem:s12+$0x10] =	vst v7;
	v2 =	vmul.f32 v2, v1  }
0x97: {  	v63 =	vld [tilespmem:s12+$0xC0];
	v9 =	vbroadcast v9, $0x0;
	v11 =	vand.u32 $0xFFFFFFFE, v11;
	[tilespmem:s12+$0x20] =	vst v6;
	v3 =	vmul.f32 v3, v1  }
0x98: {  	v8 =	vand.u32 $0xFFFFFFFD, v14;
	v6 =	vld [tilespmem:s12+$0xE0];
	v11 =	vbroadcast v11, $0x0;
	v4 =	vmul.f32 v4, v1;
	[tilespmem:s12+$0x30] =	vst v2  }
0x99: {  	v7 =	vbroadcast v8, $0x0;
	v8 =	vld [tilespmem:s12+$0xD0];
	v1 =	vmul.f32 v5, v1;
	[tilespmem:s12+$0x40] =	vst v3  }
0x9a: {  	s22 =	sadd.s32 $0x200, s12;
	v2 =	vld [tilespmem:s12+$0xF0];
	v5 =	vmul.f32 v10, v0;
	[tilespmem:s12+$0x50] =	vst v4;
	v10 =	vmul.f32 v13, v0  }
0x9b: {  	[tilespmem:s14+$0x60] =	vst v1;
	v1 =	vld [tilespmem:s22+$0x70]  }
0x9c: {  	[tilespmem:s14+$0xA0] =	vst v10;
	v10 =	vld [tilespmem:s22+$0xFFFFFF00]  }
0x9d: {  	v3 =	vld.idx.msk [tilespmem:v9+s28+$0x0], $0xffff  }
0x9e: {  	v6 =	vmul.f32 v6, v0;
	v9 =	vmul.f32 v12, v0;
	v4 =	vld.idx.msk [tilespmem:v11+s28+$0x0], $0xffff  }
0x9f: {  	s17 =	sadd.s32 $0x3, s16;
	[tilespmem:s14+$0x80] =	vst v5;
	v8 =	vmul.f32 v8, v0;
	v5 =	vld.idx.msk [tilespmem:v7+s28+$0x0], $0xffff;
	v7 =	vmul.f32 v15, v0  }
0xa0: {  	v16 =	vmov s17;
	v11 =	vmul.f32 v63, v0;
	v0 =	vmul.f32 v2, v0;
	[tilespmem:s14+$0xE0] =	vst v6;
	v2 =	vld [tilespmem:s22+$0xFFFFFF40]  }
0xa1: {  	[tilespmem:s14+$0xB0] =	vst v7;
	v7 =	vld [tilespmem:s22+$0xFFFFFF10]  }
0xa2: {  	[tilespmem:s14+$0xC0] =	vst v11;
	v11 =	vld [tilespmem:s22+$0xFFFFFF20]  }
0xa3: {  	[tilespmem:s14+$0xD0] =	vst v8;
	v8 =	vld [tilespmem:s22+$0xFFFFFF30];
	v1 =	vmul.f32 v1, v4  }
0xa4: {  	v6 =	vld [tilespmem:s22+$0xFFFFFF50];
	[tilespmem:s14+$0x90] =	vst v9  }
0xa5: {  	v9 =	vld.idx.msk [tilespmem:v16+s28+$0x0], $0xffff;
	[tilespmem:s22+$0x70] =	vst v1;
	v1 =	vmul.f32 v10, v3  }
0xa6: {  	[tilespmem:s14+$0xF0] =	vst v0;
	v0 =	vmul.f32 v7, v3;
	v7 =	vld [tilespmem:s22+$0xFFFFFF60]  }
0xa7: {  	v10 =	vld [tilespmem:s22+$0xFFFFFF70];
	[tilespmem:s22+$0xFFFFFF00] =	vst v1;
	v1 =	vmul.f32 v11, v3  }
0xa8: {  	[tilespmem:s22+$0xFFFFFF10] =	vst v0;
	v0 =	vmul.f32 v8, v3;
	v8 =	vld [tilespmem:s22+$0xFFFFFF80]  }
0xa9: {  	[tilespmem:s22+$0xFFFFFF20] =	vst v1;
	v1 =	vmul.f32 v2, v3;
	v2 =	vld [tilespmem:s22+$0xFFFFFF90]  }
0xaa: {  	[tilespmem:s22+$0xFFFFFF30] =	vst v0;
	v0 =	vmul.f32 v6, v3;
	v6 =	vld [tilespmem:s22+$0xFFFFFFA0]  }
0xab: {  	[tilespmem:s22+$0xFFFFFF40] =	vst v1;
	v1 =	vmul.f32 v7, v3;
	v7 =	vld [tilespmem:s22+$0xFFFFFFB0]  }
0xac: {  	[tilespmem:s22+$0xFFFFFF50] =	vst v0;
	v0 =	vmul.f32 v10, v3;
	v3 =	vld [tilespmem:s22+$0xFFFFFFC0]  }
0xad: {  	[tilespmem:s22+$0xFFFFFF60] =	vst v1;
	v1 =	vmul.f32 v8, v5;
	v8 =	vld [tilespmem:s22+$0xFFFFFFD0]  }
0xae: {  	[tilespmem:s22+$0xFFFFFF70] =	vst v0;
	v0 =	vmul.f32 v2, v5;
	v2 =	vld [tilespmem:s22+$0xFFFFFFE0]  }
0xaf: {  	[tilespmem:s22+$0xFFFFFF80] =	vst v1;
	v1 =	vmul.f32 v6, v5;
	v6 =	vld [tilespmem:s22+$0xFFFFFFF0]  }
0xb0: {  	[tilespmem:s22+$0xFFFFFF90] =	vst v0;
	v0 =	vmul.f32 v7, v5;
	v7 =	vld [tilespmem:s22+$0x0]  }
0xb1: {  	[tilespmem:s22+$0xFFFFFFA0] =	vst v1;
	v1 =	vmul.f32 v3, v5;
	v3 =	vld [tilespmem:s22+$0x10]  }
0xb2: {  	[tilespmem:s22+$0xFFFFFFB0] =	vst v0;
	v0 =	vmul.f32 v8, v5;
	v8 =	vld [tilespmem:s22+$0x20]  }
0xb3: {  	[tilespmem:s22+$0xFFFFFFC0] =	vst v1;
	v1 =	vmul.f32 v2, v5;
	v2 =	vld [tilespmem:s22+$0x30]  }
0xb4: {  	[tilespmem:s22+$0xFFFFFFD0] =	vst v0;
	v0 =	vmul.f32 v6, v5;
	v5 =	vld [tilespmem:s22+$0x40]  }
0xb5: {  	v6 =	vld [tilespmem:s22+$0x50];
	[tilespmem:s22+$0xFFFFFFE0] =	vst v1;
	v1 =	vmul.f32 v7, v4  }
0xb6: {  	[tilespmem:s22+$0xFFFFFFF0] =	vst v0;
	v0 =	vmul.f32 v3, v4;
	v3 =	vld [tilespmem:s22+$0x60]  }
0xb7: {  	v7 =	vld [tilespmem:s22+$0x80];
	[tilespmem:s22+$0x0] =	vst v1;
	v1 =	vmul.f32 v8, v4  }
0xb8: {  	[tilespmem:s22+$0x10] =	vst v0;
	v0 =	vld [tilespmem:s22+$0x90];
	v2 =	vmul.f32 v2, v4  }
0xb9: {  	v8 =	vld [tilespmem:s22+$0xB0];
	[tilespmem:s22+$0x20] =	vst v1;
	v5 =	vmul.f32 v5, v4  }
0xba: {  	v1 =	vld [tilespmem:s22+$0xA0];
	v6 =	vmul.f32 v6, v4;
	[tilespmem:s22+$0x30] =	vst v2  }
0xbb: {  	v2 =	vld [tilespmem:s22+$0xC0];
	v3 =	vmul.f32 v3, v4;
	[tilespmem:s22+$0x40] =	vst v5  }
0xbc: {  	v4 =	vld [tilespmem:s22+$0xD0];
	v5 =	vmul.f32 v7, v9;
	[tilespmem:s22+$0x50] =	vst v6  }
0xbd: {  	v6 =	vld [tilespmem:s22+$0xE0];
	v0 =	vmul.f32 v0, v9;
	[tilespmem:s22+$0x60] =	vst v3  }
0xbe: {  	v3 =	vld [tilespmem:s22+$0xF0];
	[tilespmem:s22+$0x80] =	vst v5;
	v5 =	vmul.f32 v8, v9  }
0xbf: {  	v1 =	vmul.f32 v1, v9;
	[tilespmem:s22+$0x90] =	vst v0  }
0xc0: {  	v0 =	vmul.f32 v2, v9;
	[tilespmem:s22+$0xB0] =	vst v5  }
0xc1: {  	[tilespmem:s22+$0xA0] =	vst v1;
	v1 =	vmul.f32 v4, v9  }
0xc2: {  	v2 =	vmul.f32 v6, v9;
	[tilespmem:s22+$0xC0] =	vst v0  }
0xc3: {  	s13 =	sshll.u32 s0, $0xA;
	v0 =	vmul.f32 v3, v9;
	[tilespmem:s22+$0xD0] =	vst v1  }
0xc4: {  	s15 =	sshrl.u32 s13, $0x2;
	[tilespmem:s22+$0xE0] =	vst v2  }
0xc5: {  	s16 =	sadd.s32 $0x14C80, s15;
	[tilespmem:s22+$0xF0] =	vst v0  }
0xc6: {  	[spmem:s2] =	stream.indirect.scatter.add.f32 [tilespmem:s30], [sflag:$0x5], $0x80, s16, s20, $0xb8;
	[tilespmem:$0x1F480] =	vst v63  }
0xc7: {  	p3 =	seq.s32 s0, $0x13;
	_ =	swait.ge [sflag:s21], $0x4000  }
0xc8: {  	s15 =	simm.s32 @!p3 $0x17480;
	s12 =	sshrl.u32 @!p3 s13, $0x2;
	[sflag:s21] =	ssyncset.done $0x0  }
0xc9: {  	s13 =	sadd.s32 @!p3 $0x13980, s12;
	s14 =	simm.s32 @!p3 $0x40;
	[sflag:s21] =	ssyncadd.s32 $0xFFFFC000  }
0xca: {  	[tilespmem:s15], [sflag:$0x1] =	stream.indirect.gather @!p3 [hbm4b:s4+s14], $0x80, s13, s14, $0xb8;
	[tilespmem:$0x1F480] =	vst v63  }
0xcb: {  	s13 =	sadd.s32 $0x0, s8  }
0xcc: {  	s12 =	sadd.s32 @!p3 $0x139C0, s12;
	s15 =	simm.s32 @!p3 $0x19480;
	v0 =	vmov s13  }
0xcd: {  	[tilespmem:s15], [sflag:$0x2] =	stream.indirect.gather @!p3 [hbm4b:s4+s14], $0x80, s12, s14, $0xb8;
	v0 =	vand.u32 $0xFFFFFFFC, v0;
	[tilespmem:$0x1F480] =	vst v63  }
0xce: {  	_ =	swait.ge [sflag:s6], $0x2000;
	v0 =	vbroadcast v0, $0x0  }
0xcf: {  	[sflag:s6] =	ssyncset.done $0x0  }
0xd0: {  	s17 =	sadd.s32 $0x2, s13;
	[sflag:s6] =	ssyncadd.s32 $0xFFFFE000  }
0xd1: {  	v1 =	vmov s17;
	_ =	swait.ge [sflag:s7], $0x2000  }
0xd2: {  	v1 =	vand.u32 $0xFFFFFFFE, v1;
	[sflag:s7] =	ssyncset.done $0x0  }
0xd3: {  	v1 =	vbroadcast v1, $0x0;
	[sflag:s7] =	ssyncadd.s32 $0xFFFFE000  }
0xd4: {  	s12 =	simm.s32 $0x1B580;
	v0 =	vld.idx.msk [tilespmem:v0+s28+$0x0], $0xffff  }
0xd5: {  	s22 =	sadd.s32 $0x1, s13;
	v3 =	vld [tilespmem:s12+$0x70]  }
0xd6: {  	v2 =	vmov s22;
	v4 =	vld [tilespmem:s12+$0xFFFFFF00]  }
0xd7: {  	v2 =	vand.u32 $0xFFFFFFFD, v2;
	v5 =	vld [tilespmem:s12+$0xFFFFFF10]  }
0xd8: {  	v2 =	vbroadcast v2, $0x0;
	v6 =	vld [tilespmem:s12+$0xFFFFFF20]  }
0xd9: {  	v1 =	vld.idx.msk [tilespmem:v1+s28+$0x0], $0xffff  }
0xda: {  	v7 =	vld [tilespmem:s12+$0xFFFFFF30]  }
0xdb: {  	v8 =	vld [tilespmem:s12+$0xFFFFFF40]  }
0xdc: {  	v9 =	vld [tilespmem:s12+$0xFFFFFF50]  }
0xdd: {  	v10 =	vld [tilespmem:s12+$0xFFFFFF60];
	v4 =	vmul.f32 v4, v0  }
0xde: {  	v11 =	vld.idx.msk [tilespmem:v2+s28+$0x0], $0xffff;
	v2 =	vmul.f32 v3, v1  }
0xdf: {  	v3 =	vmul.f32 v5, v0;
	v5 =	vld [tilespmem:s12+$0xFFFFFF80];
	[tilespmem:s12+$0xFFFFFF00] =	vst v4  }
0xe0: {  	s13 =	sadd.s32 $0x3, s13;
	v4 =	vld [tilespmem:s12+$0xFFFFFF70];
	[tilespmem:s12+$0x70] =	vst v2;
	v2 =	vmul.f32 v6, v0  }
0xe1: {  	[tilespmem:s12+$0xFFFFFF10] =	vst v3;
	v3 =	vmul.f32 v7, v0;
	v6 =	vld [tilespmem:s12+$0xFFFFFF90];
	v7 =	vmov s13  }
0xe2: {  	[tilespmem:s12+$0xFFFFFF20] =	vst v2;
	v2 =	vmul.f32 v8, v0;
	v8 =	vld [tilespmem:s12+$0xFFFFFFA0]  }
0xe3: {  	[tilespmem:s12+$0xFFFFFF30] =	vst v3;
	v3 =	vmul.f32 v9, v0;
	v9 =	vld [tilespmem:s12+$0xFFFFFFB0]  }
0xe4: {  	[tilespmem:s12+$0xFFFFFF40] =	vst v2;
	v2 =	vmul.f32 v10, v0;
	v10 =	vld [tilespmem:s12+$0xFFFFFFC0]  }
0xe5: {  	[tilespmem:s12+$0xFFFFFF50] =	vst v3;
	v3 =	vmul.f32 v5, v11;
	v5 =	vld [tilespmem:s12+$0xFFFFFFD0]  }
0xe6: {  	v4 =	vmul.f32 v4, v0;
	v0 =	vld.idx.msk [tilespmem:v7+s28+$0x0], $0xffff;
	[tilespmem:s12+$0xFFFFFF60] =	vst v2  }
0xe7: {  	v6 =	vmul.f32 v6, v11;
	v2 =	vld [tilespmem:s12+$0xFFFFFFE0];
	[tilespmem:s12+$0xFFFFFF80] =	vst v3  }
0xe8: {  	[tilespmem:s12+$0xFFFFFF70] =	vst v4;
	v4 =	vld [tilespmem:s12+$0xFFFFFFF0];
	v3 =	vmul.f32 v8, v11  }
0xe9: {  	v7 =	vld [tilespmem:s12+$0x0];
	[tilespmem:s12+$0xFFFFFF90] =	vst v6;
	v6 =	vmul.f32 v9, v11  }
0xea: {  	v9 =	vld [tilespmem:s12+$0x10];
	[tilespmem:s12+$0xFFFFFFA0] =	vst v3;
	v3 =	vmul.f32 v10, v11  }
0xeb: {  	[tilespmem:s12+$0xFFFFFFB0] =	vst v6;
	v5 =	vmul.f32 v5, v11;
	v6 =	vld [tilespmem:s12+$0x20]  }
0xec: {  	[tilespmem:s12+$0xFFFFFFC0] =	vst v3;
	v8 =	vmul.f32 v2, v11;
	v2 =	vld [tilespmem:s12+$0x30]  }
0xed: {  	[tilespmem:s12+$0xFFFFFFD0] =	vst v5;
	v5 =	vmul.f32 v4, v11;
	v3 =	vld [tilespmem:s12+$0x40]  }
0xee: {  	v4 =	vld [tilespmem:s12+$0x50];
	[tilespmem:s12+$0xFFFFFFE0] =	vst v8;
	v8 =	vmul.f32 v7, v1  }
0xef: {  	s15 =	sadd.s32 $0x4, s8;
	s14 =	simm.s32 $0x8;
	s13 =	simm.s32 $0x1B580;
	[tilespmem:s12+$0xFFFFFFF0] =	vst v5;
	v7 =	vmul.f32 v9, v1;
	v5 =	vld [tilespmem:s12+$0x60]  }
.LBB2_19:
0xf0: {  	p3 =	slt.u32 s14, $0x7C;
	v9 =	vmov s15;
	s16 =	sadd.s32 $0x1, s15;
	s17 =	sadd.s32 $0x2, s15;
	[tilespmem:s12+$0x0] =	vst v8;
	v6 =	vmul.f32 v6, v1;
	v8 =	vld [tilespmem:s12+$0x80]  }
0xf1: {  	s15 =	sadd.s32 $0x3, s15;
	v9 =	vand.u32 $0xFFFFFFFC, v9;
	v10 =	vmov s16;
	v11 =	vmov s17;
	[tilespmem:s12+$0x10] =	vst v7;
	v7 =	vld [tilespmem:s12+$0x90]  }
0xf2: {  	v9 =	vbroadcast v9, $0x0;
	v10 =	vand.u32 $0xFFFFFFFD, v10;
	v11 =	vand.u32 $0xFFFFFFFE, v11;
	[tilespmem:s12+$0x20] =	vst v6;
	v6 =	vld [tilespmem:s12+$0xA0]  }
0xf3: {  	v12 =	vmov s15;
	v10 =	vbroadcast v10, $0x0;
	v11 =	vbroadcast v11, $0x0;
	v13 =	vld [tilespmem:s12+$0xB0]  }
0xf4: {  	v2 =	vmul.f32 v2, v1;
	v3 =	vmul.f32 v3, v1;
	v14 =	vld [tilespmem:s12+$0xC0]  }
0xf5: {  	v4 =	vmul.f32 v4, v1;
	v5 =	vmul.f32 v5, v1;
	v15 =	vld [tilespmem:s12+$0xD0]  }
0xf6: {  	[tilespmem:s12+$0x30] =	vst v2;
	v2 =	vmul.f32 v8, v0;
	v7 =	vmul.f32 v7, v0;
	v8 =	vld [tilespmem:s12+$0xE0]  }
0xf7: {  	[tilespmem:s12+$0x40] =	vst v3;
	v3 =	vmul.f32 v6, v0;
	v6 =	vld [tilespmem:s12+$0xF0]  }
0xf8: {  	v9 =	vld.idx.msk [tilespmem:v9+s28+$0x0], $0xffff;
	[tilespmem:s12+$0x50] =	vst v4;
	v4 =	vmul.f32 v13, v0  }
0xf9: {  	s12 =	sadd.s32 $0x200, s12;
	v1 =	vld.idx.msk [tilespmem:v11+s28+$0x0], $0xffff;
	[tilespmem:s13+$0x60] =	vst v5;
	v5 =	vmul.f32 v14, v0  }
0xfa: {  	v11 =	vld [tilespmem:s12+$0x70];
	[tilespmem:s13+$0x80] =	vst v2;
	v2 =	vmul.f32 v15, v0  }
0xfb: {  	v10 =	vld.idx.msk [tilespmem:v10+s28+$0x0], $0xffff;
	[tilespmem:s13+$0x90] =	vst v7;
	v7 =	vmul.f32 v8, v0  }
0xfc: {  	[tilespmem:s13+$0xA0] =	vst v3;
	v3 =	vmul.f32 v6, v0;
	v0 =	vld.idx.msk [tilespmem:v12+s28+$0x0], $0xffff  }
0xfd: {  	v6 =	vld [tilespmem:s12+$0xFFFFFF00];
	[tilespmem:s13+$0xB0] =	vst v4  }
0xfe: {  	v4 =	vld [tilespmem:s12+$0xFFFFFF10];
	[tilespmem:s13+$0xC0] =	vst v5  }
0xff: {  	v5 =	vld [tilespmem:s12+$0xFFFFFF20];
	v8 =	vmul.f32 v11, v1;
	[tilespmem:s13+$0xD0] =	vst v2  }
0x100: {  	v2 =	vld [tilespmem:s12+$0xFFFFFF30];
	[tilespmem:s13+$0xE0] =	vst v7  }
0x101: {  	v7 =	vld [tilespmem:s12+$0xFFFFFF40];
	[tilespmem:s12+$0x70] =	vst v8  }
0x102: {  	v6 =	vmul.f32 v6, v9;
	v8 =	vld [tilespmem:s12+$0xFFFFFF50];
	[tilespmem:s13+$0xF0] =	vst v3;
	s13 =	smov.u32 s12  }
0x103: {  	v3 =	vmul.f32 v4, v9;
	v4 =	vld [tilespmem:s12+$0xFFFFFF60]  }
0x104: {  	[tilespmem:s12+$0xFFFFFF00] =	vst v6;
	v5 =	vmul.f32 v5, v9;
	v6 =	vld [tilespmem:s12+$0xFFFFFF70]  }
0x105: {  	[tilespmem:s12+$0xFFFFFF10] =	vst v3;
	v2 =	vmul.f32 v2, v9;
	v3 =	vld [tilespmem:s12+$0xFFFFFF80]  }
0x106: {  	[tilespmem:s12+$0xFFFFFF20] =	vst v5;
	v5 =	vmul.f32 v7, v9;
	v7 =	vld [tilespmem:s12+$0xFFFFFF90]  }
0x107: {  	[tilespmem:s12+$0xFFFFFF30] =	vst v2;
	v2 =	vmul.f32 v8, v9;
	v8 =	vld [tilespmem:s12+$0xFFFFFFA0]  }
0x108: {  	[tilespmem:s12+$0xFFFFFF40] =	vst v5;
	v4 =	vmul.f32 v4, v9;
	v5 =	vld [tilespmem:s12+$0xFFFFFFB0]  }
0x109: {  	[tilespmem:s12+$0xFFFFFF50] =	vst v2;
	v2 =	vmul.f32 v6, v9;
	v6 =	vld [tilespmem:s12+$0xFFFFFFC0]  }
0x10a: {  	[tilespmem:s12+$0xFFFFFF60] =	vst v4;
	v3 =	vmul.f32 v3, v10;
	v4 =	vld [tilespmem:s12+$0xFFFFFFD0]  }
0x10b: {  	[tilespmem:s12+$0xFFFFFF70] =	vst v2;
	v2 =	vmul.f32 v7, v10;
	v7 =	vld [tilespmem:s12+$0xFFFFFFE0]  }
0x10c: {  	[tilespmem:s12+$0xFFFFFF80] =	vst v3;
	v3 =	vmul.f32 v8, v10;
	v8 =	vld [tilespmem:s12+$0xFFFFFFF0]  }
0x10d: {  	[tilespmem:s12+$0xFFFFFF90] =	vst v2;
	v2 =	vmul.f32 v5, v10;
	v5 =	vld [tilespmem:s12+$0x0]  }
0x10e: {  	[tilespmem:s12+$0xFFFFFFA0] =	vst v3;
	v3 =	vmul.f32 v6, v10;
	v9 =	vld [tilespmem:s12+$0x10]  }
.Ltmp4:
0x10f: {  	[tilespmem:s12+$0xFFFFFFB0] =	vst v2;
	v4 =	vmul.f32 v4, v10;
	v6 =	vld [tilespmem:s12+$0x20];
	(pc) =	sbr.rel @p3 .LBB2_19-.Ltmp4, $4  }
0x110: {  	[tilespmem:s12+$0xFFFFFFC0] =	vst v3;
	v7 =	vmul.f32 v7, v10;
	v2 =	vld [tilespmem:s12+$0x30]  }
0x111: {  	[tilespmem:s12+$0xFFFFFFD0] =	vst v4;
	v10 =	vmul.f32 v8, v10;
	v3 =	vld [tilespmem:s12+$0x40]  }
0x112: {  	[tilespmem:s12+$0xFFFFFFE0] =	vst v7;
	v8 =	vmul.f32 v5, v1;
	v4 =	vld [tilespmem:s12+$0x50]  }
0x113: {  	s15 =	sadd.s32 s8, s14;
	s14 =	sadd.s32 $0x4, s14;
	[tilespmem:s12+$0xFFFFFFF0] =	vst v10;
	v7 =	vmul.f32 v9, v1;
	v5 =	vld [tilespmem:s12+$0x60]  }
0x114: {  	v10 =	vld [tilespmem:s12+$0x80]  }
0x115: {  	v12 =	vld [tilespmem:s12+$0x90]  }
0x116: {  	v13 =	vld [tilespmem:s12+$0xA0]  }
0x117: {  	v15 =	vld [tilespmem:s12+$0xB0]  }
0x118: {  	v9 =	vmov s15;
	[tilespmem:s12+$0x0] =	vst v8;
	v6 =	vmul.f32 v6, v1;
	v45 =	vld [tilespmem:s12+$0xC0]  }
0x119: {  	v47 =	vld [tilespmem:s12+$0xD0];
	v9 =	vand.u32 $0xFFFFFFFC, v9;
	[tilespmem:s12+$0x10] =	vst v7;
	v2 =	vmul.f32 v2, v1  }
0x11a: {  	v48 =	vld [tilespmem:s12+$0xE0];
	v9 =	vbroadcast v9, $0x0;
	[tilespmem:s12+$0x20] =	vst v6;
	v3 =	vmul.f32 v3, v1  }
0x11b: {  	v49 =	vld [tilespmem:s12+$0xF0];
	s22 =	sadd.s32 $0x200, s12;
	v4 =	vmul.f32 v4, v1;
	[tilespmem:s12+$0x30] =	vst v2  }
0x11c: {  	v54 =	vld [tilespmem:s22+$0x70];
	v50 =	vmul.f32 v5, v1;
	[tilespmem:s12+$0x40] =	vst v3  }
0x11d: {  	v59 =	vld [tilespmem:s22+$0xFFFFFF00];
	v52 =	vmul.f32 v10, v0;
	[tilespmem:s12+$0x50] =	vst v4  }
0x11e: {  	v60 =	vld [tilespmem:s22+$0xFFFFFF10];
	v53 =	vmul.f32 v12, v0;
	[tilespmem:s13+$0x60] =	vst v50  }
0x11f: {  	s17 =	sadd.s32 $0x3, s15;
	v61 =	vld [tilespmem:s22+$0xFFFFFF20];
	v55 =	vmul.f32 v13, v0;
	[tilespmem:s13+$0x80] =	vst v52  }
0x120: {  	v16 =	vmov s17;
	v57 =	vmul.f32 v15, v0;
	[tilespmem:s13+$0x90] =	vst v53;
	v51 =	vld.idx.msk [tilespmem:v9+s28+$0x0], $0xffff  }
0x121: {  	s16 =	sadd.s32 $0x1, s15;
	v62 =	vld [tilespmem:s22+$0xFFFFFF30];
	v58 =	vmul.f32 v45, v0;
	[tilespmem:s13+$0xA0] =	vst v55  }
0x122: {  	v14 =	vmov s16;
	v18 =	vld [tilespmem:s22+$0xFFFFFF70];
	v8 =	vmul.f32 v47, v0;
	[tilespmem:s13+$0xB0] =	vst v57  }
0x123: {  	s14 =	sadd.s32 $0x2, s15;
	v44 =	vand.u32 $0xFFFFFFFD, v14;
	v14 =	vld [tilespmem:s22+$0xFFFFFF50];
	v6 =	vmul.f32 v48, v0;
	[tilespmem:s13+$0xC0] =	vst v58  }
0x124: {  	v11 =	vmov s14;
	v63 =	vmul.f32 v49, v0;
	v12 =	vld [tilespmem:s22+$0xFFFFFF40];
	[tilespmem:s13+$0xD0] =	vst v8  }
0x125: {  	v11 =	vand.u32 $0xFFFFFFFE, v11;
	[tilespmem:s13+$0xE0] =	vst v6;
	v9 =	vld.idx.msk [tilespmem:v16+s28+$0x0], $0xffff;
	v13 =	vmul.f32 v59, v51  }
0x126: {  	v11 =	vbroadcast v11, $0x0;
	[tilespmem:s13+$0xF0] =	vst v63;
	v16 =	vld [tilespmem:s22+$0xFFFFFF60];
	v15 =	vmul.f32 v60, v51  }
0x127: {  	v20 =	vld [tilespmem:s22+$0xFFFFFF80];
	v46 =	vbroadcast v44, $0x0;
	v17 =	vmul.f32 v61, v51;
	[tilespmem:s22+$0xFFFFFF00] =	vst v13  }
0x128: {  	v53 =	vld [tilespmem:s22+$0xB0];
	v19 =	vmul.f32 v62, v51;
	[tilespmem:s22+$0xFFFFFF10] =	vst v15  }
0x129: {  	v55 =	vld [tilespmem:s22+$0xD0];
	v21 =	vmul.f32 v12, v51;
	[tilespmem:s22+$0xFFFFFF20] =	vst v17  }
0x12a: {  	v57 =	vld [tilespmem:s22+$0xE0];
	v23 =	vmul.f32 v14, v51;
	[tilespmem:s22+$0xFFFFFF30] =	vst v19  }
0x12b: {  	v58 =	vld [tilespmem:s22+$0xF0];
	v25 =	vmul.f32 v16, v51;
	[tilespmem:s22+$0xFFFFFF40] =	vst v21  }
0x12c: {  	v4 =	vld.idx.msk [tilespmem:v11+s28+$0x0], $0xffff;
	v27 =	vmul.f32 v18, v51;
	[tilespmem:s22+$0xFFFFFF50] =	vst v23  }
0x12d: {  	v56 =	vld.idx.msk [tilespmem:v46+s28+$0x0], $0xffff;
	v59 =	vmul.f32 v53, v9;
	[tilespmem:s22+$0xFFFFFF60] =	vst v25  }
0x12e: {  	v22 =	vld [tilespmem:s22+$0xFFFFFF90];
	v61 =	vmul.f32 v55, v9;
	[tilespmem:s22+$0xFFFFFF70] =	vst v27  }
0x12f: {  	v24 =	vld [tilespmem:s22+$0xFFFFFFA0];
	v62 =	vmul.f32 v57, v9;
	[tilespmem:s22+$0xB0] =	vst v59  }
0x130: {  	v26 =	vld [tilespmem:s22+$0xFFFFFFB0];
	v63 =	vmul.f32 v58, v9;
	[tilespmem:s22+$0xD0] =	vst v61  }
0x131: {  	v28 =	vld [tilespmem:s22+$0xFFFFFFC0];
	v1 =	vmul.f32 v54, v4;
	[tilespmem:s22+$0xE0] =	vst v62  }
0x132: {  	v30 =	vld [tilespmem:s22+$0xFFFFFFD0];
	v29 =	vmul.f32 v20, v56;
	[tilespmem:s22+$0xF0] =	vst v63  }
0x133: {  	v32 =	vld [tilespmem:s22+$0xFFFFFFE0];
	v31 =	vmul.f32 v22, v56;
	[tilespmem:s22+$0x70] =	vst v1  }
0x134: {  	v34 =	vld [tilespmem:s22+$0xFFFFFFF0];
	v33 =	vmul.f32 v24, v56;
	[tilespmem:s22+$0xFFFFFF80] =	vst v29  }
0x135: {  	v36 =	vld [tilespmem:s22+$0x0];
	v35 =	vmul.f32 v26, v56;
	[tilespmem:s22+$0xFFFFFF90] =	vst v31  }
0x136: {  	v38 =	vld [tilespmem:s22+$0x10];
	v37 =	vmul.f32 v28, v56;
	[tilespmem:s22+$0xFFFFFFA0] =	vst v33  }
0x137: {  	v40 =	vld [tilespmem:s22+$0x20];
	v39 =	vmul.f32 v30, v56;
	[tilespmem:s22+$0xFFFFFFB0] =	vst v35  }
0x138: {  	v42 =	vld [tilespmem:s22+$0x30];
	v41 =	vmul.f32 v32, v56;
	[tilespmem:s22+$0xFFFFFFC0] =	vst v37  }
0x139: {  	v44 =	vld [tilespmem:s22+$0x40];
	v43 =	vmul.f32 v34, v56;
	[tilespmem:s22+$0xFFFFFFD0] =	vst v39  }
0x13a: {  	v46 =	vld [tilespmem:s22+$0x50];
	v45 =	vmul.f32 v36, v4;
	[tilespmem:s22+$0xFFFFFFE0] =	vst v41  }
0x13b: {  	v48 =	vld [tilespmem:s22+$0x60];
	v47 =	vmul.f32 v38, v4;
	[tilespmem:s22+$0xFFFFFFF0] =	vst v43  }
0x13c: {  	v50 =	vld [tilespmem:s22+$0x80];
	v49 =	vmul.f32 v40, v4;
	[tilespmem:s22+$0x0] =	vst v45  }
0x13d: {  	v52 =	vld [tilespmem:s22+$0xA0];
	v2 =	vmul.f32 v42, v4;
	[tilespmem:s22+$0x10] =	vst v47  }
0x13e: {  	v51 =	vld [tilespmem:s22+$0x90];
	v5 =	vmul.f32 v44, v4;
	[tilespmem:s22+$0x20] =	vst v49  }
0x13f: {  	v6 =	vmul.f32 v46, v4;
	v54 =	vld [tilespmem:s22+$0xC0];
	[tilespmem:s22+$0x30] =	vst v2  }
0x140: {  	v3 =	vmul.f32 v48, v4;
	[tilespmem:s22+$0x40] =	vst v5  }
0x141: {  	s0 =	sadd.s32 $0x1, s0;
	v56 =	vmul.f32 v50, v9;
	[tilespmem:s22+$0x50] =	vst v6  }
0x142: {  	p3 =	sne.s32 s0, $0x14;
	[tilespmem:s22+$0x60] =	vst v3;
	v1 =	vmul.f32 v52, v9  }
.Ltmp5:
0x143: {  	[tilespmem:s22+$0x80] =	vst v56;
	v0 =	vmul.f32 v51, v9;
	(pc) =	sbr.rel @p3 .LBB2_16-.Ltmp5, $4  }
0x144: {  	[tilespmem:s22+$0xA0] =	vst v1;
	v60 =	vmul.f32 v54, v9  }
0x145: {  	s8 =	sand.u32 $0x3FFFFF80, s8;
	[tilespmem:s22+$0x90] =	vst v0  }
0x146: {  	s8 =	sadd.s32 $0x14C80, s8;
	[tilespmem:s22+$0xC0] =	vst v60  }
0x147: {  	[spmem:s2] =	stream.indirect.scatter.add.f32 [tilespmem:s9], [sflag:$0x6], $0x80, s8, s20, $0xb8;
	[tilespmem:$0x1F480] =	vst v63  }
0x148: {  	_ =	swait.ge [sflag:s5], $0x4000  }
0x149: {  	[sflag:s5] =	ssyncset.done $0x0  }
0x14a: {  	s0 =	simm.s32 $0x0;
	s8 =	rddreg [dreg:$0xc];
	[sflag:s5] =	ssyncadd.s32 $0xFFFFC000  }
0x14b: {  	[tilespmem:s24], [sflag:$0x8] =	stream.linear.gather [hbm4b:s8+s0], $0x1400, $0x38;
	[tilespmem:$0x1F480] =	vst v63  }
0x14c: {  	_ =	swait.ge [sflag:s25], $0x1400  }
0x14d: {  	[sflag:s25] =	ssyncset.done $0x0  }
0x14e: {  	s12 =	simm.s32 $0x14C80;
	s15 =	rddreg [dreg:$0xd];
	[sflag:s25] =	ssyncadd.s32 $0xFFFFEC00  }
0x14f: {  	[tilespmem:s12], [sflag:$0x8] =	stream.linear.gather [hbm4b:s15+s0], $0x1400, $0x38;
	[tilespmem:$0x1F480] =	vst v63  }
0x150: {  	_ =	swait.ge [sflag:s25], $0x1400  }
0x151: {  	[sflag:s25] =	ssyncset.done $0x0  }
0x152: {  	s16 =	rddreg [dreg:$0xe];
	[sflag:s25] =	ssyncadd.s32 $0xFFFFEC00  }
0x153: {  	[tilespmem:s28], [sflag:$0x8] =	stream.linear.gather [hbm4b:s16+s0], $0x1400, $0x38;
	[tilespmem:$0x1F480] =	vst v63  }
0x154: {  	_ =	swait.ge [sflag:s25], $0x1400  }
0x155: {  	[sflag:s25] =	ssyncset.done $0x0  }
0x156: {  	[sflag:s25] =	ssyncadd.s32 $0xFFFFEC00  }
0x157: {  	[tilespmem:s30], [sflag:$0x1] =	stream.indirect.gather [hbm4b:s4+s29], $0x80, s24, s29, $0xb8;
	[tilespmem:$0x1F480] =	vst v63  }
0x158: {  	s17 =	simm.s32 $0x138C0;
	s22 =	simm.s32 $0x19480  }
0x159: {  	[tilespmem:s22], [sflag:$0x2] =	stream.indirect.gather [hbm4b:s4+s29], $0x80, s17, s29, $0xb8;
	[tilespmem:$0x1F480] =	vst v63  }
.LBB2_22:
0x15a: {  	p3 =	seq.s32 s0, $0x0  }
0x15b: {  	s8 =	sshll.u32 s0, $0x1;
	s12 =	simm.s32 @!p3 $0x6  }
0x15c: {  	s8 =	sor.u32 $0x1, s8;
	_ =	swait.ge @!p3 [sflag:s12], $0x4000  }
0x15d: {  	s13 =	sshll.u32 s0, $0x8;
	s8 =	sshll.u32 s8, $0x7;
	[sflag:s12] =	ssyncset.done @!p3 $0x0  }
0x15e: {  	s14 =	sadd.s32 $0x0, s13;
	s16 =	sadd.s32 $0x13880, s8;
	[sflag:s12] =	ssyncadd.s32 @!p3 $0xFFFFC000  }
0x15f: {  	[tilespmem:s9], [sflag:$0x3] =	stream.indirect.gather [hbm4b:s4+s29], $0x80, s16, s29, $0xb8;
	[tilespmem:$0x1F480] =	vst v63  }
0x160: {  	v0 =	vmov s14;
	s15 =	sadd.s32 $0x2, s14;
	s17 =	sadd.s32 $0x138C0, s8  }
0x161: {  	v0 =	vand.u32 $0xFFFFFFFC, v0;
	v1 =	vmov s15;
	[tilespmem:s11], [sflag:$0x4] =	stream.indirect.gather [hbm4b:s4+s29], $0x80, s17, s29, $0xb8;
	[tilespmem:$0x1F480] =	vst v63  }
0x162: {  	v0 =	vbroadcast v0, $0x0;
	v1 =	vand.u32 $0xFFFFFFFE, v1;
	_ =	swait.ge [sflag:s18], $0x2000  }
0x163: {  	v1 =	vbroadcast v1, $0x0;
	[sflag:s18] =	ssyncset.done $0x0  }
0x164: {  	[sflag:s18] =	ssyncadd.s32 $0xFFFFE000  }
0x165: {  	_ =	swait.ge [sflag:s19], $0x2000  }
0x166: {  	[sflag:s19] =	ssyncset.done $0x0  }
0x167: {  	[sflag:s19] =	ssyncadd.s32 $0xFFFFE000  }
0x168: {  	v0 =	vld.idx.msk [tilespmem:v0+s28+$0x0], $0xffff  }
0x169: {  	s22 =	sadd.s32 $0x1, s14;
	s12 =	simm.s32 $0x17580;
	v1 =	vld.idx.msk [tilespmem:v1+s28+$0x0], $0xffff  }
0x16a: {  	v2 =	vmov s22;
	v3 =	vld [tilespmem:s12+$0x70]  }
0x16b: {  	v2 =	vand.u32 $0xFFFFFFFD, v2;
	v4 =	vld [tilespmem:s12+$0xFFFFFF00]  }
0x16c: {  	v2 =	vbroadcast v2, $0x0;
	v5 =	vld [tilespmem:s12+$0xFFFFFF10]  }
0x16d: {  	v6 =	vld [tilespmem:s12+$0xFFFFFF20]  }
0x16e: {  	v7 =	vld [tilespmem:s12+$0xFFFFFF30]  }
0x16f: {  	v8 =	vld [tilespmem:s12+$0xFFFFFF40]  }
0x170: {  	v9 =	vld [tilespmem:s12+$0xFFFFFF50]  }
0x171: {  	v10 =	vld [tilespmem:s12+$0xFFFFFF60];
	v4 =	vmul.f32 v4, v0  }
0x172: {  	v11 =	vld.idx.msk [tilespmem:v2+s28+$0x0], $0xffff;
	v2 =	vmul.f32 v3, v1  }
0x173: {  	v3 =	vmul.f32 v5, v0;
	v5 =	vld [tilespmem:s12+$0xFFFFFF80];
	[tilespmem:s12+$0xFFFFFF00] =	vst v4  }
0x174: {  	s14 =	sadd.s32 $0x3, s14;
	v4 =	vld [tilespmem:s12+$0xFFFFFF70];
	[tilespmem:s12+$0x70] =	vst v2;
	v2 =	vmul.f32 v6, v0  }
0x175: {  	[tilespmem:s12+$0xFFFFFF10] =	vst v3;
	v3 =	vmul.f32 v7, v0;
	v6 =	vld [tilespmem:s12+$0xFFFFFF90];
	v7 =	vmov s14  }
0x176: {  	[tilespmem:s12+$0xFFFFFF20] =	vst v2;
	v2 =	vmul.f32 v8, v0;
	v8 =	vld [tilespmem:s12+$0xFFFFFFA0]  }
0x177: {  	[tilespmem:s12+$0xFFFFFF30] =	vst v3;
	v3 =	vmul.f32 v9, v0;
	v9 =	vld [tilespmem:s12+$0xFFFFFFB0]  }
0x178: {  	[tilespmem:s12+$0xFFFFFF40] =	vst v2;
	v2 =	vmul.f32 v10, v0;
	v10 =	vld [tilespmem:s12+$0xFFFFFFC0]  }
0x179: {  	[tilespmem:s12+$0xFFFFFF50] =	vst v3;
	v3 =	vmul.f32 v5, v11;
	v5 =	vld [tilespmem:s12+$0xFFFFFFD0]  }
0x17a: {  	v4 =	vmul.f32 v4, v0;
	v0 =	vld.idx.msk [tilespmem:v7+s28+$0x0], $0xffff;
	[tilespmem:s12+$0xFFFFFF60] =	vst v2  }
0x17b: {  	v6 =	vmul.f32 v6, v11;
	v2 =	vld [tilespmem:s12+$0xFFFFFFE0];
	[tilespmem:s12+$0xFFFFFF80] =	vst v3  }
0x17c: {  	[tilespmem:s12+$0xFFFFFF70] =	vst v4;
	v3 =	vmul.f32 v8, v11;
	v4 =	vld [tilespmem:s12+$0xFFFFFFF0]  }
0x17d: {  	v7 =	vld [tilespmem:s12+$0x0];
	[tilespmem:s12+$0xFFFFFF90] =	vst v6;
	v6 =	vmul.f32 v9, v11  }
0x17e: {  	v9 =	vld [tilespmem:s12+$0x10];
	[tilespmem:s12+$0xFFFFFFA0] =	vst v3;
	v3 =	vmul.f32 v10, v11  }
0x17f: {  	[tilespmem:s12+$0xFFFFFFB0] =	vst v6;
	v5 =	vmul.f32 v5, v11;
	v6 =	vld [tilespmem:s12+$0x20]  }
0x180: {  	[tilespmem:s12+$0xFFFFFFC0] =	vst v3;
	v8 =	vmul.f32 v2, v11;
	v2 =	vld [tilespmem:s12+$0x30]  }
0x181: {  	[tilespmem:s12+$0xFFFFFFD0] =	vst v5;
	v3 =	vld [tilespmem:s12+$0x40];
	v5 =	vmul.f32 v4, v11  }
0x182: {  	v4 =	vld [tilespmem:s12+$0x50];
	[tilespmem:s12+$0xFFFFFFE0] =	vst v8;
	v8 =	vmul.f32 v7, v1  }
0x183: {  	s15 =	simm.s32 $0x8;
	s16 =	sadd.s32 $0x4, s13;
	s14 =	simm.s32 $0x17580;
	v7 =	vmul.f32 v9, v1;
	[tilespmem:s12+$0xFFFFFFF0] =	vst v5;
	v5 =	vld [tilespmem:s12+$0x60]  }
.LBB2_23:
0x184: {  	p3 =	slt.u32 s15, $0x7C;
	v9 =	vmov s16;
	s17 =	sadd.s32 $0x1, s16;
	s22 =	sadd.s32 $0x2, s16;
	[tilespmem:s12+$0x0] =	vst v8;
	v6 =	vmul.f32 v6, v1;
	v8 =	vld [tilespmem:s12+$0x80]  }
0x185: {  	s16 =	sadd.s32 $0x3, s16;
	v9 =	vand.u32 $0xFFFFFFFC, v9;
	v10 =	vmov s17;
	v11 =	vmov s22;
	[tilespmem:s12+$0x10] =	vst v7;
	v7 =	vld [tilespmem:s12+$0x90]  }
0x186: {  	v9 =	vbroadcast v9, $0x0;
	v10 =	vand.u32 $0xFFFFFFFD, v10;
	v11 =	vand.u32 $0xFFFFFFFE, v11;
	[tilespmem:s12+$0x20] =	vst v6;
	v6 =	vld [tilespmem:s12+$0xA0]  }
0x187: {  	v12 =	vmov s16;
	v10 =	vbroadcast v10, $0x0;
	v11 =	vbroadcast v11, $0x0;
	v13 =	vld [tilespmem:s12+$0xB0]  }
0x188: {  	v2 =	vmul.f32 v2, v1;
	v3 =	vmul.f32 v3, v1;
	v14 =	vld [tilespmem:s12+$0xC0]  }
0x189: {  	v4 =	vmul.f32 v4, v1;
	v5 =	vmul.f32 v5, v1;
	v15 =	vld [tilespmem:s12+$0xD0]  }
0x18a: {  	[tilespmem:s12+$0x30] =	vst v2;
	v2 =	vmul.f32 v8, v0;
	v7 =	vmul.f32 v7, v0;
	v8 =	vld [tilespmem:s12+$0xE0]  }
0x18b: {  	[tilespmem:s12+$0x40] =	vst v3;
	v3 =	vmul.f32 v6, v0;
	v6 =	vld [tilespmem:s12+$0xF0]  }
0x18c: {  	v9 =	vld.idx.msk [tilespmem:v9+s28+$0x0], $0xffff;
	[tilespmem:s12+$0x50] =	vst v4;
	v4 =	vmul.f32 v13, v0  }
0x18d: {  	s12 =	sadd.s32 $0x200, s12;
	v1 =	vld.idx.msk [tilespmem:v11+s28+$0x0], $0xffff;
	[tilespmem:s14+$0x60] =	vst v5;
	v5 =	vmul.f32 v14, v0  }
0x18e: {  	v11 =	vld [tilespmem:s12+$0x70];
	[tilespmem:s14+$0x80] =	vst v2;
	v2 =	vmul.f32 v15, v0  }
0x18f: {  	v10 =	vld.idx.msk [tilespmem:v10+s28+$0x0], $0xffff;
	[tilespmem:s14+$0x90] =	vst v7;
	v7 =	vmul.f32 v8, v0  }
0x190: {  	[tilespmem:s14+$0xA0] =	vst v3;
	v3 =	vmul.f32 v6, v0;
	v0 =	vld.idx.msk [tilespmem:v12+s28+$0x0], $0xffff  }
0x191: {  	v6 =	vld [tilespmem:s12+$0xFFFFFF00];
	[tilespmem:s14+$0xB0] =	vst v4  }
0x192: {  	v4 =	vld [tilespmem:s12+$0xFFFFFF10];
	[tilespmem:s14+$0xC0] =	vst v5  }
0x193: {  	v5 =	vld [tilespmem:s12+$0xFFFFFF20];
	v8 =	vmul.f32 v11, v1;
	[tilespmem:s14+$0xD0] =	vst v2  }
0x194: {  	v2 =	vld [tilespmem:s12+$0xFFFFFF30];
	[tilespmem:s14+$0xE0] =	vst v7  }
0x195: {  	v7 =	vld [tilespmem:s12+$0xFFFFFF40];
	[tilespmem:s12+$0x70] =	vst v8  }
0x196: {  	v6 =	vmul.f32 v6, v9;
	v8 =	vld [tilespmem:s12+$0xFFFFFF50];
	[tilespmem:s14+$0xF0] =	vst v3;
	s14 =	smov.u32 s12  }
0x197: {  	v3 =	vmul.f32 v4, v9;
	v4 =	vld [tilespmem:s12+$0xFFFFFF60]  }
0x198: {  	[tilespmem:s12+$0xFFFFFF00] =	vst v6;
	v5 =	vmul.f32 v5, v9;
	v6 =	vld [tilespmem:s12+$0xFFFFFF70]  }
0x199: {  	[tilespmem:s12+$0xFFFFFF10] =	vst v3;
	v2 =	vmul.f32 v2, v9;
	v3 =	vld [tilespmem:s12+$0xFFFFFF80]  }
0x19a: {  	[tilespmem:s12+$0xFFFFFF20] =	vst v5;
	v5 =	vmul.f32 v7, v9;
	v7 =	vld [tilespmem:s12+$0xFFFFFF90]  }
0x19b: {  	[tilespmem:s12+$0xFFFFFF30] =	vst v2;
	v2 =	vmul.f32 v8, v9;
	v8 =	vld [tilespmem:s12+$0xFFFFFFA0]  }
0x19c: {  	[tilespmem:s12+$0xFFFFFF40] =	vst v5;
	v4 =	vmul.f32 v4, v9;
	v5 =	vld [tilespmem:s12+$0xFFFFFFB0]  }
0x19d: {  	[tilespmem:s12+$0xFFFFFF50] =	vst v2;
	v2 =	vmul.f32 v6, v9;
	v6 =	vld [tilespmem:s12+$0xFFFFFFC0]  }
0x19e: {  	[tilespmem:s12+$0xFFFFFF60] =	vst v4;
	v3 =	vmul.f32 v3, v10;
	v4 =	vld [tilespmem:s12+$0xFFFFFFD0]  }
0x19f: {  	[tilespmem:s12+$0xFFFFFF70] =	vst v2;
	v2 =	vmul.f32 v7, v10;
	v7 =	vld [tilespmem:s12+$0xFFFFFFE0]  }
0x1a0: {  	[tilespmem:s12+$0xFFFFFF80] =	vst v3;
	v3 =	vmul.f32 v8, v10;
	v8 =	vld [tilespmem:s12+$0xFFFFFFF0]  }
0x1a1: {  	[tilespmem:s12+$0xFFFFFF90] =	vst v2;
	v2 =	vmul.f32 v5, v10;
	v5 =	vld [tilespmem:s12+$0x0]  }
0x1a2: {  	[tilespmem:s12+$0xFFFFFFA0] =	vst v3;
	v3 =	vmul.f32 v6, v10;
	v9 =	vld [tilespmem:s12+$0x10]  }
.Ltmp6:
0x1a3: {  	[tilespmem:s12+$0xFFFFFFB0] =	vst v2;
	v4 =	vmul.f32 v4, v10;
	v6 =	vld [tilespmem:s12+$0x20];
	(pc) =	sbr.rel @p3 .LBB2_23-.Ltmp6, $4  }
0x1a4: {  	[tilespmem:s12+$0xFFFFFFC0] =	vst v3;
	v7 =	vmul.f32 v7, v10;
	v2 =	vld [tilespmem:s12+$0x30]  }
0x1a5: {  	[tilespmem:s12+$0xFFFFFFD0] =	vst v4;
	v10 =	vmul.f32 v8, v10;
	v3 =	vld [tilespmem:s12+$0x40]  }
0x1a6: {  	[tilespmem:s12+$0xFFFFFFE0] =	vst v7;
	v8 =	vmul.f32 v5, v1;
	v4 =	vld [tilespmem:s12+$0x50]  }
0x1a7: {  	s16 =	sadd.s32 s13, s15;
	s15 =	sadd.s32 $0x4, s15;
	[tilespmem:s12+$0xFFFFFFF0] =	vst v10;
	v7 =	vmul.f32 v9, v1;
	v5 =	vld [tilespmem:s12+$0x60]  }
0x1a8: {  	v10 =	vld [tilespmem:s12+$0x80]  }
0x1a9: {  	v9 =	vmov s16;
	v12 =	vld [tilespmem:s12+$0x90]  }
0x1aa: {  	s13 =	sadd.s32 $0x2, s16;
	s15 =	sadd.s32 $0x1, s16;
	v13 =	vld [tilespmem:s12+$0xA0];
	[tilespmem:s12+$0x0] =	vst v8;
	v6 =	vmul.f32 v6, v1;
	v9 =	vand.u32 $0xFFFFFFFC, v9  }
0x1ab: {  	v15 =	vld [tilespmem:s12+$0xB0];
	v11 =	vmov s13;
	v14 =	vmov s15;
	[tilespmem:s12+$0x10] =	vst v7;
	v2 =	vmul.f32 v2, v1  }
0x1ac: {  	v63 =	vld [tilespmem:s12+$0xC0];
	v9 =	vbroadcast v9, $0x0;
	v11 =	vand.u32 $0xFFFFFFFE, v11;
	[tilespmem:s12+$0x20] =	vst v6;
	v3 =	vmul.f32 v3, v1  }
0x1ad: {  	v8 =	vand.u32 $0xFFFFFFFD, v14;
	v6 =	vld [tilespmem:s12+$0xE0];
	v11 =	vbroadcast v11, $0x0;
	v4 =	vmul.f32 v4, v1;
	[tilespmem:s12+$0x30] =	vst v2  }
0x1ae: {  	v7 =	vbroadcast v8, $0x0;
	v8 =	vld [tilespmem:s12+$0xD0];
	v1 =	vmul.f32 v5, v1;
	[tilespmem:s12+$0x40] =	vst v3  }
0x1af: {  	s22 =	sadd.s32 $0x200, s12;
	v2 =	vld [tilespmem:s12+$0xF0];
	v5 =	vmul.f32 v10, v0;
	[tilespmem:s12+$0x50] =	vst v4;
	v10 =	vmul.f32 v13, v0  }
0x1b0: {  	[tilespmem:s14+$0x60] =	vst v1;
	v1 =	vld [tilespmem:s22+$0x70]  }
0x1b1: {  	[tilespmem:s14+$0xA0] =	vst v10;
	v10 =	vld [tilespmem:s22+$0xFFFFFF00]  }
0x1b2: {  	v3 =	vld.idx.msk [tilespmem:v9+s28+$0x0], $0xffff  }
0x1b3: {  	v6 =	vmul.f32 v6, v0;
	v9 =	vmul.f32 v12, v0;
	v4 =	vld.idx.msk [tilespmem:v11+s28+$0x0], $0xffff  }
0x1b4: {  	s17 =	sadd.s32 $0x3, s16;
	[tilespmem:s14+$0x80] =	vst v5;
	v8 =	vmul.f32 v8, v0;
	v5 =	vld.idx.msk [tilespmem:v7+s28+$0x0], $0xffff;
	v7 =	vmul.f32 v15, v0  }
0x1b5: {  	v16 =	vmov s17;
	v11 =	vmul.f32 v63, v0;
	v0 =	vmul.f32 v2, v0;
	[tilespmem:s14+$0xE0] =	vst v6;
	v2 =	vld [tilespmem:s22+$0xFFFFFF40]  }
0x1b6: {  	[tilespmem:s14+$0xB0] =	vst v7;
	v7 =	vld [tilespmem:s22+$0xFFFFFF10]  }
0x1b7: {  	[tilespmem:s14+$0xC0] =	vst v11;
	v11 =	vld [tilespmem:s22+$0xFFFFFF20]  }
0x1b8: {  	[tilespmem:s14+$0xD0] =	vst v8;
	v8 =	vld [tilespmem:s22+$0xFFFFFF30];
	v1 =	vmul.f32 v1, v4  }
0x1b9: {  	v6 =	vld [tilespmem:s22+$0xFFFFFF50];
	[tilespmem:s14+$0x90] =	vst v9  }
0x1ba: {  	v9 =	vld.idx.msk [tilespmem:v16+s28+$0x0], $0xffff;
	[tilespmem:s22+$0x70] =	vst v1;
	v1 =	vmul.f32 v10, v3  }
0x1bb: {  	[tilespmem:s14+$0xF0] =	vst v0;
	v0 =	vmul.f32 v7, v3;
	v7 =	vld [tilespmem:s22+$0xFFFFFF60]  }
0x1bc: {  	v10 =	vld [tilespmem:s22+$0xFFFFFF70];
	[tilespmem:s22+$0xFFFFFF00] =	vst v1;
	v1 =	vmul.f32 v11, v3  }
0x1bd: {  	[tilespmem:s22+$0xFFFFFF10] =	vst v0;
	v0 =	vmul.f32 v8, v3;
	v8 =	vld [tilespmem:s22+$0xFFFFFF80]  }
0x1be: {  	[tilespmem:s22+$0xFFFFFF20] =	vst v1;
	v1 =	vmul.f32 v2, v3;
	v2 =	vld [tilespmem:s22+$0xFFFFFF90]  }
0x1bf: {  	[tilespmem:s22+$0xFFFFFF30] =	vst v0;
	v0 =	vmul.f32 v6, v3;
	v6 =	vld [tilespmem:s22+$0xFFFFFFA0]  }
0x1c0: {  	[tilespmem:s22+$0xFFFFFF40] =	vst v1;
	v1 =	vmul.f32 v7, v3;
	v7 =	vld [tilespmem:s22+$0xFFFFFFB0]  }
0x1c1: {  	[tilespmem:s22+$0xFFFFFF50] =	vst v0;
	v0 =	vmul.f32 v10, v3;
	v3 =	vld [tilespmem:s22+$0xFFFFFFC0]  }
0x1c2: {  	[tilespmem:s22+$0xFFFFFF60] =	vst v1;
	v1 =	vmul.f32 v8, v5;
	v8 =	vld [tilespmem:s22+$0xFFFFFFD0]  }
0x1c3: {  	[tilespmem:s22+$0xFFFFFF70] =	vst v0;
	v0 =	vmul.f32 v2, v5;
	v2 =	vld [tilespmem:s22+$0xFFFFFFE0]  }
0x1c4: {  	[tilespmem:s22+$0xFFFFFF80] =	vst v1;
	v1 =	vmul.f32 v6, v5;
	v6 =	vld [tilespmem:s22+$0xFFFFFFF0]  }
0x1c5: {  	[tilespmem:s22+$0xFFFFFF90] =	vst v0;
	v0 =	vmul.f32 v7, v5;
	v7 =	vld [tilespmem:s22+$0x0]  }
0x1c6: {  	[tilespmem:s22+$0xFFFFFFA0] =	vst v1;
	v1 =	vmul.f32 v3, v5;
	v3 =	vld [tilespmem:s22+$0x10]  }
0x1c7: {  	[tilespmem:s22+$0xFFFFFFB0] =	vst v0;
	v0 =	vmul.f32 v8, v5;
	v8 =	vld [tilespmem:s22+$0x20]  }
0x1c8: {  	[tilespmem:s22+$0xFFFFFFC0] =	vst v1;
	v1 =	vmul.f32 v2, v5;
	v2 =	vld [tilespmem:s22+$0x30]  }
0x1c9: {  	[tilespmem:s22+$0xFFFFFFD0] =	vst v0;
	v0 =	vmul.f32 v6, v5;
	v5 =	vld [tilespmem:s22+$0x40]  }
0x1ca: {  	v6 =	vld [tilespmem:s22+$0x50];
	[tilespmem:s22+$0xFFFFFFE0] =	vst v1;
	v1 =	vmul.f32 v7, v4  }
0x1cb: {  	[tilespmem:s22+$0xFFFFFFF0] =	vst v0;
	v0 =	vmul.f32 v3, v4;
	v3 =	vld [tilespmem:s22+$0x60]  }
0x1cc: {  	v7 =	vld [tilespmem:s22+$0x80];
	[tilespmem:s22+$0x0] =	vst v1;
	v1 =	vmul.f32 v8, v4  }
0x1cd: {  	[tilespmem:s22+$0x10] =	vst v0;
	v0 =	vld [tilespmem:s22+$0x90];
	v2 =	vmul.f32 v2, v4  }
0x1ce: {  	v8 =	vld [tilespmem:s22+$0xB0];
	[tilespmem:s22+$0x20] =	vst v1;
	v5 =	vmul.f32 v5, v4  }
0x1cf: {  	v1 =	vld [tilespmem:s22+$0xA0];
	v6 =	vmul.f32 v6, v4;
	[tilespmem:s22+$0x30] =	vst v2  }
0x1d0: {  	v2 =	vld [tilespmem:s22+$0xC0];
	v3 =	vmul.f32 v3, v4;
	[tilespmem:s22+$0x40] =	vst v5  }
0x1d1: {  	v4 =	vld [tilespmem:s22+$0xD0];
	v5 =	vmul.f32 v7, v9;
	[tilespmem:s22+$0x50] =	vst v6  }
0x1d2: {  	v6 =	vld [tilespmem:s22+$0xE0];
	v0 =	vmul.f32 v0, v9;
	[tilespmem:s22+$0x60] =	vst v3  }
0x1d3: {  	v3 =	vld [tilespmem:s22+$0xF0];
	[tilespmem:s22+$0x80] =	vst v5;
	v5 =	vmul.f32 v8, v9  }
0x1d4: {  	v1 =	vmul.f32 v1, v9;
	[tilespmem:s22+$0x90] =	vst v0  }
0x1d5: {  	v0 =	vmul.f32 v2, v9;
	[tilespmem:s22+$0xB0] =	vst v5  }
0x1d6: {  	[tilespmem:s22+$0xA0] =	vst v1;
	v1 =	vmul.f32 v4, v9  }
0x1d7: {  	v2 =	vmul.f32 v6, v9;
	[tilespmem:s22+$0xC0] =	vst v0  }
0x1d8: {  	s13 =	sshll.u32 s0, $0xA;
	v0 =	vmul.f32 v3, v9;
	[tilespmem:s22+$0xD0] =	vst v1  }
0x1d9: {  	s15 =	sshrl.u32 s13, $0x2;
	[tilespmem:s22+$0xE0] =	vst v2  }
0x1da: {  	s16 =	sadd.s32 $0x14C80, s15;
	[tilespmem:s22+$0xF0] =	vst v0  }
0x1db: {  	[spmem:s2] =	stream.indirect.scatter.add.f32 [tilespmem:s30], [sflag:$0x5], $0x80, s16, s20, $0xb8;
	[tilespmem:$0x1F480] =	vst v63  }
0x1dc: {  	p3 =	seq.s32 s0, $0x13;
	_ =	swait.ge [sflag:s21], $0x4000  }
0x1dd: {  	s15 =	simm.s32 @!p3 $0x17480;
	s12 =	sshrl.u32 @!p3 s13, $0x2;
	[sflag:s21] =	ssyncset.done $0x0  }
0x1de: {  	s13 =	sadd.s32 @!p3 $0x13980, s12;
	s14 =	simm.s32 @!p3 $0x40;
	[sflag:s21] =	ssyncadd.s32 $0xFFFFC000  }
0x1df: {  	[tilespmem:s15], [sflag:$0x1] =	stream.indirect.gather @!p3 [hbm4b:s4+s14], $0x80, s13, s14, $0xb8;
	[tilespmem:$0x1F480] =	vst v63  }
0x1e0: {  	s13 =	sadd.s32 $0x0, s8  }
0x1e1: {  	s12 =	sadd.s32 @!p3 $0x139C0, s12;
	s15 =	simm.s32 @!p3 $0x19480;
	v0 =	vmov s13  }
0x1e2: {  	[tilespmem:s15], [sflag:$0x2] =	stream.indirect.gather @!p3 [hbm4b:s4+s14], $0x80, s12, s14, $0xb8;
	v0 =	vand.u32 $0xFFFFFFFC, v0;
	[tilespmem:$0x1F480] =	vst v63  }
0x1e3: {  	_ =	swait.ge [sflag:s6], $0x2000;
	v0 =	vbroadcast v0, $0x0  }
0x1e4: {  	[sflag:s6] =	ssyncset.done $0x0  }
0x1e5: {  	s17 =	sadd.s32 $0x2, s13;
	[sflag:s6] =	ssyncadd.s32 $0xFFFFE000  }
0x1e6: {  	v1 =	vmov s17;
	_ =	swait.ge [sflag:s7], $0x2000  }
0x1e7: {  	v1 =	vand.u32 $0xFFFFFFFE, v1;
	[sflag:s7] =	ssyncset.done $0x0  }
0x1e8: {  	v1 =	vbroadcast v1, $0x0;
	[sflag:s7] =	ssyncadd.s32 $0xFFFFE000  }
0x1e9: {  	s12 =	simm.s32 $0x1B580;
	v0 =	vld.idx.msk [tilespmem:v0+s28+$0x0], $0xffff  }
0x1ea: {  	s22 =	sadd.s32 $0x1, s13;
	v3 =	vld [tilespmem:s12+$0x70]  }
0x1eb: {  	v2 =	vmov s22;
	v4 =	vld [tilespmem:s12+$0xFFFFFF00]  }
0x1ec: {  	v2 =	vand.u32 $0xFFFFFFFD, v2;
	v5 =	vld [tilespmem:s12+$0xFFFFFF10]  }
0x1ed: {  	v2 =	vbroadcast v2, $0x0;
	v6 =	vld [tilespmem:s12+$0xFFFFFF20]  }
0x1ee: {  	v1 =	vld.idx.msk [tilespmem:v1+s28+$0x0], $0xffff  }
0x1ef: {  	v7 =	vld [tilespmem:s12+$0xFFFFFF30]  }
0x1f0: {  	v8 =	vld [tilespmem:s12+$0xFFFFFF40]  }
0x1f1: {  	v9 =	vld [tilespmem:s12+$0xFFFFFF50]  }
0x1f2: {  	v10 =	vld [tilespmem:s12+$0xFFFFFF60];
	v4 =	vmul.f32 v4, v0  }
0x1f3: {  	v11 =	vld.idx.msk [tilespmem:v2+s28+$0x0], $0xffff;
	v2 =	vmul.f32 v3, v1  }
0x1f4: {  	v3 =	vmul.f32 v5, v0;
	v5 =	vld [tilespmem:s12+$0xFFFFFF80];
	[tilespmem:s12+$0xFFFFFF00] =	vst v4  }
0x1f5: {  	s13 =	sadd.s32 $0x3, s13;
	v4 =	vld [tilespmem:s12+$0xFFFFFF70];
	[tilespmem:s12+$0x70] =	vst v2;
	v2 =	vmul.f32 v6, v0  }
0x1f6: {  	[tilespmem:s12+$0xFFFFFF10] =	vst v3;
	v3 =	vmul.f32 v7, v0;
	v6 =	vld [tilespmem:s12+$0xFFFFFF90];
	v7 =	vmov s13  }
0x1f7: {  	[tilespmem:s12+$0xFFFFFF20] =	vst v2;
	v2 =	vmul.f32 v8, v0;
	v8 =	vld [tilespmem:s12+$0xFFFFFFA0]  }
0x1f8: {  	[tilespmem:s12+$0xFFFFFF30] =	vst v3;
	v3 =	vmul.f32 v9, v0;
	v9 =	vld [tilespmem:s12+$0xFFFFFFB0]  }
0x1f9: {  	[tilespmem:s12+$0xFFFFFF40] =	vst v2;
	v2 =	vmul.f32 v10, v0;
	v10 =	vld [tilespmem:s12+$0xFFFFFFC0]  }
0x1fa: {  	[tilespmem:s12+$0xFFFFFF50] =	vst v3;
	v3 =	vmul.f32 v5, v11;
	v5 =	vld [tilespmem:s12+$0xFFFFFFD0]  }
0x1fb: {  	v4 =	vmul.f32 v4, v0;
	v0 =	vld.idx.msk [tilespmem:v7+s28+$0x0], $0xffff;
	[tilespmem:s12+$0xFFFFFF60] =	vst v2  }
0x1fc: {  	v6 =	vmul.f32 v6, v11;
	v2 =	vld [tilespmem:s12+$0xFFFFFFE0];
	[tilespmem:s12+$0xFFFFFF80] =	vst v3  }
0x1fd: {  	[tilespmem:s12+$0xFFFFFF70] =	vst v4;
	v4 =	vld [tilespmem:s12+$0xFFFFFFF0];
	v3 =	vmul.f32 v8, v11  }
0x1fe: {  	v7 =	vld [tilespmem:s12+$0x0];
	[tilespmem:s12+$0xFFFFFF90] =	vst v6;
	v6 =	vmul.f32 v9, v11  }
0x1ff: {  	v9 =	vld [tilespmem:s12+$0x10];
	[tilespmem:s12+$0xFFFFFFA0] =	vst v3;
	v3 =	vmul.f32 v10, v11  }
0x200: {  	[tilespmem:s12+$0xFFFFFFB0] =	vst v6;
	v5 =	vmul.f32 v5, v11;
	v6 =	vld [tilespmem:s12+$0x20]  }
0x201: {  	[tilespmem:s12+$0xFFFFFFC0] =	vst v3;
	v8 =	vmul.f32 v2, v11;
	v2 =	vld [tilespmem:s12+$0x30]  }
0x202: {  	[tilespmem:s12+$0xFFFFFFD0] =	vst v5;
	v5 =	vmul.f32 v4, v11;
	v3 =	vld [tilespmem:s12+$0x40]  }
0x203: {  	v4 =	vld [tilespmem:s12+$0x50];
	[tilespmem:s12+$0xFFFFFFE0] =	vst v8;
	v8 =	vmul.f32 v7, v1  }
0x204: {  	s15 =	sadd.s32 $0x4, s8;
	s14 =	simm.s32 $0x8;
	s13 =	simm.s32 $0x1B580;
	[tilespmem:s12+$0xFFFFFFF0] =	vst v5;
	v7 =	vmul.f32 v9, v1;
	v5 =	vld [tilespmem:s12+$0x60]  }
.LBB2_25:
0x205: {  	p3 =	slt.u32 s14, $0x7C;
	v9 =	vmov s15;
	s16 =	sadd.s32 $0x1, s15;
	s17 =	sadd.s32 $0x2, s15;
	[tilespmem:s12+$0x0] =	vst v8;
	v6 =	vmul.f32 v6, v1;
	v8 =	vld [tilespmem:s12+$0x80]  }
0x206: {  	s15 =	sadd.s32 $0x3, s15;
	v9 =	vand.u32 $0xFFFFFFFC, v9;
	v10 =	vmov s16;
	v11 =	vmov s17;
	[tilespmem:s12+$0x10] =	vst v7;
	v7 =	vld [tilespmem:s12+$0x90]  }
0x207: {  	v9 =	vbroadcast v9, $0x0;
	v10 =	vand.u32 $0xFFFFFFFD, v10;
	v11 =	vand.u32 $0xFFFFFFFE, v11;
	[tilespmem:s12+$0x20] =	vst v6;
	v6 =	vld [tilespmem:s12+$0xA0]  }
0x208: {  	v12 =	vmov s15;
	v10 =	vbroadcast v10, $0x0;
	v11 =	vbroadcast v11, $0x0;
	v13 =	vld [tilespmem:s12+$0xB0]  }
0x209: {  	v2 =	vmul.f32 v2, v1;
	v3 =	vmul.f32 v3, v1;
	v14 =	vld [tilespmem:s12+$0xC0]  }
0x20a: {  	v4 =	vmul.f32 v4, v1;
	v5 =	vmul.f32 v5, v1;
	v15 =	vld [tilespmem:s12+$0xD0]  }
0x20b: {  	[tilespmem:s12+$0x30] =	vst v2;
	v2 =	vmul.f32 v8, v0;
	v7 =	vmul.f32 v7, v0;
	v8 =	vld [tilespmem:s12+$0xE0]  }
0x20c: {  	[tilespmem:s12+$0x40] =	vst v3;
	v3 =	vmul.f32 v6, v0;
	v6 =	vld [tilespmem:s12+$0xF0]  }
0x20d: {  	v9 =	vld.idx.msk [tilespmem:v9+s28+$0x0], $0xffff;
	[tilespmem:s12+$0x50] =	vst v4;
	v4 =	vmul.f32 v13, v0  }
0x20e: {  	s12 =	sadd.s32 $0x200, s12;
	v1 =	vld.idx.msk [tilespmem:v11+s28+$0x0], $0xffff;
	[tilespmem:s13+$0x60] =	vst v5;
	v5 =	vmul.f32 v14, v0  }
0x20f: {  	v11 =	vld [tilespmem:s12+$0x70];
	[tilespmem:s13+$0x80] =	vst v2;
	v2 =	vmul.f32 v15, v0  }
0x210: {  	v10 =	vld.idx.msk [tilespmem:v10+s28+$0x0], $0xffff;
	[tilespmem:s13+$0x90] =	vst v7;
	v7 =	vmul.f32 v8, v0  }
0x211: {  	[tilespmem:s13+$0xA0] =	vst v3;
	v3 =	vmul.f32 v6, v0;
	v0 =	vld.idx.msk [tilespmem:v12+s28+$0x0], $0xffff  }
0x212: {  	v6 =	vld [tilespmem:s12+$0xFFFFFF00];
	[tilespmem:s13+$0xB0] =	vst v4  }
0x213: {  	v4 =	vld [tilespmem:s12+$0xFFFFFF10];
	[tilespmem:s13+$0xC0] =	vst v5  }
0x214: {  	v5 =	vld [tilespmem:s12+$0xFFFFFF20];
	v8 =	vmul.f32 v11, v1;
	[tilespmem:s13+$0xD0] =	vst v2  }
0x215: {  	v2 =	vld [tilespmem:s12+$0xFFFFFF30];
	[tilespmem:s13+$0xE0] =	vst v7  }
0x216: {  	v7 =	vld [tilespmem:s12+$0xFFFFFF40];
	[tilespmem:s12+$0x70] =	vst v8  }
0x217: {  	v6 =	vmul.f32 v6, v9;
	v8 =	vld [tilespmem:s12+$0xFFFFFF50];
	[tilespmem:s13+$0xF0] =	vst v3;
	s13 =	smov.u32 s12  }
0x218: {  	v3 =	vmul.f32 v4, v9;
	v4 =	vld [tilespmem:s12+$0xFFFFFF60]  }
0x219: {  	[tilespmem:s12+$0xFFFFFF00] =	vst v6;
	v5 =	vmul.f32 v5, v9;
	v6 =	vld [tilespmem:s12+$0xFFFFFF70]  }
0x21a: {  	[tilespmem:s12+$0xFFFFFF10] =	vst v3;
	v2 =	vmul.f32 v2, v9;
	v3 =	vld [tilespmem:s12+$0xFFFFFF80]  }
0x21b: {  	[tilespmem:s12+$0xFFFFFF20] =	vst v5;
	v5 =	vmul.f32 v7, v9;
	v7 =	vld [tilespmem:s12+$0xFFFFFF90]  }
0x21c: {  	[tilespmem:s12+$0xFFFFFF30] =	vst v2;
	v2 =	vmul.f32 v8, v9;
	v8 =	vld [tilespmem:s12+$0xFFFFFFA0]  }
0x21d: {  	[tilespmem:s12+$0xFFFFFF40] =	vst v5;
	v4 =	vmul.f32 v4, v9;
	v5 =	vld [tilespmem:s12+$0xFFFFFFB0]  }
0x21e: {  	[tilespmem:s12+$0xFFFFFF50] =	vst v2;
	v2 =	vmul.f32 v6, v9;
	v6 =	vld [tilespmem:s12+$0xFFFFFFC0]  }
0x21f: {  	[tilespmem:s12+$0xFFFFFF60] =	vst v4;
	v3 =	vmul.f32 v3, v10;
	v4 =	vld [tilespmem:s12+$0xFFFFFFD0]  }
0x220: {  	[tilespmem:s12+$0xFFFFFF70] =	vst v2;
	v2 =	vmul.f32 v7, v10;
	v7 =	vld [tilespmem:s12+$0xFFFFFFE0]  }
0x221: {  	[tilespmem:s12+$0xFFFFFF80] =	vst v3;
	v3 =	vmul.f32 v8, v10;
	v8 =	vld [tilespmem:s12+$0xFFFFFFF0]  }
0x222: {  	[tilespmem:s12+$0xFFFFFF90] =	vst v2;
	v2 =	vmul.f32 v5, v10;
	v5 =	vld [tilespmem:s12+$0x0]  }
0x223: {  	[tilespmem:s12+$0xFFFFFFA0] =	vst v3;
	v3 =	vmul.f32 v6, v10;
	v9 =	vld [tilespmem:s12+$0x10]  }
.Ltmp7:
0x224: {  	[tilespmem:s12+$0xFFFFFFB0] =	vst v2;
	v4 =	vmul.f32 v4, v10;
	v6 =	vld [tilespmem:s12+$0x20];
	(pc) =	sbr.rel @p3 .LBB2_25-.Ltmp7, $4  }
0x225: {  	[tilespmem:s12+$0xFFFFFFC0] =	vst v3;
	v7 =	vmul.f32 v7, v10;
	v2 =	vld [tilespmem:s12+$0x30]  }
0x226: {  	[tilespmem:s12+$0xFFFFFFD0] =	vst v4;
	v10 =	vmul.f32 v8, v10;
	v3 =	vld [tilespmem:s12+$0x40]  }
0x227: {  	[tilespmem:s12+$0xFFFFFFE0] =	vst v7;
	v8 =	vmul.f32 v5, v1;
	v4 =	vld [tilespmem:s12+$0x50]  }
0x228: {  	s15 =	sadd.s32 s8, s14;
	s14 =	sadd.s32 $0x4, s14;
	[tilespmem:s12+$0xFFFFFFF0] =	vst v10;
	v7 =	vmul.f32 v9, v1;
	v5 =	vld [tilespmem:s12+$0x60]  }
0x229: {  	v10 =	vld [tilespmem:s12+$0x80]  }
0x22a: {  	v12 =	vld [tilespmem:s12+$0x90]  }
0x22b: {  	v13 =	vld [tilespmem:s12+$0xA0]  }
0x22c: {  	v15 =	vld [tilespmem:s12+$0xB0]  }
0x22d: {  	v9 =	vmov s15;
	[tilespmem:s12+$0x0] =	vst v8;
	v6 =	vmul.f32 v6, v1;
	v45 =	vld [tilespmem:s12+$0xC0]  }
0x22e: {  	v47 =	vld [tilespmem:s12+$0xD0];
	v9 =	vand.u32 $0xFFFFFFFC, v9;
	[tilespmem:s12+$0x10] =	vst v7;
	v2 =	vmul.f32 v2, v1  }
0x22f: {  	v48 =	vld [tilespmem:s12+$0xE0];
	v9 =	vbroadcast v9, $0x0;
	[tilespmem:s12+$0x20] =	vst v6;
	v3 =	vmul.f32 v3, v1  }
0x230: {  	v49 =	vld [tilespmem:s12+$0xF0];
	s22 =	sadd.s32 $0x200, s12;
	v4 =	vmul.f32 v4, v1;
	[tilespmem:s12+$0x30] =	vst v2  }
0x231: {  	v54 =	vld [tilespmem:s22+$0x70];
	v50 =	vmul.f32 v5, v1;
	[tilespmem:s12+$0x40] =	vst v3  }
0x232: {  	v59 =	vld [tilespmem:s22+$0xFFFFFF00];
	v52 =	vmul.f32 v10, v0;
	[tilespmem:s12+$0x50] =	vst v4  }
0x233: {  	v60 =	vld [tilespmem:s22+$0xFFFFFF10];
	v53 =	vmul.f32 v12, v0;
	[tilespmem:s13+$0x60] =	vst v50  }
0x234: {  	s17 =	sadd.s32 $0x3, s15;
	v61 =	vld [tilespmem:s22+$0xFFFFFF20];
	v55 =	vmul.f32 v13, v0;
	[tilespmem:s13+$0x80] =	vst v52  }
0x235: {  	v16 =	vmov s17;
	v57 =	vmul.f32 v15, v0;
	[tilespmem:s13+$0x90] =	vst v53;
	v51 =	vld.idx.msk [tilespmem:v9+s28+$0x0], $0xffff  }
0x236: {  	s16 =	sadd.s32 $0x1, s15;
	v62 =	vld [tilespmem:s22+$0xFFFFFF30];
	v58 =	vmul.f32 v45, v0;
	[tilespmem:s13+$0xA0] =	vst v55  }
0x237: {  	v14 =	vmov s16;
	v18 =	vld [tilespmem:s22+$0xFFFFFF70];
	v8 =	vmul.f32 v47, v0;
	[tilespmem:s13+$0xB0] =	vst v57  }
0x238: {  	s14 =	sadd.s32 $0x2, s15;
	v44 =	vand.u32 $0xFFFFFFFD, v14;
	v14 =	vld [tilespmem:s22+$0xFFFFFF50];
	v6 =	vmul.f32 v48, v0;
	[tilespmem:s13+$0xC0] =	vst v58  }
0x239: {  	v11 =	vmov s14;
	v63 =	vmul.f32 v49, v0;
	v12 =	vld [tilespmem:s22+$0xFFFFFF40];
	[tilespmem:s13+$0xD0] =	vst v8  }
0x23a: {  	v11 =	vand.u32 $0xFFFFFFFE, v11;
	[tilespmem:s13+$0xE0] =	vst v6;
	v9 =	vld.idx.msk [tilespmem:v16+s28+$0x0], $0xffff;
	v13 =	vmul.f32 v59, v51  }
0x23b: {  	v11 =	vbroadcast v11, $0x0;
	[tilespmem:s13+$0xF0] =	vst v63;
	v16 =	vld [tilespmem:s22+$0xFFFFFF60];
	v15 =	vmul.f32 v60, v51  }
0x23c: {  	v20 =	vld [tilespmem:s22+$0xFFFFFF80];
	v46 =	vbroadcast v44, $0x0;
	v17 =	vmul.f32 v61, v51;
	[tilespmem:s22+$0xFFFFFF00] =	vst v13  }
0x23d: {  	v53 =	vld [tilespmem:s22+$0xB0];
	v19 =	vmul.f32 v62, v51;
	[tilespmem:s22+$0xFFFFFF10] =	vst v15  }
0x23e: {  	v55 =	vld [tilespmem:s22+$0xD0];
	v21 =	vmul.f32 v12, v51;
	[tilespmem:s22+$0xFFFFFF20] =	vst v17  }
0x23f: {  	v57 =	vld [tilespmem:s22+$0xE0];
	v23 =	vmul.f32 v14, v51;
	[tilespmem:s22+$0xFFFFFF30] =	vst v19  }
0x240: {  	v58 =	vld [tilespmem:s22+$0xF0];
	v25 =	vmul.f32 v16, v51;
	[tilespmem:s22+$0xFFFFFF40] =	vst v21  }
0x241: {  	v4 =	vld.idx.msk [tilespmem:v11+s28+$0x0], $0xffff;
	v27 =	vmul.f32 v18, v51;
	[tilespmem:s22+$0xFFFFFF50] =	vst v23  }
0x242: {  	v56 =	vld.idx.msk [tilespmem:v46+s28+$0x0], $0xffff;
	v59 =	vmul.f32 v53, v9;
	[tilespmem:s22+$0xFFFFFF60] =	vst v25  }
0x243: {  	v22 =	vld [tilespmem:s22+$0xFFFFFF90];
	v61 =	vmul.f32 v55, v9;
	[tilespmem:s22+$0xFFFFFF70] =	vst v27  }
0x244: {  	v24 =	vld [tilespmem:s22+$0xFFFFFFA0];
	v62 =	vmul.f32 v57, v9;
	[tilespmem:s22+$0xB0] =	vst v59  }
0x245: {  	v26 =	vld [tilespmem:s22+$0xFFFFFFB0];
	v63 =	vmul.f32 v58, v9;
	[tilespmem:s22+$0xD0] =	vst v61  }
0x246: {  	v28 =	vld [tilespmem:s22+$0xFFFFFFC0];
	v1 =	vmul.f32 v54, v4;
	[tilespmem:s22+$0xE0] =	vst v62  }
0x247: {  	v30 =	vld [tilespmem:s22+$0xFFFFFFD0];
	v29 =	vmul.f32 v20, v56;
	[tilespmem:s22+$0xF0] =	vst v63  }
0x248: {  	v32 =	vld [tilespmem:s22+$0xFFFFFFE0];
	v31 =	vmul.f32 v22, v56;
	[tilespmem:s22+$0x70] =	vst v1  }
0x249: {  	v34 =	vld [tilespmem:s22+$0xFFFFFFF0];
	v33 =	vmul.f32 v24, v56;
	[tilespmem:s22+$0xFFFFFF80] =	vst v29  }
0x24a: {  	v36 =	vld [tilespmem:s22+$0x0];
	v35 =	vmul.f32 v26, v56;
	[tilespmem:s22+$0xFFFFFF90] =	vst v31  }
0x24b: {  	v38 =	vld [tilespmem:s22+$0x10];
	v37 =	vmul.f32 v28, v56;
	[tilespmem:s22+$0xFFFFFFA0] =	vst v33  }
0x24c: {  	v40 =	vld [tilespmem:s22+$0x20];
	v39 =	vmul.f32 v30, v56;
	[tilespmem:s22+$0xFFFFFFB0] =	vst v35  }
0x24d: {  	v42 =	vld [tilespmem:s22+$0x30];
	v41 =	vmul.f32 v32, v56;
	[tilespmem:s22+$0xFFFFFFC0] =	vst v37  }
0x24e: {  	v44 =	vld [tilespmem:s22+$0x40];
	v43 =	vmul.f32 v34, v56;
	[tilespmem:s22+$0xFFFFFFD0] =	vst v39  }
0x24f: {  	v46 =	vld [tilespmem:s22+$0x50];
	v45 =	vmul.f32 v36, v4;
	[tilespmem:s22+$0xFFFFFFE0] =	vst v41  }
0x250: {  	v48 =	vld [tilespmem:s22+$0x60];
	v47 =	vmul.f32 v38, v4;
	[tilespmem:s22+$0xFFFFFFF0] =	vst v43  }
0x251: {  	v50 =	vld [tilespmem:s22+$0x80];
	v49 =	vmul.f32 v40, v4;
	[tilespmem:s22+$0x0] =	vst v45  }
0x252: {  	v52 =	vld [tilespmem:s22+$0xA0];
	v2 =	vmul.f32 v42, v4;
	[tilespmem:s22+$0x10] =	vst v47  }
0x253: {  	v51 =	vld [tilespmem:s22+$0x90];
	v5 =	vmul.f32 v44, v4;
	[tilespmem:s22+$0x20] =	vst v49  }
0x254: {  	v6 =	vmul.f32 v46, v4;
	v54 =	vld [tilespmem:s22+$0xC0];
	[tilespmem:s22+$0x30] =	vst v2  }
0x255: {  	v3 =	vmul.f32 v48, v4;
	[tilespmem:s22+$0x40] =	vst v5  }
0x256: {  	s0 =	sadd.s32 $0x1, s0;
	v56 =	vmul.f32 v50, v9;
	[tilespmem:s22+$0x50] =	vst v6  }
0x257: {  	p3 =	sne.s32 s0, $0x14;
	[tilespmem:s22+$0x60] =	vst v3;
	v1 =	vmul.f32 v52, v9  }
.Ltmp8:
0x258: {  	[tilespmem:s22+$0x80] =	vst v56;
	v0 =	vmul.f32 v51, v9;
	(pc) =	sbr.rel @p3 .LBB2_22-.Ltmp8, $4  }
0x259: {  	[tilespmem:s22+$0xA0] =	vst v1;
	v60 =	vmul.f32 v54, v9  }
0x25a: {  	s8 =	sand.u32 $0x3FFFFF80, s8;
	[tilespmem:s22+$0x90] =	vst v0  }
0x25b: {  	s8 =	sadd.s32 $0x14C80, s8;
	[tilespmem:s22+$0xC0] =	vst v60  }
0x25c: {  	[spmem:s2] =	stream.indirect.scatter.add.f32 [tilespmem:s9], [sflag:$0x6], $0x80, s8, s20, $0xb8;
	[tilespmem:$0x1F480] =	vst v63  }
0x25d: {  	_ =	swait.ge [sflag:s5], $0x4000  }
0x25e: {  	[sflag:s5] =	ssyncset.done $0x0  }
0x25f: {  	[sflag:s5] =	ssyncadd.s32 $0xFFFFC000  }
0x260: {  	[bflag:$0x0] =	sbarrier.arrive $0xFFFF  }
0x261: {  	s0 =	sor.u32 $0x1C08, s31;
	s8 =	rddreg [dreg:$0x12]  }
0x262: {  	[hbm:s8], [sflag:s0] =	dma.local [spmem:s26], $0x2700  }
.Ltmp9:
0x263: {  	_ = 	snop;
	(pc) =	sbr.rel @p1 .LBB2_29-.Ltmp9, $4  }
.Ltmp10:
0x264: {  	_ = 	snop;
	(pc) =	sbr.rel @!p1 .LBB2_28-.Ltmp10, $4  }
0x265: {  	_ =	swait.ge [sflag:s25], $0x2700  }
0x266: {  	[sflag:s25] =	ssyncset.done $0x0  }
0x267: {  	s8 =	rddreg [dreg:$0x5];
	[sflag:s25] =	ssyncadd.s32 $0xFFFFD900  }
0x268: {  	_ = 	snop  }
.LBB2_2:
0x269: {  	s12 =	rddreg [dreg:$0x7]  }
0x26a: {  	[spmem:s26], [sflag:s8] =	dma.local [hbm:s12], $0x2700  }
0x26b: {  	_ =	swait.ge [sflag:s23], $0x2700  }
0x26c: {  	[sflag:s23] =	ssyncset.done $0x0  }
0x26d: {  	s8 =	simm.s32 @!p1 $0x1FC8;
	s12 =	rddreg [dreg:$0x8];
	[sflag:s23] =	ssyncadd.s32 $0xFFFFD900  }
0x26e: {  	[spmem:s0], [sflag:s8] =	dma.local @!p1 [hbm:s12], $0x100  }
0x26f: {  	s0 =	simm.s32 @!p1 $0x8  }
0x270: {  	_ =	swait.ge @!p1 [sflag:s0], $0x100  }
0x271: {  	[sflag:s0] =	ssyncset.done @!p1 $0x0  }
0x272: {  	[sflag:s0] =	ssyncadd.s32 @!p1 $0xFFFFFF00  }
0x273: {  	[bflag:$0x0] =	sbarrier.arrive $0xFFFF  }
0x274: {  	s0 =	simm.s32 $0x0;
	s13 =	rddreg [dreg:$0x9]  }
0x275: {  	[tilespmem:s24], [sflag:$0x8] =	stream.linear.gather [hbm4b:s13+s0], $0x1400, $0x38;
	[tilespmem:$0x1F480] =	vst v63  }
0x276: {  	_ =	swait.ge [sflag:s25], $0x1400  }
0x277: {  	[sflag:s25] =	ssyncset.done $0x0  }
0x278: {  	s15 =	simm.s32 $0x14C80;
	s14 =	rddreg [dreg:$0xa];
	[sflag:s25] =	ssyncadd.s32 $0xFFFFEC00  }
0x279: {  	[tilespmem:s15], [sflag:$0x8] =	stream.linear.gather [hbm4b:s14+s0], $0x1400, $0x38;
	[tilespmem:$0x1F480] =	vst v63  }
0x27a: {  	_ =	swait.ge [sflag:s25], $0x1400  }
0x27b: {  	[sflag:s25] =	ssyncset.done $0x0  }
0x27c: {  	s16 =	rddreg [dreg:$0xb];
	[sflag:s25] =	ssyncadd.s32 $0xFFFFEC00  }
0x27d: {  	[tilespmem:s28], [sflag:$0x8] =	stream.linear.gather [hbm4b:s16+s0], $0x1400, $0x38;
	[tilespmem:$0x1F480] =	vst v63  }
0x27e: {  	_ =	swait.ge [sflag:s25], $0x1400  }
0x27f: {  	[sflag:s25] =	ssyncset.done $0x0  }
0x280: {  	[sflag:s25] =	ssyncadd.s32 $0xFFFFEC00  }
0x281: {  	[tilespmem:s30], [sflag:$0x1] =	stream.indirect.gather [hbm4b:s1+s29], $0x80, s24, s29, $0xb8;
	[tilespmem:$0x1F480] =	vst v63  }
0x282: {  	s17 =	simm.s32 $0x138C0;
	s22 =	simm.s32 $0x19480  }
0x283: {  	[tilespmem:s22], [sflag:$0x2] =	stream.indirect.gather [hbm4b:s1+s29], $0x80, s17, s29, $0xb8;
	[tilespmem:$0x1F480] =	vst v63  }
.LBB2_3:
0x284: {  	p3 =	seq.s32 s0, $0x0  }
0x285: {  	s8 =	sshll.u32 s0, $0x1;
	s12 =	simm.s32 @!p3 $0x6  }
0x286: {  	s8 =	sor.u32 $0x1, s8;
	_ =	swait.ge @!p3 [sflag:s12], $0x4000  }
0x287: {  	s13 =	sshll.u32 s0, $0x8;
	s8 =	sshll.u32 s8, $0x7;
	[sflag:s12] =	ssyncset.done @!p3 $0x0  }
0x288: {  	s14 =	sadd.s32 $0x0, s13;
	s16 =	sadd.s32 $0x13880, s8;
	[sflag:s12] =	ssyncadd.s32 @!p3 $0xFFFFC000  }
0x289: {  	[tilespmem:s9], [sflag:$0x3] =	stream.indirect.gather [hbm4b:s1+s29], $0x80, s16, s29, $0xb8;
	[tilespmem:$0x1F480] =	vst v63  }
0x28a: {  	v0 =	vmov s14;
	s15 =	sadd.s32 $0x2, s14;
	s17 =	sadd.s32 $0x138C0, s8  }
0x28b: {  	v0 =	vand.u32 $0xFFFFFFFC, v0;
	v1 =	vmov s15;
	[tilespmem:s11], [sflag:$0x4] =	stream.indirect.gather [hbm4b:s1+s29], $0x80, s17, s29, $0xb8;
	[tilespmem:$0x1F480] =	vst v63  }
0x28c: {  	v0 =	vbroadcast v0, $0x0;
	v1 =	vand.u32 $0xFFFFFFFE, v1;
	_ =	swait.ge [sflag:s18], $0x2000  }
0x28d: {  	v1 =	vbroadcast v1, $0x0;
	[sflag:s18] =	ssyncset.done $0x0  }
0x28e: {  	[sflag:s18] =	ssyncadd.s32 $0xFFFFE000  }
0x28f: {  	_ =	swait.ge [sflag:s19], $0x2000  }
0x290: {  	[sflag:s19] =	ssyncset.done $0x0  }
0x291: {  	[sflag:s19] =	ssyncadd.s32 $0xFFFFE000  }
0x292: {  	v0 =	vld.idx.msk [tilespmem:v0+s28+$0x0], $0xffff  }
0x293: {  	s22 =	sadd.s32 $0x1, s14;
	s12 =	simm.s32 $0x17580;
	v1 =	vld.idx.msk [tilespmem:v1+s28+$0x0], $0xffff  }
0x294: {  	v2 =	vmov s22;
	v3 =	vld [tilespmem:s12+$0x70]  }
0x295: {  	v2 =	vand.u32 $0xFFFFFFFD, v2;
	v4 =	vld [tilespmem:s12+$0xFFFFFF00]  }
0x296: {  	v2 =	vbroadcast v2, $0x0;
	v5 =	vld [tilespmem:s12+$0xFFFFFF10]  }
0x297: {  	v6 =	vld [tilespmem:s12+$0xFFFFFF20]  }
0x298: {  	v7 =	vld [tilespmem:s12+$0xFFFFFF30]  }
0x299: {  	v8 =	vld [tilespmem:s12+$0xFFFFFF40]  }
0x29a: {  	v9 =	vld [tilespmem:s12+$0xFFFFFF50]  }
0x29b: {  	v10 =	vld [tilespmem:s12+$0xFFFFFF60];
	v4 =	vmul.f32 v4, v0  }
0x29c: {  	v11 =	vld.idx.msk [tilespmem:v2+s28+$0x0], $0xffff;
	v2 =	vmul.f32 v3, v1  }
0x29d: {  	v3 =	vmul.f32 v5, v0;
	v5 =	vld [tilespmem:s12+$0xFFFFFF80];
	[tilespmem:s12+$0xFFFFFF00] =	vst v4  }
0x29e: {  	s14 =	sadd.s32 $0x3, s14;
	v4 =	vld [tilespmem:s12+$0xFFFFFF70];
	[tilespmem:s12+$0x70] =	vst v2;
	v2 =	vmul.f32 v6, v0  }
0x29f: {  	[tilespmem:s12+$0xFFFFFF10] =	vst v3;
	v3 =	vmul.f32 v7, v0;
	v6 =	vld [tilespmem:s12+$0xFFFFFF90];
	v7 =	vmov s14  }
0x2a0: {  	[tilespmem:s12+$0xFFFFFF20] =	vst v2;
	v2 =	vmul.f32 v8, v0;
	v8 =	vld [tilespmem:s12+$0xFFFFFFA0]  }
0x2a1: {  	[tilespmem:s12+$0xFFFFFF30] =	vst v3;
	v3 =	vmul.f32 v9, v0;
	v9 =	vld [tilespmem:s12+$0xFFFFFFB0]  }
0x2a2: {  	[tilespmem:s12+$0xFFFFFF40] =	vst v2;
	v2 =	vmul.f32 v10, v0;
	v10 =	vld [tilespmem:s12+$0xFFFFFFC0]  }
0x2a3: {  	[tilespmem:s12+$0xFFFFFF50] =	vst v3;
	v3 =	vmul.f32 v5, v11;
	v5 =	vld [tilespmem:s12+$0xFFFFFFD0]  }
0x2a4: {  	v4 =	vmul.f32 v4, v0;
	v0 =	vld.idx.msk [tilespmem:v7+s28+$0x0], $0xffff;
	[tilespmem:s12+$0xFFFFFF60] =	vst v2  }
0x2a5: {  	v6 =	vmul.f32 v6, v11;
	v2 =	vld [tilespmem:s12+$0xFFFFFFE0];
	[tilespmem:s12+$0xFFFFFF80] =	vst v3  }
0x2a6: {  	[tilespmem:s12+$0xFFFFFF70] =	vst v4;
	v3 =	vmul.f32 v8, v11;
	v4 =	vld [tilespmem:s12+$0xFFFFFFF0]  }
0x2a7: {  	v7 =	vld [tilespmem:s12+$0x0];
	[tilespmem:s12+$0xFFFFFF90] =	vst v6;
	v6 =	vmul.f32 v9, v11  }
0x2a8: {  	v9 =	vld [tilespmem:s12+$0x10];
	[tilespmem:s12+$0xFFFFFFA0] =	vst v3;
	v3 =	vmul.f32 v10, v11  }
0x2a9: {  	[tilespmem:s12+$0xFFFFFFB0] =	vst v6;
	v5 =	vmul.f32 v5, v11;
	v6 =	vld [tilespmem:s12+$0x20]  }
0x2aa: {  	[tilespmem:s12+$0xFFFFFFC0] =	vst v3;
	v8 =	vmul.f32 v2, v11;
	v2 =	vld [tilespmem:s12+$0x30]  }
0x2ab: {  	[tilespmem:s12+$0xFFFFFFD0] =	vst v5;
	v3 =	vld [tilespmem:s12+$0x40];
	v5 =	vmul.f32 v4, v11  }
0x2ac: {  	v4 =	vld [tilespmem:s12+$0x50];
	[tilespmem:s12+$0xFFFFFFE0] =	vst v8;
	v8 =	vmul.f32 v7, v1  }
0x2ad: {  	s15 =	simm.s32 $0x8;
	s16 =	sadd.s32 $0x4, s13;
	s14 =	simm.s32 $0x17580;
	v7 =	vmul.f32 v9, v1;
	[tilespmem:s12+$0xFFFFFFF0] =	vst v5;
	v5 =	vld [tilespmem:s12+$0x60]  }
.LBB2_4:
0x2ae: {  	p3 =	slt.u32 s15, $0x7C;
	v9 =	vmov s16;
	s17 =	sadd.s32 $0x1, s16;
	s22 =	sadd.s32 $0x2, s16;
	[tilespmem:s12+$0x0] =	vst v8;
	v6 =	vmul.f32 v6, v1;
	v8 =	vld [tilespmem:s12+$0x80]  }
0x2af: {  	s16 =	sadd.s32 $0x3, s16;
	v9 =	vand.u32 $0xFFFFFFFC, v9;
	v10 =	vmov s17;
	v11 =	vmov s22;
	[tilespmem:s12+$0x10] =	vst v7;
	v7 =	vld [tilespmem:s12+$0x90]  }
0x2b0: {  	v9 =	vbroadcast v9, $0x0;
	v10 =	vand.u32 $0xFFFFFFFD, v10;
	v11 =	vand.u32 $0xFFFFFFFE, v11;
	[tilespmem:s12+$0x20] =	vst v6;
	v6 =	vld [tilespmem:s12+$0xA0]  }
0x2b1: {  	v12 =	vmov s16;
	v10 =	vbroadcast v10, $0x0;
	v11 =	vbroadcast v11, $0x0;
	v13 =	vld [tilespmem:s12+$0xB0]  }
0x2b2: {  	v2 =	vmul.f32 v2, v1;
	v3 =	vmul.f32 v3, v1;
	v14 =	vld [tilespmem:s12+$0xC0]  }
0x2b3: {  	v4 =	vmul.f32 v4, v1;
	v5 =	vmul.f32 v5, v1;
	v15 =	vld [tilespmem:s12+$0xD0]  }
0x2b4: {  	[tilespmem:s12+$0x30] =	vst v2;
	v2 =	vmul.f32 v8, v0;
	v7 =	vmul.f32 v7, v0;
	v8 =	vld [tilespmem:s12+$0xE0]  }
0x2b5: {  	[tilespmem:s12+$0x40] =	vst v3;
	v3 =	vmul.f32 v6, v0;
	v6 =	vld [tilespmem:s12+$0xF0]  }
0x2b6: {  	v9 =	vld.idx.msk [tilespmem:v9+s28+$0x0], $0xffff;
	[tilespmem:s12+$0x50] =	vst v4;
	v4 =	vmul.f32 v13, v0  }
0x2b7: {  	s12 =	sadd.s32 $0x200, s12;
	v1 =	vld.idx.msk [tilespmem:v11+s28+$0x0], $0xffff;
	[tilespmem:s14+$0x60] =	vst v5;
	v5 =	vmul.f32 v14, v0  }
0x2b8: {  	v11 =	vld [tilespmem:s12+$0x70];
	[tilespmem:s14+$0x80] =	vst v2;
	v2 =	vmul.f32 v15, v0  }
0x2b9: {  	v10 =	vld.idx.msk [tilespmem:v10+s28+$0x0], $0xffff;
	[tilespmem:s14+$0x90] =	vst v7;
	v7 =	vmul.f32 v8, v0  }
0x2ba: {  	[tilespmem:s14+$0xA0] =	vst v3;
	v3 =	vmul.f32 v6, v0;
	v0 =	vld.idx.msk [tilespmem:v12+s28+$0x0], $0xffff  }
0x2bb: {  	v6 =	vld [tilespmem:s12+$0xFFFFFF00];
	[tilespmem:s14+$0xB0] =	vst v4  }
0x2bc: {  	v4 =	vld [tilespmem:s12+$0xFFFFFF10];
	[tilespmem:s14+$0xC0] =	vst v5  }
0x2bd: {  	v5 =	vld [tilespmem:s12+$0xFFFFFF20];
	v8 =	vmul.f32 v11, v1;
	[tilespmem:s14+$0xD0] =	vst v2  }
0x2be: {  	v2 =	vld [tilespmem:s12+$0xFFFFFF30];
	[tilespmem:s14+$0xE0] =	vst v7  }
0x2bf: {  	v7 =	vld [tilespmem:s12+$0xFFFFFF40];
	[tilespmem:s12+$0x70] =	vst v8  }
0x2c0: {  	v6 =	vmul.f32 v6, v9;
	v8 =	vld [tilespmem:s12+$0xFFFFFF50];
	[tilespmem:s14+$0xF0] =	vst v3;
	s14 =	smov.u32 s12  }
0x2c1: {  	v3 =	vmul.f32 v4, v9;
	v4 =	vld [tilespmem:s12+$0xFFFFFF60]  }
0x2c2: {  	[tilespmem:s12+$0xFFFFFF00] =	vst v6;
	v5 =	vmul.f32 v5, v9;
	v6 =	vld [tilespmem:s12+$0xFFFFFF70]  }
0x2c3: {  	[tilespmem:s12+$0xFFFFFF10] =	vst v3;
	v2 =	vmul.f32 v2, v9;
	v3 =	vld [tilespmem:s12+$0xFFFFFF80]  }
0x2c4: {  	[tilespmem:s12+$0xFFFFFF20] =	vst v5;
	v5 =	vmul.f32 v7, v9;
	v7 =	vld [tilespmem:s12+$0xFFFFFF90]  }
0x2c5: {  	[tilespmem:s12+$0xFFFFFF30] =	vst v2;
	v2 =	vmul.f32 v8, v9;
	v8 =	vld [tilespmem:s12+$0xFFFFFFA0]  }
0x2c6: {  	[tilespmem:s12+$0xFFFFFF40] =	vst v5;
	v4 =	vmul.f32 v4, v9;
	v5 =	vld [tilespmem:s12+$0xFFFFFFB0]  }
0x2c7: {  	[tilespmem:s12+$0xFFFFFF50] =	vst v2;
	v2 =	vmul.f32 v6, v9;
	v6 =	vld [tilespmem:s12+$0xFFFFFFC0]  }
0x2c8: {  	[tilespmem:s12+$0xFFFFFF60] =	vst v4;
	v3 =	vmul.f32 v3, v10;
	v4 =	vld [tilespmem:s12+$0xFFFFFFD0]  }
0x2c9: {  	[tilespmem:s12+$0xFFFFFF70] =	vst v2;
	v2 =	vmul.f32 v7, v10;
	v7 =	vld [tilespmem:s12+$0xFFFFFFE0]  }
0x2ca: {  	[tilespmem:s12+$0xFFFFFF80] =	vst v3;
	v3 =	vmul.f32 v8, v10;
	v8 =	vld [tilespmem:s12+$0xFFFFFFF0]  }
0x2cb: {  	[tilespmem:s12+$0xFFFFFF90] =	vst v2;
	v2 =	vmul.f32 v5, v10;
	v5 =	vld [tilespmem:s12+$0x0]  }
0x2cc: {  	[tilespmem:s12+$0xFFFFFFA0] =	vst v3;
	v3 =	vmul.f32 v6, v10;
	v9 =	vld [tilespmem:s12+$0x10]  }
.Ltmp11:
0x2cd: {  	[tilespmem:s12+$0xFFFFFFB0] =	vst v2;
	v4 =	vmul.f32 v4, v10;
	v6 =	vld [tilespmem:s12+$0x20];
	(pc) =	sbr.rel @p3 .LBB2_4-.Ltmp11, $4  }
0x2ce: {  	[tilespmem:s12+$0xFFFFFFC0] =	vst v3;
	v7 =	vmul.f32 v7, v10;
	v2 =	vld [tilespmem:s12+$0x30]  }
0x2cf: {  	[tilespmem:s12+$0xFFFFFFD0] =	vst v4;
	v10 =	vmul.f32 v8, v10;
	v3 =	vld [tilespmem:s12+$0x40]  }
0x2d0: {  	[tilespmem:s12+$0xFFFFFFE0] =	vst v7;
	v8 =	vmul.f32 v5, v1;
	v4 =	vld [tilespmem:s12+$0x50]  }
0x2d1: {  	s16 =	sadd.s32 s13, s15;
	s15 =	sadd.s32 $0x4, s15;
	[tilespmem:s12+$0xFFFFFFF0] =	vst v10;
	v7 =	vmul.f32 v9, v1;
	v5 =	vld [tilespmem:s12+$0x60]  }
0x2d2: {  	v10 =	vld [tilespmem:s12+$0x80]  }
0x2d3: {  	v9 =	vmov s16;
	v12 =	vld [tilespmem:s12+$0x90]  }
0x2d4: {  	s13 =	sadd.s32 $0x2, s16;
	s15 =	sadd.s32 $0x1, s16;
	v13 =	vld [tilespmem:s12+$0xA0];
	[tilespmem:s12+$0x0] =	vst v8;
	v6 =	vmul.f32 v6, v1;
	v9 =	vand.u32 $0xFFFFFFFC, v9  }
0x2d5: {  	v15 =	vld [tilespmem:s12+$0xB0];
	v11 =	vmov s13;
	v14 =	vmov s15;
	[tilespmem:s12+$0x10] =	vst v7;
	v2 =	vmul.f32 v2, v1  }
0x2d6: {  	v63 =	vld [tilespmem:s12+$0xC0];
	v9 =	vbroadcast v9, $0x0;
	v11 =	vand.u32 $0xFFFFFFFE, v11;
	[tilespmem:s12+$0x20] =	vst v6;
	v3 =	vmul.f32 v3, v1  }
0x2d7: {  	v8 =	vand.u32 $0xFFFFFFFD, v14;
	v6 =	vld [tilespmem:s12+$0xE0];
	v11 =	vbroadcast v11, $0x0;
	v4 =	vmul.f32 v4, v1;
	[tilespmem:s12+$0x30] =	vst v2  }
0x2d8: {  	v7 =	vbroadcast v8, $0x0;
	v8 =	vld [tilespmem:s12+$0xD0];
	v1 =	vmul.f32 v5, v1;
	[tilespmem:s12+$0x40] =	vst v3  }
0x2d9: {  	s22 =	sadd.s32 $0x200, s12;
	v2 =	vld [tilespmem:s12+$0xF0];
	v5 =	vmul.f32 v10, v0;
	[tilespmem:s12+$0x50] =	vst v4;
	v10 =	vmul.f32 v13, v0  }
0x2da: {  	[tilespmem:s14+$0x60] =	vst v1;
	v1 =	vld [tilespmem:s22+$0x70]  }
0x2db: {  	[tilespmem:s14+$0xA0] =	vst v10;
	v10 =	vld [tilespmem:s22+$0xFFFFFF00]  }
0x2dc: {  	v3 =	vld.idx.msk [tilespmem:v9+s28+$0x0], $0xffff  }
0x2dd: {  	v6 =	vmul.f32 v6, v0;
	v9 =	vmul.f32 v12, v0;
	v4 =	vld.idx.msk [tilespmem:v11+s28+$0x0], $0xffff  }
0x2de: {  	s17 =	sadd.s32 $0x3, s16;
	[tilespmem:s14+$0x80] =	vst v5;
	v8 =	vmul.f32 v8, v0;
	v5 =	vld.idx.msk [tilespmem:v7+s28+$0x0], $0xffff;
	v7 =	vmul.f32 v15, v0  }
0x2df: {  	v16 =	vmov s17;
	v11 =	vmul.f32 v63, v0;
	v0 =	vmul.f32 v2, v0;
	[tilespmem:s14+$0xE0] =	vst v6;
	v2 =	vld [tilespmem:s22+$0xFFFFFF40]  }
0x2e0: {  	[tilespmem:s14+$0xB0] =	vst v7;
	v7 =	vld [tilespmem:s22+$0xFFFFFF10]  }
0x2e1: {  	[tilespmem:s14+$0xC0] =	vst v11;
	v11 =	vld [tilespmem:s22+$0xFFFFFF20]  }
0x2e2: {  	[tilespmem:s14+$0xD0] =	vst v8;
	v8 =	vld [tilespmem:s22+$0xFFFFFF30];
	v1 =	vmul.f32 v1, v4  }
0x2e3: {  	v6 =	vld [tilespmem:s22+$0xFFFFFF50];
	[tilespmem:s14+$0x90] =	vst v9  }
0x2e4: {  	v9 =	vld.idx.msk [tilespmem:v16+s28+$0x0], $0xffff;
	[tilespmem:s22+$0x70] =	vst v1;
	v1 =	vmul.f32 v10, v3  }
0x2e5: {  	[tilespmem:s14+$0xF0] =	vst v0;
	v0 =	vmul.f32 v7, v3;
	v7 =	vld [tilespmem:s22+$0xFFFFFF60]  }
0x2e6: {  	v10 =	vld [tilespmem:s22+$0xFFFFFF70];
	[tilespmem:s22+$0xFFFFFF00] =	vst v1;
	v1 =	vmul.f32 v11, v3  }
0x2e7: {  	[tilespmem:s22+$0xFFFFFF10] =	vst v0;
	v0 =	vmul.f32 v8, v3;
	v8 =	vld [tilespmem:s22+$0xFFFFFF80]  }
0x2e8: {  	[tilespmem:s22+$0xFFFFFF20] =	vst v1;
	v1 =	vmul.f32 v2, v3;
	v2 =	vld [tilespmem:s22+$0xFFFFFF90]  }
0x2e9: {  	[tilespmem:s22+$0xFFFFFF30] =	vst v0;
	v0 =	vmul.f32 v6, v3;
	v6 =	vld [tilespmem:s22+$0xFFFFFFA0]  }
0x2ea: {  	[tilespmem:s22+$0xFFFFFF40] =	vst v1;
	v1 =	vmul.f32 v7, v3;
	v7 =	vld [tilespmem:s22+$0xFFFFFFB0]  }
0x2eb: {  	[tilespmem:s22+$0xFFFFFF50] =	vst v0;
	v0 =	vmul.f32 v10, v3;
	v3 =	vld [tilespmem:s22+$0xFFFFFFC0]  }
0x2ec: {  	[tilespmem:s22+$0xFFFFFF60] =	vst v1;
	v1 =	vmul.f32 v8, v5;
	v8 =	vld [tilespmem:s22+$0xFFFFFFD0]  }
0x2ed: {  	[tilespmem:s22+$0xFFFFFF70] =	vst v0;
	v0 =	vmul.f32 v2, v5;
	v2 =	vld [tilespmem:s22+$0xFFFFFFE0]  }
0x2ee: {  	[tilespmem:s22+$0xFFFFFF80] =	vst v1;
	v1 =	vmul.f32 v6, v5;
	v6 =	vld [tilespmem:s22+$0xFFFFFFF0]  }
0x2ef: {  	[tilespmem:s22+$0xFFFFFF90] =	vst v0;
	v0 =	vmul.f32 v7, v5;
	v7 =	vld [tilespmem:s22+$0x0]  }
0x2f0: {  	[tilespmem:s22+$0xFFFFFFA0] =	vst v1;
	v1 =	vmul.f32 v3, v5;
	v3 =	vld [tilespmem:s22+$0x10]  }
0x2f1: {  	[tilespmem:s22+$0xFFFFFFB0] =	vst v0;
	v0 =	vmul.f32 v8, v5;
	v8 =	vld [tilespmem:s22+$0x20]  }
0x2f2: {  	[tilespmem:s22+$0xFFFFFFC0] =	vst v1;
	v1 =	vmul.f32 v2, v5;
	v2 =	vld [tilespmem:s22+$0x30]  }
0x2f3: {  	[tilespmem:s22+$0xFFFFFFD0] =	vst v0;
	v0 =	vmul.f32 v6, v5;
	v5 =	vld [tilespmem:s22+$0x40]  }
0x2f4: {  	v6 =	vld [tilespmem:s22+$0x50];
	[tilespmem:s22+$0xFFFFFFE0] =	vst v1;
	v1 =	vmul.f32 v7, v4  }
0x2f5: {  	[tilespmem:s22+$0xFFFFFFF0] =	vst v0;
	v0 =	vmul.f32 v3, v4;
	v3 =	vld [tilespmem:s22+$0x60]  }
0x2f6: {  	v7 =	vld [tilespmem:s22+$0x80];
	[tilespmem:s22+$0x0] =	vst v1;
	v1 =	vmul.f32 v8, v4  }
0x2f7: {  	[tilespmem:s22+$0x10] =	vst v0;
	v0 =	vld [tilespmem:s22+$0x90];
	v2 =	vmul.f32 v2, v4  }
0x2f8: {  	v8 =	vld [tilespmem:s22+$0xB0];
	[tilespmem:s22+$0x20] =	vst v1;
	v5 =	vmul.f32 v5, v4  }
0x2f9: {  	v1 =	vld [tilespmem:s22+$0xA0];
	v6 =	vmul.f32 v6, v4;
	[tilespmem:s22+$0x30] =	vst v2  }
0x2fa: {  	v2 =	vld [tilespmem:s22+$0xC0];
	v3 =	vmul.f32 v3, v4;
	[tilespmem:s22+$0x40] =	vst v5  }
0x2fb: {  	v4 =	vld [tilespmem:s22+$0xD0];
	v5 =	vmul.f32 v7, v9;
	[tilespmem:s22+$0x50] =	vst v6  }
0x2fc: {  	v6 =	vld [tilespmem:s22+$0xE0];
	v0 =	vmul.f32 v0, v9;
	[tilespmem:s22+$0x60] =	vst v3  }
0x2fd: {  	v3 =	vld [tilespmem:s22+$0xF0];
	[tilespmem:s22+$0x80] =	vst v5;
	v5 =	vmul.f32 v8, v9  }
0x2fe: {  	v1 =	vmul.f32 v1, v9;
	[tilespmem:s22+$0x90] =	vst v0  }
0x2ff: {  	v0 =	vmul.f32 v2, v9;
	[tilespmem:s22+$0xB0] =	vst v5  }
0x300: {  	[tilespmem:s22+$0xA0] =	vst v1;
	v1 =	vmul.f32 v4, v9  }
0x301: {  	v2 =	vmul.f32 v6, v9;
	[tilespmem:s22+$0xC0] =	vst v0  }
0x302: {  	s13 =	sshll.u32 s0, $0xA;
	v0 =	vmul.f32 v3, v9;
	[tilespmem:s22+$0xD0] =	vst v1  }
0x303: {  	s15 =	sshrl.u32 s13, $0x2;
	[tilespmem:s22+$0xE0] =	vst v2  }
0x304: {  	s16 =	sadd.s32 $0x14C80, s15;
	[tilespmem:s22+$0xF0] =	vst v0  }
0x305: {  	[spmem:s2] =	stream.indirect.scatter.add.f32 [tilespmem:s30], [sflag:$0x5], $0x80, s16, s20, $0xb8;
	[tilespmem:$0x1F480] =	vst v63  }
0x306: {  	p3 =	seq.s32 s0, $0x13;
	_ =	swait.ge [sflag:s21], $0x4000  }
0x307: {  	s15 =	simm.s32 @!p3 $0x17480;
	s12 =	sshrl.u32 @!p3 s13, $0x2;
	[sflag:s21] =	ssyncset.done $0x0  }
0x308: {  	s13 =	sadd.s32 @!p3 $0x13980, s12;
	s14 =	simm.s32 @!p3 $0x40;
	[sflag:s21] =	ssyncadd.s32 $0xFFFFC000  }
0x309: {  	[tilespmem:s15], [sflag:$0x1] =	stream.indirect.gather @!p3 [hbm4b:s1+s14], $0x80, s13, s14, $0xb8;
	[tilespmem:$0x1F480] =	vst v63  }
0x30a: {  	s13 =	sadd.s32 $0x0, s8  }
0x30b: {  	s12 =	sadd.s32 @!p3 $0x139C0, s12;
	s15 =	simm.s32 @!p3 $0x19480;
	v0 =	vmov s13  }
0x30c: {  	[tilespmem:s15], [sflag:$0x2] =	stream.indirect.gather @!p3 [hbm4b:s1+s14], $0x80, s12, s14, $0xb8;
	v0 =	vand.u32 $0xFFFFFFFC, v0;
	[tilespmem:$0x1F480] =	vst v63  }
0x30d: {  	_ =	swait.ge [sflag:s6], $0x2000;
	v0 =	vbroadcast v0, $0x0  }
0x30e: {  	[sflag:s6] =	ssyncset.done $0x0  }
0x30f: {  	s17 =	sadd.s32 $0x2, s13;
	[sflag:s6] =	ssyncadd.s32 $0xFFFFE000  }
0x310: {  	v1 =	vmov s17;
	_ =	swait.ge [sflag:s7], $0x2000  }
0x311: {  	v1 =	vand.u32 $0xFFFFFFFE, v1;
	[sflag:s7] =	ssyncset.done $0x0  }
0x312: {  	v1 =	vbroadcast v1, $0x0;
	[sflag:s7] =	ssyncadd.s32 $0xFFFFE000  }
0x313: {  	s12 =	simm.s32 $0x1B580;
	v0 =	vld.idx.msk [tilespmem:v0+s28+$0x0], $0xffff  }
0x314: {  	s22 =	sadd.s32 $0x1, s13;
	v3 =	vld [tilespmem:s12+$0x70]  }
0x315: {  	v2 =	vmov s22;
	v4 =	vld [tilespmem:s12+$0xFFFFFF00]  }
0x316: {  	v2 =	vand.u32 $0xFFFFFFFD, v2;
	v5 =	vld [tilespmem:s12+$0xFFFFFF10]  }
0x317: {  	v2 =	vbroadcast v2, $0x0;
	v6 =	vld [tilespmem:s12+$0xFFFFFF20]  }
0x318: {  	v1 =	vld.idx.msk [tilespmem:v1+s28+$0x0], $0xffff  }
0x319: {  	v7 =	vld [tilespmem:s12+$0xFFFFFF30]  }
0x31a: {  	v8 =	vld [tilespmem:s12+$0xFFFFFF40]  }
0x31b: {  	v9 =	vld [tilespmem:s12+$0xFFFFFF50]  }
0x31c: {  	v10 =	vld [tilespmem:s12+$0xFFFFFF60];
	v4 =	vmul.f32 v4, v0  }
0x31d: {  	v11 =	vld.idx.msk [tilespmem:v2+s28+$0x0], $0xffff;
	v2 =	vmul.f32 v3, v1  }
0x31e: {  	v3 =	vmul.f32 v5, v0;
	v5 =	vld [tilespmem:s12+$0xFFFFFF80];
	[tilespmem:s12+$0xFFFFFF00] =	vst v4  }
0x31f: {  	s13 =	sadd.s32 $0x3, s13;
	v4 =	vld [tilespmem:s12+$0xFFFFFF70];
	[tilespmem:s12+$0x70] =	vst v2;
	v2 =	vmul.f32 v6, v0  }
0x320: {  	[tilespmem:s12+$0xFFFFFF10] =	vst v3;
	v3 =	vmul.f32 v7, v0;
	v6 =	vld [tilespmem:s12+$0xFFFFFF90];
	v7 =	vmov s13  }
0x321: {  	[tilespmem:s12+$0xFFFFFF20] =	vst v2;
	v2 =	vmul.f32 v8, v0;
	v8 =	vld [tilespmem:s12+$0xFFFFFFA0]  }
0x322: {  	[tilespmem:s12+$0xFFFFFF30] =	vst v3;
	v3 =	vmul.f32 v9, v0;
	v9 =	vld [tilespmem:s12+$0xFFFFFFB0]  }
0x323: {  	[tilespmem:s12+$0xFFFFFF40] =	vst v2;
	v2 =	vmul.f32 v10, v0;
	v10 =	vld [tilespmem:s12+$0xFFFFFFC0]  }
0x324: {  	[tilespmem:s12+$0xFFFFFF50] =	vst v3;
	v3 =	vmul.f32 v5, v11;
	v5 =	vld [tilespmem:s12+$0xFFFFFFD0]  }
0x325: {  	v4 =	vmul.f32 v4, v0;
	v0 =	vld.idx.msk [tilespmem:v7+s28+$0x0], $0xffff;
	[tilespmem:s12+$0xFFFFFF60] =	vst v2  }
0x326: {  	v6 =	vmul.f32 v6, v11;
	v2 =	vld [tilespmem:s12+$0xFFFFFFE0];
	[tilespmem:s12+$0xFFFFFF80] =	vst v3  }
0x327: {  	[tilespmem:s12+$0xFFFFFF70] =	vst v4;
	v4 =	vld [tilespmem:s12+$0xFFFFFFF0];
	v3 =	vmul.f32 v8, v11  }
0x328: {  	v7 =	vld [tilespmem:s12+$0x0];
	[tilespmem:s12+$0xFFFFFF90] =	vst v6;
	v6 =	vmul.f32 v9, v11  }
0x329: {  	v9 =	vld [tilespmem:s12+$0x10];
	[tilespmem:s12+$0xFFFFFFA0] =	vst v3;
	v3 =	vmul.f32 v10, v11  }
0x32a: {  	[tilespmem:s12+$0xFFFFFFB0] =	vst v6;
	v5 =	vmul.f32 v5, v11;
	v6 =	vld [tilespmem:s12+$0x20]  }
0x32b: {  	[tilespmem:s12+$0xFFFFFFC0] =	vst v3;
	v8 =	vmul.f32 v2, v11;
	v2 =	vld [tilespmem:s12+$0x30]  }
0x32c: {  	[tilespmem:s12+$0xFFFFFFD0] =	vst v5;
	v5 =	vmul.f32 v4, v11;
	v3 =	vld [tilespmem:s12+$0x40]  }
0x32d: {  	v4 =	vld [tilespmem:s12+$0x50];
	[tilespmem:s12+$0xFFFFFFE0] =	vst v8;
	v8 =	vmul.f32 v7, v1  }
0x32e: {  	s15 =	sadd.s32 $0x4, s8;
	s14 =	simm.s32 $0x8;
	s13 =	simm.s32 $0x1B580;
	[tilespmem:s12+$0xFFFFFFF0] =	vst v5;
	v7 =	vmul.f32 v9, v1;
	v5 =	vld [tilespmem:s12+$0x60]  }
.LBB2_6:
0x32f: {  	p3 =	slt.u32 s14, $0x7C;
	v9 =	vmov s15;
	s16 =	sadd.s32 $0x1, s15;
	s17 =	sadd.s32 $0x2, s15;
	[tilespmem:s12+$0x0] =	vst v8;
	v6 =	vmul.f32 v6, v1;
	v8 =	vld [tilespmem:s12+$0x80]  }
0x330: {  	s15 =	sadd.s32 $0x3, s15;
	v9 =	vand.u32 $0xFFFFFFFC, v9;
	v10 =	vmov s16;
	v11 =	vmov s17;
	[tilespmem:s12+$0x10] =	vst v7;
	v7 =	vld [tilespmem:s12+$0x90]  }
0x331: {  	v9 =	vbroadcast v9, $0x0;
	v10 =	vand.u32 $0xFFFFFFFD, v10;
	v11 =	vand.u32 $0xFFFFFFFE, v11;
	[tilespmem:s12+$0x20] =	vst v6;
	v6 =	vld [tilespmem:s12+$0xA0]  }
0x332: {  	v12 =	vmov s15;
	v10 =	vbroadcast v10, $0x0;
	v11 =	vbroadcast v11, $0x0;
	v13 =	vld [tilespmem:s12+$0xB0]  }
0x333: {  	v2 =	vmul.f32 v2, v1;
	v3 =	vmul.f32 v3, v1;
	v14 =	vld [tilespmem:s12+$0xC0]  }
0x334: {  	v4 =	vmul.f32 v4, v1;
	v5 =	vmul.f32 v5, v1;
	v15 =	vld [tilespmem:s12+$0xD0]  }
0x335: {  	[tilespmem:s12+$0x30] =	vst v2;
	v2 =	vmul.f32 v8, v0;
	v7 =	vmul.f32 v7, v0;
	v8 =	vld [tilespmem:s12+$0xE0]  }
0x336: {  	[tilespmem:s12+$0x40] =	vst v3;
	v3 =	vmul.f32 v6, v0;
	v6 =	vld [tilespmem:s12+$0xF0]  }
0x337: {  	v9 =	vld.idx.msk [tilespmem:v9+s28+$0x0], $0xffff;
	[tilespmem:s12+$0x50] =	vst v4;
	v4 =	vmul.f32 v13, v0  }
0x338: {  	s12 =	sadd.s32 $0x200, s12;
	v1 =	vld.idx.msk [tilespmem:v11+s28+$0x0], $0xffff;
	[tilespmem:s13+$0x60] =	vst v5;
	v5 =	vmul.f32 v14, v0  }
0x339: {  	v11 =	vld [tilespmem:s12+$0x70];
	[tilespmem:s13+$0x80] =	vst v2;
	v2 =	vmul.f32 v15, v0  }
0x33a: {  	v10 =	vld.idx.msk [tilespmem:v10+s28+$0x0], $0xffff;
	[tilespmem:s13+$0x90] =	vst v7;
	v7 =	vmul.f32 v8, v0  }
0x33b: {  	[tilespmem:s13+$0xA0] =	vst v3;
	v3 =	vmul.f32 v6, v0;
	v0 =	vld.idx.msk [tilespmem:v12+s28+$0x0], $0xffff  }
0x33c: {  	v6 =	vld [tilespmem:s12+$0xFFFFFF00];
	[tilespmem:s13+$0xB0] =	vst v4  }
0x33d: {  	v4 =	vld [tilespmem:s12+$0xFFFFFF10];
	[tilespmem:s13+$0xC0] =	vst v5  }
0x33e: {  	v5 =	vld [tilespmem:s12+$0xFFFFFF20];
	v8 =	vmul.f32 v11, v1;
	[tilespmem:s13+$0xD0] =	vst v2  }
0x33f: {  	v2 =	vld [tilespmem:s12+$0xFFFFFF30];
	[tilespmem:s13+$0xE0] =	vst v7  }
0x340: {  	v7 =	vld [tilespmem:s12+$0xFFFFFF40];
	[tilespmem:s12+$0x70] =	vst v8  }
0x341: {  	v6 =	vmul.f32 v6, v9;
	v8 =	vld [tilespmem:s12+$0xFFFFFF50];
	[tilespmem:s13+$0xF0] =	vst v3;
	s13 =	smov.u32 s12  }
0x342: {  	v3 =	vmul.f32 v4, v9;
	v4 =	vld [tilespmem:s12+$0xFFFFFF60]  }
0x343: {  	[tilespmem:s12+$0xFFFFFF00] =	vst v6;
	v5 =	vmul.f32 v5, v9;
	v6 =	vld [tilespmem:s12+$0xFFFFFF70]  }
0x344: {  	[tilespmem:s12+$0xFFFFFF10] =	vst v3;
	v2 =	vmul.f32 v2, v9;
	v3 =	vld [tilespmem:s12+$0xFFFFFF80]  }
0x345: {  	[tilespmem:s12+$0xFFFFFF20] =	vst v5;
	v5 =	vmul.f32 v7, v9;
	v7 =	vld [tilespmem:s12+$0xFFFFFF90]  }
0x346: {  	[tilespmem:s12+$0xFFFFFF30] =	vst v2;
	v2 =	vmul.f32 v8, v9;
	v8 =	vld [tilespmem:s12+$0xFFFFFFA0]  }
0x347: {  	[tilespmem:s12+$0xFFFFFF40] =	vst v5;
	v4 =	vmul.f32 v4, v9;
	v5 =	vld [tilespmem:s12+$0xFFFFFFB0]  }
0x348: {  	[tilespmem:s12+$0xFFFFFF50] =	vst v2;
	v2 =	vmul.f32 v6, v9;
	v6 =	vld [tilespmem:s12+$0xFFFFFFC0]  }
0x349: {  	[tilespmem:s12+$0xFFFFFF60] =	vst v4;
	v3 =	vmul.f32 v3, v10;
	v4 =	vld [tilespmem:s12+$0xFFFFFFD0]  }
0x34a: {  	[tilespmem:s12+$0xFFFFFF70] =	vst v2;
	v2 =	vmul.f32 v7, v10;
	v7 =	vld [tilespmem:s12+$0xFFFFFFE0]  }
0x34b: {  	[tilespmem:s12+$0xFFFFFF80] =	vst v3;
	v3 =	vmul.f32 v8, v10;
	v8 =	vld [tilespmem:s12+$0xFFFFFFF0]  }
0x34c: {  	[tilespmem:s12+$0xFFFFFF90] =	vst v2;
	v2 =	vmul.f32 v5, v10;
	v5 =	vld [tilespmem:s12+$0x0]  }
0x34d: {  	[tilespmem:s12+$0xFFFFFFA0] =	vst v3;
	v3 =	vmul.f32 v6, v10;
	v9 =	vld [tilespmem:s12+$0x10]  }
.Ltmp12:
0x34e: {  	[tilespmem:s12+$0xFFFFFFB0] =	vst v2;
	v4 =	vmul.f32 v4, v10;
	v6 =	vld [tilespmem:s12+$0x20];
	(pc) =	sbr.rel @p3 .LBB2_6-.Ltmp12, $4  }
0x34f: {  	[tilespmem:s12+$0xFFFFFFC0] =	vst v3;
	v7 =	vmul.f32 v7, v10;
	v2 =	vld [tilespmem:s12+$0x30]  }
0x350: {  	[tilespmem:s12+$0xFFFFFFD0] =	vst v4;
	v10 =	vmul.f32 v8, v10;
	v3 =	vld [tilespmem:s12+$0x40]  }
0x351: {  	[tilespmem:s12+$0xFFFFFFE0] =	vst v7;
	v8 =	vmul.f32 v5, v1;
	v4 =	vld [tilespmem:s12+$0x50]  }
0x352: {  	s15 =	sadd.s32 s8, s14;
	s14 =	sadd.s32 $0x4, s14;
	[tilespmem:s12+$0xFFFFFFF0] =	vst v10;
	v7 =	vmul.f32 v9, v1;
	v5 =	vld [tilespmem:s12+$0x60]  }
0x353: {  	v10 =	vld [tilespmem:s12+$0x80]  }
0x354: {  	v12 =	vld [tilespmem:s12+$0x90]  }
0x355: {  	v13 =	vld [tilespmem:s12+$0xA0]  }
0x356: {  	v15 =	vld [tilespmem:s12+$0xB0]  }
0x357: {  	v9 =	vmov s15;
	[tilespmem:s12+$0x0] =	vst v8;
	v6 =	vmul.f32 v6, v1;
	v45 =	vld [tilespmem:s12+$0xC0]  }
0x358: {  	v47 =	vld [tilespmem:s12+$0xD0];
	v9 =	vand.u32 $0xFFFFFFFC, v9;
	[tilespmem:s12+$0x10] =	vst v7;
	v2 =	vmul.f32 v2, v1  }
0x359: {  	v48 =	vld [tilespmem:s12+$0xE0];
	v9 =	vbroadcast v9, $0x0;
	[tilespmem:s12+$0x20] =	vst v6;
	v3 =	vmul.f32 v3, v1  }
0x35a: {  	v49 =	vld [tilespmem:s12+$0xF0];
	s22 =	sadd.s32 $0x200, s12;
	v4 =	vmul.f32 v4, v1;
	[tilespmem:s12+$0x30] =	vst v2  }
0x35b: {  	v54 =	vld [tilespmem:s22+$0x70];
	v50 =	vmul.f32 v5, v1;
	[tilespmem:s12+$0x40] =	vst v3  }
0x35c: {  	v59 =	vld [tilespmem:s22+$0xFFFFFF00];
	v52 =	vmul.f32 v10, v0;
	[tilespmem:s12+$0x50] =	vst v4  }
0x35d: {  	v60 =	vld [tilespmem:s22+$0xFFFFFF10];
	v53 =	vmul.f32 v12, v0;
	[tilespmem:s13+$0x60] =	vst v50  }
0x35e: {  	s17 =	sadd.s32 $0x3, s15;
	v61 =	vld [tilespmem:s22+$0xFFFFFF20];
	v55 =	vmul.f32 v13, v0;
	[tilespmem:s13+$0x80] =	vst v52  }
0x35f: {  	v16 =	vmov s17;
	v57 =	vmul.f32 v15, v0;
	[tilespmem:s13+$0x90] =	vst v53;
	v51 =	vld.idx.msk [tilespmem:v9+s28+$0x0], $0xffff  }
0x360: {  	s16 =	sadd.s32 $0x1, s15;
	v62 =	vld [tilespmem:s22+$0xFFFFFF30];
	v58 =	vmul.f32 v45, v0;
	[tilespmem:s13+$0xA0] =	vst v55  }
0x361: {  	v14 =	vmov s16;
	v18 =	vld [tilespmem:s22+$0xFFFFFF70];
	v8 =	vmul.f32 v47, v0;
	[tilespmem:s13+$0xB0] =	vst v57  }
0x362: {  	s14 =	sadd.s32 $0x2, s15;
	v44 =	vand.u32 $0xFFFFFFFD, v14;
	v14 =	vld [tilespmem:s22+$0xFFFFFF50];
	v6 =	vmul.f32 v48, v0;
	[tilespmem:s13+$0xC0] =	vst v58  }
0x363: {  	v11 =	vmov s14;
	v63 =	vmul.f32 v49, v0;
	v12 =	vld [tilespmem:s22+$0xFFFFFF40];
	[tilespmem:s13+$0xD0] =	vst v8  }
0x364: {  	v11 =	vand.u32 $0xFFFFFFFE, v11;
	[tilespmem:s13+$0xE0] =	vst v6;
	v9 =	vld.idx.msk [tilespmem:v16+s28+$0x0], $0xffff;
	v13 =	vmul.f32 v59, v51  }
0x365: {  	v11 =	vbroadcast v11, $0x0;
	[tilespmem:s13+$0xF0] =	vst v63;
	v16 =	vld [tilespmem:s22+$0xFFFFFF60];
	v15 =	vmul.f32 v60, v51  }
0x366: {  	v20 =	vld [tilespmem:s22+$0xFFFFFF80];
	v46 =	vbroadcast v44, $0x0;
	v17 =	vmul.f32 v61, v51;
	[tilespmem:s22+$0xFFFFFF00] =	vst v13  }
0x367: {  	v53 =	vld [tilespmem:s22+$0xB0];
	v19 =	vmul.f32 v62, v51;
	[tilespmem:s22+$0xFFFFFF10] =	vst v15  }
0x368: {  	v55 =	vld [tilespmem:s22+$0xD0];
	v21 =	vmul.f32 v12, v51;
	[tilespmem:s22+$0xFFFFFF20] =	vst v17  }
0x369: {  	v57 =	vld [tilespmem:s22+$0xE0];
	v23 =	vmul.f32 v14, v51;
	[tilespmem:s22+$0xFFFFFF30] =	vst v19  }
0x36a: {  	v58 =	vld [tilespmem:s22+$0xF0];
	v25 =	vmul.f32 v16, v51;
	[tilespmem:s22+$0xFFFFFF40] =	vst v21  }
0x36b: {  	v4 =	vld.idx.msk [tilespmem:v11+s28+$0x0], $0xffff;
	v27 =	vmul.f32 v18, v51;
	[tilespmem:s22+$0xFFFFFF50] =	vst v23  }
0x36c: {  	v56 =	vld.idx.msk [tilespmem:v46+s28+$0x0], $0xffff;
	v59 =	vmul.f32 v53, v9;
	[tilespmem:s22+$0xFFFFFF60] =	vst v25  }
0x36d: {  	v22 =	vld [tilespmem:s22+$0xFFFFFF90];
	v61 =	vmul.f32 v55, v9;
	[tilespmem:s22+$0xFFFFFF70] =	vst v27  }
0x36e: {  	v24 =	vld [tilespmem:s22+$0xFFFFFFA0];
	v62 =	vmul.f32 v57, v9;
	[tilespmem:s22+$0xB0] =	vst v59  }
0x36f: {  	v26 =	vld [tilespmem:s22+$0xFFFFFFB0];
	v63 =	vmul.f32 v58, v9;
	[tilespmem:s22+$0xD0] =	vst v61  }
0x370: {  	v28 =	vld [tilespmem:s22+$0xFFFFFFC0];
	v1 =	vmul.f32 v54, v4;
	[tilespmem:s22+$0xE0] =	vst v62  }
0x371: {  	v30 =	vld [tilespmem:s22+$0xFFFFFFD0];
	v29 =	vmul.f32 v20, v56;
	[tilespmem:s22+$0xF0] =	vst v63  }
0x372: {  	v32 =	vld [tilespmem:s22+$0xFFFFFFE0];
	v31 =	vmul.f32 v22, v56;
	[tilespmem:s22+$0x70] =	vst v1  }
0x373: {  	v34 =	vld [tilespmem:s22+$0xFFFFFFF0];
	v33 =	vmul.f32 v24, v56;
	[tilespmem:s22+$0xFFFFFF80] =	vst v29  }
0x374: {  	v36 =	vld [tilespmem:s22+$0x0];
	v35 =	vmul.f32 v26, v56;
	[tilespmem:s22+$0xFFFFFF90] =	vst v31  }
0x375: {  	v38 =	vld [tilespmem:s22+$0x10];
	v37 =	vmul.f32 v28, v56;
	[tilespmem:s22+$0xFFFFFFA0] =	vst v33  }
0x376: {  	v40 =	vld [tilespmem:s22+$0x20];
	v39 =	vmul.f32 v30, v56;
	[tilespmem:s22+$0xFFFFFFB0] =	vst v35  }
0x377: {  	v42 =	vld [tilespmem:s22+$0x30];
	v41 =	vmul.f32 v32, v56;
	[tilespmem:s22+$0xFFFFFFC0] =	vst v37  }
0x378: {  	v44 =	vld [tilespmem:s22+$0x40];
	v43 =	vmul.f32 v34, v56;
	[tilespmem:s22+$0xFFFFFFD0] =	vst v39  }
0x379: {  	v46 =	vld [tilespmem:s22+$0x50];
	v45 =	vmul.f32 v36, v4;
	[tilespmem:s22+$0xFFFFFFE0] =	vst v41  }
0x37a: {  	v48 =	vld [tilespmem:s22+$0x60];
	v47 =	vmul.f32 v38, v4;
	[tilespmem:s22+$0xFFFFFFF0] =	vst v43  }
0x37b: {  	v50 =	vld [tilespmem:s22+$0x80];
	v49 =	vmul.f32 v40, v4;
	[tilespmem:s22+$0x0] =	vst v45  }
0x37c: {  	v52 =	vld [tilespmem:s22+$0xA0];
	v2 =	vmul.f32 v42, v4;
	[tilespmem:s22+$0x10] =	vst v47  }
0x37d: {  	v51 =	vld [tilespmem:s22+$0x90];
	v5 =	vmul.f32 v44, v4;
	[tilespmem:s22+$0x20] =	vst v49  }
0x37e: {  	v6 =	vmul.f32 v46, v4;
	v54 =	vld [tilespmem:s22+$0xC0];
	[tilespmem:s22+$0x30] =	vst v2  }
0x37f: {  	v3 =	vmul.f32 v48, v4;
	[tilespmem:s22+$0x40] =	vst v5  }
0x380: {  	s0 =	sadd.s32 $0x1, s0;
	v56 =	vmul.f32 v50, v9;
	[tilespmem:s22+$0x50] =	vst v6  }
0x381: {  	p3 =	sne.s32 s0, $0x14;
	[tilespmem:s22+$0x60] =	vst v3;
	v1 =	vmul.f32 v52, v9  }
.Ltmp13:
0x382: {  	[tilespmem:s22+$0x80] =	vst v56;
	v0 =	vmul.f32 v51, v9;
	(pc) =	sbr.rel @p3 .LBB2_3-.Ltmp13, $4  }
0x383: {  	[tilespmem:s22+$0xA0] =	vst v1;
	v60 =	vmul.f32 v54, v9  }
0x384: {  	s8 =	sand.u32 $0x3FFFFF80, s8;
	[tilespmem:s22+$0x90] =	vst v0  }
0x385: {  	s8 =	sadd.s32 $0x14C80, s8;
	[tilespmem:s22+$0xC0] =	vst v60  }
0x386: {  	[spmem:s2] =	stream.indirect.scatter.add.f32 [tilespmem:s9], [sflag:$0x6], $0x80, s8, s20, $0xb8;
	[tilespmem:$0x1F480] =	vst v63  }
0x387: {  	_ =	swait.ge [sflag:s5], $0x4000  }
0x388: {  	[sflag:s5] =	ssyncset.done $0x0  }
0x389: {  	s0 =	simm.s32 $0x0;
	s8 =	rddreg [dreg:$0xc];
	[sflag:s5] =	ssyncadd.s32 $0xFFFFC000  }
0x38a: {  	[tilespmem:s24], [sflag:$0x8] =	stream.linear.gather [hbm4b:s8+s0], $0x1400, $0x38;
	[tilespmem:$0x1F480] =	vst v63  }
0x38b: {  	_ =	swait.ge [sflag:s25], $0x1400  }
0x38c: {  	[sflag:s25] =	ssyncset.done $0x0  }
0x38d: {  	s12 =	simm.s32 $0x14C80;
	s15 =	rddreg [dreg:$0xd];
	[sflag:s25] =	ssyncadd.s32 $0xFFFFEC00  }
0x38e: {  	[tilespmem:s12], [sflag:$0x8] =	stream.linear.gather [hbm4b:s15+s0], $0x1400, $0x38;
	[tilespmem:$0x1F480] =	vst v63  }
0x38f: {  	_ =	swait.ge [sflag:s25], $0x1400  }
0x390: {  	[sflag:s25] =	ssyncset.done $0x0  }
0x391: {  	s16 =	rddreg [dreg:$0xe];
	[sflag:s25] =	ssyncadd.s32 $0xFFFFEC00  }
0x392: {  	[tilespmem:s28], [sflag:$0x8] =	stream.linear.gather [hbm4b:s16+s0], $0x1400, $0x38;
	[tilespmem:$0x1F480] =	vst v63  }
0x393: {  	_ =	swait.ge [sflag:s25], $0x1400  }
0x394: {  	[sflag:s25] =	ssyncset.done $0x0  }
0x395: {  	[sflag:s25] =	ssyncadd.s32 $0xFFFFEC00  }
0x396: {  	[tilespmem:s30], [sflag:$0x1] =	stream.indirect.gather [hbm4b:s1+s29], $0x80, s24, s29, $0xb8;
	[tilespmem:$0x1F480] =	vst v63  }
0x397: {  	s17 =	simm.s32 $0x138C0;
	s22 =	simm.s32 $0x19480  }
0x398: {  	[tilespmem:s22], [sflag:$0x2] =	stream.indirect.gather [hbm4b:s1+s29], $0x80, s17, s29, $0xb8;
	[tilespmem:$0x1F480] =	vst v63  }
.LBB2_9:
0x399: {  	p3 =	seq.s32 s0, $0x0  }
0x39a: {  	s8 =	sshll.u32 s0, $0x1;
	s12 =	simm.s32 @!p3 $0x6  }
0x39b: {  	s8 =	sor.u32 $0x1, s8;
	_ =	swait.ge @!p3 [sflag:s12], $0x4000  }
0x39c: {  	s13 =	sshll.u32 s0, $0x8;
	s8 =	sshll.u32 s8, $0x7;
	[sflag:s12] =	ssyncset.done @!p3 $0x0  }
0x39d: {  	s14 =	sadd.s32 $0x0, s13;
	s16 =	sadd.s32 $0x13880, s8;
	[sflag:s12] =	ssyncadd.s32 @!p3 $0xFFFFC000  }
0x39e: {  	[tilespmem:s9], [sflag:$0x3] =	stream.indirect.gather [hbm4b:s1+s29], $0x80, s16, s29, $0xb8;
	[tilespmem:$0x1F480] =	vst v63  }
0x39f: {  	v0 =	vmov s14;
	s15 =	sadd.s32 $0x2, s14;
	s17 =	sadd.s32 $0x138C0, s8  }
0x3a0: {  	v0 =	vand.u32 $0xFFFFFFFC, v0;
	v1 =	vmov s15;
	[tilespmem:s11], [sflag:$0x4] =	stream.indirect.gather [hbm4b:s1+s29], $0x80, s17, s29, $0xb8;
	[tilespmem:$0x1F480] =	vst v63  }
0x3a1: {  	v0 =	vbroadcast v0, $0x0;
	v1 =	vand.u32 $0xFFFFFFFE, v1;
	_ =	swait.ge [sflag:s18], $0x2000  }
0x3a2: {  	v1 =	vbroadcast v1, $0x0;
	[sflag:s18] =	ssyncset.done $0x0  }
0x3a3: {  	[sflag:s18] =	ssyncadd.s32 $0xFFFFE000  }
0x3a4: {  	_ =	swait.ge [sflag:s19], $0x2000  }
0x3a5: {  	[sflag:s19] =	ssyncset.done $0x0  }
0x3a6: {  	[sflag:s19] =	ssyncadd.s32 $0xFFFFE000  }
0x3a7: {  	v0 =	vld.idx.msk [tilespmem:v0+s28+$0x0], $0xffff  }
0x3a8: {  	s22 =	sadd.s32 $0x1, s14;
	s12 =	simm.s32 $0x17580;
	v1 =	vld.idx.msk [tilespmem:v1+s28+$0x0], $0xffff  }
0x3a9: {  	v2 =	vmov s22;
	v3 =	vld [tilespmem:s12+$0x70]  }
0x3aa: {  	v2 =	vand.u32 $0xFFFFFFFD, v2;
	v4 =	vld [tilespmem:s12+$0xFFFFFF00]  }
0x3ab: {  	v2 =	vbroadcast v2, $0x0;
	v5 =	vld [tilespmem:s12+$0xFFFFFF10]  }
0x3ac: {  	v6 =	vld [tilespmem:s12+$0xFFFFFF20]  }
0x3ad: {  	v7 =	vld [tilespmem:s12+$0xFFFFFF30]  }
0x3ae: {  	v8 =	vld [tilespmem:s12+$0xFFFFFF40]  }
0x3af: {  	v9 =	vld [tilespmem:s12+$0xFFFFFF50]  }
0x3b0: {  	v10 =	vld [tilespmem:s12+$0xFFFFFF60];
	v4 =	vmul.f32 v4, v0  }
0x3b1: {  	v11 =	vld.idx.msk [tilespmem:v2+s28+$0x0], $0xffff;
	v2 =	vmul.f32 v3, v1  }
0x3b2: {  	v3 =	vmul.f32 v5, v0;
	v5 =	vld [tilespmem:s12+$0xFFFFFF80];
	[tilespmem:s12+$0xFFFFFF00] =	vst v4  }
0x3b3: {  	s14 =	sadd.s32 $0x3, s14;
	v4 =	vld [tilespmem:s12+$0xFFFFFF70];
	[tilespmem:s12+$0x70] =	vst v2;
	v2 =	vmul.f32 v6, v0  }
0x3b4: {  	[tilespmem:s12+$0xFFFFFF10] =	vst v3;
	v3 =	vmul.f32 v7, v0;
	v6 =	vld [tilespmem:s12+$0xFFFFFF90];
	v7 =	vmov s14  }
0x3b5: {  	[tilespmem:s12+$0xFFFFFF20] =	vst v2;
	v2 =	vmul.f32 v8, v0;
	v8 =	vld [tilespmem:s12+$0xFFFFFFA0]  }
0x3b6: {  	[tilespmem:s12+$0xFFFFFF30] =	vst v3;
	v3 =	vmul.f32 v9, v0;
	v9 =	vld [tilespmem:s12+$0xFFFFFFB0]  }
0x3b7: {  	[tilespmem:s12+$0xFFFFFF40] =	vst v2;
	v2 =	vmul.f32 v10, v0;
	v10 =	vld [tilespmem:s12+$0xFFFFFFC0]  }
0x3b8: {  	[tilespmem:s12+$0xFFFFFF50] =	vst v3;
	v3 =	vmul.f32 v5, v11;
	v5 =	vld [tilespmem:s12+$0xFFFFFFD0]  }
0x3b9: {  	v4 =	vmul.f32 v4, v0;
	v0 =	vld.idx.msk [tilespmem:v7+s28+$0x0], $0xffff;
	[tilespmem:s12+$0xFFFFFF60] =	vst v2  }
0x3ba: {  	v6 =	vmul.f32 v6, v11;
	v2 =	vld [tilespmem:s12+$0xFFFFFFE0];
	[tilespmem:s12+$0xFFFFFF80] =	vst v3  }
0x3bb: {  	[tilespmem:s12+$0xFFFFFF70] =	vst v4;
	v3 =	vmul.f32 v8, v11;
	v4 =	vld [tilespmem:s12+$0xFFFFFFF0]  }
0x3bc: {  	v7 =	vld [tilespmem:s12+$0x0];
	[tilespmem:s12+$0xFFFFFF90] =	vst v6;
	v6 =	vmul.f32 v9, v11  }
0x3bd: {  	v9 =	vld [tilespmem:s12+$0x10];
	[tilespmem:s12+$0xFFFFFFA0] =	vst v3;
	v3 =	vmul.f32 v10, v11  }
0x3be: {  	[tilespmem:s12+$0xFFFFFFB0] =	vst v6;
	v5 =	vmul.f32 v5, v11;
	v6 =	vld [tilespmem:s12+$0x20]  }
0x3bf: {  	[tilespmem:s12+$0xFFFFFFC0] =	vst v3;
	v8 =	vmul.f32 v2, v11;
	v2 =	vld [tilespmem:s12+$0x30]  }
0x3c0: {  	[tilespmem:s12+$0xFFFFFFD0] =	vst v5;
	v3 =	vld [tilespmem:s12+$0x40];
	v5 =	vmul.f32 v4, v11  }
0x3c1: {  	v4 =	vld [tilespmem:s12+$0x50];
	[tilespmem:s12+$0xFFFFFFE0] =	vst v8;
	v8 =	vmul.f32 v7, v1  }
0x3c2: {  	s15 =	simm.s32 $0x8;
	s16 =	sadd.s32 $0x4, s13;
	s14 =	simm.s32 $0x17580;
	v7 =	vmul.f32 v9, v1;
	[tilespmem:s12+$0xFFFFFFF0] =	vst v5;
	v5 =	vld [tilespmem:s12+$0x60]  }
.LBB2_10:
0x3c3: {  	p3 =	slt.u32 s15, $0x7C;
	v9 =	vmov s16;
	s17 =	sadd.s32 $0x1, s16;
	s22 =	sadd.s32 $0x2, s16;
	[tilespmem:s12+$0x0] =	vst v8;
	v6 =	vmul.f32 v6, v1;
	v8 =	vld [tilespmem:s12+$0x80]  }
0x3c4: {  	s16 =	sadd.s32 $0x3, s16;
	v9 =	vand.u32 $0xFFFFFFFC, v9;
	v10 =	vmov s17;
	v11 =	vmov s22;
	[tilespmem:s12+$0x10] =	vst v7;
	v7 =	vld [tilespmem:s12+$0x90]  }
0x3c5: {  	v9 =	vbroadcast v9, $0x0;
	v10 =	vand.u32 $0xFFFFFFFD, v10;
	v11 =	vand.u32 $0xFFFFFFFE, v11;
	[tilespmem:s12+$0x20] =	vst v6;
	v6 =	vld [tilespmem:s12+$0xA0]  }
0x3c6: {  	v12 =	vmov s16;
	v10 =	vbroadcast v10, $0x0;
	v11 =	vbroadcast v11, $0x0;
	v13 =	vld [tilespmem:s12+$0xB0]  }
0x3c7: {  	v2 =	vmul.f32 v2, v1;
	v3 =	vmul.f32 v3, v1;
	v14 =	vld [tilespmem:s12+$0xC0]  }
0x3c8: {  	v4 =	vmul.f32 v4, v1;
	v5 =	vmul.f32 v5, v1;
	v15 =	vld [tilespmem:s12+$0xD0]  }
0x3c9: {  	[tilespmem:s12+$0x30] =	vst v2;
	v2 =	vmul.f32 v8, v0;
	v7 =	vmul.f32 v7, v0;
	v8 =	vld [tilespmem:s12+$0xE0]  }
0x3ca: {  	[tilespmem:s12+$0x40] =	vst v3;
	v3 =	vmul.f32 v6, v0;
	v6 =	vld [tilespmem:s12+$0xF0]  }
0x3cb: {  	v9 =	vld.idx.msk [tilespmem:v9+s28+$0x0], $0xffff;
	[tilespmem:s12+$0x50] =	vst v4;
	v4 =	vmul.f32 v13, v0  }
0x3cc: {  	s12 =	sadd.s32 $0x200, s12;
	v1 =	vld.idx.msk [tilespmem:v11+s28+$0x0], $0xffff;
	[tilespmem:s14+$0x60] =	vst v5;
	v5 =	vmul.f32 v14, v0  }
0x3cd: {  	v11 =	vld [tilespmem:s12+$0x70];
	[tilespmem:s14+$0x80] =	vst v2;
	v2 =	vmul.f32 v15, v0  }
0x3ce: {  	v10 =	vld.idx.msk [tilespmem:v10+s28+$0x0], $0xffff;
	[tilespmem:s14+$0x90] =	vst v7;
	v7 =	vmul.f32 v8, v0  }
0x3cf: {  	[tilespmem:s14+$0xA0] =	vst v3;
	v3 =	vmul.f32 v6, v0;
	v0 =	vld.idx.msk [tilespmem:v12+s28+$0x0], $0xffff  }
0x3d0: {  	v6 =	vld [tilespmem:s12+$0xFFFFFF00];
	[tilespmem:s14+$0xB0] =	vst v4  }
0x3d1: {  	v4 =	vld [tilespmem:s12+$0xFFFFFF10];
	[tilespmem:s14+$0xC0] =	vst v5  }
0x3d2: {  	v5 =	vld [tilespmem:s12+$0xFFFFFF20];
	v8 =	vmul.f32 v11, v1;
	[tilespmem:s14+$0xD0] =	vst v2  }
0x3d3: {  	v2 =	vld [tilespmem:s12+$0xFFFFFF30];
	[tilespmem:s14+$0xE0] =	vst v7  }
0x3d4: {  	v7 =	vld [tilespmem:s12+$0xFFFFFF40];
	[tilespmem:s12+$0x70] =	vst v8  }
0x3d5: {  	v6 =	vmul.f32 v6, v9;
	v8 =	vld [tilespmem:s12+$0xFFFFFF50];
	[tilespmem:s14+$0xF0] =	vst v3;
	s14 =	smov.u32 s12  }
0x3d6: {  	v3 =	vmul.f32 v4, v9;
	v4 =	vld [tilespmem:s12+$0xFFFFFF60]  }
0x3d7: {  	[tilespmem:s12+$0xFFFFFF00] =	vst v6;
	v5 =	vmul.f32 v5, v9;
	v6 =	vld [tilespmem:s12+$0xFFFFFF70]  }
0x3d8: {  	[tilespmem:s12+$0xFFFFFF10] =	vst v3;
	v2 =	vmul.f32 v2, v9;
	v3 =	vld [tilespmem:s12+$0xFFFFFF80]  }
0x3d9: {  	[tilespmem:s12+$0xFFFFFF20] =	vst v5;
	v5 =	vmul.f32 v7, v9;
	v7 =	vld [tilespmem:s12+$0xFFFFFF90]  }
0x3da: {  	[tilespmem:s12+$0xFFFFFF30] =	vst v2;
	v2 =	vmul.f32 v8, v9;
	v8 =	vld [tilespmem:s12+$0xFFFFFFA0]  }
0x3db: {  	[tilespmem:s12+$0xFFFFFF40] =	vst v5;
	v4 =	vmul.f32 v4, v9;
	v5 =	vld [tilespmem:s12+$0xFFFFFFB0]  }
0x3dc: {  	[tilespmem:s12+$0xFFFFFF50] =	vst v2;
	v2 =	vmul.f32 v6, v9;
	v6 =	vld [tilespmem:s12+$0xFFFFFFC0]  }
0x3dd: {  	[tilespmem:s12+$0xFFFFFF60] =	vst v4;
	v3 =	vmul.f32 v3, v10;
	v4 =	vld [tilespmem:s12+$0xFFFFFFD0]  }
0x3de: {  	[tilespmem:s12+$0xFFFFFF70] =	vst v2;
	v2 =	vmul.f32 v7, v10;
	v7 =	vld [tilespmem:s12+$0xFFFFFFE0]  }
0x3df: {  	[tilespmem:s12+$0xFFFFFF80] =	vst v3;
	v3 =	vmul.f32 v8, v10;
	v8 =	vld [tilespmem:s12+$0xFFFFFFF0]  }
0x3e0: {  	[tilespmem:s12+$0xFFFFFF90] =	vst v2;
	v2 =	vmul.f32 v5, v10;
	v5 =	vld [tilespmem:s12+$0x0]  }
0x3e1: {  	[tilespmem:s12+$0xFFFFFFA0] =	vst v3;
	v3 =	vmul.f32 v6, v10;
	v9 =	vld [tilespmem:s12+$0x10]  }
.Ltmp14:
0x3e2: {  	[tilespmem:s12+$0xFFFFFFB0] =	vst v2;
	v4 =	vmul.f32 v4, v10;
	v6 =	vld [tilespmem:s12+$0x20];
	(pc) =	sbr.rel @p3 .LBB2_10-.Ltmp14, $4  }
0x3e3: {  	[tilespmem:s12+$0xFFFFFFC0] =	vst v3;
	v7 =	vmul.f32 v7, v10;
	v2 =	vld [tilespmem:s12+$0x30]  }
0x3e4: {  	[tilespmem:s12+$0xFFFFFFD0] =	vst v4;
	v10 =	vmul.f32 v8, v10;
	v3 =	vld [tilespmem:s12+$0x40]  }
0x3e5: {  	[tilespmem:s12+$0xFFFFFFE0] =	vst v7;
	v8 =	vmul.f32 v5, v1;
	v4 =	vld [tilespmem:s12+$0x50]  }
0x3e6: {  	s16 =	sadd.s32 s13, s15;
	s15 =	sadd.s32 $0x4, s15;
	[tilespmem:s12+$0xFFFFFFF0] =	vst v10;
	v7 =	vmul.f32 v9, v1;
	v5 =	vld [tilespmem:s12+$0x60]  }
0x3e7: {  	v10 =	vld [tilespmem:s12+$0x80]  }
0x3e8: {  	v9 =	vmov s16;
	v12 =	vld [tilespmem:s12+$0x90]  }
0x3e9: {  	s13 =	sadd.s32 $0x2, s16;
	s15 =	sadd.s32 $0x1, s16;
	v13 =	vld [tilespmem:s12+$0xA0];
	[tilespmem:s12+$0x0] =	vst v8;
	v6 =	vmul.f32 v6, v1;
	v9 =	vand.u32 $0xFFFFFFFC, v9  }
0x3ea: {  	v15 =	vld [tilespmem:s12+$0xB0];
	v11 =	vmov s13;
	v14 =	vmov s15;
	[tilespmem:s12+$0x10] =	vst v7;
	v2 =	vmul.f32 v2, v1  }
0x3eb: {  	v63 =	vld [tilespmem:s12+$0xC0];
	v9 =	vbroadcast v9, $0x0;
	v11 =	vand.u32 $0xFFFFFFFE, v11;
	[tilespmem:s12+$0x20] =	vst v6;
	v3 =	vmul.f32 v3, v1  }
0x3ec: {  	v8 =	vand.u32 $0xFFFFFFFD, v14;
	v6 =	vld [tilespmem:s12+$0xE0];
	v11 =	vbroadcast v11, $0x0;
	v4 =	vmul.f32 v4, v1;
	[tilespmem:s12+$0x30] =	vst v2  }
0x3ed: {  	v7 =	vbroadcast v8, $0x0;
	v8 =	vld [tilespmem:s12+$0xD0];
	v1 =	vmul.f32 v5, v1;
	[tilespmem:s12+$0x40] =	vst v3  }
0x3ee: {  	s22 =	sadd.s32 $0x200, s12;
	v2 =	vld [tilespmem:s12+$0xF0];
	v5 =	vmul.f32 v10, v0;
	[tilespmem:s12+$0x50] =	vst v4;
	v10 =	vmul.f32 v13, v0  }
0x3ef: {  	[tilespmem:s14+$0x60] =	vst v1;
	v1 =	vld [tilespmem:s22+$0x70]  }
0x3f0: {  	[tilespmem:s14+$0xA0] =	vst v10;
	v10 =	vld [tilespmem:s22+$0xFFFFFF00]  }
0x3f1: {  	v3 =	vld.idx.msk [tilespmem:v9+s28+$0x0], $0xffff  }
0x3f2: {  	v6 =	vmul.f32 v6, v0;
	v9 =	vmul.f32 v12, v0;
	v4 =	vld.idx.msk [tilespmem:v11+s28+$0x0], $0xffff  }
0x3f3: {  	s17 =	sadd.s32 $0x3, s16;
	[tilespmem:s14+$0x80] =	vst v5;
	v8 =	vmul.f32 v8, v0;
	v5 =	vld.idx.msk [tilespmem:v7+s28+$0x0], $0xffff;
	v7 =	vmul.f32 v15, v0  }
0x3f4: {  	v16 =	vmov s17;
	v11 =	vmul.f32 v63, v0;
	v0 =	vmul.f32 v2, v0;
	[tilespmem:s14+$0xE0] =	vst v6;
	v2 =	vld [tilespmem:s22+$0xFFFFFF40]  }
0x3f5: {  	[tilespmem:s14+$0xB0] =	vst v7;
	v7 =	vld [tilespmem:s22+$0xFFFFFF10]  }
0x3f6: {  	[tilespmem:s14+$0xC0] =	vst v11;
	v11 =	vld [tilespmem:s22+$0xFFFFFF20]  }
0x3f7: {  	[tilespmem:s14+$0xD0] =	vst v8;
	v8 =	vld [tilespmem:s22+$0xFFFFFF30];
	v1 =	vmul.f32 v1, v4  }
0x3f8: {  	v6 =	vld [tilespmem:s22+$0xFFFFFF50];
	[tilespmem:s14+$0x90] =	vst v9  }
0x3f9: {  	v9 =	vld.idx.msk [tilespmem:v16+s28+$0x0], $0xffff;
	[tilespmem:s22+$0x70] =	vst v1;
	v1 =	vmul.f32 v10, v3  }
0x3fa: {  	[tilespmem:s14+$0xF0] =	vst v0;
	v0 =	vmul.f32 v7, v3;
	v7 =	vld [tilespmem:s22+$0xFFFFFF60]  }
0x3fb: {  	v10 =	vld [tilespmem:s22+$0xFFFFFF70];
	[tilespmem:s22+$0xFFFFFF00] =	vst v1;
	v1 =	vmul.f32 v11, v3  }
0x3fc: {  	[tilespmem:s22+$0xFFFFFF10] =	vst v0;
	v0 =	vmul.f32 v8, v3;
	v8 =	vld [tilespmem:s22+$0xFFFFFF80]  }
0x3fd: {  	[tilespmem:s22+$0xFFFFFF20] =	vst v1;
	v1 =	vmul.f32 v2, v3;
	v2 =	vld [tilespmem:s22+$0xFFFFFF90]  }
0x3fe: {  	[tilespmem:s22+$0xFFFFFF30] =	vst v0;
	v0 =	vmul.f32 v6, v3;
	v6 =	vld [tilespmem:s22+$0xFFFFFFA0]  }
0x3ff: {  	[tilespmem:s22+$0xFFFFFF40] =	vst v1;
	v1 =	vmul.f32 v7, v3;
	v7 =	vld [tilespmem:s22+$0xFFFFFFB0]  }
0x400: {  	[tilespmem:s22+$0xFFFFFF50] =	vst v0;
	v0 =	vmul.f32 v10, v3;
	v3 =	vld [tilespmem:s22+$0xFFFFFFC0]  }
0x401: {  	[tilespmem:s22+$0xFFFFFF60] =	vst v1;
	v1 =	vmul.f32 v8, v5;
	v8 =	vld [tilespmem:s22+$0xFFFFFFD0]  }
0x402: {  	[tilespmem:s22+$0xFFFFFF70] =	vst v0;
	v0 =	vmul.f32 v2, v5;
	v2 =	vld [tilespmem:s22+$0xFFFFFFE0]  }
0x403: {  	[tilespmem:s22+$0xFFFFFF80] =	vst v1;
	v1 =	vmul.f32 v6, v5;
	v6 =	vld [tilespmem:s22+$0xFFFFFFF0]  }
0x404: {  	[tilespmem:s22+$0xFFFFFF90] =	vst v0;
	v0 =	vmul.f32 v7, v5;
	v7 =	vld [tilespmem:s22+$0x0]  }
0x405: {  	[tilespmem:s22+$0xFFFFFFA0] =	vst v1;
	v1 =	vmul.f32 v3, v5;
	v3 =	vld [tilespmem:s22+$0x10]  }
0x406: {  	[tilespmem:s22+$0xFFFFFFB0] =	vst v0;
	v0 =	vmul.f32 v8, v5;
	v8 =	vld [tilespmem:s22+$0x20]  }
0x407: {  	[tilespmem:s22+$0xFFFFFFC0] =	vst v1;
	v1 =	vmul.f32 v2, v5;
	v2 =	vld [tilespmem:s22+$0x30]  }
0x408: {  	[tilespmem:s22+$0xFFFFFFD0] =	vst v0;
	v0 =	vmul.f32 v6, v5;
	v5 =	vld [tilespmem:s22+$0x40]  }
0x409: {  	v6 =	vld [tilespmem:s22+$0x50];
	[tilespmem:s22+$0xFFFFFFE0] =	vst v1;
	v1 =	vmul.f32 v7, v4  }
0x40a: {  	[tilespmem:s22+$0xFFFFFFF0] =	vst v0;
	v0 =	vmul.f32 v3, v4;
	v3 =	vld [tilespmem:s22+$0x60]  }
0x40b: {  	v7 =	vld [tilespmem:s22+$0x80];
	[tilespmem:s22+$0x0] =	vst v1;
	v1 =	vmul.f32 v8, v4  }
0x40c: {  	[tilespmem:s22+$0x10] =	vst v0;
	v0 =	vld [tilespmem:s22+$0x90];
	v2 =	vmul.f32 v2, v4  }
0x40d: {  	v8 =	vld [tilespmem:s22+$0xB0];
	[tilespmem:s22+$0x20] =	vst v1;
	v5 =	vmul.f32 v5, v4  }
0x40e: {  	v1 =	vld [tilespmem:s22+$0xA0];
	v6 =	vmul.f32 v6, v4;
	[tilespmem:s22+$0x30] =	vst v2  }
0x40f: {  	v2 =	vld [tilespmem:s22+$0xC0];
	v3 =	vmul.f32 v3, v4;
	[tilespmem:s22+$0x40] =	vst v5  }
0x410: {  	v4 =	vld [tilespmem:s22+$0xD0];
	v5 =	vmul.f32 v7, v9;
	[tilespmem:s22+$0x50] =	vst v6  }
0x411: {  	v6 =	vld [tilespmem:s22+$0xE0];
	v0 =	vmul.f32 v0, v9;
	[tilespmem:s22+$0x60] =	vst v3  }
0x412: {  	v3 =	vld [tilespmem:s22+$0xF0];
	[tilespmem:s22+$0x80] =	vst v5;
	v5 =	vmul.f32 v8, v9  }
0x413: {  	v1 =	vmul.f32 v1, v9;
	[tilespmem:s22+$0x90] =	vst v0  }
0x414: {  	v0 =	vmul.f32 v2, v9;
	[tilespmem:s22+$0xB0] =	vst v5  }
0x415: {  	[tilespmem:s22+$0xA0] =	vst v1;
	v1 =	vmul.f32 v4, v9  }
0x416: {  	v2 =	vmul.f32 v6, v9;
	[tilespmem:s22+$0xC0] =	vst v0  }
0x417: {  	s13 =	sshll.u32 s0, $0xA;
	v0 =	vmul.f32 v3, v9;
	[tilespmem:s22+$0xD0] =	vst v1  }
0x418: {  	s15 =	sshrl.u32 s13, $0x2;
	[tilespmem:s22+$0xE0] =	vst v2  }
0x419: {  	s16 =	sadd.s32 $0x14C80, s15;
	[tilespmem:s22+$0xF0] =	vst v0  }
0x41a: {  	[spmem:s2] =	stream.indirect.scatter.add.f32 [tilespmem:s30], [sflag:$0x5], $0x80, s16, s20, $0xb8;
	[tilespmem:$0x1F480] =	vst v63  }
0x41b: {  	p3 =	seq.s32 s0, $0x13;
	_ =	swait.ge [sflag:s21], $0x4000  }
0x41c: {  	s15 =	simm.s32 @!p3 $0x17480;
	s12 =	sshrl.u32 @!p3 s13, $0x2;
	[sflag:s21] =	ssyncset.done $0x0  }
0x41d: {  	s13 =	sadd.s32 @!p3 $0x13980, s12;
	s14 =	simm.s32 @!p3 $0x40;
	[sflag:s21] =	ssyncadd.s32 $0xFFFFC000  }
0x41e: {  	[tilespmem:s15], [sflag:$0x1] =	stream.indirect.gather @!p3 [hbm4b:s1+s14], $0x80, s13, s14, $0xb8;
	[tilespmem:$0x1F480] =	vst v63  }
0x41f: {  	s13 =	sadd.s32 $0x0, s8  }
0x420: {  	s12 =	sadd.s32 @!p3 $0x139C0, s12;
	s15 =	simm.s32 @!p3 $0x19480;
	v0 =	vmov s13  }
0x421: {  	[tilespmem:s15], [sflag:$0x2] =	stream.indirect.gather @!p3 [hbm4b:s1+s14], $0x80, s12, s14, $0xb8;
	v0 =	vand.u32 $0xFFFFFFFC, v0;
	[tilespmem:$0x1F480] =	vst v63  }
0x422: {  	_ =	swait.ge [sflag:s6], $0x2000;
	v0 =	vbroadcast v0, $0x0  }
0x423: {  	[sflag:s6] =	ssyncset.done $0x0  }
0x424: {  	s17 =	sadd.s32 $0x2, s13;
	[sflag:s6] =	ssyncadd.s32 $0xFFFFE000  }
0x425: {  	v1 =	vmov s17;
	_ =	swait.ge [sflag:s7], $0x2000  }
0x426: {  	v1 =	vand.u32 $0xFFFFFFFE, v1;
	[sflag:s7] =	ssyncset.done $0x0  }
0x427: {  	v1 =	vbroadcast v1, $0x0;
	[sflag:s7] =	ssyncadd.s32 $0xFFFFE000  }
0x428: {  	s12 =	simm.s32 $0x1B580;
	v0 =	vld.idx.msk [tilespmem:v0+s28+$0x0], $0xffff  }
0x429: {  	s22 =	sadd.s32 $0x1, s13;
	v3 =	vld [tilespmem:s12+$0x70]  }
0x42a: {  	v2 =	vmov s22;
	v4 =	vld [tilespmem:s12+$0xFFFFFF00]  }
0x42b: {  	v2 =	vand.u32 $0xFFFFFFFD, v2;
	v5 =	vld [tilespmem:s12+$0xFFFFFF10]  }
0x42c: {  	v2 =	vbroadcast v2, $0x0;
	v6 =	vld [tilespmem:s12+$0xFFFFFF20]  }
0x42d: {  	v1 =	vld.idx.msk [tilespmem:v1+s28+$0x0], $0xffff  }
0x42e: {  	v7 =	vld [tilespmem:s12+$0xFFFFFF30]  }
0x42f: {  	v8 =	vld [tilespmem:s12+$0xFFFFFF40]  }
0x430: {  	v9 =	vld [tilespmem:s12+$0xFFFFFF50]  }
0x431: {  	v10 =	vld [tilespmem:s12+$0xFFFFFF60];
	v4 =	vmul.f32 v4, v0  }
0x432: {  	v11 =	vld.idx.msk [tilespmem:v2+s28+$0x0], $0xffff;
	v2 =	vmul.f32 v3, v1  }
0x433: {  	v3 =	vmul.f32 v5, v0;
	v5 =	vld [tilespmem:s12+$0xFFFFFF80];
	[tilespmem:s12+$0xFFFFFF00] =	vst v4  }
0x434: {  	s13 =	sadd.s32 $0x3, s13;
	v4 =	vld [tilespmem:s12+$0xFFFFFF70];
	[tilespmem:s12+$0x70] =	vst v2;
	v2 =	vmul.f32 v6, v0  }
0x435: {  	[tilespmem:s12+$0xFFFFFF10] =	vst v3;
	v3 =	vmul.f32 v7, v0;
	v6 =	vld [tilespmem:s12+$0xFFFFFF90];
	v7 =	vmov s13  }
0x436: {  	[tilespmem:s12+$0xFFFFFF20] =	vst v2;
	v2 =	vmul.f32 v8, v0;
	v8 =	vld [tilespmem:s12+$0xFFFFFFA0]  }
0x437: {  	[tilespmem:s12+$0xFFFFFF30] =	vst v3;
	v3 =	vmul.f32 v9, v0;
	v9 =	vld [tilespmem:s12+$0xFFFFFFB0]  }
0x438: {  	[tilespmem:s12+$0xFFFFFF40] =	vst v2;
	v2 =	vmul.f32 v10, v0;
	v10 =	vld [tilespmem:s12+$0xFFFFFFC0]  }
0x439: {  	[tilespmem:s12+$0xFFFFFF50] =	vst v3;
	v3 =	vmul.f32 v5, v11;
	v5 =	vld [tilespmem:s12+$0xFFFFFFD0]  }
0x43a: {  	v4 =	vmul.f32 v4, v0;
	v0 =	vld.idx.msk [tilespmem:v7+s28+$0x0], $0xffff;
	[tilespmem:s12+$0xFFFFFF60] =	vst v2  }
0x43b: {  	v6 =	vmul.f32 v6, v11;
	v2 =	vld [tilespmem:s12+$0xFFFFFFE0];
	[tilespmem:s12+$0xFFFFFF80] =	vst v3  }
0x43c: {  	[tilespmem:s12+$0xFFFFFF70] =	vst v4;
	v4 =	vld [tilespmem:s12+$0xFFFFFFF0];
	v3 =	vmul.f32 v8, v11  }
0x43d: {  	v7 =	vld [tilespmem:s12+$0x0];
	[tilespmem:s12+$0xFFFFFF90] =	vst v6;
	v6 =	vmul.f32 v9, v11  }
0x43e: {  	v9 =	vld [tilespmem:s12+$0x10];
	[tilespmem:s12+$0xFFFFFFA0] =	vst v3;
	v3 =	vmul.f32 v10, v11  }
0x43f: {  	[tilespmem:s12+$0xFFFFFFB0] =	vst v6;
	v5 =	vmul.f32 v5, v11;
	v6 =	vld [tilespmem:s12+$0x20]  }
0x440: {  	[tilespmem:s12+$0xFFFFFFC0] =	vst v3;
	v8 =	vmul.f32 v2, v11;
	v2 =	vld [tilespmem:s12+$0x30]  }
0x441: {  	[tilespmem:s12+$0xFFFFFFD0] =	vst v5;
	v5 =	vmul.f32 v4, v11;
	v3 =	vld [tilespmem:s12+$0x40]  }
0x442: {  	v4 =	vld [tilespmem:s12+$0x50];
	[tilespmem:s12+$0xFFFFFFE0] =	vst v8;
	v8 =	vmul.f32 v7, v1  }
0x443: {  	s15 =	sadd.s32 $0x4, s8;
	s14 =	simm.s32 $0x8;
	s13 =	simm.s32 $0x1B580;
	[tilespmem:s12+$0xFFFFFFF0] =	vst v5;
	v7 =	vmul.f32 v9, v1;
	v5 =	vld [tilespmem:s12+$0x60]  }
.LBB2_12:
0x444: {  	p3 =	slt.u32 s14, $0x7C;
	v9 =	vmov s15;
	s16 =	sadd.s32 $0x1, s15;
	s17 =	sadd.s32 $0x2, s15;
	[tilespmem:s12+$0x0] =	vst v8;
	v6 =	vmul.f32 v6, v1;
	v8 =	vld [tilespmem:s12+$0x80]  }
0x445: {  	s15 =	sadd.s32 $0x3, s15;
	v9 =	vand.u32 $0xFFFFFFFC, v9;
	v10 =	vmov s16;
	v11 =	vmov s17;
	[tilespmem:s12+$0x10] =	vst v7;
	v7 =	vld [tilespmem:s12+$0x90]  }
0x446: {  	v9 =	vbroadcast v9, $0x0;
	v10 =	vand.u32 $0xFFFFFFFD, v10;
	v11 =	vand.u32 $0xFFFFFFFE, v11;
	[tilespmem:s12+$0x20] =	vst v6;
	v6 =	vld [tilespmem:s12+$0xA0]  }
0x447: {  	v12 =	vmov s15;
	v10 =	vbroadcast v10, $0x0;
	v11 =	vbroadcast v11, $0x0;
	v13 =	vld [tilespmem:s12+$0xB0]  }
0x448: {  	v2 =	vmul.f32 v2, v1;
	v3 =	vmul.f32 v3, v1;
	v14 =	vld [tilespmem:s12+$0xC0]  }
0x449: {  	v4 =	vmul.f32 v4, v1;
	v5 =	vmul.f32 v5, v1;
	v15 =	vld [tilespmem:s12+$0xD0]  }
0x44a: {  	[tilespmem:s12+$0x30] =	vst v2;
	v2 =	vmul.f32 v8, v0;
	v7 =	vmul.f32 v7, v0;
	v8 =	vld [tilespmem:s12+$0xE0]  }
0x44b: {  	[tilespmem:s12+$0x40] =	vst v3;
	v3 =	vmul.f32 v6, v0;
	v6 =	vld [tilespmem:s12+$0xF0]  }
0x44c: {  	v9 =	vld.idx.msk [tilespmem:v9+s28+$0x0], $0xffff;
	[tilespmem:s12+$0x50] =	vst v4;
	v4 =	vmul.f32 v13, v0  }
0x44d: {  	s12 =	sadd.s32 $0x200, s12;
	v1 =	vld.idx.msk [tilespmem:v11+s28+$0x0], $0xffff;
	[tilespmem:s13+$0x60] =	vst v5;
	v5 =	vmul.f32 v14, v0  }
0x44e: {  	v11 =	vld [tilespmem:s12+$0x70];
	[tilespmem:s13+$0x80] =	vst v2;
	v2 =	vmul.f32 v15, v0  }
0x44f: {  	v10 =	vld.idx.msk [tilespmem:v10+s28+$0x0], $0xffff;
	[tilespmem:s13+$0x90] =	vst v7;
	v7 =	vmul.f32 v8, v0  }
0x450: {  	[tilespmem:s13+$0xA0] =	vst v3;
	v3 =	vmul.f32 v6, v0;
	v0 =	vld.idx.msk [tilespmem:v12+s28+$0x0], $0xffff  }
0x451: {  	v6 =	vld [tilespmem:s12+$0xFFFFFF00];
	[tilespmem:s13+$0xB0] =	vst v4  }
0x452: {  	v4 =	vld [tilespmem:s12+$0xFFFFFF10];
	[tilespmem:s13+$0xC0] =	vst v5  }
0x453: {  	v5 =	vld [tilespmem:s12+$0xFFFFFF20];
	v8 =	vmul.f32 v11, v1;
	[tilespmem:s13+$0xD0] =	vst v2  }
0x454: {  	v2 =	vld [tilespmem:s12+$0xFFFFFF30];
	[tilespmem:s13+$0xE0] =	vst v7  }
0x455: {  	v7 =	vld [tilespmem:s12+$0xFFFFFF40];
	[tilespmem:s12+$0x70] =	vst v8  }
0x456: {  	v6 =	vmul.f32 v6, v9;
	v8 =	vld [tilespmem:s12+$0xFFFFFF50];
	[tilespmem:s13+$0xF0] =	vst v3;
	s13 =	smov.u32 s12  }
0x457: {  	v3 =	vmul.f32 v4, v9;
	v4 =	vld [tilespmem:s12+$0xFFFFFF60]  }
0x458: {  	[tilespmem:s12+$0xFFFFFF00] =	vst v6;
	v5 =	vmul.f32 v5, v9;
	v6 =	vld [tilespmem:s12+$0xFFFFFF70]  }
0x459: {  	[tilespmem:s12+$0xFFFFFF10] =	vst v3;
	v2 =	vmul.f32 v2, v9;
	v3 =	vld [tilespmem:s12+$0xFFFFFF80]  }
0x45a: {  	[tilespmem:s12+$0xFFFFFF20] =	vst v5;
	v5 =	vmul.f32 v7, v9;
	v7 =	vld [tilespmem:s12+$0xFFFFFF90]  }
0x45b: {  	[tilespmem:s12+$0xFFFFFF30] =	vst v2;
	v2 =	vmul.f32 v8, v9;
	v8 =	vld [tilespmem:s12+$0xFFFFFFA0]  }
0x45c: {  	[tilespmem:s12+$0xFFFFFF40] =	vst v5;
	v4 =	vmul.f32 v4, v9;
	v5 =	vld [tilespmem:s12+$0xFFFFFFB0]  }
0x45d: {  	[tilespmem:s12+$0xFFFFFF50] =	vst v2;
	v2 =	vmul.f32 v6, v9;
	v6 =	vld [tilespmem:s12+$0xFFFFFFC0]  }
0x45e: {  	[tilespmem:s12+$0xFFFFFF60] =	vst v4;
	v3 =	vmul.f32 v3, v10;
	v4 =	vld [tilespmem:s12+$0xFFFFFFD0]  }
0x45f: {  	[tilespmem:s12+$0xFFFFFF70] =	vst v2;
	v2 =	vmul.f32 v7, v10;
	v7 =	vld [tilespmem:s12+$0xFFFFFFE0]  }
0x460: {  	[tilespmem:s12+$0xFFFFFF80] =	vst v3;
	v3 =	vmul.f32 v8, v10;
	v8 =	vld [tilespmem:s12+$0xFFFFFFF0]  }
0x461: {  	[tilespmem:s12+$0xFFFFFF90] =	vst v2;
	v2 =	vmul.f32 v5, v10;
	v5 =	vld [tilespmem:s12+$0x0]  }
0x462: {  	[tilespmem:s12+$0xFFFFFFA0] =	vst v3;
	v3 =	vmul.f32 v6, v10;
	v9 =	vld [tilespmem:s12+$0x10]  }
.Ltmp15:
0x463: {  	[tilespmem:s12+$0xFFFFFFB0] =	vst v2;
	v4 =	vmul.f32 v4, v10;
	v6 =	vld [tilespmem:s12+$0x20];
	(pc) =	sbr.rel @p3 .LBB2_12-.Ltmp15, $4  }
0x464: {  	[tilespmem:s12+$0xFFFFFFC0] =	vst v3;
	v7 =	vmul.f32 v7, v10;
	v2 =	vld [tilespmem:s12+$0x30]  }
0x465: {  	[tilespmem:s12+$0xFFFFFFD0] =	vst v4;
	v10 =	vmul.f32 v8, v10;
	v3 =	vld [tilespmem:s12+$0x40]  }
0x466: {  	[tilespmem:s12+$0xFFFFFFE0] =	vst v7;
	v8 =	vmul.f32 v5, v1;
	v4 =	vld [tilespmem:s12+$0x50]  }
0x467: {  	s15 =	sadd.s32 s8, s14;
	s14 =	sadd.s32 $0x4, s14;
	[tilespmem:s12+$0xFFFFFFF0] =	vst v10;
	v7 =	vmul.f32 v9, v1;
	v5 =	vld [tilespmem:s12+$0x60]  }
0x468: {  	v10 =	vld [tilespmem:s12+$0x80]  }
0x469: {  	v12 =	vld [tilespmem:s12+$0x90]  }
0x46a: {  	v13 =	vld [tilespmem:s12+$0xA0]  }
0x46b: {  	v15 =	vld [tilespmem:s12+$0xB0]  }
0x46c: {  	v9 =	vmov s15;
	[tilespmem:s12+$0x0] =	vst v8;
	v6 =	vmul.f32 v6, v1;
	v45 =	vld [tilespmem:s12+$0xC0]  }
0x46d: {  	v47 =	vld [tilespmem:s12+$0xD0];
	v9 =	vand.u32 $0xFFFFFFFC, v9;
	[tilespmem:s12+$0x10] =	vst v7;
	v2 =	vmul.f32 v2, v1  }
0x46e: {  	v48 =	vld [tilespmem:s12+$0xE0];
	v9 =	vbroadcast v9, $0x0;
	[tilespmem:s12+$0x20] =	vst v6;
	v3 =	vmul.f32 v3, v1  }
0x46f: {  	v49 =	vld [tilespmem:s12+$0xF0];
	s22 =	sadd.s32 $0x200, s12;
	v4 =	vmul.f32 v4, v1;
	[tilespmem:s12+$0x30] =	vst v2  }
0x470: {  	v54 =	vld [tilespmem:s22+$0x70];
	v50 =	vmul.f32 v5, v1;
	[tilespmem:s12+$0x40] =	vst v3  }
0x471: {  	v59 =	vld [tilespmem:s22+$0xFFFFFF00];
	v52 =	vmul.f32 v10, v0;
	[tilespmem:s12+$0x50] =	vst v4  }
0x472: {  	v60 =	vld [tilespmem:s22+$0xFFFFFF10];
	v53 =	vmul.f32 v12, v0;
	[tilespmem:s13+$0x60] =	vst v50  }
0x473: {  	s17 =	sadd.s32 $0x3, s15;
	v61 =	vld [tilespmem:s22+$0xFFFFFF20];
	v55 =	vmul.f32 v13, v0;
	[tilespmem:s13+$0x80] =	vst v52  }
0x474: {  	v16 =	vmov s17;
	v57 =	vmul.f32 v15, v0;
	[tilespmem:s13+$0x90] =	vst v53;
	v51 =	vld.idx.msk [tilespmem:v9+s28+$0x0], $0xffff  }
0x475: {  	s16 =	sadd.s32 $0x1, s15;
	v62 =	vld [tilespmem:s22+$0xFFFFFF30];
	v58 =	vmul.f32 v45, v0;
	[tilespmem:s13+$0xA0] =	vst v55  }
0x476: {  	v14 =	vmov s16;
	v18 =	vld [tilespmem:s22+$0xFFFFFF70];
	v8 =	vmul.f32 v47, v0;
	[tilespmem:s13+$0xB0] =	vst v57  }
0x477: {  	s14 =	sadd.s32 $0x2, s15;
	v44 =	vand.u32 $0xFFFFFFFD, v14;
	v14 =	vld [tilespmem:s22+$0xFFFFFF50];
	v6 =	vmul.f32 v48, v0;
	[tilespmem:s13+$0xC0] =	vst v58  }
0x478: {  	v11 =	vmov s14;
	v63 =	vmul.f32 v49, v0;
	v12 =	vld [tilespmem:s22+$0xFFFFFF40];
	[tilespmem:s13+$0xD0] =	vst v8  }
0x479: {  	v11 =	vand.u32 $0xFFFFFFFE, v11;
	[tilespmem:s13+$0xE0] =	vst v6;
	v9 =	vld.idx.msk [tilespmem:v16+s28+$0x0], $0xffff;
	v13 =	vmul.f32 v59, v51  }
0x47a: {  	v11 =	vbroadcast v11, $0x0;
	[tilespmem:s13+$0xF0] =	vst v63;
	v16 =	vld [tilespmem:s22+$0xFFFFFF60];
	v15 =	vmul.f32 v60, v51  }
0x47b: {  	v20 =	vld [tilespmem:s22+$0xFFFFFF80];
	v46 =	vbroadcast v44, $0x0;
	v17 =	vmul.f32 v61, v51;
	[tilespmem:s22+$0xFFFFFF00] =	vst v13  }
0x47c: {  	v53 =	vld [tilespmem:s22+$0xB0];
	v19 =	vmul.f32 v62, v51;
	[tilespmem:s22+$0xFFFFFF10] =	vst v15  }
0x47d: {  	v55 =	vld [tilespmem:s22+$0xD0];
	v21 =	vmul.f32 v12, v51;
	[tilespmem:s22+$0xFFFFFF20] =	vst v17  }
0x47e: {  	v57 =	vld [tilespmem:s22+$0xE0];
	v23 =	vmul.f32 v14, v51;
	[tilespmem:s22+$0xFFFFFF30] =	vst v19  }
0x47f: {  	v58 =	vld [tilespmem:s22+$0xF0];
	v25 =	vmul.f32 v16, v51;
	[tilespmem:s22+$0xFFFFFF40] =	vst v21  }
0x480: {  	v4 =	vld.idx.msk [tilespmem:v11+s28+$0x0], $0xffff;
	v27 =	vmul.f32 v18, v51;
	[tilespmem:s22+$0xFFFFFF50] =	vst v23  }
0x481: {  	v56 =	vld.idx.msk [tilespmem:v46+s28+$0x0], $0xffff;
	v59 =	vmul.f32 v53, v9;
	[tilespmem:s22+$0xFFFFFF60] =	vst v25  }
0x482: {  	v22 =	vld [tilespmem:s22+$0xFFFFFF90];
	v61 =	vmul.f32 v55, v9;
	[tilespmem:s22+$0xFFFFFF70] =	vst v27  }
0x483: {  	v24 =	vld [tilespmem:s22+$0xFFFFFFA0];
	v62 =	vmul.f32 v57, v9;
	[tilespmem:s22+$0xB0] =	vst v59  }
0x484: {  	v26 =	vld [tilespmem:s22+$0xFFFFFFB0];
	v63 =	vmul.f32 v58, v9;
	[tilespmem:s22+$0xD0] =	vst v61  }
0x485: {  	v28 =	vld [tilespmem:s22+$0xFFFFFFC0];
	v1 =	vmul.f32 v54, v4;
	[tilespmem:s22+$0xE0] =	vst v62  }
0x486: {  	v30 =	vld [tilespmem:s22+$0xFFFFFFD0];
	v29 =	vmul.f32 v20, v56;
	[tilespmem:s22+$0xF0] =	vst v63  }
0x487: {  	v32 =	vld [tilespmem:s22+$0xFFFFFFE0];
	v31 =	vmul.f32 v22, v56;
	[tilespmem:s22+$0x70] =	vst v1  }
0x488: {  	v34 =	vld [tilespmem:s22+$0xFFFFFFF0];
	v33 =	vmul.f32 v24, v56;
	[tilespmem:s22+$0xFFFFFF80] =	vst v29  }
0x489: {  	v36 =	vld [tilespmem:s22+$0x0];
	v35 =	vmul.f32 v26, v56;
	[tilespmem:s22+$0xFFFFFF90] =	vst v31  }
0x48a: {  	v38 =	vld [tilespmem:s22+$0x10];
	v37 =	vmul.f32 v28, v56;
	[tilespmem:s22+$0xFFFFFFA0] =	vst v33  }
0x48b: {  	v40 =	vld [tilespmem:s22+$0x20];
	v39 =	vmul.f32 v30, v56;
	[tilespmem:s22+$0xFFFFFFB0] =	vst v35  }
0x48c: {  	v42 =	vld [tilespmem:s22+$0x30];
	v41 =	vmul.f32 v32, v56;
	[tilespmem:s22+$0xFFFFFFC0] =	vst v37  }
0x48d: {  	v44 =	vld [tilespmem:s22+$0x40];
	v43 =	vmul.f32 v34, v56;
	[tilespmem:s22+$0xFFFFFFD0] =	vst v39  }
0x48e: {  	v46 =	vld [tilespmem:s22+$0x50];
	v45 =	vmul.f32 v36, v4;
	[tilespmem:s22+$0xFFFFFFE0] =	vst v41  }
0x48f: {  	v48 =	vld [tilespmem:s22+$0x60];
	v47 =	vmul.f32 v38, v4;
	[tilespmem:s22+$0xFFFFFFF0] =	vst v43  }
0x490: {  	v50 =	vld [tilespmem:s22+$0x80];
	v49 =	vmul.f32 v40, v4;
	[tilespmem:s22+$0x0] =	vst v45  }
0x491: {  	v52 =	vld [tilespmem:s22+$0xA0];
	v2 =	vmul.f32 v42, v4;
	[tilespmem:s22+$0x10] =	vst v47  }
0x492: {  	v51 =	vld [tilespmem:s22+$0x90];
	v5 =	vmul.f32 v44, v4;
	[tilespmem:s22+$0x20] =	vst v49  }
0x493: {  	v6 =	vmul.f32 v46, v4;
	v54 =	vld [tilespmem:s22+$0xC0];
	[tilespmem:s22+$0x30] =	vst v2  }
0x494: {  	v3 =	vmul.f32 v48, v4;
	[tilespmem:s22+$0x40] =	vst v5  }
0x495: {  	s0 =	sadd.s32 $0x1, s0;
	v56 =	vmul.f32 v50, v9;
	[tilespmem:s22+$0x50] =	vst v6  }
0x496: {  	p3 =	sne.s32 s0, $0x14;
	[tilespmem:s22+$0x60] =	vst v3;
	v1 =	vmul.f32 v52, v9  }
.Ltmp16:
0x497: {  	[tilespmem:s22+$0x80] =	vst v56;
	v0 =	vmul.f32 v51, v9;
	(pc) =	sbr.rel @p3 .LBB2_9-.Ltmp16, $4  }
0x498: {  	[tilespmem:s22+$0xA0] =	vst v1;
	v60 =	vmul.f32 v54, v9  }
0x499: {  	s8 =	sand.u32 $0x3FFFFF80, s8;
	[tilespmem:s22+$0x90] =	vst v0  }
0x49a: {  	s8 =	sadd.s32 $0x14C80, s8;
	[tilespmem:s22+$0xC0] =	vst v60  }
0x49b: {  	[spmem:s2] =	stream.indirect.scatter.add.f32 [tilespmem:s9], [sflag:$0x6], $0x80, s8, s20, $0xb8;
	[tilespmem:$0x1F480] =	vst v63  }
0x49c: {  	_ =	swait.ge [sflag:s5], $0x4000  }
0x49d: {  	[sflag:s5] =	ssyncset.done $0x0  }
0x49e: {  	[sflag:s5] =	ssyncadd.s32 $0xFFFFC000  }
0x49f: {  	[bflag:$0x0] =	sbarrier.arrive $0xFFFF  }
0x4a0: {  	s0 =	sor.u32 $0x1C08, s31;
	s8 =	rddreg [dreg:$0xf]  }
0x4a1: {  	[hbm:s8], [sflag:s0] =	dma.local [spmem:s26], $0x2700  }
.Ltmp17:
0x4a2: {  	_ = 	snop;
	(pc) =	sbr.rel @p2 .LBB2_28-.Ltmp17, $4  }
.Ltmp18:
0x4a3: {  	_ = 	snop;
	(pc) =	sbr.rel @!p2 .LBB2_29-.Ltmp18, $4  }
0x4a4: {  	_ =	swait.ge [sflag:s25], $0x2700  }
0x4a5: {  	[sflag:s25] =	ssyncset.done $0x0  }
0x4a6: {  	s8 =	rddreg [dreg:$0x4];
	[sflag:s25] =	ssyncadd.s32 $0xFFFFD900  }
0x4a7: {  	_ = 	snop  }
.LBB2_30:
0x4a8: {  	_ =	sfence.sel $0x180000  }
0x4a9: {  	[bflag:$0x0] =	sbarrier.arrive $0xFFFF  }
0x4aa: {  	_ =	strace $0x9000004A  }
0x4ab: {  	s0 =	stileid.u32;
	[bflag:$0x2] =	sbarrier.arrive $0xFFFF  }
0x4ac: {  	p0 =	sne.s32 s0, $0x0;
	s0 =	rddreg [dreg:$0x3]  }
0x4ad: {  	s0 =	sadd.s32 @!p0 $0x100000, s0  }
0x4ae: {  	[sflag:s0] =	ssyncadd.tile.s32 @!p0 $0x1;
	_ =	shalt  }
.Lfunc_end2:
_tile_overlayer_lowered:
.L_overlay_start_2:
0x4af: {  	(tag) =	ssettag $0x2  }
0x4b0: {  	s0 =	rddreg [dreg:$0x0];
	s2 =	stileid.u32  }
0x4b1: {  	s1 =	rddreg [dreg:$0x1];
	p0 =	sne.s32 s2, $0x0  }
0x4b2: {  	s3 =	rddreg [dreg:$0x2];
	[bflag:$0x3] =	sbarrier.arrive $0xFFFF;
	s2 =	simm.s32 @!p0 $0x1C08  }
0x4b3: {  	[timem:s3], [sflag:s2] =	dma.local @!p0 [hbm:s0], s1  }
0x4b4: {  	s0 =	simm.s32 @!p0 $0x8  }
0x4b5: {  	_ =	swait.ge @!p0 [sflag:s0], s1  }
0x4b6: {  	s1 =	ssub.s32 @!p0 $0x0, s1;
	[sflag:s0] =	ssyncset.done @!p0 $0x0  }
0x4b7: {  	[sflag:s0] =	ssyncadd.s32 @!p0 s1  }
0x4b8: {  	[bflag:$0x3] =	sbarrier.arrive $0xFFFF  }
0x4b9: {  	_ =	shalt  }

</sc_bundles>
